<compile_context>
chip_gen: v7x
topology: tpu7x:2x2x1
jax: 0.10.2.dev20260603
libtpu: 0.0.44.dev20260713+nightly
codegen_flags: <defaults>
</compile_context>

<pallas_src>
import functools

import jax
import jax.numpy as jnp
from jax import lax
from jax.experimental import pallas as pl
from jax.experimental.pallas import tpu as pltpu
from jax.experimental.pallas import tpu_sc as plsc

N = 10000
E = 160000
F_IN = 256
H = 256
D = 128
G = 16
FAM = 64
B = 512

NC = 2
NS = 16
K = 128

NPAD = 10112
RZ = NPAD // NS
RO = 632
RO_LAST = N - 15 * RO
CHD = 40
EPD = NC * NS * CHD * K
CHP = 80
EPP = NS * CHP * K
NB = 2
PH = 20
PHASES = CHP // PH


def _deg_body(dstR, z16, out, idx_v, ones_v, acc, _):
    c = lax.axis_index("c")
    s = lax.axis_index("s")
    pltpu.sync_copy(z16.at[pl.ds(s * RZ, RZ)], acc.at[pl.ds(s * RZ, RZ)])

    def fill(i, carry):
        ones_v[i, :] = jnp.full((16,), 1.0, jnp.float32)
        return carry
    lax.fori_loop(0, K, fill, 0)

    pltpu.sync_copy(dstR.at[c, s], idx_v)
    plsc.subcore_barrier()

    def chunk(j, carry):
        pltpu.sync_copy(ones_v, acc.at[idx_v.at[j]], add=True)
        return carry
    lax.fori_loop(0, CHD, chunk, 0)

    plsc.subcore_barrier()
    _copy_out_rows(acc, out, c, s)


def _copy_out_rows(acc, out, c, s):
    @pl.when(s < NS - 1)
    def _():
        pltpu.sync_copy(acc.at[pl.ds(s * RO, RO)],
                        out.at[c, pl.ds(s * RO, RO)])

    @pl.when(s == NS - 1)
    def _():
        pltpu.sync_copy(acc.at[pl.ds((NS - 1) * RO, RO_LAST)],
                        out.at[c, pl.ds((NS - 1) * RO, RO_LAST)])


@functools.lru_cache(maxsize=None)
def _sc_calls():
    mesh = plsc.VectorSubcoreMesh(
        core_axis_name="c", subcore_axis_name="s",
        num_cores=NC, num_subcores=NS)
    cp = pltpu.CompilerParams(use_tc_tiling_on_sc=False)
    deg_call = pl.kernel(
        _deg_body,
        out_type=jax.ShapeDtypeStruct((NC, N, 16), jnp.float32),
        mesh=mesh,
        scratch_types=[
            pltpu.VMEM((CHD, K), jnp.int32),
            pltpu.VMEM((K, 16), jnp.float32),
            pltpu.VMEM_SHARED((NPAD, 16), jnp.float32),
            pltpu.SemaphoreType.DMA,
        ],
        compiler_params=cp,
    )

    prop_call = pl.kernel(
        _prop_body,
        out_type=jax.ShapeDtypeStruct((NC, N, 128), jnp.float32),
        mesh=mesh,
        scratch_types=[
            pltpu.VMEM((PH, K), jnp.int32),
            pltpu.VMEM((PH, K), jnp.int32),
            pltpu.VMEM((K, 128), jnp.float32),
            pltpu.VMEM((K, 128), jnp.float32),
            pltpu.VMEM_SHARED((NPAD, 128), jnp.float32),
            pltpu.SemaphoreType.DMA,
            pltpu.SemaphoreType.DMA,
        ],
        compiler_params=cp,
    )
    return deg_call, prop_call



def _prop_body(srcR, dstR, table, zpad, out, src_v, dst_v,
               rows_v0, rows_v1, acc, sem0, sem1):
    c = lax.axis_index("c")
    s = lax.axis_index("s")
    pltpu.sync_copy(zpad.at[pl.ds(s * RZ, RZ)], acc.at[pl.ds(s * RZ, RZ)])
    plsc.subcore_barrier()

    bufs = (rows_v0, rows_v1)
    sems = (sem0, sem1)
    nph = srcR.shape[2] // PH
    for ph in range(nph):
        pltpu.sync_copy(srcR.at[c, s, pl.ds(ph * PH, PH)], src_v)
        pltpu.sync_copy(dstR.at[c, s, pl.ds(ph * PH, PH)], dst_v)
        for b in range(NB):
            pltpu.async_copy(table.at[src_v.at[b]], bufs[b], sems[b])

        def step(t, carry):
            for b in range(NB):
                j = t * NB + b
                pltpu.make_async_copy(table.at[src_v.at[j]], bufs[b],
                                      sems[b]).wait()
                pltpu.sync_copy(bufs[b], acc.at[dst_v.at[j]], add=True)
                nj = j + NB

                @pl.when(nj < PH)
                def _():
                    pltpu.async_copy(table.at[src_v.at[nj]], bufs[b], sems[b])
            return carry
        lax.fori_loop(0, PH // NB, step, 0)

    plsc.subcore_barrier()
    _copy_out_rows(acc, out, c, s)



def _dinv_from(deg16_ref):
    d = deg16_ref[0] + deg16_ref[1]
    deg = jnp.sum(d, axis=1, keepdims=True) * (1.0 / 16.0) + 1.0
    return lax.rsqrt(deg)


def _a_body(x_ref, w1_ref, deg16_ref, out_ref):
    dinv = _dinv_from(deg16_ref)
    g = jnp.dot(x_ref[...], w1_ref[...], preferred_element_type=jnp.float32)
    g = g * dinv
    out_ref[0] = g[:, :128]
    out_ref[1] = g[:, 128:]


def _c_body(acc_ref, g_ref, deg16_ref, b1_ref, w2_ref, out_ref):
    dinv = _dinv_from(deg16_ref)
    b1 = b1_ref[...]
    ha = dinv * (acc_ref[0] + g_ref[0]) + b1[:128][None, :]
    hb = dinv * (acc_ref[1] + g_ref[1]) + b1[128:][None, :]
    h1 = jnp.maximum(jnp.concatenate([ha, hb], axis=1), 0.0)
    g2 = jnp.dot(h1, w2_ref[...], preferred_element_type=jnp.float32) * dinv
    out_ref[...] = g2


def _d_body(acc_ref, g_ref, deg16_ref, b2_ref, batch_ref, wg_ref, bg_ref,
            wf_ref, bf_ref, emb_ref, gl_ref, fl_ref):
    dinv = _dinv_from(deg16_ref)
    h2 = dinv * (acc_ref[0] + acc_ref[1] + g_ref[...]) + b2_ref[...][None, :]

    rblk = 1000
    sums = jnp.zeros((B, D), jnp.float32)
    cnt = jnp.zeros((B, 1), jnp.float32)
    for i in range(N // rblk):
        bb = batch_ref[i]
        oh = (bb[None, :] == lax.broadcasted_iota(jnp.int32, (B, rblk), 0))
        oh = oh.astype(jnp.float32)
        sums = sums + jnp.dot(oh, h2[i * rblk:(i + 1) * rblk, :],
                              preferred_element_type=jnp.float32)
        cnt = cnt + jnp.sum(oh, axis=1, keepdims=True)

    emb = sums / jnp.maximum(cnt, 1.0)
    gl = jnp.dot(emb, wg_ref[...], preferred_element_type=jnp.float32) \
        + bg_ref[...][None, :]
    m = jnp.max(gl, axis=1, keepdims=True)
    eqm = gl == m
    gi = lax.broadcasted_iota(jnp.int32, (B, G), 1)
    gid = jnp.min(jnp.where(eqm, gi, G), axis=1, keepdims=True)
    fl = jnp.zeros((B, FAM), jnp.float32)
    for g_ in range(G):
        sel = (gid == g_).astype(jnp.float32)
        head = jnp.dot(emb, wf_ref[g_], preferred_element_type=jnp.float32) \
            + bf_ref[g_][None, :]
        fl = fl + sel * head
    emb_ref[...] = emb
    gl_ref[...] = gl
    fl_ref[...] = fl


def kernel(x, edge_index, batch, group, W1, b1, W2, b2, Wg, bg, Wf, bf):
    src = edge_index[0].astype(jnp.int32)
    dst = edge_index[1].astype(jnp.int32)

    pad_d = EPD - E
    dst_deg = jnp.concatenate(
        [dst, N + (jnp.arange(pad_d, dtype=jnp.int32) % 16)])
    dstR_deg = dst_deg.reshape(NC, NS, CHD, K)

    pad_p = EPP - E
    srcp = jnp.concatenate([src, jnp.zeros((pad_p,), jnp.int32)])
    dstp = jnp.concatenate(
        [dst, N + (jnp.arange(pad_p, dtype=jnp.int32) % 16)])
    srcR1 = jnp.stack([srcp, srcp + N]).reshape(NC, NS, CHP, K)
    dstR1 = jnp.stack([dstp, dstp]).reshape(NC, NS, CHP, K)
    srcR2 = srcp.reshape(NC, NS, CHP // 2, K)
    dstR2 = dstp.reshape(NC, NS, CHP // 2, K)

    z128 = jnp.zeros((NPAD, 128), jnp.float32)
    z16 = jnp.zeros((NPAD, 16), jnp.float32)
    batch2 = batch.astype(jnp.int32).reshape(N // 1000, 1000)

    deg_call, prop_call = _sc_calls()
    deg16 = deg_call(dstR_deg, z16)

    g1 = pl.pallas_call(
        _a_body,
        out_shape=jax.ShapeDtypeStruct((NC, N, 128), jnp.float32),
    )(x, W1, deg16)

    acc1 = prop_call(srcR1, dstR1, g1.reshape(NC * N, 128), z128)

    g2 = pl.pallas_call(
        _c_body,
        out_shape=jax.ShapeDtypeStruct((N, 128), jnp.float32),
    )(acc1, g1, deg16, b1, W2)

    acc2 = prop_call(srcR2, dstR2, g2, z128)

    emb, gl, fl = pl.pallas_call(
        _d_body,
        out_shape=(
            jax.ShapeDtypeStruct((B, D), jnp.float32),
            jax.ShapeDtypeStruct((B, G), jnp.float32),
            jax.ShapeDtypeStruct((B, FAM), jnp.float32),
        ),
    )(acc2, g2, deg16, b2, batch2, Wg, bg, Wf, bf)
    return (emb, gl, fl)

# --- scband reference (transcript-rebuilt; emitter-appended) ---
"""Pipeline reference for scband-contrastive-phased-gnn-8718783610907 (READ-ONLY COPY).

The authoritative reference and input builder live on the scoring server;
editing this copy changes nothing except your own understanding.
"""

import jax, jax.numpy as jnp
import numpy as np

N = 10000
E = 160000
F_IN = 256
H = 256
D = 128
G = 16
FAM = 64
B = 512


def gcn_conv(x, src, dst, W, b):
    # PyG GCNConv: x' = D^{-1/2} (A + I) D^{-1/2} (x W) + b, self-loops already in src/dst
    h = x @ W
    n = x.shape[0]
    deg = jnp.zeros((n,), x.dtype).at[dst].add(1.0)
    dinv = jax.lax.rsqrt(jnp.maximum(deg, 1.0))
    norm = dinv[src] * dinv[dst]
    out = jnp.zeros_like(h).at[dst].add(h[src] * norm[:, None])
    return out + b


def setup_inputs(seed: int = 0) -> dict:
    key = jax.random.key(seed)
    ks = jax.random.split(key, 16)
    x = jax.random.normal(ks[0], (N, F_IN), dtype=jnp.float32)
    edge_index = jax.random.randint(ks[1], (2, E), 0, N, dtype=jnp.int64)
    batch = jnp.sort(jax.random.randint(ks[2], (N,), 0, B, dtype=jnp.int64))
    group = jax.random.randint(ks[3], (B,), 0, G, dtype=jnp.int64)
    W1 = jax.random.normal(ks[4], (F_IN, H), dtype=jnp.float32) * 0.05
    b1 = jnp.zeros((H,), jnp.float32)
    W2 = jax.random.normal(ks[5], (H, D), dtype=jnp.float32) * 0.05
    b2 = jnp.zeros((D,), jnp.float32)
    Wg = jax.random.normal(ks[6], (D, G), dtype=jnp.float32) * 0.05
    bg = jnp.zeros((G,), jnp.float32)
    Wf = jax.random.normal(ks[7], (G, D, FAM), dtype=jnp.float32) * 0.05
    bf = jnp.zeros((G, FAM), jnp.float32)
    return {"x": x, "edge_index": edge_index, "batch": batch, "group": group,
            "W1": W1, "b1": b1, "W2": W2, "b2": b2, "Wg": Wg, "bg": bg,
            "Wf": Wf, "bf": bf}


def reference(x, edge_index, batch, group, W1, b1, W2, b2, Wg, bg, Wf, bf):
    n = x.shape[0]
    loop = jnp.arange(n, dtype=edge_index.dtype)
    src = jnp.concatenate([edge_index[0], loop])
    dst = jnp.concatenate([edge_index[1], loop])
    # get_embeddings (eval mode: dropout = identity)
    h1 = jax.nn.relu(gcn_conv(x, src, dst, W1, b1))
    h2 = gcn_conv(h1, src, dst, W2, b2)
    sums = jax.ops.segment_sum(h2, batch, num_segments=B)
    cnt = jax.ops.segment_sum(jnp.ones((n, 1), h2.dtype), batch, num_segments=B)
    emb = sums / jnp.maximum(cnt, 1.0)
    # phase='family', eval mode: groups = argmax of group logits
    group_logits = emb @ Wg + bg
    gid = jnp.argmax(group_logits, axis=1)
    # each sample's family logits from its assigned group's classifier head
    all_fl = jnp.einsum('bd,gdf->bgf', emb, Wf) + bf[None, :, :]
    family_logits = jnp.take_along_axis(all_fl, gid[:, None, None], axis=1)[:, 0, :]
    return (emb, group_logits, family_logits)

if __name__ == "__main__":
    import jax
    _d = setup_inputs()
    print(jax.jit(kernel)(*tuple(_d.values())))

</pallas_src>

<mosaic_0001>
#map = affine_map<(d0, d1) -> (0, 0, 0, 0)>
#map1 = affine_map<(d0, d1) -> (0, 0)>
#map2 = affine_map<(d0, d1) -> (0, 0, 0)>
module attributes {stable_mosaic.version = 14 : i64} {
  func.func @_prop_body(%arg0: i32, %arg1: i32, %arg2: memref<2x16x40x128xi32, #tpu.memory_space<hbm>>, %arg3: memref<2x16x40x128xi32, #tpu.memory_space<hbm>>, %arg4: memref<10000x128xf32, #tpu.memory_space<hbm>>, %arg5: memref<10112x128xf32, #tpu.memory_space<hbm>>, %arg6: memref<2x10000x128xf32, #tpu.memory_space<hbm>>, %arg7: memref<20x128xi32, #tpu.memory_space<vmem>>, %arg8: memref<20x128xi32, #tpu.memory_space<vmem>>, %arg9: memref<128x128xf32, #tpu.memory_space<vmem>>, %arg10: memref<128x128xf32, #tpu.memory_space<vmem>>, %arg11: memref<10112x128xf32, #tpu.memory_space<vmem_shared>>, %arg12: memref<!tpu.dma_semaphore, #tpu.memory_space<semaphore_mem>>, %arg13: memref<!tpu.dma_semaphore, #tpu.memory_space<semaphore_mem>>) attributes {dimension_semantics = [#tpu.dimension_semantics<core_parallel>, #tpu.dimension_semantics<subcore_parallel>], iteration_bounds = array<i64: 2, 16>, scalar_prefetch = 0 : i64, scratch_operands = 7 : i64, tpu.core_type = #tpu.core_type<sc_vector_subcore>, window_params = [{transform_indices = #map}, {transform_indices = #map}, {transform_indices = #map1}, {transform_indices = #map1}, {transform_indices = #map2}]} {
    %mul3A = arith.constant 632 : i32
    %mul3A_0 = arith.muli %arg1, %mul3A : i32
    %mul3A_1 = arith.constant 632 : i32
    %mul3A_2 = arith.muli %arg1, %mul3A_1 : i32
    "tpu.region"() ({
      %run_scoped3A = tpu.sem_alloc : memref<!tpu.dma_semaphore, #tpu.memory_space<semaphore_mem>>
      %dma_start3A_48 = arith.constant 0 : i32
      %dma_start3A_49 = tpu.memref_slice %arg11[%mul3A_2, %dma_start3A_48] : memref<10112x128xf32, #tpu.memory_space<vmem_shared>> -> memref<632x128xf32, #tpu.memory_space<vmem_shared>>
      %dma_start3A_50 = arith.constant 0 : i32
      %dma_start3A_51 = tpu.memref_slice %arg5[%mul3A_0, %dma_start3A_50] : memref<10112x128xf32, #tpu.memory_space<hbm>> -> memref<632x128xf32, #tpu.memory_space<hbm>>
      tpu.enqueue_dma source(%dma_start3A_51 : memref<632x128xf32, #tpu.memory_space<hbm>>) target(%dma_start3A_49 : memref<632x128xf32, #tpu.memory_space<vmem_shared>>) target_semaphore(%run_scoped3A : memref<!tpu.dma_semaphore, #tpu.memory_space<semaphore_mem>>)
      %dma_wait3A = arith.constant 0 : i32
      %dma_wait3A_52 = tpu.memref_slice %arg11[%mul3A_2, %dma_wait3A] : memref<10112x128xf32, #tpu.memory_space<vmem_shared>> -> memref<632x128xf32, #tpu.memory_space<vmem_shared>>
      %dma_wait3A_53 = arith.constant 0 : i32
      %dma_wait3A_54 = tpu.memref_slice %arg5[%mul3A_0, %dma_wait3A_53] : memref<10112x128xf32, #tpu.memory_space<hbm>> -> memref<632x128xf32, #tpu.memory_space<hbm>>
      tpu.wait_dma2 semaphore(%run_scoped3A : memref<!tpu.dma_semaphore, #tpu.memory_space<semaphore_mem>>) src(%dma_wait3A_54 : memref<632x128xf32, #tpu.memory_space<hbm>>) dst(%dma_wait3A_52 : memref<632x128xf32, #tpu.memory_space<vmem_shared>>)
      tpu.yield
    }) : () -> ()
    %barrier3A = arith.constant 0 : index
    tpu.barrier barrier_id(%barrier3A)
    "tpu.region"() ({
      %run_scoped3A = tpu.sem_alloc : memref<!tpu.dma_semaphore, #tpu.memory_space<semaphore_mem>>
      %dma_start3A_48 = arith.constant 0 : i32
      %dma_start3A_49 = arith.constant 0 : i32
      %dma_start3A_50 = tpu.memref_slice %arg2[%arg0, %arg1, %dma_start3A_48, %dma_start3A_49] : memref<2x16x40x128xi32, #tpu.memory_space<hbm>> -> memref<1x1x20x128xi32, #tpu.memory_space<hbm>>
      %dma_start3A_51 = tpu.memref_squeeze %dma_start3A_50 : memref<1x1x20x128xi32, #tpu.memory_space<hbm>> -> memref<20x128xi32, #tpu.memory_space<hbm>>
      %dma_start3A_52 = arith.constant 0 : i32
      %dma_start3A_53 = arith.constant 0 : i32
      %dma_start3A_54 = tpu.memref_slice %arg2[%arg0, %arg1, %dma_start3A_52, %dma_start3A_53] : memref<2x16x40x128xi32, #tpu.memory_space<hbm>> -> memref<1x1x20x128xi32, #tpu.memory_space<hbm>>
      %dma_start3A_55 = tpu.memref_squeeze %dma_start3A_54 : memref<1x1x20x128xi32, #tpu.memory_space<hbm>> -> memref<20x128xi32, #tpu.memory_space<hbm>>
      tpu.enqueue_dma source(%dma_start3A_55 : memref<20x128xi32, #tpu.memory_space<hbm>>) target(%arg7 : memref<20x128xi32, #tpu.memory_space<vmem>>) target_semaphore(%run_scoped3A : memref<!tpu.dma_semaphore, #tpu.memory_space<semaphore_mem>>)
      %dma_wait3A = arith.constant 0 : i32
      %dma_wait3A_56 = arith.constant 0 : i32
      %dma_wait3A_57 = tpu.memref_slice %arg2[%arg0, %arg1, %dma_wait3A, %dma_wait3A_56] : memref<2x16x40x128xi32, #tpu.memory_space<hbm>> -> memref<1x1x20x128xi32, #tpu.memory_space<hbm>>
      %dma_wait3A_58 = tpu.memref_squeeze %dma_wait3A_57 : memref<1x1x20x128xi32, #tpu.memory_space<hbm>> -> memref<20x128xi32, #tpu.memory_space<hbm>>
      %dma_wait3A_59 = arith.constant 0 : i32
      %dma_wait3A_60 = arith.constant 0 : i32
      %dma_wait3A_61 = tpu.memref_slice %arg2[%arg0, %arg1, %dma_wait3A_59, %dma_wait3A_60] : memref<2x16x40x128xi32, #tpu.memory_space<hbm>> -> memref<1x1x20x128xi32, #tpu.memory_space<hbm>>
      %dma_wait3A_62 = tpu.memref_squeeze %dma_wait3A_61 : memref<1x1x20x128xi32, #tpu.memory_space<hbm>> -> memref<20x128xi32, #tpu.memory_space<hbm>>
      tpu.wait_dma2 semaphore(%run_scoped3A : memref<!tpu.dma_semaphore, #tpu.memory_space<semaphore_mem>>) src(%dma_wait3A_62 : memref<20x128xi32, #tpu.memory_space<hbm>>) dst(%arg7 : memref<20x128xi32, #tpu.memory_space<vmem>>)
      tpu.yield
    }) : () -> ()
    "tpu.region"() ({
      %run_scoped3A = tpu.sem_alloc : memref<!tpu.dma_semaphore, #tpu.memory_space<semaphore_mem>>
      %dma_start3A_48 = arith.constant 0 : i32
      %dma_start3A_49 = arith.constant 0 : i32
      %dma_start3A_50 = tpu.memref_slice %arg3[%arg0, %arg1, %dma_start3A_48, %dma_start3A_49] : memref<2x16x40x128xi32, #tpu.memory_space<hbm>> -> memref<1x1x20x128xi32, #tpu.memory_space<hbm>>
      %dma_start3A_51 = tpu.memref_squeeze %dma_start3A_50 : memref<1x1x20x128xi32, #tpu.memory_space<hbm>> -> memref<20x128xi32, #tpu.memory_space<hbm>>
      %dma_start3A_52 = arith.constant 0 : i32
      %dma_start3A_53 = arith.constant 0 : i32
      %dma_start3A_54 = tpu.memref_slice %arg3[%arg0, %arg1, %dma_start3A_52, %dma_start3A_53] : memref<2x16x40x128xi32, #tpu.memory_space<hbm>> -> memref<1x1x20x128xi32, #tpu.memory_space<hbm>>
      %dma_start3A_55 = tpu.memref_squeeze %dma_start3A_54 : memref<1x1x20x128xi32, #tpu.memory_space<hbm>> -> memref<20x128xi32, #tpu.memory_space<hbm>>
      tpu.enqueue_dma source(%dma_start3A_55 : memref<20x128xi32, #tpu.memory_space<hbm>>) target(%arg8 : memref<20x128xi32, #tpu.memory_space<vmem>>) target_semaphore(%run_scoped3A : memref<!tpu.dma_semaphore, #tpu.memory_space<semaphore_mem>>)
      %dma_wait3A = arith.constant 0 : i32
      %dma_wait3A_56 = arith.constant 0 : i32
      %dma_wait3A_57 = tpu.memref_slice %arg3[%arg0, %arg1, %dma_wait3A, %dma_wait3A_56] : memref<2x16x40x128xi32, #tpu.memory_space<hbm>> -> memref<1x1x20x128xi32, #tpu.memory_space<hbm>>
      %dma_wait3A_58 = tpu.memref_squeeze %dma_wait3A_57 : memref<1x1x20x128xi32, #tpu.memory_space<hbm>> -> memref<20x128xi32, #tpu.memory_space<hbm>>
      %dma_wait3A_59 = arith.constant 0 : i32
      %dma_wait3A_60 = arith.constant 0 : i32
      %dma_wait3A_61 = tpu.memref_slice %arg3[%arg0, %arg1, %dma_wait3A_59, %dma_wait3A_60] : memref<2x16x40x128xi32, #tpu.memory_space<hbm>> -> memref<1x1x20x128xi32, #tpu.memory_space<hbm>>
      %dma_wait3A_62 = tpu.memref_squeeze %dma_wait3A_61 : memref<1x1x20x128xi32, #tpu.memory_space<hbm>> -> memref<20x128xi32, #tpu.memory_space<hbm>>
      tpu.wait_dma2 semaphore(%run_scoped3A : memref<!tpu.dma_semaphore, #tpu.memory_space<semaphore_mem>>) src(%dma_wait3A_62 : memref<20x128xi32, #tpu.memory_space<hbm>>) dst(%arg8 : memref<20x128xi32, #tpu.memory_space<vmem>>)
      tpu.yield
    }) : () -> ()
    %dma_start3A = arith.constant 0 : i32
    %dma_start3A_3 = arith.constant 0 : i32
    %dma_start3A_4 = tpu.memref_slice %arg7[%dma_start3A, %dma_start3A_3] : memref<20x128xi32, #tpu.memory_space<vmem>> -> memref<1x128xi32, #tpu.memory_space<vmem>>
    %dma_start3A_5 = tpu.memref_squeeze %dma_start3A_4 : memref<1x128xi32, #tpu.memory_space<vmem>> -> memref<128xi32, #tpu.memory_space<vmem>>
    %dma_start3A_6 = arith.constant 0 : i32
    %dma_start3A_7 = arith.constant 0 : i32
    %dma_start3A_8 = tpu.memref_slice %arg4[%dma_start3A_6, %dma_start3A_7] : memref<10000x128xf32, #tpu.memory_space<hbm>> -> memref<10000x128xf32, #tpu.memory_space<hbm>>
    tpu.enqueue_indirect_dma source(%dma_start3A_8 : memref<10000x128xf32, #tpu.memory_space<hbm>>) target(%arg9 : memref<128x128xf32, #tpu.memory_space<vmem>>) offsets(%dma_start3A_5 : memref<128xi32, #tpu.memory_space<vmem>>) semaphore(%arg12 : memref<!tpu.dma_semaphore, #tpu.memory_space<semaphore_mem>>)
    %dma_start3A_9 = arith.constant 1 : i32
    %dma_start3A_10 = arith.constant 0 : i32
    %dma_start3A_11 = tpu.memref_slice %arg7[%dma_start3A_9, %dma_start3A_10] : memref<20x128xi32, #tpu.memory_space<vmem>> -> memref<1x128xi32, #tpu.memory_space<vmem>>
    %dma_start3A_12 = tpu.memref_squeeze %dma_start3A_11 : memref<1x128xi32, #tpu.memory_space<vmem>> -> memref<128xi32, #tpu.memory_space<vmem>>
    %dma_start3A_13 = arith.constant 0 : i32
    %dma_start3A_14 = arith.constant 0 : i32
    %dma_start3A_15 = tpu.memref_slice %arg4[%dma_start3A_13, %dma_start3A_14] : memref<10000x128xf32, #tpu.memory_space<hbm>> -> memref<10000x128xf32, #tpu.memory_space<hbm>>
    tpu.enqueue_indirect_dma source(%dma_start3A_15 : memref<10000x128xf32, #tpu.memory_space<hbm>>) target(%arg10 : memref<128x128xf32, #tpu.memory_space<vmem>>) offsets(%dma_start3A_12 : memref<128xi32, #tpu.memory_space<vmem>>) semaphore(%arg13 : memref<!tpu.dma_semaphore, #tpu.memory_space<semaphore_mem>>)
    %scan3A = arith.constant 0 : i32
    %scan3A_16 = arith.constant 0 : i32
    %scan3A_17 = arith.constant 10 : i32
    %scan3A_18 = arith.addi %scan3A_16, %scan3A_17 : i32
    %scan3A_19 = arith.constant 1 : i32
    scf.for %scan3A_48 = %scan3A_16 to %scan3A_18 step %scan3A_19  : i32 {
      %mul3A_49 = arith.constant 2 : i32
      %mul3A_50 = arith.muli %scan3A_48, %mul3A_49 : i32
      %add3A = arith.constant 0 : i32
      %add3A_51 = arith.addi %mul3A_50, %add3A : i32
      %dma_wait3A = arith.constant 0 : i32
      %dma_wait3A_52 = tpu.memref_slice %arg7[%add3A_51, %dma_wait3A] : memref<20x128xi32, #tpu.memory_space<vmem>> -> memref<1x128xi32, #tpu.memory_space<vmem>>
      %dma_wait3A_53 = tpu.memref_squeeze %dma_wait3A_52 : memref<1x128xi32, #tpu.memory_space<vmem>> -> memref<128xi32, #tpu.memory_space<vmem>>
      %dma_wait3A_54 = arith.constant 0 : i32
      %dma_wait3A_55 = arith.constant 0 : i32
      %dma_wait3A_56 = tpu.memref_slice %arg4[%dma_wait3A_54, %dma_wait3A_55] : memref<10000x128xf32, #tpu.memory_space<hbm>> -> memref<10000x128xf32, #tpu.memory_space<hbm>>
      tpu.wait_indirect_dma semaphore(%arg12 : memref<!tpu.dma_semaphore, #tpu.memory_space<semaphore_mem>>) src(%dma_wait3A_56 : memref<10000x128xf32, #tpu.memory_space<hbm>>) dst(%arg9 : memref<128x128xf32, #tpu.memory_space<vmem>>)
      "tpu.region"() ({
        %run_scoped3A = tpu.sem_alloc : memref<!tpu.dma_semaphore, #tpu.memory_space<semaphore_mem>>
        %dma_start3A_81 = arith.constant 0 : i32
        %dma_start3A_82 = tpu.memref_slice %arg8[%add3A_51, %dma_start3A_81] : memref<20x128xi32, #tpu.memory_space<vmem>> -> memref<1x128xi32, #tpu.memory_space<vmem>>
        %dma_start3A_83 = tpu.memref_squeeze %dma_start3A_82 : memref<1x128xi32, #tpu.memory_space<vmem>> -> memref<128xi32, #tpu.memory_space<vmem>>
        %dma_start3A_84 = arith.constant 0 : i32
        %dma_start3A_85 = arith.constant 0 : i32
        %dma_start3A_86 = tpu.memref_slice %arg11[%dma_start3A_84, %dma_start3A_85] : memref<10112x128xf32, #tpu.memory_space<vmem_shared>> -> memref<10112x128xf32, #tpu.memory_space<vmem_shared>>
        tpu.enqueue_indirect_dma source(%arg9 : memref<128x128xf32, #tpu.memory_space<vmem>>) target(%dma_start3A_86 : memref<10112x128xf32, #tpu.memory_space<vmem_shared>>) offsets(%dma_start3A_83 : memref<128xi32, #tpu.memory_space<vmem>>) semaphore(%run_scoped3A : memref<!tpu.dma_semaphore, #tpu.memory_space<semaphore_mem>>) {add = true}
        %dma_wait3A_87 = arith.constant 0 : i32
        %dma_wait3A_88 = tpu.memref_slice %arg8[%add3A_51, %dma_wait3A_87] : memref<20x128xi32, #tpu.memory_space<vmem>> -> memref<1x128xi32, #tpu.memory_space<vmem>>
        %dma_wait3A_89 = tpu.memref_squeeze %dma_wait3A_88 : memref<1x128xi32, #tpu.memory_space<vmem>> -> memref<128xi32, #tpu.memory_space<vmem>>
        %dma_wait3A_90 = arith.constant 0 : i32
        %dma_wait3A_91 = arith.constant 0 : i32
        %dma_wait3A_92 = tpu.memref_slice %arg11[%dma_wait3A_90, %dma_wait3A_91] : memref<10112x128xf32, #tpu.memory_space<vmem_shared>> -> memref<10112x128xf32, #tpu.memory_space<vmem_shared>>
        tpu.wait_indirect_dma semaphore(%run_scoped3A : memref<!tpu.dma_semaphore, #tpu.memory_space<semaphore_mem>>) src(%arg9 : memref<128x128xf32, #tpu.memory_space<vmem>>) dst(%dma_wait3A_92 : memref<10112x128xf32, #tpu.memory_space<vmem_shared>>)
        tpu.yield
      }) : () -> ()
      %add3A_57 = arith.constant 2 : i32
      %add3A_58 = arith.addi %add3A_51, %add3A_57 : i32
      %lt3A_59 = arith.constant 20 : i32
      %lt3A_60 = arith.cmpi slt, %add3A_58, %lt3A_59 : i32
      %convert_element_type3A_61 = arith.extui %lt3A_60 : i1 to i32
      %cond3A_62 = arith.constant 0 : i32
      %cond3A_63 = arith.cmpi ne, %convert_element_type3A_61, %cond3A_62 : i32
      scf.if %cond3A_63 {
        %dma_start3A_81 = arith.constant 0 : i32
        %dma_start3A_82 = tpu.memref_slice %arg7[%add3A_58, %dma_start3A_81] : memref<20x128xi32, #tpu.memory_space<vmem>> -> memref<1x128xi32, #tpu.memory_space<vmem>>
        %dma_start3A_83 = tpu.memref_squeeze %dma_start3A_82 : memref<1x128xi32, #tpu.memory_space<vmem>> -> memref<128xi32, #tpu.memory_space<vmem>>
        %dma_start3A_84 = arith.constant 0 : i32
        %dma_start3A_85 = arith.constant 0 : i32
        %dma_start3A_86 = tpu.memref_slice %arg4[%dma_start3A_84, %dma_start3A_85] : memref<10000x128xf32, #tpu.memory_space<hbm>> -> memref<10000x128xf32, #tpu.memory_space<hbm>>
        tpu.enqueue_indirect_dma source(%dma_start3A_86 : memref<10000x128xf32, #tpu.memory_space<hbm>>) target(%arg9 : memref<128x128xf32, #tpu.memory_space<vmem>>) offsets(%dma_start3A_83 : memref<128xi32, #tpu.memory_space<vmem>>) semaphore(%arg12 : memref<!tpu.dma_semaphore, #tpu.memory_space<semaphore_mem>>)
      } else {
      }
      %mul3A_64 = arith.constant 2 : i32
      %mul3A_65 = arith.muli %scan3A_48, %mul3A_64 : i32
      %add3A_66 = arith.constant 1 : i32
      %add3A_67 = arith.addi %mul3A_65, %add3A_66 : i32
      %dma_wait3A_68 = arith.constant 0 : i32
      %dma_wait3A_69 = tpu.memref_slice %arg7[%add3A_67, %dma_wait3A_68] : memref<20x128xi32, #tpu.memory_space<vmem>> -> memref<1x128xi32, #tpu.memory_space<vmem>>
      %dma_wait3A_70 = tpu.memref_squeeze %dma_wait3A_69 : memref<1x128xi32, #tpu.memory_space<vmem>> -> memref<128xi32, #tpu.memory_space<vmem>>
      %dma_wait3A_71 = arith.constant 0 : i32
      %dma_wait3A_72 = arith.constant 0 : i32
      %dma_wait3A_73 = tpu.memref_slice %arg4[%dma_wait3A_71, %dma_wait3A_72] : memref<10000x128xf32, #tpu.memory_space<hbm>> -> memref<10000x128xf32, #tpu.memory_space<hbm>>
      tpu.wait_indirect_dma semaphore(%arg13 : memref<!tpu.dma_semaphore, #tpu.memory_space<semaphore_mem>>) src(%dma_wait3A_73 : memref<10000x128xf32, #tpu.memory_space<hbm>>) dst(%arg10 : memref<128x128xf32, #tpu.memory_space<vmem>>)
      "tpu.region"() ({
        %run_scoped3A = tpu.sem_alloc : memref<!tpu.dma_semaphore, #tpu.memory_space<semaphore_mem>>
        %dma_start3A_81 = arith.constant 0 : i32
        %dma_start3A_82 = tpu.memref_slice %arg8[%add3A_67, %dma_start3A_81] : memref<20x128xi32, #tpu.memory_space<vmem>> -> memref<1x128xi32, #tpu.memory_space<vmem>>
        %dma_start3A_83 = tpu.memref_squeeze %dma_start3A_82 : memref<1x128xi32, #tpu.memory_space<vmem>> -> memref<128xi32, #tpu.memory_space<vmem>>
        %dma_start3A_84 = arith.constant 0 : i32
        %dma_start3A_85 = arith.constant 0 : i32
        %dma_start3A_86 = tpu.memref_slice %arg11[%dma_start3A_84, %dma_start3A_85] : memref<10112x128xf32, #tpu.memory_space<vmem_shared>> -> memref<10112x128xf32, #tpu.memory_space<vmem_shared>>
        tpu.enqueue_indirect_dma source(%arg10 : memref<128x128xf32, #tpu.memory_space<vmem>>) target(%dma_start3A_86 : memref<10112x128xf32, #tpu.memory_space<vmem_shared>>) offsets(%dma_start3A_83 : memref<128xi32, #tpu.memory_space<vmem>>) semaphore(%run_scoped3A : memref<!tpu.dma_semaphore, #tpu.memory_space<semaphore_mem>>) {add = true}
        %dma_wait3A_87 = arith.constant 0 : i32
        %dma_wait3A_88 = tpu.memref_slice %arg8[%add3A_67, %dma_wait3A_87] : memref<20x128xi32, #tpu.memory_space<vmem>> -> memref<1x128xi32, #tpu.memory_space<vmem>>
        %dma_wait3A_89 = tpu.memref_squeeze %dma_wait3A_88 : memref<1x128xi32, #tpu.memory_space<vmem>> -> memref<128xi32, #tpu.memory_space<vmem>>
        %dma_wait3A_90 = arith.constant 0 : i32
        %dma_wait3A_91 = arith.constant 0 : i32
        %dma_wait3A_92 = tpu.memref_slice %arg11[%dma_wait3A_90, %dma_wait3A_91] : memref<10112x128xf32, #tpu.memory_space<vmem_shared>> -> memref<10112x128xf32, #tpu.memory_space<vmem_shared>>
        tpu.wait_indirect_dma semaphore(%run_scoped3A : memref<!tpu.dma_semaphore, #tpu.memory_space<semaphore_mem>>) src(%arg10 : memref<128x128xf32, #tpu.memory_space<vmem>>) dst(%dma_wait3A_92 : memref<10112x128xf32, #tpu.memory_space<vmem_shared>>)
        tpu.yield
      }) : () -> ()
      %add3A_74 = arith.constant 2 : i32
      %add3A_75 = arith.addi %add3A_67, %add3A_74 : i32
      %lt3A_76 = arith.constant 20 : i32
      %lt3A_77 = arith.cmpi slt, %add3A_75, %lt3A_76 : i32
      %convert_element_type3A_78 = arith.extui %lt3A_77 : i1 to i32
      %cond3A_79 = arith.constant 0 : i32
      %cond3A_80 = arith.cmpi ne, %convert_element_type3A_78, %cond3A_79 : i32
      scf.if %cond3A_80 {
        %dma_start3A_81 = arith.constant 0 : i32
        %dma_start3A_82 = tpu.memref_slice %arg7[%add3A_75, %dma_start3A_81] : memref<20x128xi32, #tpu.memory_space<vmem>> -> memref<1x128xi32, #tpu.memory_space<vmem>>
        %dma_start3A_83 = tpu.memref_squeeze %dma_start3A_82 : memref<1x128xi32, #tpu.memory_space<vmem>> -> memref<128xi32, #tpu.memory_space<vmem>>
        %dma_start3A_84 = arith.constant 0 : i32
        %dma_start3A_85 = arith.constant 0 : i32
        %dma_start3A_86 = tpu.memref_slice %arg4[%dma_start3A_84, %dma_start3A_85] : memref<10000x128xf32, #tpu.memory_space<hbm>> -> memref<10000x128xf32, #tpu.memory_space<hbm>>
        tpu.enqueue_indirect_dma source(%dma_start3A_86 : memref<10000x128xf32, #tpu.memory_space<hbm>>) target(%arg10 : memref<128x128xf32, #tpu.memory_space<vmem>>) offsets(%dma_start3A_83 : memref<128xi32, #tpu.memory_space<vmem>>) semaphore(%arg13 : memref<!tpu.dma_semaphore, #tpu.memory_space<semaphore_mem>>)
      } else {
      }
    }
    %scan3A_20 = arith.constant 10 : i32
    "tpu.region"() ({
      %run_scoped3A = tpu.sem_alloc : memref<!tpu.dma_semaphore, #tpu.memory_space<semaphore_mem>>
      %dma_start3A_48 = arith.constant 20 : i32
      %dma_start3A_49 = arith.constant 0 : i32
      %dma_start3A_50 = tpu.memref_slice %arg2[%arg0, %arg1, %dma_start3A_48, %dma_start3A_49] : memref<2x16x40x128xi32, #tpu.memory_space<hbm>> -> memref<1x1x20x128xi32, #tpu.memory_space<hbm>>
      %dma_start3A_51 = tpu.memref_squeeze %dma_start3A_50 : memref<1x1x20x128xi32, #tpu.memory_space<hbm>> -> memref<20x128xi32, #tpu.memory_space<hbm>>
      %dma_start3A_52 = arith.constant 20 : i32
      %dma_start3A_53 = arith.constant 0 : i32
      %dma_start3A_54 = tpu.memref_slice %arg2[%arg0, %arg1, %dma_start3A_52, %dma_start3A_53] : memref<2x16x40x128xi32, #tpu.memory_space<hbm>> -> memref<1x1x20x128xi32, #tpu.memory_space<hbm>>
      %dma_start3A_55 = tpu.memref_squeeze %dma_start3A_54 : memref<1x1x20x128xi32, #tpu.memory_space<hbm>> -> memref<20x128xi32, #tpu.memory_space<hbm>>
      tpu.enqueue_dma source(%dma_start3A_55 : memref<20x128xi32, #tpu.memory_space<hbm>>) target(%arg7 : memref<20x128xi32, #tpu.memory_space<vmem>>) target_semaphore(%run_scoped3A : memref<!tpu.dma_semaphore, #tpu.memory_space<semaphore_mem>>)
      %dma_wait3A = arith.constant 20 : i32
      %dma_wait3A_56 = arith.constant 0 : i32
      %dma_wait3A_57 = tpu.memref_slice %arg2[%arg0, %arg1, %dma_wait3A, %dma_wait3A_56] : memref<2x16x40x128xi32, #tpu.memory_space<hbm>> -> memref<1x1x20x128xi32, #tpu.memory_space<hbm>>
      %dma_wait3A_58 = tpu.memref_squeeze %dma_wait3A_57 : memref<1x1x20x128xi32, #tpu.memory_space<hbm>> -> memref<20x128xi32, #tpu.memory_space<hbm>>
      %dma_wait3A_59 = arith.constant 20 : i32
      %dma_wait3A_60 = arith.constant 0 : i32
      %dma_wait3A_61 = tpu.memref_slice %arg2[%arg0, %arg1, %dma_wait3A_59, %dma_wait3A_60] : memref<2x16x40x128xi32, #tpu.memory_space<hbm>> -> memref<1x1x20x128xi32, #tpu.memory_space<hbm>>
      %dma_wait3A_62 = tpu.memref_squeeze %dma_wait3A_61 : memref<1x1x20x128xi32, #tpu.memory_space<hbm>> -> memref<20x128xi32, #tpu.memory_space<hbm>>
      tpu.wait_dma2 semaphore(%run_scoped3A : memref<!tpu.dma_semaphore, #tpu.memory_space<semaphore_mem>>) src(%dma_wait3A_62 : memref<20x128xi32, #tpu.memory_space<hbm>>) dst(%arg7 : memref<20x128xi32, #tpu.memory_space<vmem>>)
      tpu.yield
    }) : () -> ()
    "tpu.region"() ({
      %run_scoped3A = tpu.sem_alloc : memref<!tpu.dma_semaphore, #tpu.memory_space<semaphore_mem>>
      %dma_start3A_48 = arith.constant 20 : i32
      %dma_start3A_49 = arith.constant 0 : i32
      %dma_start3A_50 = tpu.memref_slice %arg3[%arg0, %arg1, %dma_start3A_48, %dma_start3A_49] : memref<2x16x40x128xi32, #tpu.memory_space<hbm>> -> memref<1x1x20x128xi32, #tpu.memory_space<hbm>>
      %dma_start3A_51 = tpu.memref_squeeze %dma_start3A_50 : memref<1x1x20x128xi32, #tpu.memory_space<hbm>> -> memref<20x128xi32, #tpu.memory_space<hbm>>
      %dma_start3A_52 = arith.constant 20 : i32
      %dma_start3A_53 = arith.constant 0 : i32
      %dma_start3A_54 = tpu.memref_slice %arg3[%arg0, %arg1, %dma_start3A_52, %dma_start3A_53] : memref<2x16x40x128xi32, #tpu.memory_space<hbm>> -> memref<1x1x20x128xi32, #tpu.memory_space<hbm>>
      %dma_start3A_55 = tpu.memref_squeeze %dma_start3A_54 : memref<1x1x20x128xi32, #tpu.memory_space<hbm>> -> memref<20x128xi32, #tpu.memory_space<hbm>>
      tpu.enqueue_dma source(%dma_start3A_55 : memref<20x128xi32, #tpu.memory_space<hbm>>) target(%arg8 : memref<20x128xi32, #tpu.memory_space<vmem>>) target_semaphore(%run_scoped3A : memref<!tpu.dma_semaphore, #tpu.memory_space<semaphore_mem>>)
      %dma_wait3A = arith.constant 20 : i32
      %dma_wait3A_56 = arith.constant 0 : i32
      %dma_wait3A_57 = tpu.memref_slice %arg3[%arg0, %arg1, %dma_wait3A, %dma_wait3A_56] : memref<2x16x40x128xi32, #tpu.memory_space<hbm>> -> memref<1x1x20x128xi32, #tpu.memory_space<hbm>>
      %dma_wait3A_58 = tpu.memref_squeeze %dma_wait3A_57 : memref<1x1x20x128xi32, #tpu.memory_space<hbm>> -> memref<20x128xi32, #tpu.memory_space<hbm>>
      %dma_wait3A_59 = arith.constant 20 : i32
      %dma_wait3A_60 = arith.constant 0 : i32
      %dma_wait3A_61 = tpu.memref_slice %arg3[%arg0, %arg1, %dma_wait3A_59, %dma_wait3A_60] : memref<2x16x40x128xi32, #tpu.memory_space<hbm>> -> memref<1x1x20x128xi32, #tpu.memory_space<hbm>>
      %dma_wait3A_62 = tpu.memref_squeeze %dma_wait3A_61 : memref<1x1x20x128xi32, #tpu.memory_space<hbm>> -> memref<20x128xi32, #tpu.memory_space<hbm>>
      tpu.wait_dma2 semaphore(%run_scoped3A : memref<!tpu.dma_semaphore, #tpu.memory_space<semaphore_mem>>) src(%dma_wait3A_62 : memref<20x128xi32, #tpu.memory_space<hbm>>) dst(%arg8 : memref<20x128xi32, #tpu.memory_space<vmem>>)
      tpu.yield
    }) : () -> ()
    %dma_start3A_21 = arith.constant 0 : i32
    %dma_start3A_22 = arith.constant 0 : i32
    %dma_start3A_23 = tpu.memref_slice %arg7[%dma_start3A_21, %dma_start3A_22] : memref<20x128xi32, #tpu.memory_space<vmem>> -> memref<1x128xi32, #tpu.memory_space<vmem>>
    %dma_start3A_24 = tpu.memref_squeeze %dma_start3A_23 : memref<1x128xi32, #tpu.memory_space<vmem>> -> memref<128xi32, #tpu.memory_space<vmem>>
    %dma_start3A_25 = arith.constant 0 : i32
    %dma_start3A_26 = arith.constant 0 : i32
    %dma_start3A_27 = tpu.memref_slice %arg4[%dma_start3A_25, %dma_start3A_26] : memref<10000x128xf32, #tpu.memory_space<hbm>> -> memref<10000x128xf32, #tpu.memory_space<hbm>>
    tpu.enqueue_indirect_dma source(%dma_start3A_27 : memref<10000x128xf32, #tpu.memory_space<hbm>>) target(%arg9 : memref<128x128xf32, #tpu.memory_space<vmem>>) offsets(%dma_start3A_24 : memref<128xi32, #tpu.memory_space<vmem>>) semaphore(%arg12 : memref<!tpu.dma_semaphore, #tpu.memory_space<semaphore_mem>>)
    %dma_start3A_28 = arith.constant 1 : i32
    %dma_start3A_29 = arith.constant 0 : i32
    %dma_start3A_30 = tpu.memref_slice %arg7[%dma_start3A_28, %dma_start3A_29] : memref<20x128xi32, #tpu.memory_space<vmem>> -> memref<1x128xi32, #tpu.memory_space<vmem>>
    %dma_start3A_31 = tpu.memref_squeeze %dma_start3A_30 : memref<1x128xi32, #tpu.memory_space<vmem>> -> memref<128xi32, #tpu.memory_space<vmem>>
    %dma_start3A_32 = arith.constant 0 : i32
    %dma_start3A_33 = arith.constant 0 : i32
    %dma_start3A_34 = tpu.memref_slice %arg4[%dma_start3A_32, %dma_start3A_33] : memref<10000x128xf32, #tpu.memory_space<hbm>> -> memref<10000x128xf32, #tpu.memory_space<hbm>>
    tpu.enqueue_indirect_dma source(%dma_start3A_34 : memref<10000x128xf32, #tpu.memory_space<hbm>>) target(%arg10 : memref<128x128xf32, #tpu.memory_space<vmem>>) offsets(%dma_start3A_31 : memref<128xi32, #tpu.memory_space<vmem>>) semaphore(%arg13 : memref<!tpu.dma_semaphore, #tpu.memory_space<semaphore_mem>>)
    %scan3A_35 = arith.constant 0 : i32
    %scan3A_36 = arith.constant 0 : i32
    %scan3A_37 = arith.constant 10 : i32
    %scan3A_38 = arith.addi %scan3A_36, %scan3A_37 : i32
    %scan3A_39 = arith.constant 1 : i32
    scf.for %scan3A_48 = %scan3A_36 to %scan3A_38 step %scan3A_39  : i32 {
      %mul3A_49 = arith.constant 2 : i32
      %mul3A_50 = arith.muli %scan3A_48, %mul3A_49 : i32
      %add3A = arith.constant 0 : i32
      %add3A_51 = arith.addi %mul3A_50, %add3A : i32
      %dma_wait3A = arith.constant 0 : i32
      %dma_wait3A_52 = tpu.memref_slice %arg7[%add3A_51, %dma_wait3A] : memref<20x128xi32, #tpu.memory_space<vmem>> -> memref<1x128xi32, #tpu.memory_space<vmem>>
      %dma_wait3A_53 = tpu.memref_squeeze %dma_wait3A_52 : memref<1x128xi32, #tpu.memory_space<vmem>> -> memref<128xi32, #tpu.memory_space<vmem>>
      %dma_wait3A_54 = arith.constant 0 : i32
      %dma_wait3A_55 = arith.constant 0 : i32
      %dma_wait3A_56 = tpu.memref_slice %arg4[%dma_wait3A_54, %dma_wait3A_55] : memref<10000x128xf32, #tpu.memory_space<hbm>> -> memref<10000x128xf32, #tpu.memory_space<hbm>>
      tpu.wait_indirect_dma semaphore(%arg12 : memref<!tpu.dma_semaphore, #tpu.memory_space<semaphore_mem>>) src(%dma_wait3A_56 : memref<10000x128xf32, #tpu.memory_space<hbm>>) dst(%arg9 : memref<128x128xf32, #tpu.memory_space<vmem>>)
      "tpu.region"() ({
        %run_scoped3A = tpu.sem_alloc : memref<!tpu.dma_semaphore, #tpu.memory_space<semaphore_mem>>
        %dma_start3A_81 = arith.constant 0 : i32
        %dma_start3A_82 = tpu.memref_slice %arg8[%add3A_51, %dma_start3A_81] : memref<20x128xi32, #tpu.memory_space<vmem>> -> memref<1x128xi32, #tpu.memory_space<vmem>>
        %dma_start3A_83 = tpu.memref_squeeze %dma_start3A_82 : memref<1x128xi32, #tpu.memory_space<vmem>> -> memref<128xi32, #tpu.memory_space<vmem>>
        %dma_start3A_84 = arith.constant 0 : i32
        %dma_start3A_85 = arith.constant 0 : i32
        %dma_start3A_86 = tpu.memref_slice %arg11[%dma_start3A_84, %dma_start3A_85] : memref<10112x128xf32, #tpu.memory_space<vmem_shared>> -> memref<10112x128xf32, #tpu.memory_space<vmem_shared>>
        tpu.enqueue_indirect_dma source(%arg9 : memref<128x128xf32, #tpu.memory_space<vmem>>) target(%dma_start3A_86 : memref<10112x128xf32, #tpu.memory_space<vmem_shared>>) offsets(%dma_start3A_83 : memref<128xi32, #tpu.memory_space<vmem>>) semaphore(%run_scoped3A : memref<!tpu.dma_semaphore, #tpu.memory_space<semaphore_mem>>) {add = true}
        %dma_wait3A_87 = arith.constant 0 : i32
        %dma_wait3A_88 = tpu.memref_slice %arg8[%add3A_51, %dma_wait3A_87] : memref<20x128xi32, #tpu.memory_space<vmem>> -> memref<1x128xi32, #tpu.memory_space<vmem>>
        %dma_wait3A_89 = tpu.memref_squeeze %dma_wait3A_88 : memref<1x128xi32, #tpu.memory_space<vmem>> -> memref<128xi32, #tpu.memory_space<vmem>>
        %dma_wait3A_90 = arith.constant 0 : i32
        %dma_wait3A_91 = arith.constant 0 : i32
        %dma_wait3A_92 = tpu.memref_slice %arg11[%dma_wait3A_90, %dma_wait3A_91] : memref<10112x128xf32, #tpu.memory_space<vmem_shared>> -> memref<10112x128xf32, #tpu.memory_space<vmem_shared>>
        tpu.wait_indirect_dma semaphore(%run_scoped3A : memref<!tpu.dma_semaphore, #tpu.memory_space<semaphore_mem>>) src(%arg9 : memref<128x128xf32, #tpu.memory_space<vmem>>) dst(%dma_wait3A_92 : memref<10112x128xf32, #tpu.memory_space<vmem_shared>>)
        tpu.yield
      }) : () -> ()
      %add3A_57 = arith.constant 2 : i32
      %add3A_58 = arith.addi %add3A_51, %add3A_57 : i32
      %lt3A_59 = arith.constant 20 : i32
      %lt3A_60 = arith.cmpi slt, %add3A_58, %lt3A_59 : i32
      %convert_element_type3A_61 = arith.extui %lt3A_60 : i1 to i32
      %cond3A_62 = arith.constant 0 : i32
      %cond3A_63 = arith.cmpi ne, %convert_element_type3A_61, %cond3A_62 : i32
      scf.if %cond3A_63 {
        %dma_start3A_81 = arith.constant 0 : i32
        %dma_start3A_82 = tpu.memref_slice %arg7[%add3A_58, %dma_start3A_81] : memref<20x128xi32, #tpu.memory_space<vmem>> -> memref<1x128xi32, #tpu.memory_space<vmem>>
        %dma_start3A_83 = tpu.memref_squeeze %dma_start3A_82 : memref<1x128xi32, #tpu.memory_space<vmem>> -> memref<128xi32, #tpu.memory_space<vmem>>
        %dma_start3A_84 = arith.constant 0 : i32
        %dma_start3A_85 = arith.constant 0 : i32
        %dma_start3A_86 = tpu.memref_slice %arg4[%dma_start3A_84, %dma_start3A_85] : memref<10000x128xf32, #tpu.memory_space<hbm>> -> memref<10000x128xf32, #tpu.memory_space<hbm>>
        tpu.enqueue_indirect_dma source(%dma_start3A_86 : memref<10000x128xf32, #tpu.memory_space<hbm>>) target(%arg9 : memref<128x128xf32, #tpu.memory_space<vmem>>) offsets(%dma_start3A_83 : memref<128xi32, #tpu.memory_space<vmem>>) semaphore(%arg12 : memref<!tpu.dma_semaphore, #tpu.memory_space<semaphore_mem>>)
      } else {
      }
      %mul3A_64 = arith.constant 2 : i32
      %mul3A_65 = arith.muli %scan3A_48, %mul3A_64 : i32
      %add3A_66 = arith.constant 1 : i32
      %add3A_67 = arith.addi %mul3A_65, %add3A_66 : i32
      %dma_wait3A_68 = arith.constant 0 : i32
      %dma_wait3A_69 = tpu.memref_slice %arg7[%add3A_67, %dma_wait3A_68] : memref<20x128xi32, #tpu.memory_space<vmem>> -> memref<1x128xi32, #tpu.memory_space<vmem>>
      %dma_wait3A_70 = tpu.memref_squeeze %dma_wait3A_69 : memref<1x128xi32, #tpu.memory_space<vmem>> -> memref<128xi32, #tpu.memory_space<vmem>>
      %dma_wait3A_71 = arith.constant 0 : i32
      %dma_wait3A_72 = arith.constant 0 : i32
      %dma_wait3A_73 = tpu.memref_slice %arg4[%dma_wait3A_71, %dma_wait3A_72] : memref<10000x128xf32, #tpu.memory_space<hbm>> -> memref<10000x128xf32, #tpu.memory_space<hbm>>
      tpu.wait_indirect_dma semaphore(%arg13 : memref<!tpu.dma_semaphore, #tpu.memory_space<semaphore_mem>>) src(%dma_wait3A_73 : memref<10000x128xf32, #tpu.memory_space<hbm>>) dst(%arg10 : memref<128x128xf32, #tpu.memory_space<vmem>>)
      "tpu.region"() ({
        %run_scoped3A = tpu.sem_alloc : memref<!tpu.dma_semaphore, #tpu.memory_space<semaphore_mem>>
        %dma_start3A_81 = arith.constant 0 : i32
        %dma_start3A_82 = tpu.memref_slice %arg8[%add3A_67, %dma_start3A_81] : memref<20x128xi32, #tpu.memory_space<vmem>> -> memref<1x128xi32, #tpu.memory_space<vmem>>
        %dma_start3A_83 = tpu.memref_squeeze %dma_start3A_82 : memref<1x128xi32, #tpu.memory_space<vmem>> -> memref<128xi32, #tpu.memory_space<vmem>>
        %dma_start3A_84 = arith.constant 0 : i32
        %dma_start3A_85 = arith.constant 0 : i32
        %dma_start3A_86 = tpu.memref_slice %arg11[%dma_start3A_84, %dma_start3A_85] : memref<10112x128xf32, #tpu.memory_space<vmem_shared>> -> memref<10112x128xf32, #tpu.memory_space<vmem_shared>>
        tpu.enqueue_indirect_dma source(%arg10 : memref<128x128xf32, #tpu.memory_space<vmem>>) target(%dma_start3A_86 : memref<10112x128xf32, #tpu.memory_space<vmem_shared>>) offsets(%dma_start3A_83 : memref<128xi32, #tpu.memory_space<vmem>>) semaphore(%run_scoped3A : memref<!tpu.dma_semaphore, #tpu.memory_space<semaphore_mem>>) {add = true}
        %dma_wait3A_87 = arith.constant 0 : i32
        %dma_wait3A_88 = tpu.memref_slice %arg8[%add3A_67, %dma_wait3A_87] : memref<20x128xi32, #tpu.memory_space<vmem>> -> memref<1x128xi32, #tpu.memory_space<vmem>>
        %dma_wait3A_89 = tpu.memref_squeeze %dma_wait3A_88 : memref<1x128xi32, #tpu.memory_space<vmem>> -> memref<128xi32, #tpu.memory_space<vmem>>
        %dma_wait3A_90 = arith.constant 0 : i32
        %dma_wait3A_91 = arith.constant 0 : i32
        %dma_wait3A_92 = tpu.memref_slice %arg11[%dma_wait3A_90, %dma_wait3A_91] : memref<10112x128xf32, #tpu.memory_space<vmem_shared>> -> memref<10112x128xf32, #tpu.memory_space<vmem_shared>>
        tpu.wait_indirect_dma semaphore(%run_scoped3A : memref<!tpu.dma_semaphore, #tpu.memory_space<semaphore_mem>>) src(%arg10 : memref<128x128xf32, #tpu.memory_space<vmem>>) dst(%dma_wait3A_92 : memref<10112x128xf32, #tpu.memory_space<vmem_shared>>)
        tpu.yield
      }) : () -> ()
      %add3A_74 = arith.constant 2 : i32
      %add3A_75 = arith.addi %add3A_67, %add3A_74 : i32
      %lt3A_76 = arith.constant 20 : i32
      %lt3A_77 = arith.cmpi slt, %add3A_75, %lt3A_76 : i32
      %convert_element_type3A_78 = arith.extui %lt3A_77 : i1 to i32
      %cond3A_79 = arith.constant 0 : i32
      %cond3A_80 = arith.cmpi ne, %convert_element_type3A_78, %cond3A_79 : i32
      scf.if %cond3A_80 {
        %dma_start3A_81 = arith.constant 0 : i32
        %dma_start3A_82 = tpu.memref_slice %arg7[%add3A_75, %dma_start3A_81] : memref<20x128xi32, #tpu.memory_space<vmem>> -> memref<1x128xi32, #tpu.memory_space<vmem>>
        %dma_start3A_83 = tpu.memref_squeeze %dma_start3A_82 : memref<1x128xi32, #tpu.memory_space<vmem>> -> memref<128xi32, #tpu.memory_space<vmem>>
        %dma_start3A_84 = arith.constant 0 : i32
        %dma_start3A_85 = arith.constant 0 : i32
        %dma_start3A_86 = tpu.memref_slice %arg4[%dma_start3A_84, %dma_start3A_85] : memref<10000x128xf32, #tpu.memory_space<hbm>> -> memref<10000x128xf32, #tpu.memory_space<hbm>>
        tpu.enqueue_indirect_dma source(%dma_start3A_86 : memref<10000x128xf32, #tpu.memory_space<hbm>>) target(%arg10 : memref<128x128xf32, #tpu.memory_space<vmem>>) offsets(%dma_start3A_83 : memref<128xi32, #tpu.memory_space<vmem>>) semaphore(%arg13 : memref<!tpu.dma_semaphore, #tpu.memory_space<semaphore_mem>>)
      } else {
      }
    }
    %scan3A_40 = arith.constant 10 : i32
    %barrier3A_41 = arith.constant 0 : index
    tpu.barrier barrier_id(%barrier3A_41)
    %lt3A = arith.constant 15 : i32
    %lt3A_42 = arith.cmpi slt, %arg1, %lt3A : i32
    %convert_element_type3A = arith.extui %lt3A_42 : i1 to i32
    %cond3A = arith.constant 0 : i32
    %cond3A_43 = arith.cmpi ne, %convert_element_type3A, %cond3A : i32
    scf.if %cond3A_43 {
      %mul3A_48 = arith.constant 632 : i32
      %mul3A_49 = arith.muli %arg1, %mul3A_48 : i32
      %mul3A_50 = arith.constant 632 : i32
      %mul3A_51 = arith.muli %arg1, %mul3A_50 : i32
      "tpu.region"() ({
        %run_scoped3A = tpu.sem_alloc : memref<!tpu.dma_semaphore, #tpu.memory_space<semaphore_mem>>
        %dma_start3A_52 = arith.constant 0 : i32
        %dma_start3A_53 = tpu.memref_slice %arg6[%arg0, %mul3A_51, %dma_start3A_52] : memref<2x10000x128xf32, #tpu.memory_space<hbm>> -> memref<1x632x128xf32, #tpu.memory_space<hbm>>
        %dma_start3A_54 = tpu.memref_squeeze %dma_start3A_53 : memref<1x632x128xf32, #tpu.memory_space<hbm>> -> memref<632x128xf32, #tpu.memory_space<hbm>>
        %dma_start3A_55 = arith.constant 0 : i32
        %dma_start3A_56 = tpu.memref_slice %arg11[%mul3A_49, %dma_start3A_55] : memref<10112x128xf32, #tpu.memory_space<vmem_shared>> -> memref<632x128xf32, #tpu.memory_space<vmem_shared>>
        tpu.enqueue_dma source(%dma_start3A_56 : memref<632x128xf32, #tpu.memory_space<vmem_shared>>) target(%dma_start3A_54 : memref<632x128xf32, #tpu.memory_space<hbm>>) target_semaphore(%run_scoped3A : memref<!tpu.dma_semaphore, #tpu.memory_space<semaphore_mem>>)
        %dma_wait3A = arith.constant 0 : i32
        %dma_wait3A_57 = tpu.memref_slice %arg6[%arg0, %mul3A_51, %dma_wait3A] : memref<2x10000x128xf32, #tpu.memory_space<hbm>> -> memref<1x632x128xf32, #tpu.memory_space<hbm>>
        %dma_wait3A_58 = tpu.memref_squeeze %dma_wait3A_57 : memref<1x632x128xf32, #tpu.memory_space<hbm>> -> memref<632x128xf32, #tpu.memory_space<hbm>>
        %dma_wait3A_59 = arith.constant 0 : i32
        %dma_wait3A_60 = tpu.memref_slice %arg11[%mul3A_49, %dma_wait3A_59] : memref<10112x128xf32, #tpu.memory_space<vmem_shared>> -> memref<632x128xf32, #tpu.memory_space<vmem_shared>>
        tpu.wait_dma2 semaphore(%run_scoped3A : memref<!tpu.dma_semaphore, #tpu.memory_space<semaphore_mem>>) src(%dma_wait3A_60 : memref<632x128xf32, #tpu.memory_space<vmem_shared>>) dst(%dma_wait3A_58 : memref<632x128xf32, #tpu.memory_space<hbm>>)
        tpu.yield
      }) : () -> ()
    } else {
    }
    %eq3A = arith.constant 15 : i32
    %eq3A_44 = arith.cmpi eq, %arg1, %eq3A : i32
    %convert_element_type3A_45 = arith.extui %eq3A_44 : i1 to i32
    %cond3A_46 = arith.constant 0 : i32
    %cond3A_47 = arith.cmpi ne, %convert_element_type3A_45, %cond3A_46 : i32
    scf.if %cond3A_47 {
      "tpu.region"() ({
        %run_scoped3A = tpu.sem_alloc : memref<!tpu.dma_semaphore, #tpu.memory_space<semaphore_mem>>
        %dma_start3A_48 = arith.constant 9480 : i32
        %dma_start3A_49 = arith.constant 0 : i32
        %dma_start3A_50 = tpu.memref_slice %arg6[%arg0, %dma_start3A_48, %dma_start3A_49] : memref<2x10000x128xf32, #tpu.memory_space<hbm>> -> memref<1x520x128xf32, #tpu.memory_space<hbm>>
        %dma_start3A_51 = tpu.memref_squeeze %dma_start3A_50 : memref<1x520x128xf32, #tpu.memory_space<hbm>> -> memref<520x128xf32, #tpu.memory_space<hbm>>
        %dma_start3A_52 = arith.constant 9480 : i32
        %dma_start3A_53 = arith.constant 0 : i32
        %dma_start3A_54 = tpu.memref_slice %arg11[%dma_start3A_52, %dma_start3A_53] : memref<10112x128xf32, #tpu.memory_space<vmem_shared>> -> memref<520x128xf32, #tpu.memory_space<vmem_shared>>
        tpu.enqueue_dma source(%dma_start3A_54 : memref<520x128xf32, #tpu.memory_space<vmem_shared>>) target(%dma_start3A_51 : memref<520x128xf32, #tpu.memory_space<hbm>>) target_semaphore(%run_scoped3A : memref<!tpu.dma_semaphore, #tpu.memory_space<semaphore_mem>>)
        %dma_wait3A = arith.constant 9480 : i32
        %dma_wait3A_55 = arith.constant 0 : i32
        %dma_wait3A_56 = tpu.memref_slice %arg6[%arg0, %dma_wait3A, %dma_wait3A_55] : memref<2x10000x128xf32, #tpu.memory_space<hbm>> -> memref<1x520x128xf32, #tpu.memory_space<hbm>>
        %dma_wait3A_57 = tpu.memref_squeeze %dma_wait3A_56 : memref<1x520x128xf32, #tpu.memory_space<hbm>> -> memref<520x128xf32, #tpu.memory_space<hbm>>
        %dma_wait3A_58 = arith.constant 9480 : i32
        %dma_wait3A_59 = arith.constant 0 : i32
        %dma_wait3A_60 = tpu.memref_slice %arg11[%dma_wait3A_58, %dma_wait3A_59] : memref<10112x128xf32, #tpu.memory_space<vmem_shared>> -> memref<520x128xf32, #tpu.memory_space<vmem_shared>>
        tpu.wait_dma2 semaphore(%run_scoped3A : memref<!tpu.dma_semaphore, #tpu.memory_space<semaphore_mem>>) src(%dma_wait3A_60 : memref<520x128xf32, #tpu.memory_space<vmem_shared>>) dst(%dma_wait3A_57 : memref<520x128xf32, #tpu.memory_space<hbm>>)
        tpu.yield
      }) : () -> ()
    } else {
    }
    return
  }
}

#map = affine_map<(d0, d1) -> (0, 0, 0, 0)>
#map1 = affine_map<(d0, d1) -> (0, 0)>
#map2 = affine_map<(d0, d1) -> (0, 0, 0)>
module attributes {stable_mosaic.version = 14 : i64} {
  func.func @_deg_body(%arg0: i32, %arg1: i32, %arg2: memref<2x16x40x128xi32, #tpu.memory_space<hbm>>, %arg3: memref<10112x16xf32, #tpu.memory_space<hbm>>, %arg4: memref<2x10000x16xf32, #tpu.memory_space<hbm>>, %arg5: memref<40x128xi32, #tpu.memory_space<vmem>>, %arg6: memref<128x16xf32, #tpu.memory_space<vmem>>, %arg7: memref<10112x16xf32, #tpu.memory_space<vmem_shared>>, %arg8: memref<!tpu.dma_semaphore, #tpu.memory_space<semaphore_mem>>) attributes {dimension_semantics = [#tpu.dimension_semantics<core_parallel>, #tpu.dimension_semantics<subcore_parallel>], iteration_bounds = array<i64: 2, 16>, scalar_prefetch = 0 : i64, scratch_operands = 4 : i64, tpu.core_type = #tpu.core_type<sc_vector_subcore>, window_params = [{transform_indices = #map}, {transform_indices = #map1}, {transform_indices = #map2}]} {
    %mul3A = arith.constant 632 : i32
    %mul3A_0 = arith.muli %arg1, %mul3A : i32
    %mul3A_1 = arith.constant 632 : i32
    %mul3A_2 = arith.muli %arg1, %mul3A_1 : i32
    "tpu.region"() ({
      %run_scoped3A = tpu.sem_alloc : memref<!tpu.dma_semaphore, #tpu.memory_space<semaphore_mem>>
      %dma_start3A = arith.constant 0 : i32
      %dma_start3A_21 = tpu.memref_slice %arg7[%mul3A_2, %dma_start3A] : memref<10112x16xf32, #tpu.memory_space<vmem_shared>> -> memref<632x16xf32, #tpu.memory_space<vmem_shared>>
      %dma_start3A_22 = arith.constant 0 : i32
      %dma_start3A_23 = tpu.memref_slice %arg3[%mul3A_0, %dma_start3A_22] : memref<10112x16xf32, #tpu.memory_space<hbm>> -> memref<632x16xf32, #tpu.memory_space<hbm>>
      tpu.enqueue_dma source(%dma_start3A_23 : memref<632x16xf32, #tpu.memory_space<hbm>>) target(%dma_start3A_21 : memref<632x16xf32, #tpu.memory_space<vmem_shared>>) target_semaphore(%run_scoped3A : memref<!tpu.dma_semaphore, #tpu.memory_space<semaphore_mem>>)
      %dma_wait3A = arith.constant 0 : i32
      %dma_wait3A_24 = tpu.memref_slice %arg7[%mul3A_2, %dma_wait3A] : memref<10112x16xf32, #tpu.memory_space<vmem_shared>> -> memref<632x16xf32, #tpu.memory_space<vmem_shared>>
      %dma_wait3A_25 = arith.constant 0 : i32
      %dma_wait3A_26 = tpu.memref_slice %arg3[%mul3A_0, %dma_wait3A_25] : memref<10112x16xf32, #tpu.memory_space<hbm>> -> memref<632x16xf32, #tpu.memory_space<hbm>>
      tpu.wait_dma2 semaphore(%run_scoped3A : memref<!tpu.dma_semaphore, #tpu.memory_space<semaphore_mem>>) src(%dma_wait3A_26 : memref<632x16xf32, #tpu.memory_space<hbm>>) dst(%dma_wait3A_24 : memref<632x16xf32, #tpu.memory_space<vmem_shared>>)
      tpu.yield
    }) : () -> ()
    %scan3A = arith.constant 0 : i32
    %scan3A_3 = arith.constant 0 : i32
    %scan3A_4 = arith.constant 128 : i32
    %scan3A_5 = arith.addi %scan3A_3, %scan3A_4 : i32
    %scan3A_6 = arith.constant 1 : i32
    scf.for %scan3A_21 = %scan3A_3 to %scan3A_5 step %scan3A_6  : i32 {
      %broadcast_in_dim3A = arith.constant 1.000000e+00 : f32
      %broadcast_in_dim3A_22 = vector.broadcast %broadcast_in_dim3A : f32 to vector<16xf32>
      %swap3A = arith.index_cast %scan3A_21 : i32 to index
      %swap3A_23 = arith.constant 0 : index
      %swap3A_24 = tpu.vector_load %arg6[%swap3A, %swap3A_23] {strides = array<i32>} : memref<128x16xf32, #tpu.memory_space<vmem>>, vector<1x16xf32>,
      %swap3A_25 = vector.shape_cast %swap3A_24 : vector<1x16xf32> to vector<16xf32>
      %swap3A_26 = vector.shape_cast %broadcast_in_dim3A_22 : vector<16xf32> to vector<1x16xf32>
      tpu.vector_store %arg6[%swap3A, %swap3A_23], %swap3A_26 {strides = array<i32>} : memref<128x16xf32, #tpu.memory_space<vmem>>, vector<1x16xf32>,
    }
    %scan3A_7 = arith.constant 128 : i32
    "tpu.region"() ({
      %run_scoped3A = tpu.sem_alloc : memref<!tpu.dma_semaphore, #tpu.memory_space<semaphore_mem>>
      %dma_start3A = arith.constant 0 : i32
      %dma_start3A_21 = arith.constant 0 : i32
      %dma_start3A_22 = tpu.memref_slice %arg2[%arg0, %arg1, %dma_start3A, %dma_start3A_21] : memref<2x16x40x128xi32, #tpu.memory_space<hbm>> -> memref<1x1x40x128xi32, #tpu.memory_space<hbm>>
      %dma_start3A_23 = tpu.memref_squeeze %dma_start3A_22 : memref<1x1x40x128xi32, #tpu.memory_space<hbm>> -> memref<40x128xi32, #tpu.memory_space<hbm>>
      %dma_start3A_24 = arith.constant 0 : i32
      %dma_start3A_25 = arith.constant 0 : i32
      %dma_start3A_26 = tpu.memref_slice %arg2[%arg0, %arg1, %dma_start3A_24, %dma_start3A_25] : memref<2x16x40x128xi32, #tpu.memory_space<hbm>> -> memref<1x1x40x128xi32, #tpu.memory_space<hbm>>
      %dma_start3A_27 = tpu.memref_squeeze %dma_start3A_26 : memref<1x1x40x128xi32, #tpu.memory_space<hbm>> -> memref<40x128xi32, #tpu.memory_space<hbm>>
      tpu.enqueue_dma source(%dma_start3A_27 : memref<40x128xi32, #tpu.memory_space<hbm>>) target(%arg5 : memref<40x128xi32, #tpu.memory_space<vmem>>) target_semaphore(%run_scoped3A : memref<!tpu.dma_semaphore, #tpu.memory_space<semaphore_mem>>)
      %dma_wait3A = arith.constant 0 : i32
      %dma_wait3A_28 = arith.constant 0 : i32
      %dma_wait3A_29 = tpu.memref_slice %arg2[%arg0, %arg1, %dma_wait3A, %dma_wait3A_28] : memref<2x16x40x128xi32, #tpu.memory_space<hbm>> -> memref<1x1x40x128xi32, #tpu.memory_space<hbm>>
      %dma_wait3A_30 = tpu.memref_squeeze %dma_wait3A_29 : memref<1x1x40x128xi32, #tpu.memory_space<hbm>> -> memref<40x128xi32, #tpu.memory_space<hbm>>
      %dma_wait3A_31 = arith.constant 0 : i32
      %dma_wait3A_32 = arith.constant 0 : i32
      %dma_wait3A_33 = tpu.memref_slice %arg2[%arg0, %arg1, %dma_wait3A_31, %dma_wait3A_32] : memref<2x16x40x128xi32, #tpu.memory_space<hbm>> -> memref<1x1x40x128xi32, #tpu.memory_space<hbm>>
      %dma_wait3A_34 = tpu.memref_squeeze %dma_wait3A_33 : memref<1x1x40x128xi32, #tpu.memory_space<hbm>> -> memref<40x128xi32, #tpu.memory_space<hbm>>
      tpu.wait_dma2 semaphore(%run_scoped3A : memref<!tpu.dma_semaphore, #tpu.memory_space<semaphore_mem>>) src(%dma_wait3A_34 : memref<40x128xi32, #tpu.memory_space<hbm>>) dst(%arg5 : memref<40x128xi32, #tpu.memory_space<vmem>>)
      tpu.yield
    }) : () -> ()
    %barrier3A = arith.constant 0 : index
    tpu.barrier barrier_id(%barrier3A)
    %scan3A_8 = arith.constant 0 : i32
    %scan3A_9 = arith.constant 0 : i32
    %scan3A_10 = arith.constant 40 : i32
    %scan3A_11 = arith.addi %scan3A_9, %scan3A_10 : i32
    %scan3A_12 = arith.constant 1 : i32
    scf.for %scan3A_21 = %scan3A_9 to %scan3A_11 step %scan3A_12  : i32 {
      "tpu.region"() ({
        %run_scoped3A = tpu.sem_alloc : memref<!tpu.dma_semaphore, #tpu.memory_space<semaphore_mem>>
        %dma_start3A = arith.constant 0 : i32
        %dma_start3A_22 = tpu.memref_slice %arg5[%scan3A_21, %dma_start3A] : memref<40x128xi32, #tpu.memory_space<vmem>> -> memref<1x128xi32, #tpu.memory_space<vmem>>
        %dma_start3A_23 = tpu.memref_squeeze %dma_start3A_22 : memref<1x128xi32, #tpu.memory_space<vmem>> -> memref<128xi32, #tpu.memory_space<vmem>>
        %dma_start3A_24 = arith.constant 0 : i32
        %dma_start3A_25 = arith.constant 0 : i32
        %dma_start3A_26 = tpu.memref_slice %arg7[%dma_start3A_24, %dma_start3A_25] : memref<10112x16xf32, #tpu.memory_space<vmem_shared>> -> memref<10112x16xf32, #tpu.memory_space<vmem_shared>>
        tpu.enqueue_indirect_dma source(%arg6 : memref<128x16xf32, #tpu.memory_space<vmem>>) target(%dma_start3A_26 : memref<10112x16xf32, #tpu.memory_space<vmem_shared>>) offsets(%dma_start3A_23 : memref<128xi32, #tpu.memory_space<vmem>>) semaphore(%run_scoped3A : memref<!tpu.dma_semaphore, #tpu.memory_space<semaphore_mem>>) {add = true}
        %dma_wait3A = arith.constant 0 : i32
        %dma_wait3A_27 = tpu.memref_slice %arg5[%scan3A_21, %dma_wait3A] : memref<40x128xi32, #tpu.memory_space<vmem>> -> memref<1x128xi32, #tpu.memory_space<vmem>>
        %dma_wait3A_28 = tpu.memref_squeeze %dma_wait3A_27 : memref<1x128xi32, #tpu.memory_space<vmem>> -> memref<128xi32, #tpu.memory_space<vmem>>
        %dma_wait3A_29 = arith.constant 0 : i32
        %dma_wait3A_30 = arith.constant 0 : i32
        %dma_wait3A_31 = tpu.memref_slice %arg7[%dma_wait3A_29, %dma_wait3A_30] : memref<10112x16xf32, #tpu.memory_space<vmem_shared>> -> memref<10112x16xf32, #tpu.memory_space<vmem_shared>>
        tpu.wait_indirect_dma semaphore(%run_scoped3A : memref<!tpu.dma_semaphore, #tpu.memory_space<semaphore_mem>>) src(%arg6 : memref<128x16xf32, #tpu.memory_space<vmem>>) dst(%dma_wait3A_31 : memref<10112x16xf32, #tpu.memory_space<vmem_shared>>)
        tpu.yield
      }) : () -> ()
    }
    %scan3A_13 = arith.constant 40 : i32
    %barrier3A_14 = arith.constant 0 : index
    tpu.barrier barrier_id(%barrier3A_14)
    %lt3A = arith.constant 15 : i32
    %lt3A_15 = arith.cmpi slt, %arg1, %lt3A : i32
    %convert_element_type3A = arith.extui %lt3A_15 : i1 to i32
    %cond3A = arith.constant 0 : i32
    %cond3A_16 = arith.cmpi ne, %convert_element_type3A, %cond3A : i32
    scf.if %cond3A_16 {
      %mul3A_21 = arith.constant 632 : i32
      %mul3A_22 = arith.muli %arg1, %mul3A_21 : i32
      %mul3A_23 = arith.constant 632 : i32
      %mul3A_24 = arith.muli %arg1, %mul3A_23 : i32
      "tpu.region"() ({
        %run_scoped3A = tpu.sem_alloc : memref<!tpu.dma_semaphore, #tpu.memory_space<semaphore_mem>>
        %dma_start3A = arith.constant 0 : i32
        %dma_start3A_25 = tpu.memref_slice %arg4[%arg0, %mul3A_24, %dma_start3A] : memref<2x10000x16xf32, #tpu.memory_space<hbm>> -> memref<1x632x16xf32, #tpu.memory_space<hbm>>
        %dma_start3A_26 = tpu.memref_squeeze %dma_start3A_25 : memref<1x632x16xf32, #tpu.memory_space<hbm>> -> memref<632x16xf32, #tpu.memory_space<hbm>>
        %dma_start3A_27 = arith.constant 0 : i32
        %dma_start3A_28 = tpu.memref_slice %arg7[%mul3A_22, %dma_start3A_27] : memref<10112x16xf32, #tpu.memory_space<vmem_shared>> -> memref<632x16xf32, #tpu.memory_space<vmem_shared>>
        tpu.enqueue_dma source(%dma_start3A_28 : memref<632x16xf32, #tpu.memory_space<vmem_shared>>) target(%dma_start3A_26 : memref<632x16xf32, #tpu.memory_space<hbm>>) target_semaphore(%run_scoped3A : memref<!tpu.dma_semaphore, #tpu.memory_space<semaphore_mem>>)
        %dma_wait3A = arith.constant 0 : i32
        %dma_wait3A_29 = tpu.memref_slice %arg4[%arg0, %mul3A_24, %dma_wait3A] : memref<2x10000x16xf32, #tpu.memory_space<hbm>> -> memref<1x632x16xf32, #tpu.memory_space<hbm>>
        %dma_wait3A_30 = tpu.memref_squeeze %dma_wait3A_29 : memref<1x632x16xf32, #tpu.memory_space<hbm>> -> memref<632x16xf32, #tpu.memory_space<hbm>>
        %dma_wait3A_31 = arith.constant 0 : i32
        %dma_wait3A_32 = tpu.memref_slice %arg7[%mul3A_22, %dma_wait3A_31] : memref<10112x16xf32, #tpu.memory_space<vmem_shared>> -> memref<632x16xf32, #tpu.memory_space<vmem_shared>>
        tpu.wait_dma2 semaphore(%run_scoped3A : memref<!tpu.dma_semaphore, #tpu.memory_space<semaphore_mem>>) src(%dma_wait3A_32 : memref<632x16xf32, #tpu.memory_space<vmem_shared>>) dst(%dma_wait3A_30 : memref<632x16xf32, #tpu.memory_space<hbm>>)
        tpu.yield
      }) : () -> ()
    } else {
    }
    %eq3A = arith.constant 15 : i32
    %eq3A_17 = arith.cmpi eq, %arg1, %eq3A : i32
    %convert_element_type3A_18 = arith.extui %eq3A_17 : i1 to i32
    %cond3A_19 = arith.constant 0 : i32
    %cond3A_20 = arith.cmpi ne, %convert_element_type3A_18, %cond3A_19 : i32
    scf.if %cond3A_20 {
      "tpu.region"() ({
        %run_scoped3A = tpu.sem_alloc : memref<!tpu.dma_semaphore, #tpu.memory_space<semaphore_mem>>
        %dma_start3A = arith.constant 9480 : i32
        %dma_start3A_21 = arith.constant 0 : i32
        %dma_start3A_22 = tpu.memref_slice %arg4[%arg0, %dma_start3A, %dma_start3A_21] : memref<2x10000x16xf32, #tpu.memory_space<hbm>> -> memref<1x520x16xf32, #tpu.memory_space<hbm>>
        %dma_start3A_23 = tpu.memref_squeeze %dma_start3A_22 : memref<1x520x16xf32, #tpu.memory_space<hbm>> -> memref<520x16xf32, #tpu.memory_space<hbm>>
        %dma_start3A_24 = arith.constant 9480 : i32
        %dma_start3A_25 = arith.constant 0 : i32
        %dma_start3A_26 = tpu.memref_slice %arg7[%dma_start3A_24, %dma_start3A_25] : memref<10112x16xf32, #tpu.memory_space<vmem_shared>> -> memref<520x16xf32, #tpu.memory_space<vmem_shared>>
        tpu.enqueue_dma source(%dma_start3A_26 : memref<520x16xf32, #tpu.memory_space<vmem_shared>>) target(%dma_start3A_23 : memref<520x16xf32, #tpu.memory_space<hbm>>) target_semaphore(%run_scoped3A : memref<!tpu.dma_semaphore, #tpu.memory_space<semaphore_mem>>)
        %dma_wait3A = arith.constant 9480 : i32
        %dma_wait3A_27 = arith.constant 0 : i32
        %dma_wait3A_28 = tpu.memref_slice %arg4[%arg0, %dma_wait3A, %dma_wait3A_27] : memref<2x10000x16xf32, #tpu.memory_space<hbm>> -> memref<1x520x16xf32, #tpu.memory_space<hbm>>
        %dma_wait3A_29 = tpu.memref_squeeze %dma_wait3A_28 : memref<1x520x16xf32, #tpu.memory_space<hbm>> -> memref<520x16xf32, #tpu.memory_space<hbm>>
        %dma_wait3A_30 = arith.constant 9480 : i32
        %dma_wait3A_31 = arith.constant 0 : i32
        %dma_wait3A_32 = tpu.memref_slice %arg7[%dma_wait3A_30, %dma_wait3A_31] : memref<10112x16xf32, #tpu.memory_space<vmem_shared>> -> memref<520x16xf32, #tpu.memory_space<vmem_shared>>
        tpu.wait_dma2 semaphore(%run_scoped3A : memref<!tpu.dma_semaphore, #tpu.memory_space<semaphore_mem>>) src(%dma_wait3A_32 : memref<520x16xf32, #tpu.memory_space<vmem_shared>>) dst(%dma_wait3A_29 : memref<520x16xf32, #tpu.memory_space<hbm>>)
        tpu.yield
      }) : () -> ()
    } else {
    }
    return
  }
}

#map = affine_map<(d0, d1) -> (0, 0, 0, 0)>
#map1 = affine_map<(d0, d1) -> (0, 0)>
#map2 = affine_map<(d0, d1) -> (0, 0, 0)>
module attributes {stable_mosaic.version = 14 : i64} {
  func.func @_prop_body(%arg0: i32, %arg1: i32, %arg2: memref<2x16x80x128xi32, #tpu.memory_space<hbm>>, %arg3: memref<2x16x80x128xi32, #tpu.memory_space<hbm>>, %arg4: memref<20000x128xf32, #tpu.memory_space<hbm>>, %arg5: memref<10112x128xf32, #tpu.memory_space<hbm>>, %arg6: memref<2x10000x128xf32, #tpu.memory_space<hbm>>, %arg7: memref<20x128xi32, #tpu.memory_space<vmem>>, %arg8: memref<20x128xi32, #tpu.memory_space<vmem>>, %arg9: memref<128x128xf32, #tpu.memory_space<vmem>>, %arg10: memref<128x128xf32, #tpu.memory_space<vmem>>, %arg11: memref<10112x128xf32, #tpu.memory_space<vmem_shared>>, %arg12: memref<!tpu.dma_semaphore, #tpu.memory_space<semaphore_mem>>, %arg13: memref<!tpu.dma_semaphore, #tpu.memory_space<semaphore_mem>>) attributes {dimension_semantics = [#tpu.dimension_semantics<core_parallel>, #tpu.dimension_semantics<subcore_parallel>], iteration_bounds = array<i64: 2, 16>, scalar_prefetch = 0 : i64, scratch_operands = 7 : i64, tpu.core_type = #tpu.core_type<sc_vector_subcore>, window_params = [{transform_indices = #map}, {transform_indices = #map}, {transform_indices = #map1}, {transform_indices = #map1}, {transform_indices = #map2}]} {
    %mul3A = arith.constant 632 : i32
    %mul3A_0 = arith.muli %arg1, %mul3A : i32
    %mul3A_1 = arith.constant 632 : i32
    %mul3A_2 = arith.muli %arg1, %mul3A_1 : i32
    "tpu.region"() ({
      %run_scoped3A = tpu.sem_alloc : memref<!tpu.dma_semaphore, #tpu.memory_space<semaphore_mem>>
      %dma_start3A_88 = arith.constant 0 : i32
      %dma_start3A_89 = tpu.memref_slice %arg11[%mul3A_2, %dma_start3A_88] : memref<10112x128xf32, #tpu.memory_space<vmem_shared>> -> memref<632x128xf32, #tpu.memory_space<vmem_shared>>
      %dma_start3A_90 = arith.constant 0 : i32
      %dma_start3A_91 = tpu.memref_slice %arg5[%mul3A_0, %dma_start3A_90] : memref<10112x128xf32, #tpu.memory_space<hbm>> -> memref<632x128xf32, #tpu.memory_space<hbm>>
      tpu.enqueue_dma source(%dma_start3A_91 : memref<632x128xf32, #tpu.memory_space<hbm>>) target(%dma_start3A_89 : memref<632x128xf32, #tpu.memory_space<vmem_shared>>) target_semaphore(%run_scoped3A : memref<!tpu.dma_semaphore, #tpu.memory_space<semaphore_mem>>)
      %dma_wait3A = arith.constant 0 : i32
      %dma_wait3A_92 = tpu.memref_slice %arg11[%mul3A_2, %dma_wait3A] : memref<10112x128xf32, #tpu.memory_space<vmem_shared>> -> memref<632x128xf32, #tpu.memory_space<vmem_shared>>
      %dma_wait3A_93 = arith.constant 0 : i32
      %dma_wait3A_94 = tpu.memref_slice %arg5[%mul3A_0, %dma_wait3A_93] : memref<10112x128xf32, #tpu.memory_space<hbm>> -> memref<632x128xf32, #tpu.memory_space<hbm>>
      tpu.wait_dma2 semaphore(%run_scoped3A : memref<!tpu.dma_semaphore, #tpu.memory_space<semaphore_mem>>) src(%dma_wait3A_94 : memref<632x128xf32, #tpu.memory_space<hbm>>) dst(%dma_wait3A_92 : memref<632x128xf32, #tpu.memory_space<vmem_shared>>)
      tpu.yield
    }) : () -> ()
    %barrier3A = arith.constant 0 : index
    tpu.barrier barrier_id(%barrier3A)
    "tpu.region"() ({
      %run_scoped3A = tpu.sem_alloc : memref<!tpu.dma_semaphore, #tpu.memory_space<semaphore_mem>>
      %dma_start3A_88 = arith.constant 0 : i32
      %dma_start3A_89 = arith.constant 0 : i32
      %dma_start3A_90 = tpu.memref_slice %arg2[%arg0, %arg1, %dma_start3A_88, %dma_start3A_89] : memref<2x16x80x128xi32, #tpu.memory_space<hbm>> -> memref<1x1x20x128xi32, #tpu.memory_space<hbm>>
      %dma_start3A_91 = tpu.memref_squeeze %dma_start3A_90 : memref<1x1x20x128xi32, #tpu.memory_space<hbm>> -> memref<20x128xi32, #tpu.memory_space<hbm>>
      %dma_start3A_92 = arith.constant 0 : i32
      %dma_start3A_93 = arith.constant 0 : i32
      %dma_start3A_94 = tpu.memref_slice %arg2[%arg0, %arg1, %dma_start3A_92, %dma_start3A_93] : memref<2x16x80x128xi32, #tpu.memory_space<hbm>> -> memref<1x1x20x128xi32, #tpu.memory_space<hbm>>
      %dma_start3A_95 = tpu.memref_squeeze %dma_start3A_94 : memref<1x1x20x128xi32, #tpu.memory_space<hbm>> -> memref<20x128xi32, #tpu.memory_space<hbm>>
      tpu.enqueue_dma source(%dma_start3A_95 : memref<20x128xi32, #tpu.memory_space<hbm>>) target(%arg7 : memref<20x128xi32, #tpu.memory_space<vmem>>) target_semaphore(%run_scoped3A : memref<!tpu.dma_semaphore, #tpu.memory_space<semaphore_mem>>)
      %dma_wait3A = arith.constant 0 : i32
      %dma_wait3A_96 = arith.constant 0 : i32
      %dma_wait3A_97 = tpu.memref_slice %arg2[%arg0, %arg1, %dma_wait3A, %dma_wait3A_96] : memref<2x16x80x128xi32, #tpu.memory_space<hbm>> -> memref<1x1x20x128xi32, #tpu.memory_space<hbm>>
      %dma_wait3A_98 = tpu.memref_squeeze %dma_wait3A_97 : memref<1x1x20x128xi32, #tpu.memory_space<hbm>> -> memref<20x128xi32, #tpu.memory_space<hbm>>
      %dma_wait3A_99 = arith.constant 0 : i32
      %dma_wait3A_100 = arith.constant 0 : i32
      %dma_wait3A_101 = tpu.memref_slice %arg2[%arg0, %arg1, %dma_wait3A_99, %dma_wait3A_100] : memref<2x16x80x128xi32, #tpu.memory_space<hbm>> -> memref<1x1x20x128xi32, #tpu.memory_space<hbm>>
      %dma_wait3A_102 = tpu.memref_squeeze %dma_wait3A_101 : memref<1x1x20x128xi32, #tpu.memory_space<hbm>> -> memref<20x128xi32, #tpu.memory_space<hbm>>
      tpu.wait_dma2 semaphore(%run_scoped3A : memref<!tpu.dma_semaphore, #tpu.memory_space<semaphore_mem>>) src(%dma_wait3A_102 : memref<20x128xi32, #tpu.memory_space<hbm>>) dst(%arg7 : memref<20x128xi32, #tpu.memory_space<vmem>>)
      tpu.yield
    }) : () -> ()
    "tpu.region"() ({
      %run_scoped3A = tpu.sem_alloc : memref<!tpu.dma_semaphore, #tpu.memory_space<semaphore_mem>>
      %dma_start3A_88 = arith.constant 0 : i32
      %dma_start3A_89 = arith.constant 0 : i32
      %dma_start3A_90 = tpu.memref_slice %arg3[%arg0, %arg1, %dma_start3A_88, %dma_start3A_89] : memref<2x16x80x128xi32, #tpu.memory_space<hbm>> -> memref<1x1x20x128xi32, #tpu.memory_space<hbm>>
      %dma_start3A_91 = tpu.memref_squeeze %dma_start3A_90 : memref<1x1x20x128xi32, #tpu.memory_space<hbm>> -> memref<20x128xi32, #tpu.memory_space<hbm>>
      %dma_start3A_92 = arith.constant 0 : i32
      %dma_start3A_93 = arith.constant 0 : i32
      %dma_start3A_94 = tpu.memref_slice %arg3[%arg0, %arg1, %dma_start3A_92, %dma_start3A_93] : memref<2x16x80x128xi32, #tpu.memory_space<hbm>> -> memref<1x1x20x128xi32, #tpu.memory_space<hbm>>
      %dma_start3A_95 = tpu.memref_squeeze %dma_start3A_94 : memref<1x1x20x128xi32, #tpu.memory_space<hbm>> -> memref<20x128xi32, #tpu.memory_space<hbm>>
      tpu.enqueue_dma source(%dma_start3A_95 : memref<20x128xi32, #tpu.memory_space<hbm>>) target(%arg8 : memref<20x128xi32, #tpu.memory_space<vmem>>) target_semaphore(%run_scoped3A : memref<!tpu.dma_semaphore, #tpu.memory_space<semaphore_mem>>)
      %dma_wait3A = arith.constant 0 : i32
      %dma_wait3A_96 = arith.constant 0 : i32
      %dma_wait3A_97 = tpu.memref_slice %arg3[%arg0, %arg1, %dma_wait3A, %dma_wait3A_96] : memref<2x16x80x128xi32, #tpu.memory_space<hbm>> -> memref<1x1x20x128xi32, #tpu.memory_space<hbm>>
      %dma_wait3A_98 = tpu.memref_squeeze %dma_wait3A_97 : memref<1x1x20x128xi32, #tpu.memory_space<hbm>> -> memref<20x128xi32, #tpu.memory_space<hbm>>
      %dma_wait3A_99 = arith.constant 0 : i32
      %dma_wait3A_100 = arith.constant 0 : i32
      %dma_wait3A_101 = tpu.memref_slice %arg3[%arg0, %arg1, %dma_wait3A_99, %dma_wait3A_100] : memref<2x16x80x128xi32, #tpu.memory_space<hbm>> -> memref<1x1x20x128xi32, #tpu.memory_space<hbm>>
      %dma_wait3A_102 = tpu.memref_squeeze %dma_wait3A_101 : memref<1x1x20x128xi32, #tpu.memory_space<hbm>> -> memref<20x128xi32, #tpu.memory_space<hbm>>
      tpu.wait_dma2 semaphore(%run_scoped3A : memref<!tpu.dma_semaphore, #tpu.memory_space<semaphore_mem>>) src(%dma_wait3A_102 : memref<20x128xi32, #tpu.memory_space<hbm>>) dst(%arg8 : memref<20x128xi32, #tpu.memory_space<vmem>>)
      tpu.yield
    }) : () -> ()
    %dma_start3A = arith.constant 0 : i32
    %dma_start3A_3 = arith.constant 0 : i32
    %dma_start3A_4 = tpu.memref_slice %arg7[%dma_start3A, %dma_start3A_3] : memref<20x128xi32, #tpu.memory_space<vmem>> -> memref<1x128xi32, #tpu.memory_space<vmem>>
    %dma_start3A_5 = tpu.memref_squeeze %dma_start3A_4 : memref<1x128xi32, #tpu.memory_space<vmem>> -> memref<128xi32, #tpu.memory_space<vmem>>
    %dma_start3A_6 = arith.constant 0 : i32
    %dma_start3A_7 = arith.constant 0 : i32
    %dma_start3A_8 = tpu.memref_slice %arg4[%dma_start3A_6, %dma_start3A_7] : memref<20000x128xf32, #tpu.memory_space<hbm>> -> memref<20000x128xf32, #tpu.memory_space<hbm>>
    tpu.enqueue_indirect_dma source(%dma_start3A_8 : memref<20000x128xf32, #tpu.memory_space<hbm>>) target(%arg9 : memref<128x128xf32, #tpu.memory_space<vmem>>) offsets(%dma_start3A_5 : memref<128xi32, #tpu.memory_space<vmem>>) semaphore(%arg12 : memref<!tpu.dma_semaphore, #tpu.memory_space<semaphore_mem>>)
    %dma_start3A_9 = arith.constant 1 : i32
    %dma_start3A_10 = arith.constant 0 : i32
    %dma_start3A_11 = tpu.memref_slice %arg7[%dma_start3A_9, %dma_start3A_10] : memref<20x128xi32, #tpu.memory_space<vmem>> -> memref<1x128xi32, #tpu.memory_space<vmem>>
    %dma_start3A_12 = tpu.memref_squeeze %dma_start3A_11 : memref<1x128xi32, #tpu.memory_space<vmem>> -> memref<128xi32, #tpu.memory_space<vmem>>
    %dma_start3A_13 = arith.constant 0 : i32
    %dma_start3A_14 = arith.constant 0 : i32
    %dma_start3A_15 = tpu.memref_slice %arg4[%dma_start3A_13, %dma_start3A_14] : memref<20000x128xf32, #tpu.memory_space<hbm>> -> memref<20000x128xf32, #tpu.memory_space<hbm>>
    tpu.enqueue_indirect_dma source(%dma_start3A_15 : memref<20000x128xf32, #tpu.memory_space<hbm>>) target(%arg10 : memref<128x128xf32, #tpu.memory_space<vmem>>) offsets(%dma_start3A_12 : memref<128xi32, #tpu.memory_space<vmem>>) semaphore(%arg13 : memref<!tpu.dma_semaphore, #tpu.memory_space<semaphore_mem>>)
    %scan3A = arith.constant 0 : i32
    %scan3A_16 = arith.constant 0 : i32
    %scan3A_17 = arith.constant 10 : i32
    %scan3A_18 = arith.addi %scan3A_16, %scan3A_17 : i32
    %scan3A_19 = arith.constant 1 : i32
    scf.for %scan3A_88 = %scan3A_16 to %scan3A_18 step %scan3A_19  : i32 {
      %mul3A_89 = arith.constant 2 : i32
      %mul3A_90 = arith.muli %scan3A_88, %mul3A_89 : i32
      %add3A = arith.constant 0 : i32
      %add3A_91 = arith.addi %mul3A_90, %add3A : i32
      %dma_wait3A = arith.constant 0 : i32
      %dma_wait3A_92 = tpu.memref_slice %arg7[%add3A_91, %dma_wait3A] : memref<20x128xi32, #tpu.memory_space<vmem>> -> memref<1x128xi32, #tpu.memory_space<vmem>>
      %dma_wait3A_93 = tpu.memref_squeeze %dma_wait3A_92 : memref<1x128xi32, #tpu.memory_space<vmem>> -> memref<128xi32, #tpu.memory_space<vmem>>
      %dma_wait3A_94 = arith.constant 0 : i32
      %dma_wait3A_95 = arith.constant 0 : i32
      %dma_wait3A_96 = tpu.memref_slice %arg4[%dma_wait3A_94, %dma_wait3A_95] : memref<20000x128xf32, #tpu.memory_space<hbm>> -> memref<20000x128xf32, #tpu.memory_space<hbm>>
      tpu.wait_indirect_dma semaphore(%arg12 : memref<!tpu.dma_semaphore, #tpu.memory_space<semaphore_mem>>) src(%dma_wait3A_96 : memref<20000x128xf32, #tpu.memory_space<hbm>>) dst(%arg9 : memref<128x128xf32, #tpu.memory_space<vmem>>)
      "tpu.region"() ({
        %run_scoped3A = tpu.sem_alloc : memref<!tpu.dma_semaphore, #tpu.memory_space<semaphore_mem>>
        %dma_start3A_121 = arith.constant 0 : i32
        %dma_start3A_122 = tpu.memref_slice %arg8[%add3A_91, %dma_start3A_121] : memref<20x128xi32, #tpu.memory_space<vmem>> -> memref<1x128xi32, #tpu.memory_space<vmem>>
        %dma_start3A_123 = tpu.memref_squeeze %dma_start3A_122 : memref<1x128xi32, #tpu.memory_space<vmem>> -> memref<128xi32, #tpu.memory_space<vmem>>
        %dma_start3A_124 = arith.constant 0 : i32
        %dma_start3A_125 = arith.constant 0 : i32
        %dma_start3A_126 = tpu.memref_slice %arg11[%dma_start3A_124, %dma_start3A_125] : memref<10112x128xf32, #tpu.memory_space<vmem_shared>> -> memref<10112x128xf32, #tpu.memory_space<vmem_shared>>
        tpu.enqueue_indirect_dma source(%arg9 : memref<128x128xf32, #tpu.memory_space<vmem>>) target(%dma_start3A_126 : memref<10112x128xf32, #tpu.memory_space<vmem_shared>>) offsets(%dma_start3A_123 : memref<128xi32, #tpu.memory_space<vmem>>) semaphore(%run_scoped3A : memref<!tpu.dma_semaphore, #tpu.memory_space<semaphore_mem>>) {add = true}
        %dma_wait3A_127 = arith.constant 0 : i32
        %dma_wait3A_128 = tpu.memref_slice %arg8[%add3A_91, %dma_wait3A_127] : memref<20x128xi32, #tpu.memory_space<vmem>> -> memref<1x128xi32, #tpu.memory_space<vmem>>
        %dma_wait3A_129 = tpu.memref_squeeze %dma_wait3A_128 : memref<1x128xi32, #tpu.memory_space<vmem>> -> memref<128xi32, #tpu.memory_space<vmem>>
        %dma_wait3A_130 = arith.constant 0 : i32
        %dma_wait3A_131 = arith.constant 0 : i32
        %dma_wait3A_132 = tpu.memref_slice %arg11[%dma_wait3A_130, %dma_wait3A_131] : memref<10112x128xf32, #tpu.memory_space<vmem_shared>> -> memref<10112x128xf32, #tpu.memory_space<vmem_shared>>
        tpu.wait_indirect_dma semaphore(%run_scoped3A : memref<!tpu.dma_semaphore, #tpu.memory_space<semaphore_mem>>) src(%arg9 : memref<128x128xf32, #tpu.memory_space<vmem>>) dst(%dma_wait3A_132 : memref<10112x128xf32, #tpu.memory_space<vmem_shared>>)
        tpu.yield
      }) : () -> ()
      %add3A_97 = arith.constant 2 : i32
      %add3A_98 = arith.addi %add3A_91, %add3A_97 : i32
      %lt3A_99 = arith.constant 20 : i32
      %lt3A_100 = arith.cmpi slt, %add3A_98, %lt3A_99 : i32
      %convert_element_type3A_101 = arith.extui %lt3A_100 : i1 to i32
      %cond3A_102 = arith.constant 0 : i32
      %cond3A_103 = arith.cmpi ne, %convert_element_type3A_101, %cond3A_102 : i32
      scf.if %cond3A_103 {
        %dma_start3A_121 = arith.constant 0 : i32
        %dma_start3A_122 = tpu.memref_slice %arg7[%add3A_98, %dma_start3A_121] : memref<20x128xi32, #tpu.memory_space<vmem>> -> memref<1x128xi32, #tpu.memory_space<vmem>>
        %dma_start3A_123 = tpu.memref_squeeze %dma_start3A_122 : memref<1x128xi32, #tpu.memory_space<vmem>> -> memref<128xi32, #tpu.memory_space<vmem>>
        %dma_start3A_124 = arith.constant 0 : i32
        %dma_start3A_125 = arith.constant 0 : i32
        %dma_start3A_126 = tpu.memref_slice %arg4[%dma_start3A_124, %dma_start3A_125] : memref<20000x128xf32, #tpu.memory_space<hbm>> -> memref<20000x128xf32, #tpu.memory_space<hbm>>
        tpu.enqueue_indirect_dma source(%dma_start3A_126 : memref<20000x128xf32, #tpu.memory_space<hbm>>) target(%arg9 : memref<128x128xf32, #tpu.memory_space<vmem>>) offsets(%dma_start3A_123 : memref<128xi32, #tpu.memory_space<vmem>>) semaphore(%arg12 : memref<!tpu.dma_semaphore, #tpu.memory_space<semaphore_mem>>)
      } else {
      }
      %mul3A_104 = arith.constant 2 : i32
      %mul3A_105 = arith.muli %scan3A_88, %mul3A_104 : i32
      %add3A_106 = arith.constant 1 : i32
      %add3A_107 = arith.addi %mul3A_105, %add3A_106 : i32
      %dma_wait3A_108 = arith.constant 0 : i32
      %dma_wait3A_109 = tpu.memref_slice %arg7[%add3A_107, %dma_wait3A_108] : memref<20x128xi32, #tpu.memory_space<vmem>> -> memref<1x128xi32, #tpu.memory_space<vmem>>
      %dma_wait3A_110 = tpu.memref_squeeze %dma_wait3A_109 : memref<1x128xi32, #tpu.memory_space<vmem>> -> memref<128xi32, #tpu.memory_space<vmem>>
      %dma_wait3A_111 = arith.constant 0 : i32
      %dma_wait3A_112 = arith.constant 0 : i32
      %dma_wait3A_113 = tpu.memref_slice %arg4[%dma_wait3A_111, %dma_wait3A_112] : memref<20000x128xf32, #tpu.memory_space<hbm>> -> memref<20000x128xf32, #tpu.memory_space<hbm>>
      tpu.wait_indirect_dma semaphore(%arg13 : memref<!tpu.dma_semaphore, #tpu.memory_space<semaphore_mem>>) src(%dma_wait3A_113 : memref<20000x128xf32, #tpu.memory_space<hbm>>) dst(%arg10 : memref<128x128xf32, #tpu.memory_space<vmem>>)
      "tpu.region"() ({
        %run_scoped3A = tpu.sem_alloc : memref<!tpu.dma_semaphore, #tpu.memory_space<semaphore_mem>>
        %dma_start3A_121 = arith.constant 0 : i32
        %dma_start3A_122 = tpu.memref_slice %arg8[%add3A_107, %dma_start3A_121] : memref<20x128xi32, #tpu.memory_space<vmem>> -> memref<1x128xi32, #tpu.memory_space<vmem>>
        %dma_start3A_123 = tpu.memref_squeeze %dma_start3A_122 : memref<1x128xi32, #tpu.memory_space<vmem>> -> memref<128xi32, #tpu.memory_space<vmem>>
        %dma_start3A_124 = arith.constant 0 : i32
        %dma_start3A_125 = arith.constant 0 : i32
        %dma_start3A_126 = tpu.memref_slice %arg11[%dma_start3A_124, %dma_start3A_125] : memref<10112x128xf32, #tpu.memory_space<vmem_shared>> -> memref<10112x128xf32, #tpu.memory_space<vmem_shared>>
        tpu.enqueue_indirect_dma source(%arg10 : memref<128x128xf32, #tpu.memory_space<vmem>>) target(%dma_start3A_126 : memref<10112x128xf32, #tpu.memory_space<vmem_shared>>) offsets(%dma_start3A_123 : memref<128xi32, #tpu.memory_space<vmem>>) semaphore(%run_scoped3A : memref<!tpu.dma_semaphore, #tpu.memory_space<semaphore_mem>>) {add = true}
        %dma_wait3A_127 = arith.constant 0 : i32
        %dma_wait3A_128 = tpu.memref_slice %arg8[%add3A_107, %dma_wait3A_127] : memref<20x128xi32, #tpu.memory_space<vmem>> -> memref<1x128xi32, #tpu.memory_space<vmem>>
        %dma_wait3A_129 = tpu.memref_squeeze %dma_wait3A_128 : memref<1x128xi32, #tpu.memory_space<vmem>> -> memref<128xi32, #tpu.memory_space<vmem>>
        %dma_wait3A_130 = arith.constant 0 : i32
        %dma_wait3A_131 = arith.constant 0 : i32
        %dma_wait3A_132 = tpu.memref_slice %arg11[%dma_wait3A_130, %dma_wait3A_131] : memref<10112x128xf32, #tpu.memory_space<vmem_shared>> -> memref<10112x128xf32, #tpu.memory_space<vmem_shared>>
        tpu.wait_indirect_dma semaphore(%run_scoped3A : memref<!tpu.dma_semaphore, #tpu.memory_space<semaphore_mem>>) src(%arg10 : memref<128x128xf32, #tpu.memory_space<vmem>>) dst(%dma_wait3A_132 : memref<10112x128xf32, #tpu.memory_space<vmem_shared>>)
        tpu.yield
      }) : () -> ()
      %add3A_114 = arith.constant 2 : i32
      %add3A_115 = arith.addi %add3A_107, %add3A_114 : i32
      %lt3A_116 = arith.constant 20 : i32
      %lt3A_117 = arith.cmpi slt, %add3A_115, %lt3A_116 : i32
      %convert_element_type3A_118 = arith.extui %lt3A_117 : i1 to i32
      %cond3A_119 = arith.constant 0 : i32
      %cond3A_120 = arith.cmpi ne, %convert_element_type3A_118, %cond3A_119 : i32
      scf.if %cond3A_120 {
        %dma_start3A_121 = arith.constant 0 : i32
        %dma_start3A_122 = tpu.memref_slice %arg7[%add3A_115, %dma_start3A_121] : memref<20x128xi32, #tpu.memory_space<vmem>> -> memref<1x128xi32, #tpu.memory_space<vmem>>
        %dma_start3A_123 = tpu.memref_squeeze %dma_start3A_122 : memref<1x128xi32, #tpu.memory_space<vmem>> -> memref<128xi32, #tpu.memory_space<vmem>>
        %dma_start3A_124 = arith.constant 0 : i32
        %dma_start3A_125 = arith.constant 0 : i32
        %dma_start3A_126 = tpu.memref_slice %arg4[%dma_start3A_124, %dma_start3A_125] : memref<20000x128xf32, #tpu.memory_space<hbm>> -> memref<20000x128xf32, #tpu.memory_space<hbm>>
        tpu.enqueue_indirect_dma source(%dma_start3A_126 : memref<20000x128xf32, #tpu.memory_space<hbm>>) target(%arg10 : memref<128x128xf32, #tpu.memory_space<vmem>>) offsets(%dma_start3A_123 : memref<128xi32, #tpu.memory_space<vmem>>) semaphore(%arg13 : memref<!tpu.dma_semaphore, #tpu.memory_space<semaphore_mem>>)
      } else {
      }
    }
    %scan3A_20 = arith.constant 10 : i32
    "tpu.region"() ({
      %run_scoped3A = tpu.sem_alloc : memref<!tpu.dma_semaphore, #tpu.memory_space<semaphore_mem>>
      %dma_start3A_88 = arith.constant 20 : i32
      %dma_start3A_89 = arith.constant 0 : i32
      %dma_start3A_90 = tpu.memref_slice %arg2[%arg0, %arg1, %dma_start3A_88, %dma_start3A_89] : memref<2x16x80x128xi32, #tpu.memory_space<hbm>> -> memref<1x1x20x128xi32, #tpu.memory_space<hbm>>
      %dma_start3A_91 = tpu.memref_squeeze %dma_start3A_90 : memref<1x1x20x128xi32, #tpu.memory_space<hbm>> -> memref<20x128xi32, #tpu.memory_space<hbm>>
      %dma_start3A_92 = arith.constant 20 : i32
      %dma_start3A_93 = arith.constant 0 : i32
      %dma_start3A_94 = tpu.memref_slice %arg2[%arg0, %arg1, %dma_start3A_92, %dma_start3A_93] : memref<2x16x80x128xi32, #tpu.memory_space<hbm>> -> memref<1x1x20x128xi32, #tpu.memory_space<hbm>>
      %dma_start3A_95 = tpu.memref_squeeze %dma_start3A_94 : memref<1x1x20x128xi32, #tpu.memory_space<hbm>> -> memref<20x128xi32, #tpu.memory_space<hbm>>
      tpu.enqueue_dma source(%dma_start3A_95 : memref<20x128xi32, #tpu.memory_space<hbm>>) target(%arg7 : memref<20x128xi32, #tpu.memory_space<vmem>>) target_semaphore(%run_scoped3A : memref<!tpu.dma_semaphore, #tpu.memory_space<semaphore_mem>>)
      %dma_wait3A = arith.constant 20 : i32
      %dma_wait3A_96 = arith.constant 0 : i32
      %dma_wait3A_97 = tpu.memref_slice %arg2[%arg0, %arg1, %dma_wait3A, %dma_wait3A_96] : memref<2x16x80x128xi32, #tpu.memory_space<hbm>> -> memref<1x1x20x128xi32, #tpu.memory_space<hbm>>
      %dma_wait3A_98 = tpu.memref_squeeze %dma_wait3A_97 : memref<1x1x20x128xi32, #tpu.memory_space<hbm>> -> memref<20x128xi32, #tpu.memory_space<hbm>>
      %dma_wait3A_99 = arith.constant 20 : i32
      %dma_wait3A_100 = arith.constant 0 : i32
      %dma_wait3A_101 = tpu.memref_slice %arg2[%arg0, %arg1, %dma_wait3A_99, %dma_wait3A_100] : memref<2x16x80x128xi32, #tpu.memory_space<hbm>> -> memref<1x1x20x128xi32, #tpu.memory_space<hbm>>
      %dma_wait3A_102 = tpu.memref_squeeze %dma_wait3A_101 : memref<1x1x20x128xi32, #tpu.memory_space<hbm>> -> memref<20x128xi32, #tpu.memory_space<hbm>>
      tpu.wait_dma2 semaphore(%run_scoped3A : memref<!tpu.dma_semaphore, #tpu.memory_space<semaphore_mem>>) src(%dma_wait3A_102 : memref<20x128xi32, #tpu.memory_space<hbm>>) dst(%arg7 : memref<20x128xi32, #tpu.memory_space<vmem>>)
      tpu.yield
    }) : () -> ()
    "tpu.region"() ({
      %run_scoped3A = tpu.sem_alloc : memref<!tpu.dma_semaphore, #tpu.memory_space<semaphore_mem>>
      %dma_start3A_88 = arith.constant 20 : i32
      %dma_start3A_89 = arith.constant 0 : i32
      %dma_start3A_90 = tpu.memref_slice %arg3[%arg0, %arg1, %dma_start3A_88, %dma_start3A_89] : memref<2x16x80x128xi32, #tpu.memory_space<hbm>> -> memref<1x1x20x128xi32, #tpu.memory_space<hbm>>
      %dma_start3A_91 = tpu.memref_squeeze %dma_start3A_90 : memref<1x1x20x128xi32, #tpu.memory_space<hbm>> -> memref<20x128xi32, #tpu.memory_space<hbm>>
      %dma_start3A_92 = arith.constant 20 : i32
      %dma_start3A_93 = arith.constant 0 : i32
      %dma_start3A_94 = tpu.memref_slice %arg3[%arg0, %arg1, %dma_start3A_92, %dma_start3A_93] : memref<2x16x80x128xi32, #tpu.memory_space<hbm>> -> memref<1x1x20x128xi32, #tpu.memory_space<hbm>>
      %dma_start3A_95 = tpu.memref_squeeze %dma_start3A_94 : memref<1x1x20x128xi32, #tpu.memory_space<hbm>> -> memref<20x128xi32, #tpu.memory_space<hbm>>
      tpu.enqueue_dma source(%dma_start3A_95 : memref<20x128xi32, #tpu.memory_space<hbm>>) target(%arg8 : memref<20x128xi32, #tpu.memory_space<vmem>>) target_semaphore(%run_scoped3A : memref<!tpu.dma_semaphore, #tpu.memory_space<semaphore_mem>>)
      %dma_wait3A = arith.constant 20 : i32
      %dma_wait3A_96 = arith.constant 0 : i32
      %dma_wait3A_97 = tpu.memref_slice %arg3[%arg0, %arg1, %dma_wait3A, %dma_wait3A_96] : memref<2x16x80x128xi32, #tpu.memory_space<hbm>> -> memref<1x1x20x128xi32, #tpu.memory_space<hbm>>
      %dma_wait3A_98 = tpu.memref_squeeze %dma_wait3A_97 : memref<1x1x20x128xi32, #tpu.memory_space<hbm>> -> memref<20x128xi32, #tpu.memory_space<hbm>>
      %dma_wait3A_99 = arith.constant 20 : i32
      %dma_wait3A_100 = arith.constant 0 : i32
      %dma_wait3A_101 = tpu.memref_slice %arg3[%arg0, %arg1, %dma_wait3A_99, %dma_wait3A_100] : memref<2x16x80x128xi32, #tpu.memory_space<hbm>> -> memref<1x1x20x128xi32, #tpu.memory_space<hbm>>
      %dma_wait3A_102 = tpu.memref_squeeze %dma_wait3A_101 : memref<1x1x20x128xi32, #tpu.memory_space<hbm>> -> memref<20x128xi32, #tpu.memory_space<hbm>>
      tpu.wait_dma2 semaphore(%run_scoped3A : memref<!tpu.dma_semaphore, #tpu.memory_space<semaphore_mem>>) src(%dma_wait3A_102 : memref<20x128xi32, #tpu.memory_space<hbm>>) dst(%arg8 : memref<20x128xi32, #tpu.memory_space<vmem>>)
      tpu.yield
    }) : () -> ()
    %dma_start3A_21 = arith.constant 0 : i32
    %dma_start3A_22 = arith.constant 0 : i32
    %dma_start3A_23 = tpu.memref_slice %arg7[%dma_start3A_21, %dma_start3A_22] : memref<20x128xi32, #tpu.memory_space<vmem>> -> memref<1x128xi32, #tpu.memory_space<vmem>>
    %dma_start3A_24 = tpu.memref_squeeze %dma_start3A_23 : memref<1x128xi32, #tpu.memory_space<vmem>> -> memref<128xi32, #tpu.memory_space<vmem>>
    %dma_start3A_25 = arith.constant 0 : i32
    %dma_start3A_26 = arith.constant 0 : i32
    %dma_start3A_27 = tpu.memref_slice %arg4[%dma_start3A_25, %dma_start3A_26] : memref<20000x128xf32, #tpu.memory_space<hbm>> -> memref<20000x128xf32, #tpu.memory_space<hbm>>
    tpu.enqueue_indirect_dma source(%dma_start3A_27 : memref<20000x128xf32, #tpu.memory_space<hbm>>) target(%arg9 : memref<128x128xf32, #tpu.memory_space<vmem>>) offsets(%dma_start3A_24 : memref<128xi32, #tpu.memory_space<vmem>>) semaphore(%arg12 : memref<!tpu.dma_semaphore, #tpu.memory_space<semaphore_mem>>)
    %dma_start3A_28 = arith.constant 1 : i32
    %dma_start3A_29 = arith.constant 0 : i32
    %dma_start3A_30 = tpu.memref_slice %arg7[%dma_start3A_28, %dma_start3A_29] : memref<20x128xi32, #tpu.memory_space<vmem>> -> memref<1x128xi32, #tpu.memory_space<vmem>>
    %dma_start3A_31 = tpu.memref_squeeze %dma_start3A_30 : memref<1x128xi32, #tpu.memory_space<vmem>> -> memref<128xi32, #tpu.memory_space<vmem>>
    %dma_start3A_32 = arith.constant 0 : i32
    %dma_start3A_33 = arith.constant 0 : i32
    %dma_start3A_34 = tpu.memref_slice %arg4[%dma_start3A_32, %dma_start3A_33] : memref<20000x128xf32, #tpu.memory_space<hbm>> -> memref<20000x128xf32, #tpu.memory_space<hbm>>
    tpu.enqueue_indirect_dma source(%dma_start3A_34 : memref<20000x128xf32, #tpu.memory_space<hbm>>) target(%arg10 : memref<128x128xf32, #tpu.memory_space<vmem>>) offsets(%dma_start3A_31 : memref<128xi32, #tpu.memory_space<vmem>>) semaphore(%arg13 : memref<!tpu.dma_semaphore, #tpu.memory_space<semaphore_mem>>)
    %scan3A_35 = arith.constant 0 : i32
    %scan3A_36 = arith.constant 0 : i32
    %scan3A_37 = arith.constant 10 : i32
    %scan3A_38 = arith.addi %scan3A_36, %scan3A_37 : i32
    %scan3A_39 = arith.constant 1 : i32
    scf.for %scan3A_88 = %scan3A_36 to %scan3A_38 step %scan3A_39  : i32 {
      %mul3A_89 = arith.constant 2 : i32
      %mul3A_90 = arith.muli %scan3A_88, %mul3A_89 : i32
      %add3A = arith.constant 0 : i32
      %add3A_91 = arith.addi %mul3A_90, %add3A : i32
      %dma_wait3A = arith.constant 0 : i32
      %dma_wait3A_92 = tpu.memref_slice %arg7[%add3A_91, %dma_wait3A] : memref<20x128xi32, #tpu.memory_space<vmem>> -> memref<1x128xi32, #tpu.memory_space<vmem>>
      %dma_wait3A_93 = tpu.memref_squeeze %dma_wait3A_92 : memref<1x128xi32, #tpu.memory_space<vmem>> -> memref<128xi32, #tpu.memory_space<vmem>>
      %dma_wait3A_94 = arith.constant 0 : i32
      %dma_wait3A_95 = arith.constant 0 : i32
      %dma_wait3A_96 = tpu.memref_slice %arg4[%dma_wait3A_94, %dma_wait3A_95] : memref<20000x128xf32, #tpu.memory_space<hbm>> -> memref<20000x128xf32, #tpu.memory_space<hbm>>
      tpu.wait_indirect_dma semaphore(%arg12 : memref<!tpu.dma_semaphore, #tpu.memory_space<semaphore_mem>>) src(%dma_wait3A_96 : memref<20000x128xf32, #tpu.memory_space<hbm>>) dst(%arg9 : memref<128x128xf32, #tpu.memory_space<vmem>>)
      "tpu.region"() ({
        %run_scoped3A = tpu.sem_alloc : memref<!tpu.dma_semaphore, #tpu.memory_space<semaphore_mem>>
        %dma_start3A_121 = arith.constant 0 : i32
        %dma_start3A_122 = tpu.memref_slice %arg8[%add3A_91, %dma_start3A_121] : memref<20x128xi32, #tpu.memory_space<vmem>> -> memref<1x128xi32, #tpu.memory_space<vmem>>
        %dma_start3A_123 = tpu.memref_squeeze %dma_start3A_122 : memref<1x128xi32, #tpu.memory_space<vmem>> -> memref<128xi32, #tpu.memory_space<vmem>>
        %dma_start3A_124 = arith.constant 0 : i32
        %dma_start3A_125 = arith.constant 0 : i32
        %dma_start3A_126 = tpu.memref_slice %arg11[%dma_start3A_124, %dma_start3A_125] : memref<10112x128xf32, #tpu.memory_space<vmem_shared>> -> memref<10112x128xf32, #tpu.memory_space<vmem_shared>>
        tpu.enqueue_indirect_dma source(%arg9 : memref<128x128xf32, #tpu.memory_space<vmem>>) target(%dma_start3A_126 : memref<10112x128xf32, #tpu.memory_space<vmem_shared>>) offsets(%dma_start3A_123 : memref<128xi32, #tpu.memory_space<vmem>>) semaphore(%run_scoped3A : memref<!tpu.dma_semaphore, #tpu.memory_space<semaphore_mem>>) {add = true}
        %dma_wait3A_127 = arith.constant 0 : i32
        %dma_wait3A_128 = tpu.memref_slice %arg8[%add3A_91, %dma_wait3A_127] : memref<20x128xi32, #tpu.memory_space<vmem>> -> memref<1x128xi32, #tpu.memory_space<vmem>>
        %dma_wait3A_129 = tpu.memref_squeeze %dma_wait3A_128 : memref<1x128xi32, #tpu.memory_space<vmem>> -> memref<128xi32, #tpu.memory_space<vmem>>
        %dma_wait3A_130 = arith.constant 0 : i32
        %dma_wait3A_131 = arith.constant 0 : i32
        %dma_wait3A_132 = tpu.memref_slice %arg11[%dma_wait3A_130, %dma_wait3A_131] : memref<10112x128xf32, #tpu.memory_space<vmem_shared>> -> memref<10112x128xf32, #tpu.memory_space<vmem_shared>>
        tpu.wait_indirect_dma semaphore(%run_scoped3A : memref<!tpu.dma_semaphore, #tpu.memory_space<semaphore_mem>>) src(%arg9 : memref<128x128xf32, #tpu.memory_space<vmem>>) dst(%dma_wait3A_132 : memref<10112x128xf32, #tpu.memory_space<vmem_shared>>)
        tpu.yield
      }) : () -> ()
      %add3A_97 = arith.constant 2 : i32
      %add3A_98 = arith.addi %add3A_91, %add3A_97 : i32
      %lt3A_99 = arith.constant 20 : i32
      %lt3A_100 = arith.cmpi slt, %add3A_98, %lt3A_99 : i32
      %convert_element_type3A_101 = arith.extui %lt3A_100 : i1 to i32
      %cond3A_102 = arith.constant 0 : i32
      %cond3A_103 = arith.cmpi ne, %convert_element_type3A_101, %cond3A_102 : i32
      scf.if %cond3A_103 {
        %dma_start3A_121 = arith.constant 0 : i32
        %dma_start3A_122 = tpu.memref_slice %arg7[%add3A_98, %dma_start3A_121] : memref<20x128xi32, #tpu.memory_space<vmem>> -> memref<1x128xi32, #tpu.memory_space<vmem>>
        %dma_start3A_123 = tpu.memref_squeeze %dma_start3A_122 : memref<1x128xi32, #tpu.memory_space<vmem>> -> memref<128xi32, #tpu.memory_space<vmem>>
        %dma_start3A_124 = arith.constant 0 : i32
        %dma_start3A_125 = arith.constant 0 : i32
        %dma_start3A_126 = tpu.memref_slice %arg4[%dma_start3A_124, %dma_start3A_125] : memref<20000x128xf32, #tpu.memory_space<hbm>> -> memref<20000x128xf32, #tpu.memory_space<hbm>>
        tpu.enqueue_indirect_dma source(%dma_start3A_126 : memref<20000x128xf32, #tpu.memory_space<hbm>>) target(%arg9 : memref<128x128xf32, #tpu.memory_space<vmem>>) offsets(%dma_start3A_123 : memref<128xi32, #tpu.memory_space<vmem>>) semaphore(%arg12 : memref<!tpu.dma_semaphore, #tpu.memory_space<semaphore_mem>>)
      } else {
      }
      %mul3A_104 = arith.constant 2 : i32
      %mul3A_105 = arith.muli %scan3A_88, %mul3A_104 : i32
      %add3A_106 = arith.constant 1 : i32
      %add3A_107 = arith.addi %mul3A_105, %add3A_106 : i32
      %dma_wait3A_108 = arith.constant 0 : i32
      %dma_wait3A_109 = tpu.memref_slice %arg7[%add3A_107, %dma_wait3A_108] : memref<20x128xi32, #tpu.memory_space<vmem>> -> memref<1x128xi32, #tpu.memory_space<vmem>>
      %dma_wait3A_110 = tpu.memref_squeeze %dma_wait3A_109 : memref<1x128xi32, #tpu.memory_space<vmem>> -> memref<128xi32, #tpu.memory_space<vmem>>
      %dma_wait3A_111 = arith.constant 0 : i32
      %dma_wait3A_112 = arith.constant 0 : i32
      %dma_wait3A_113 = tpu.memref_slice %arg4[%dma_wait3A_111, %dma_wait3A_112] : memref<20000x128xf32, #tpu.memory_space<hbm>> -> memref<20000x128xf32, #tpu.memory_space<hbm>>
      tpu.wait_indirect_dma semaphore(%arg13 : memref<!tpu.dma_semaphore, #tpu.memory_space<semaphore_mem>>) src(%dma_wait3A_113 : memref<20000x128xf32, #tpu.memory_space<hbm>>) dst(%arg10 : memref<128x128xf32, #tpu.memory_space<vmem>>)
      "tpu.region"() ({
        %run_scoped3A = tpu.sem_alloc : memref<!tpu.dma_semaphore, #tpu.memory_space<semaphore_mem>>
        %dma_start3A_121 = arith.constant 0 : i32
        %dma_start3A_122 = tpu.memref_slice %arg8[%add3A_107, %dma_start3A_121] : memref<20x128xi32, #tpu.memory_space<vmem>> -> memref<1x128xi32, #tpu.memory_space<vmem>>
        %dma_start3A_123 = tpu.memref_squeeze %dma_start3A_122 : memref<1x128xi32, #tpu.memory_space<vmem>> -> memref<128xi32, #tpu.memory_space<vmem>>
        %dma_start3A_124 = arith.constant 0 : i32
        %dma_start3A_125 = arith.constant 0 : i32
        %dma_start3A_126 = tpu.memref_slice %arg11[%dma_start3A_124, %dma_start3A_125] : memref<10112x128xf32, #tpu.memory_space<vmem_shared>> -> memref<10112x128xf32, #tpu.memory_space<vmem_shared>>
        tpu.enqueue_indirect_dma source(%arg10 : memref<128x128xf32, #tpu.memory_space<vmem>>) target(%dma_start3A_126 : memref<10112x128xf32, #tpu.memory_space<vmem_shared>>) offsets(%dma_start3A_123 : memref<128xi32, #tpu.memory_space<vmem>>) semaphore(%run_scoped3A : memref<!tpu.dma_semaphore, #tpu.memory_space<semaphore_mem>>) {add = true}
        %dma_wait3A_127 = arith.constant 0 : i32
        %dma_wait3A_128 = tpu.memref_slice %arg8[%add3A_107, %dma_wait3A_127] : memref<20x128xi32, #tpu.memory_space<vmem>> -> memref<1x128xi32, #tpu.memory_space<vmem>>
        %dma_wait3A_129 = tpu.memref_squeeze %dma_wait3A_128 : memref<1x128xi32, #tpu.memory_space<vmem>> -> memref<128xi32, #tpu.memory_space<vmem>>
        %dma_wait3A_130 = arith.constant 0 : i32
        %dma_wait3A_131 = arith.constant 0 : i32
        %dma_wait3A_132 = tpu.memref_slice %arg11[%dma_wait3A_130, %dma_wait3A_131] : memref<10112x128xf32, #tpu.memory_space<vmem_shared>> -> memref<10112x128xf32, #tpu.memory_space<vmem_shared>>
        tpu.wait_indirect_dma semaphore(%run_scoped3A : memref<!tpu.dma_semaphore, #tpu.memory_space<semaphore_mem>>) src(%arg10 : memref<128x128xf32, #tpu.memory_space<vmem>>) dst(%dma_wait3A_132 : memref<10112x128xf32, #tpu.memory_space<vmem_shared>>)
        tpu.yield
      }) : () -> ()
      %add3A_114 = arith.constant 2 : i32
      %add3A_115 = arith.addi %add3A_107, %add3A_114 : i32
      %lt3A_116 = arith.constant 20 : i32
      %lt3A_117 = arith.cmpi slt, %add3A_115, %lt3A_116 : i32
      %convert_element_type3A_118 = arith.extui %lt3A_117 : i1 to i32
      %cond3A_119 = arith.constant 0 : i32
      %cond3A_120 = arith.cmpi ne, %convert_element_type3A_118, %cond3A_119 : i32
      scf.if %cond3A_120 {
        %dma_start3A_121 = arith.constant 0 : i32
        %dma_start3A_122 = tpu.memref_slice %arg7[%add3A_115, %dma_start3A_121] : memref<20x128xi32, #tpu.memory_space<vmem>> -> memref<1x128xi32, #tpu.memory_space<vmem>>
        %dma_start3A_123 = tpu.memref_squeeze %dma_start3A_122 : memref<1x128xi32, #tpu.memory_space<vmem>> -> memref<128xi32, #tpu.memory_space<vmem>>
        %dma_start3A_124 = arith.constant 0 : i32
        %dma_start3A_125 = arith.constant 0 : i32
        %dma_start3A_126 = tpu.memref_slice %arg4[%dma_start3A_124, %dma_start3A_125] : memref<20000x128xf32, #tpu.memory_space<hbm>> -> memref<20000x128xf32, #tpu.memory_space<hbm>>
        tpu.enqueue_indirect_dma source(%dma_start3A_126 : memref<20000x128xf32, #tpu.memory_space<hbm>>) target(%arg10 : memref<128x128xf32, #tpu.memory_space<vmem>>) offsets(%dma_start3A_123 : memref<128xi32, #tpu.memory_space<vmem>>) semaphore(%arg13 : memref<!tpu.dma_semaphore, #tpu.memory_space<semaphore_mem>>)
      } else {
      }
    }
    %scan3A_40 = arith.constant 10 : i32
    "tpu.region"() ({
      %run_scoped3A = tpu.sem_alloc : memref<!tpu.dma_semaphore, #tpu.memory_space<semaphore_mem>>
      %dma_start3A_88 = arith.constant 40 : i32
      %dma_start3A_89 = arith.constant 0 : i32
      %dma_start3A_90 = tpu.memref_slice %arg2[%arg0, %arg1, %dma_start3A_88, %dma_start3A_89] : memref<2x16x80x128xi32, #tpu.memory_space<hbm>> -> memref<1x1x20x128xi32, #tpu.memory_space<hbm>>
      %dma_start3A_91 = tpu.memref_squeeze %dma_start3A_90 : memref<1x1x20x128xi32, #tpu.memory_space<hbm>> -> memref<20x128xi32, #tpu.memory_space<hbm>>
      %dma_start3A_92 = arith.constant 40 : i32
      %dma_start3A_93 = arith.constant 0 : i32
      %dma_start3A_94 = tpu.memref_slice %arg2[%arg0, %arg1, %dma_start3A_92, %dma_start3A_93] : memref<2x16x80x128xi32, #tpu.memory_space<hbm>> -> memref<1x1x20x128xi32, #tpu.memory_space<hbm>>
      %dma_start3A_95 = tpu.memref_squeeze %dma_start3A_94 : memref<1x1x20x128xi32, #tpu.memory_space<hbm>> -> memref<20x128xi32, #tpu.memory_space<hbm>>
      tpu.enqueue_dma source(%dma_start3A_95 : memref<20x128xi32, #tpu.memory_space<hbm>>) target(%arg7 : memref<20x128xi32, #tpu.memory_space<vmem>>) target_semaphore(%run_scoped3A : memref<!tpu.dma_semaphore, #tpu.memory_space<semaphore_mem>>)
      %dma_wait3A = arith.constant 40 : i32
      %dma_wait3A_96 = arith.constant 0 : i32
      %dma_wait3A_97 = tpu.memref_slice %arg2[%arg0, %arg1, %dma_wait3A, %dma_wait3A_96] : memref<2x16x80x128xi32, #tpu.memory_space<hbm>> -> memref<1x1x20x128xi32, #tpu.memory_space<hbm>>
      %dma_wait3A_98 = tpu.memref_squeeze %dma_wait3A_97 : memref<1x1x20x128xi32, #tpu.memory_space<hbm>> -> memref<20x128xi32, #tpu.memory_space<hbm>>
      %dma_wait3A_99 = arith.constant 40 : i32
      %dma_wait3A_100 = arith.constant 0 : i32
      %dma_wait3A_101 = tpu.memref_slice %arg2[%arg0, %arg1, %dma_wait3A_99, %dma_wait3A_100] : memref<2x16x80x128xi32, #tpu.memory_space<hbm>> -> memref<1x1x20x128xi32, #tpu.memory_space<hbm>>
      %dma_wait3A_102 = tpu.memref_squeeze %dma_wait3A_101 : memref<1x1x20x128xi32, #tpu.memory_space<hbm>> -> memref<20x128xi32, #tpu.memory_space<hbm>>
      tpu.wait_dma2 semaphore(%run_scoped3A : memref<!tpu.dma_semaphore, #tpu.memory_space<semaphore_mem>>) src(%dma_wait3A_102 : memref<20x128xi32, #tpu.memory_space<hbm>>) dst(%arg7 : memref<20x128xi32, #tpu.memory_space<vmem>>)
      tpu.yield
    }) : () -> ()
    "tpu.region"() ({
      %run_scoped3A = tpu.sem_alloc : memref<!tpu.dma_semaphore, #tpu.memory_space<semaphore_mem>>
      %dma_start3A_88 = arith.constant 40 : i32
      %dma_start3A_89 = arith.constant 0 : i32
      %dma_start3A_90 = tpu.memref_slice %arg3[%arg0, %arg1, %dma_start3A_88, %dma_start3A_89] : memref<2x16x80x128xi32, #tpu.memory_space<hbm>> -> memref<1x1x20x128xi32, #tpu.memory_space<hbm>>
      %dma_start3A_91 = tpu.memref_squeeze %dma_start3A_90 : memref<1x1x20x128xi32, #tpu.memory_space<hbm>> -> memref<20x128xi32, #tpu.memory_space<hbm>>
      %dma_start3A_92 = arith.constant 40 : i32
      %dma_start3A_93 = arith.constant 0 : i32
      %dma_start3A_94 = tpu.memref_slice %arg3[%arg0, %arg1, %dma_start3A_92, %dma_start3A_93] : memref<2x16x80x128xi32, #tpu.memory_space<hbm>> -> memref<1x1x20x128xi32, #tpu.memory_space<hbm>>
      %dma_start3A_95 = tpu.memref_squeeze %dma_start3A_94 : memref<1x1x20x128xi32, #tpu.memory_space<hbm>> -> memref<20x128xi32, #tpu.memory_space<hbm>>
      tpu.enqueue_dma source(%dma_start3A_95 : memref<20x128xi32, #tpu.memory_space<hbm>>) target(%arg8 : memref<20x128xi32, #tpu.memory_space<vmem>>) target_semaphore(%run_scoped3A : memref<!tpu.dma_semaphore, #tpu.memory_space<semaphore_mem>>)
      %dma_wait3A = arith.constant 40 : i32
      %dma_wait3A_96 = arith.constant 0 : i32
      %dma_wait3A_97 = tpu.memref_slice %arg3[%arg0, %arg1, %dma_wait3A, %dma_wait3A_96] : memref<2x16x80x128xi32, #tpu.memory_space<hbm>> -> memref<1x1x20x128xi32, #tpu.memory_space<hbm>>
      %dma_wait3A_98 = tpu.memref_squeeze %dma_wait3A_97 : memref<1x1x20x128xi32, #tpu.memory_space<hbm>> -> memref<20x128xi32, #tpu.memory_space<hbm>>
      %dma_wait3A_99 = arith.constant 40 : i32
      %dma_wait3A_100 = arith.constant 0 : i32
      %dma_wait3A_101 = tpu.memref_slice %arg3[%arg0, %arg1, %dma_wait3A_99, %dma_wait3A_100] : memref<2x16x80x128xi32, #tpu.memory_space<hbm>> -> memref<1x1x20x128xi32, #tpu.memory_space<hbm>>
      %dma_wait3A_102 = tpu.memref_squeeze %dma_wait3A_101 : memref<1x1x20x128xi32, #tpu.memory_space<hbm>> -> memref<20x128xi32, #tpu.memory_space<hbm>>
      tpu.wait_dma2 semaphore(%run_scoped3A : memref<!tpu.dma_semaphore, #tpu.memory_space<semaphore_mem>>) src(%dma_wait3A_102 : memref<20x128xi32, #tpu.memory_space<hbm>>) dst(%arg8 : memref<20x128xi32, #tpu.memory_space<vmem>>)
      tpu.yield
    }) : () -> ()
    %dma_start3A_41 = arith.constant 0 : i32
    %dma_start3A_42 = arith.constant 0 : i32
    %dma_start3A_43 = tpu.memref_slice %arg7[%dma_start3A_41, %dma_start3A_42] : memref<20x128xi32, #tpu.memory_space<vmem>> -> memref<1x128xi32, #tpu.memory_space<vmem>>
    %dma_start3A_44 = tpu.memref_squeeze %dma_start3A_43 : memref<1x128xi32, #tpu.memory_space<vmem>> -> memref<128xi32, #tpu.memory_space<vmem>>
    %dma_start3A_45 = arith.constant 0 : i32
    %dma_start3A_46 = arith.constant 0 : i32
    %dma_start3A_47 = tpu.memref_slice %arg4[%dma_start3A_45, %dma_start3A_46] : memref<20000x128xf32, #tpu.memory_space<hbm>> -> memref<20000x128xf32, #tpu.memory_space<hbm>>
    tpu.enqueue_indirect_dma source(%dma_start3A_47 : memref<20000x128xf32, #tpu.memory_space<hbm>>) target(%arg9 : memref<128x128xf32, #tpu.memory_space<vmem>>) offsets(%dma_start3A_44 : memref<128xi32, #tpu.memory_space<vmem>>) semaphore(%arg12 : memref<!tpu.dma_semaphore, #tpu.memory_space<semaphore_mem>>)
    %dma_start3A_48 = arith.constant 1 : i32
    %dma_start3A_49 = arith.constant 0 : i32
    %dma_start3A_50 = tpu.memref_slice %arg7[%dma_start3A_48, %dma_start3A_49] : memref<20x128xi32, #tpu.memory_space<vmem>> -> memref<1x128xi32, #tpu.memory_space<vmem>>
    %dma_start3A_51 = tpu.memref_squeeze %dma_start3A_50 : memref<1x128xi32, #tpu.memory_space<vmem>> -> memref<128xi32, #tpu.memory_space<vmem>>
    %dma_start3A_52 = arith.constant 0 : i32
    %dma_start3A_53 = arith.constant 0 : i32
    %dma_start3A_54 = tpu.memref_slice %arg4[%dma_start3A_52, %dma_start3A_53] : memref<20000x128xf32, #tpu.memory_space<hbm>> -> memref<20000x128xf32, #tpu.memory_space<hbm>>
    tpu.enqueue_indirect_dma source(%dma_start3A_54 : memref<20000x128xf32, #tpu.memory_space<hbm>>) target(%arg10 : memref<128x128xf32, #tpu.memory_space<vmem>>) offsets(%dma_start3A_51 : memref<128xi32, #tpu.memory_space<vmem>>) semaphore(%arg13 : memref<!tpu.dma_semaphore, #tpu.memory_space<semaphore_mem>>)
    %scan3A_55 = arith.constant 0 : i32
    %scan3A_56 = arith.constant 0 : i32
    %scan3A_57 = arith.constant 10 : i32
    %scan3A_58 = arith.addi %scan3A_56, %scan3A_57 : i32
    %scan3A_59 = arith.constant 1 : i32
    scf.for %scan3A_88 = %scan3A_56 to %scan3A_58 step %scan3A_59  : i32 {
      %mul3A_89 = arith.constant 2 : i32
      %mul3A_90 = arith.muli %scan3A_88, %mul3A_89 : i32
      %add3A = arith.constant 0 : i32
      %add3A_91 = arith.addi %mul3A_90, %add3A : i32
      %dma_wait3A = arith.constant 0 : i32
      %dma_wait3A_92 = tpu.memref_slice %arg7[%add3A_91, %dma_wait3A] : memref<20x128xi32, #tpu.memory_space<vmem>> -> memref<1x128xi32, #tpu.memory_space<vmem>>
      %dma_wait3A_93 = tpu.memref_squeeze %dma_wait3A_92 : memref<1x128xi32, #tpu.memory_space<vmem>> -> memref<128xi32, #tpu.memory_space<vmem>>
      %dma_wait3A_94 = arith.constant 0 : i32
      %dma_wait3A_95 = arith.constant 0 : i32
      %dma_wait3A_96 = tpu.memref_slice %arg4[%dma_wait3A_94, %dma_wait3A_95] : memref<20000x128xf32, #tpu.memory_space<hbm>> -> memref<20000x128xf32, #tpu.memory_space<hbm>>
      tpu.wait_indirect_dma semaphore(%arg12 : memref<!tpu.dma_semaphore, #tpu.memory_space<semaphore_mem>>) src(%dma_wait3A_96 : memref<20000x128xf32, #tpu.memory_space<hbm>>) dst(%arg9 : memref<128x128xf32, #tpu.memory_space<vmem>>)
      "tpu.region"() ({
        %run_scoped3A = tpu.sem_alloc : memref<!tpu.dma_semaphore, #tpu.memory_space<semaphore_mem>>
        %dma_start3A_121 = arith.constant 0 : i32
        %dma_start3A_122 = tpu.memref_slice %arg8[%add3A_91, %dma_start3A_121] : memref<20x128xi32, #tpu.memory_space<vmem>> -> memref<1x128xi32, #tpu.memory_space<vmem>>
        %dma_start3A_123 = tpu.memref_squeeze %dma_start3A_122 : memref<1x128xi32, #tpu.memory_space<vmem>> -> memref<128xi32, #tpu.memory_space<vmem>>
        %dma_start3A_124 = arith.constant 0 : i32
        %dma_start3A_125 = arith.constant 0 : i32
        %dma_start3A_126 = tpu.memref_slice %arg11[%dma_start3A_124, %dma_start3A_125] : memref<10112x128xf32, #tpu.memory_space<vmem_shared>> -> memref<10112x128xf32, #tpu.memory_space<vmem_shared>>
        tpu.enqueue_indirect_dma source(%arg9 : memref<128x128xf32, #tpu.memory_space<vmem>>) target(%dma_start3A_126 : memref<10112x128xf32, #tpu.memory_space<vmem_shared>>) offsets(%dma_start3A_123 : memref<128xi32, #tpu.memory_space<vmem>>) semaphore(%run_scoped3A : memref<!tpu.dma_semaphore, #tpu.memory_space<semaphore_mem>>) {add = true}
        %dma_wait3A_127 = arith.constant 0 : i32
        %dma_wait3A_128 = tpu.memref_slice %arg8[%add3A_91, %dma_wait3A_127] : memref<20x128xi32, #tpu.memory_space<vmem>> -> memref<1x128xi32, #tpu.memory_space<vmem>>
        %dma_wait3A_129 = tpu.memref_squeeze %dma_wait3A_128 : memref<1x128xi32, #tpu.memory_space<vmem>> -> memref<128xi32, #tpu.memory_space<vmem>>
        %dma_wait3A_130 = arith.constant 0 : i32
        %dma_wait3A_131 = arith.constant 0 : i32
        %dma_wait3A_132 = tpu.memref_slice %arg11[%dma_wait3A_130, %dma_wait3A_131] : memref<10112x128xf32, #tpu.memory_space<vmem_shared>> -> memref<10112x128xf32, #tpu.memory_space<vmem_shared>>
        tpu.wait_indirect_dma semaphore(%run_scoped3A : memref<!tpu.dma_semaphore, #tpu.memory_space<semaphore_mem>>) src(%arg9 : memref<128x128xf32, #tpu.memory_space<vmem>>) dst(%dma_wait3A_132 : memref<10112x128xf32, #tpu.memory_space<vmem_shared>>)
        tpu.yield
      }) : () -> ()
      %add3A_97 = arith.constant 2 : i32
      %add3A_98 = arith.addi %add3A_91, %add3A_97 : i32
      %lt3A_99 = arith.constant 20 : i32
      %lt3A_100 = arith.cmpi slt, %add3A_98, %lt3A_99 : i32
      %convert_element_type3A_101 = arith.extui %lt3A_100 : i1 to i32
      %cond3A_102 = arith.constant 0 : i32
      %cond3A_103 = arith.cmpi ne, %convert_element_type3A_101, %cond3A_102 : i32
      scf.if %cond3A_103 {
        %dma_start3A_121 = arith.constant 0 : i32
        %dma_start3A_122 = tpu.memref_slice %arg7[%add3A_98, %dma_start3A_121] : memref<20x128xi32, #tpu.memory_space<vmem>> -> memref<1x128xi32, #tpu.memory_space<vmem>>
        %dma_start3A_123 = tpu.memref_squeeze %dma_start3A_122 : memref<1x128xi32, #tpu.memory_space<vmem>> -> memref<128xi32, #tpu.memory_space<vmem>>
        %dma_start3A_124 = arith.constant 0 : i32
        %dma_start3A_125 = arith.constant 0 : i32
        %dma_start3A_126 = tpu.memref_slice %arg4[%dma_start3A_124, %dma_start3A_125] : memref<20000x128xf32, #tpu.memory_space<hbm>> -> memref<20000x128xf32, #tpu.memory_space<hbm>>
        tpu.enqueue_indirect_dma source(%dma_start3A_126 : memref<20000x128xf32, #tpu.memory_space<hbm>>) target(%arg9 : memref<128x128xf32, #tpu.memory_space<vmem>>) offsets(%dma_start3A_123 : memref<128xi32, #tpu.memory_space<vmem>>) semaphore(%arg12 : memref<!tpu.dma_semaphore, #tpu.memory_space<semaphore_mem>>)
      } else {
      }
      %mul3A_104 = arith.constant 2 : i32
      %mul3A_105 = arith.muli %scan3A_88, %mul3A_104 : i32
      %add3A_106 = arith.constant 1 : i32
      %add3A_107 = arith.addi %mul3A_105, %add3A_106 : i32
      %dma_wait3A_108 = arith.constant 0 : i32
      %dma_wait3A_109 = tpu.memref_slice %arg7[%add3A_107, %dma_wait3A_108] : memref<20x128xi32, #tpu.memory_space<vmem>> -> memref<1x128xi32, #tpu.memory_space<vmem>>
      %dma_wait3A_110 = tpu.memref_squeeze %dma_wait3A_109 : memref<1x128xi32, #tpu.memory_space<vmem>> -> memref<128xi32, #tpu.memory_space<vmem>>
      %dma_wait3A_111 = arith.constant 0 : i32
      %dma_wait3A_112 = arith.constant 0 : i32
      %dma_wait3A_113 = tpu.memref_slice %arg4[%dma_wait3A_111, %dma_wait3A_112] : memref<20000x128xf32, #tpu.memory_space<hbm>> -> memref<20000x128xf32, #tpu.memory_space<hbm>>
      tpu.wait_indirect_dma semaphore(%arg13 : memref<!tpu.dma_semaphore, #tpu.memory_space<semaphore_mem>>) src(%dma_wait3A_113 : memref<20000x128xf32, #tpu.memory_space<hbm>>) dst(%arg10 : memref<128x128xf32, #tpu.memory_space<vmem>>)
      "tpu.region"() ({
        %run_scoped3A = tpu.sem_alloc : memref<!tpu.dma_semaphore, #tpu.memory_space<semaphore_mem>>
        %dma_start3A_121 = arith.constant 0 : i32
        %dma_start3A_122 = tpu.memref_slice %arg8[%add3A_107, %dma_start3A_121] : memref<20x128xi32, #tpu.memory_space<vmem>> -> memref<1x128xi32, #tpu.memory_space<vmem>>
        %dma_start3A_123 = tpu.memref_squeeze %dma_start3A_122 : memref<1x128xi32, #tpu.memory_space<vmem>> -> memref<128xi32, #tpu.memory_space<vmem>>
        %dma_start3A_124 = arith.constant 0 : i32
        %dma_start3A_125 = arith.constant 0 : i32
        %dma_start3A_126 = tpu.memref_slice %arg11[%dma_start3A_124, %dma_start3A_125] : memref<10112x128xf32, #tpu.memory_space<vmem_shared>> -> memref<10112x128xf32, #tpu.memory_space<vmem_shared>>
        tpu.enqueue_indirect_dma source(%arg10 : memref<128x128xf32, #tpu.memory_space<vmem>>) target(%dma_start3A_126 : memref<10112x128xf32, #tpu.memory_space<vmem_shared>>) offsets(%dma_start3A_123 : memref<128xi32, #tpu.memory_space<vmem>>) semaphore(%run_scoped3A : memref<!tpu.dma_semaphore, #tpu.memory_space<semaphore_mem>>) {add = true}
        %dma_wait3A_127 = arith.constant 0 : i32
        %dma_wait3A_128 = tpu.memref_slice %arg8[%add3A_107, %dma_wait3A_127] : memref<20x128xi32, #tpu.memory_space<vmem>> -> memref<1x128xi32, #tpu.memory_space<vmem>>
        %dma_wait3A_129 = tpu.memref_squeeze %dma_wait3A_128 : memref<1x128xi32, #tpu.memory_space<vmem>> -> memref<128xi32, #tpu.memory_space<vmem>>
        %dma_wait3A_130 = arith.constant 0 : i32
        %dma_wait3A_131 = arith.constant 0 : i32
        %dma_wait3A_132 = tpu.memref_slice %arg11[%dma_wait3A_130, %dma_wait3A_131] : memref<10112x128xf32, #tpu.memory_space<vmem_shared>> -> memref<10112x128xf32, #tpu.memory_space<vmem_shared>>
        tpu.wait_indirect_dma semaphore(%run_scoped3A : memref<!tpu.dma_semaphore, #tpu.memory_space<semaphore_mem>>) src(%arg10 : memref<128x128xf32, #tpu.memory_space<vmem>>) dst(%dma_wait3A_132 : memref<10112x128xf32, #tpu.memory_space<vmem_shared>>)
        tpu.yield
      }) : () -> ()
      %add3A_114 = arith.constant 2 : i32
      %add3A_115 = arith.addi %add3A_107, %add3A_114 : i32
      %lt3A_116 = arith.constant 20 : i32
      %lt3A_117 = arith.cmpi slt, %add3A_115, %lt3A_116 : i32
      %convert_element_type3A_118 = arith.extui %lt3A_117 : i1 to i32
      %cond3A_119 = arith.constant 0 : i32
      %cond3A_120 = arith.cmpi ne, %convert_element_type3A_118, %cond3A_119 : i32
      scf.if %cond3A_120 {
        %dma_start3A_121 = arith.constant 0 : i32
        %dma_start3A_122 = tpu.memref_slice %arg7[%add3A_115, %dma_start3A_121] : memref<20x128xi32, #tpu.memory_space<vmem>> -> memref<1x128xi32, #tpu.memory_space<vmem>>
        %dma_start3A_123 = tpu.memref_squeeze %dma_start3A_122 : memref<1x128xi32, #tpu.memory_space<vmem>> -> memref<128xi32, #tpu.memory_space<vmem>>
        %dma_start3A_124 = arith.constant 0 : i32
        %dma_start3A_125 = arith.constant 0 : i32
        %dma_start3A_126 = tpu.memref_slice %arg4[%dma_start3A_124, %dma_start3A_125] : memref<20000x128xf32, #tpu.memory_space<hbm>> -> memref<20000x128xf32, #tpu.memory_space<hbm>>
        tpu.enqueue_indirect_dma source(%dma_start3A_126 : memref<20000x128xf32, #tpu.memory_space<hbm>>) target(%arg10 : memref<128x128xf32, #tpu.memory_space<vmem>>) offsets(%dma_start3A_123 : memref<128xi32, #tpu.memory_space<vmem>>) semaphore(%arg13 : memref<!tpu.dma_semaphore, #tpu.memory_space<semaphore_mem>>)
      } else {
      }
    }
    %scan3A_60 = arith.constant 10 : i32
    "tpu.region"() ({
      %run_scoped3A = tpu.sem_alloc : memref<!tpu.dma_semaphore, #tpu.memory_space<semaphore_mem>>
      %dma_start3A_88 = arith.constant 60 : i32
      %dma_start3A_89 = arith.constant 0 : i32
      %dma_start3A_90 = tpu.memref_slice %arg2[%arg0, %arg1, %dma_start3A_88, %dma_start3A_89] : memref<2x16x80x128xi32, #tpu.memory_space<hbm>> -> memref<1x1x20x128xi32, #tpu.memory_space<hbm>>
      %dma_start3A_91 = tpu.memref_squeeze %dma_start3A_90 : memref<1x1x20x128xi32, #tpu.memory_space<hbm>> -> memref<20x128xi32, #tpu.memory_space<hbm>>
      %dma_start3A_92 = arith.constant 60 : i32
      %dma_start3A_93 = arith.constant 0 : i32
      %dma_start3A_94 = tpu.memref_slice %arg2[%arg0, %arg1, %dma_start3A_92, %dma_start3A_93] : memref<2x16x80x128xi32, #tpu.memory_space<hbm>> -> memref<1x1x20x128xi32, #tpu.memory_space<hbm>>
      %dma_start3A_95 = tpu.memref_squeeze %dma_start3A_94 : memref<1x1x20x128xi32, #tpu.memory_space<hbm>> -> memref<20x128xi32, #tpu.memory_space<hbm>>
      tpu.enqueue_dma source(%dma_start3A_95 : memref<20x128xi32, #tpu.memory_space<hbm>>) target(%arg7 : memref<20x128xi32, #tpu.memory_space<vmem>>) target_semaphore(%run_scoped3A : memref<!tpu.dma_semaphore, #tpu.memory_space<semaphore_mem>>)
      %dma_wait3A = arith.constant 60 : i32
      %dma_wait3A_96 = arith.constant 0 : i32
      %dma_wait3A_97 = tpu.memref_slice %arg2[%arg0, %arg1, %dma_wait3A, %dma_wait3A_96] : memref<2x16x80x128xi32, #tpu.memory_space<hbm>> -> memref<1x1x20x128xi32, #tpu.memory_space<hbm>>
      %dma_wait3A_98 = tpu.memref_squeeze %dma_wait3A_97 : memref<1x1x20x128xi32, #tpu.memory_space<hbm>> -> memref<20x128xi32, #tpu.memory_space<hbm>>
      %dma_wait3A_99 = arith.constant 60 : i32
      %dma_wait3A_100 = arith.constant 0 : i32
      %dma_wait3A_101 = tpu.memref_slice %arg2[%arg0, %arg1, %dma_wait3A_99, %dma_wait3A_100] : memref<2x16x80x128xi32, #tpu.memory_space<hbm>> -> memref<1x1x20x128xi32, #tpu.memory_space<hbm>>
      %dma_wait3A_102 = tpu.memref_squeeze %dma_wait3A_101 : memref<1x1x20x128xi32, #tpu.memory_space<hbm>> -> memref<20x128xi32, #tpu.memory_space<hbm>>
      tpu.wait_dma2 semaphore(%run_scoped3A : memref<!tpu.dma_semaphore, #tpu.memory_space<semaphore_mem>>) src(%dma_wait3A_102 : memref<20x128xi32, #tpu.memory_space<hbm>>) dst(%arg7 : memref<20x128xi32, #tpu.memory_space<vmem>>)
      tpu.yield
    }) : () -> ()
    "tpu.region"() ({
      %run_scoped3A = tpu.sem_alloc : memref<!tpu.dma_semaphore, #tpu.memory_space<semaphore_mem>>
      %dma_start3A_88 = arith.constant 60 : i32
      %dma_start3A_89 = arith.constant 0 : i32
      %dma_start3A_90 = tpu.memref_slice %arg3[%arg0, %arg1, %dma_start3A_88, %dma_start3A_89] : memref<2x16x80x128xi32, #tpu.memory_space<hbm>> -> memref<1x1x20x128xi32, #tpu.memory_space<hbm>>
      %dma_start3A_91 = tpu.memref_squeeze %dma_start3A_90 : memref<1x1x20x128xi32, #tpu.memory_space<hbm>> -> memref<20x128xi32, #tpu.memory_space<hbm>>
      %dma_start3A_92 = arith.constant 60 : i32
      %dma_start3A_93 = arith.constant 0 : i32
      %dma_start3A_94 = tpu.memref_slice %arg3[%arg0, %arg1, %dma_start3A_92, %dma_start3A_93] : memref<2x16x80x128xi32, #tpu.memory_space<hbm>> -> memref<1x1x20x128xi32, #tpu.memory_space<hbm>>
      %dma_start3A_95 = tpu.memref_squeeze %dma_start3A_94 : memref<1x1x20x128xi32, #tpu.memory_space<hbm>> -> memref<20x128xi32, #tpu.memory_space<hbm>>
      tpu.enqueue_dma source(%dma_start3A_95 : memref<20x128xi32, #tpu.memory_space<hbm>>) target(%arg8 : memref<20x128xi32, #tpu.memory_space<vmem>>) target_semaphore(%run_scoped3A : memref<!tpu.dma_semaphore, #tpu.memory_space<semaphore_mem>>)
      %dma_wait3A = arith.constant 60 : i32
      %dma_wait3A_96 = arith.constant 0 : i32
      %dma_wait3A_97 = tpu.memref_slice %arg3[%arg0, %arg1, %dma_wait3A, %dma_wait3A_96] : memref<2x16x80x128xi32, #tpu.memory_space<hbm>> -> memref<1x1x20x128xi32, #tpu.memory_space<hbm>>
      %dma_wait3A_98 = tpu.memref_squeeze %dma_wait3A_97 : memref<1x1x20x128xi32, #tpu.memory_space<hbm>> -> memref<20x128xi32, #tpu.memory_space<hbm>>
      %dma_wait3A_99 = arith.constant 60 : i32
      %dma_wait3A_100 = arith.constant 0 : i32
      %dma_wait3A_101 = tpu.memref_slice %arg3[%arg0, %arg1, %dma_wait3A_99, %dma_wait3A_100] : memref<2x16x80x128xi32, #tpu.memory_space<hbm>> -> memref<1x1x20x128xi32, #tpu.memory_space<hbm>>
      %dma_wait3A_102 = tpu.memref_squeeze %dma_wait3A_101 : memref<1x1x20x128xi32, #tpu.memory_space<hbm>> -> memref<20x128xi32, #tpu.memory_space<hbm>>
      tpu.wait_dma2 semaphore(%run_scoped3A : memref<!tpu.dma_semaphore, #tpu.memory_space<semaphore_mem>>) src(%dma_wait3A_102 : memref<20x128xi32, #tpu.memory_space<hbm>>) dst(%arg8 : memref<20x128xi32, #tpu.memory_space<vmem>>)
      tpu.yield
    }) : () -> ()
    %dma_start3A_61 = arith.constant 0 : i32
    %dma_start3A_62 = arith.constant 0 : i32
    %dma_start3A_63 = tpu.memref_slice %arg7[%dma_start3A_61, %dma_start3A_62] : memref<20x128xi32, #tpu.memory_space<vmem>> -> memref<1x128xi32, #tpu.memory_space<vmem>>
    %dma_start3A_64 = tpu.memref_squeeze %dma_start3A_63 : memref<1x128xi32, #tpu.memory_space<vmem>> -> memref<128xi32, #tpu.memory_space<vmem>>
    %dma_start3A_65 = arith.constant 0 : i32
    %dma_start3A_66 = arith.constant 0 : i32
    %dma_start3A_67 = tpu.memref_slice %arg4[%dma_start3A_65, %dma_start3A_66] : memref<20000x128xf32, #tpu.memory_space<hbm>> -> memref<20000x128xf32, #tpu.memory_space<hbm>>
    tpu.enqueue_indirect_dma source(%dma_start3A_67 : memref<20000x128xf32, #tpu.memory_space<hbm>>) target(%arg9 : memref<128x128xf32, #tpu.memory_space<vmem>>) offsets(%dma_start3A_64 : memref<128xi32, #tpu.memory_space<vmem>>) semaphore(%arg12 : memref<!tpu.dma_semaphore, #tpu.memory_space<semaphore_mem>>)
    %dma_start3A_68 = arith.constant 1 : i32
    %dma_start3A_69 = arith.constant 0 : i32
    %dma_start3A_70 = tpu.memref_slice %arg7[%dma_start3A_68, %dma_start3A_69] : memref<20x128xi32, #tpu.memory_space<vmem>> -> memref<1x128xi32, #tpu.memory_space<vmem>>
    %dma_start3A_71 = tpu.memref_squeeze %dma_start3A_70 : memref<1x128xi32, #tpu.memory_space<vmem>> -> memref<128xi32, #tpu.memory_space<vmem>>
    %dma_start3A_72 = arith.constant 0 : i32
    %dma_start3A_73 = arith.constant 0 : i32
    %dma_start3A_74 = tpu.memref_slice %arg4[%dma_start3A_72, %dma_start3A_73] : memref<20000x128xf32, #tpu.memory_space<hbm>> -> memref<20000x128xf32, #tpu.memory_space<hbm>>
    tpu.enqueue_indirect_dma source(%dma_start3A_74 : memref<20000x128xf32, #tpu.memory_space<hbm>>) target(%arg10 : memref<128x128xf32, #tpu.memory_space<vmem>>) offsets(%dma_start3A_71 : memref<128xi32, #tpu.memory_space<vmem>>) semaphore(%arg13 : memref<!tpu.dma_semaphore, #tpu.memory_space<semaphore_mem>>)
    %scan3A_75 = arith.constant 0 : i32
    %scan3A_76 = arith.constant 0 : i32
    %scan3A_77 = arith.constant 10 : i32
    %scan3A_78 = arith.addi %scan3A_76, %scan3A_77 : i32
    %scan3A_79 = arith.constant 1 : i32
    scf.for %scan3A_88 = %scan3A_76 to %scan3A_78 step %scan3A_79  : i32 {
      %mul3A_89 = arith.constant 2 : i32
      %mul3A_90 = arith.muli %scan3A_88, %mul3A_89 : i32
      %add3A = arith.constant 0 : i32
      %add3A_91 = arith.addi %mul3A_90, %add3A : i32
      %dma_wait3A = arith.constant 0 : i32
      %dma_wait3A_92 = tpu.memref_slice %arg7[%add3A_91, %dma_wait3A] : memref<20x128xi32, #tpu.memory_space<vmem>> -> memref<1x128xi32, #tpu.memory_space<vmem>>
      %dma_wait3A_93 = tpu.memref_squeeze %dma_wait3A_92 : memref<1x128xi32, #tpu.memory_space<vmem>> -> memref<128xi32, #tpu.memory_space<vmem>>
      %dma_wait3A_94 = arith.constant 0 : i32
      %dma_wait3A_95 = arith.constant 0 : i32
      %dma_wait3A_96 = tpu.memref_slice %arg4[%dma_wait3A_94, %dma_wait3A_95] : memref<20000x128xf32, #tpu.memory_space<hbm>> -> memref<20000x128xf32, #tpu.memory_space<hbm>>
      tpu.wait_indirect_dma semaphore(%arg12 : memref<!tpu.dma_semaphore, #tpu.memory_space<semaphore_mem>>) src(%dma_wait3A_96 : memref<20000x128xf32, #tpu.memory_space<hbm>>) dst(%arg9 : memref<128x128xf32, #tpu.memory_space<vmem>>)
      "tpu.region"() ({
        %run_scoped3A = tpu.sem_alloc : memref<!tpu.dma_semaphore, #tpu.memory_space<semaphore_mem>>
        %dma_start3A_121 = arith.constant 0 : i32
        %dma_start3A_122 = tpu.memref_slice %arg8[%add3A_91, %dma_start3A_121] : memref<20x128xi32, #tpu.memory_space<vmem>> -> memref<1x128xi32, #tpu.memory_space<vmem>>
        %dma_start3A_123 = tpu.memref_squeeze %dma_start3A_122 : memref<1x128xi32, #tpu.memory_space<vmem>> -> memref<128xi32, #tpu.memory_space<vmem>>
        %dma_start3A_124 = arith.constant 0 : i32
        %dma_start3A_125 = arith.constant 0 : i32
        %dma_start3A_126 = tpu.memref_slice %arg11[%dma_start3A_124, %dma_start3A_125] : memref<10112x128xf32, #tpu.memory_space<vmem_shared>> -> memref<10112x128xf32, #tpu.memory_space<vmem_shared>>
        tpu.enqueue_indirect_dma source(%arg9 : memref<128x128xf32, #tpu.memory_space<vmem>>) target(%dma_start3A_126 : memref<10112x128xf32, #tpu.memory_space<vmem_shared>>) offsets(%dma_start3A_123 : memref<128xi32, #tpu.memory_space<vmem>>) semaphore(%run_scoped3A : memref<!tpu.dma_semaphore, #tpu.memory_space<semaphore_mem>>) {add = true}
        %dma_wait3A_127 = arith.constant 0 : i32
        %dma_wait3A_128 = tpu.memref_slice %arg8[%add3A_91, %dma_wait3A_127] : memref<20x128xi32, #tpu.memory_space<vmem>> -> memref<1x128xi32, #tpu.memory_space<vmem>>
        %dma_wait3A_129 = tpu.memref_squeeze %dma_wait3A_128 : memref<1x128xi32, #tpu.memory_space<vmem>> -> memref<128xi32, #tpu.memory_space<vmem>>
        %dma_wait3A_130 = arith.constant 0 : i32
        %dma_wait3A_131 = arith.constant 0 : i32
        %dma_wait3A_132 = tpu.memref_slice %arg11[%dma_wait3A_130, %dma_wait3A_131] : memref<10112x128xf32, #tpu.memory_space<vmem_shared>> -> memref<10112x128xf32, #tpu.memory_space<vmem_shared>>
        tpu.wait_indirect_dma semaphore(%run_scoped3A : memref<!tpu.dma_semaphore, #tpu.memory_space<semaphore_mem>>) src(%arg9 : memref<128x128xf32, #tpu.memory_space<vmem>>) dst(%dma_wait3A_132 : memref<10112x128xf32, #tpu.memory_space<vmem_shared>>)
        tpu.yield
      }) : () -> ()
      %add3A_97 = arith.constant 2 : i32
      %add3A_98 = arith.addi %add3A_91, %add3A_97 : i32
      %lt3A_99 = arith.constant 20 : i32
      %lt3A_100 = arith.cmpi slt, %add3A_98, %lt3A_99 : i32
      %convert_element_type3A_101 = arith.extui %lt3A_100 : i1 to i32
      %cond3A_102 = arith.constant 0 : i32
      %cond3A_103 = arith.cmpi ne, %convert_element_type3A_101, %cond3A_102 : i32
      scf.if %cond3A_103 {
        %dma_start3A_121 = arith.constant 0 : i32
        %dma_start3A_122 = tpu.memref_slice %arg7[%add3A_98, %dma_start3A_121] : memref<20x128xi32, #tpu.memory_space<vmem>> -> memref<1x128xi32, #tpu.memory_space<vmem>>
        %dma_start3A_123 = tpu.memref_squeeze %dma_start3A_122 : memref<1x128xi32, #tpu.memory_space<vmem>> -> memref<128xi32, #tpu.memory_space<vmem>>
        %dma_start3A_124 = arith.constant 0 : i32
        %dma_start3A_125 = arith.constant 0 : i32
        %dma_start3A_126 = tpu.memref_slice %arg4[%dma_start3A_124, %dma_start3A_125] : memref<20000x128xf32, #tpu.memory_space<hbm>> -> memref<20000x128xf32, #tpu.memory_space<hbm>>
        tpu.enqueue_indirect_dma source(%dma_start3A_126 : memref<20000x128xf32, #tpu.memory_space<hbm>>) target(%arg9 : memref<128x128xf32, #tpu.memory_space<vmem>>) offsets(%dma_start3A_123 : memref<128xi32, #tpu.memory_space<vmem>>) semaphore(%arg12 : memref<!tpu.dma_semaphore, #tpu.memory_space<semaphore_mem>>)
      } else {
      }
      %mul3A_104 = arith.constant 2 : i32
      %mul3A_105 = arith.muli %scan3A_88, %mul3A_104 : i32
      %add3A_106 = arith.constant 1 : i32
      %add3A_107 = arith.addi %mul3A_105, %add3A_106 : i32
      %dma_wait3A_108 = arith.constant 0 : i32
      %dma_wait3A_109 = tpu.memref_slice %arg7[%add3A_107, %dma_wait3A_108] : memref<20x128xi32, #tpu.memory_space<vmem>> -> memref<1x128xi32, #tpu.memory_space<vmem>>
      %dma_wait3A_110 = tpu.memref_squeeze %dma_wait3A_109 : memref<1x128xi32, #tpu.memory_space<vmem>> -> memref<128xi32, #tpu.memory_space<vmem>>
      %dma_wait3A_111 = arith.constant 0 : i32
      %dma_wait3A_112 = arith.constant 0 : i32
      %dma_wait3A_113 = tpu.memref_slice %arg4[%dma_wait3A_111, %dma_wait3A_112] : memref<20000x128xf32, #tpu.memory_space<hbm>> -> memref<20000x128xf32, #tpu.memory_space<hbm>>
      tpu.wait_indirect_dma semaphore(%arg13 : memref<!tpu.dma_semaphore, #tpu.memory_space<semaphore_mem>>) src(%dma_wait3A_113 : memref<20000x128xf32, #tpu.memory_space<hbm>>) dst(%arg10 : memref<128x128xf32, #tpu.memory_space<vmem>>)
      "tpu.region"() ({
        %run_scoped3A = tpu.sem_alloc : memref<!tpu.dma_semaphore, #tpu.memory_space<semaphore_mem>>
        %dma_start3A_121 = arith.constant 0 : i32
        %dma_start3A_122 = tpu.memref_slice %arg8[%add3A_107, %dma_start3A_121] : memref<20x128xi32, #tpu.memory_space<vmem>> -> memref<1x128xi32, #tpu.memory_space<vmem>>
        %dma_start3A_123 = tpu.memref_squeeze %dma_start3A_122 : memref<1x128xi32, #tpu.memory_space<vmem>> -> memref<128xi32, #tpu.memory_space<vmem>>
        %dma_start3A_124 = arith.constant 0 : i32
        %dma_start3A_125 = arith.constant 0 : i32
        %dma_start3A_126 = tpu.memref_slice %arg11[%dma_start3A_124, %dma_start3A_125] : memref<10112x128xf32, #tpu.memory_space<vmem_shared>> -> memref<10112x128xf32, #tpu.memory_space<vmem_shared>>
        tpu.enqueue_indirect_dma source(%arg10 : memref<128x128xf32, #tpu.memory_space<vmem>>) target(%dma_start3A_126 : memref<10112x128xf32, #tpu.memory_space<vmem_shared>>) offsets(%dma_start3A_123 : memref<128xi32, #tpu.memory_space<vmem>>) semaphore(%run_scoped3A : memref<!tpu.dma_semaphore, #tpu.memory_space<semaphore_mem>>) {add = true}
        %dma_wait3A_127 = arith.constant 0 : i32
        %dma_wait3A_128 = tpu.memref_slice %arg8[%add3A_107, %dma_wait3A_127] : memref<20x128xi32, #tpu.memory_space<vmem>> -> memref<1x128xi32, #tpu.memory_space<vmem>>
        %dma_wait3A_129 = tpu.memref_squeeze %dma_wait3A_128 : memref<1x128xi32, #tpu.memory_space<vmem>> -> memref<128xi32, #tpu.memory_space<vmem>>
        %dma_wait3A_130 = arith.constant 0 : i32
        %dma_wait3A_131 = arith.constant 0 : i32
        %dma_wait3A_132 = tpu.memref_slice %arg11[%dma_wait3A_130, %dma_wait3A_131] : memref<10112x128xf32, #tpu.memory_space<vmem_shared>> -> memref<10112x128xf32, #tpu.memory_space<vmem_shared>>
        tpu.wait_indirect_dma semaphore(%run_scoped3A : memref<!tpu.dma_semaphore, #tpu.memory_space<semaphore_mem>>) src(%arg10 : memref<128x128xf32, #tpu.memory_space<vmem>>) dst(%dma_wait3A_132 : memref<10112x128xf32, #tpu.memory_space<vmem_shared>>)
        tpu.yield
      }) : () -> ()
      %add3A_114 = arith.constant 2 : i32
      %add3A_115 = arith.addi %add3A_107, %add3A_114 : i32
      %lt3A_116 = arith.constant 20 : i32
      %lt3A_117 = arith.cmpi slt, %add3A_115, %lt3A_116 : i32
      %convert_element_type3A_118 = arith.extui %lt3A_117 : i1 to i32
      %cond3A_119 = arith.constant 0 : i32
      %cond3A_120 = arith.cmpi ne, %convert_element_type3A_118, %cond3A_119 : i32
      scf.if %cond3A_120 {
        %dma_start3A_121 = arith.constant 0 : i32
        %dma_start3A_122 = tpu.memref_slice %arg7[%add3A_115, %dma_start3A_121] : memref<20x128xi32, #tpu.memory_space<vmem>> -> memref<1x128xi32, #tpu.memory_space<vmem>>
        %dma_start3A_123 = tpu.memref_squeeze %dma_start3A_122 : memref<1x128xi32, #tpu.memory_space<vmem>> -> memref<128xi32, #tpu.memory_space<vmem>>
        %dma_start3A_124 = arith.constant 0 : i32
        %dma_start3A_125 = arith.constant 0 : i32
        %dma_start3A_126 = tpu.memref_slice %arg4[%dma_start3A_124, %dma_start3A_125] : memref<20000x128xf32, #tpu.memory_space<hbm>> -> memref<20000x128xf32, #tpu.memory_space<hbm>>
        tpu.enqueue_indirect_dma source(%dma_start3A_126 : memref<20000x128xf32, #tpu.memory_space<hbm>>) target(%arg10 : memref<128x128xf32, #tpu.memory_space<vmem>>) offsets(%dma_start3A_123 : memref<128xi32, #tpu.memory_space<vmem>>) semaphore(%arg13 : memref<!tpu.dma_semaphore, #tpu.memory_space<semaphore_mem>>)
      } else {
      }
    }
    %scan3A_80 = arith.constant 10 : i32
    %barrier3A_81 = arith.constant 0 : index
    tpu.barrier barrier_id(%barrier3A_81)
    %lt3A = arith.constant 15 : i32
    %lt3A_82 = arith.cmpi slt, %arg1, %lt3A : i32
    %convert_element_type3A = arith.extui %lt3A_82 : i1 to i32
    %cond3A = arith.constant 0 : i32
    %cond3A_83 = arith.cmpi ne, %convert_element_type3A, %cond3A : i32
    scf.if %cond3A_83 {
      %mul3A_88 = arith.constant 632 : i32
      %mul3A_89 = arith.muli %arg1, %mul3A_88 : i32
      %mul3A_90 = arith.constant 632 : i32
      %mul3A_91 = arith.muli %arg1, %mul3A_90 : i32
      "tpu.region"() ({
        %run_scoped3A = tpu.sem_alloc : memref<!tpu.dma_semaphore, #tpu.memory_space<semaphore_mem>>
        %dma_start3A_92 = arith.constant 0 : i32
        %dma_start3A_93 = tpu.memref_slice %arg6[%arg0, %mul3A_91, %dma_start3A_92] : memref<2x10000x128xf32, #tpu.memory_space<hbm>> -> memref<1x632x128xf32, #tpu.memory_space<hbm>>
        %dma_start3A_94 = tpu.memref_squeeze %dma_start3A_93 : memref<1x632x128xf32, #tpu.memory_space<hbm>> -> memref<632x128xf32, #tpu.memory_space<hbm>>
        %dma_start3A_95 = arith.constant 0 : i32
        %dma_start3A_96 = tpu.memref_slice %arg11[%mul3A_89, %dma_start3A_95] : memref<10112x128xf32, #tpu.memory_space<vmem_shared>> -> memref<632x128xf32, #tpu.memory_space<vmem_shared>>
        tpu.enqueue_dma source(%dma_start3A_96 : memref<632x128xf32, #tpu.memory_space<vmem_shared>>) target(%dma_start3A_94 : memref<632x128xf32, #tpu.memory_space<hbm>>) target_semaphore(%run_scoped3A : memref<!tpu.dma_semaphore, #tpu.memory_space<semaphore_mem>>)
        %dma_wait3A = arith.constant 0 : i32
        %dma_wait3A_97 = tpu.memref_slice %arg6[%arg0, %mul3A_91, %dma_wait3A] : memref<2x10000x128xf32, #tpu.memory_space<hbm>> -> memref<1x632x128xf32, #tpu.memory_space<hbm>>
        %dma_wait3A_98 = tpu.memref_squeeze %dma_wait3A_97 : memref<1x632x128xf32, #tpu.memory_space<hbm>> -> memref<632x128xf32, #tpu.memory_space<hbm>>
        %dma_wait3A_99 = arith.constant 0 : i32
        %dma_wait3A_100 = tpu.memref_slice %arg11[%mul3A_89, %dma_wait3A_99] : memref<10112x128xf32, #tpu.memory_space<vmem_shared>> -> memref<632x128xf32, #tpu.memory_space<vmem_shared>>
        tpu.wait_dma2 semaphore(%run_scoped3A : memref<!tpu.dma_semaphore, #tpu.memory_space<semaphore_mem>>) src(%dma_wait3A_100 : memref<632x128xf32, #tpu.memory_space<vmem_shared>>) dst(%dma_wait3A_98 : memref<632x128xf32, #tpu.memory_space<hbm>>)
        tpu.yield
      }) : () -> ()
    } else {
    }
    %eq3A = arith.constant 15 : i32
    %eq3A_84 = arith.cmpi eq, %arg1, %eq3A : i32
    %convert_element_type3A_85 = arith.extui %eq3A_84 : i1 to i32
    %cond3A_86 = arith.constant 0 : i32
    %cond3A_87 = arith.cmpi ne, %convert_element_type3A_85, %cond3A_86 : i32
    scf.if %cond3A_87 {
      "tpu.region"() ({
        %run_scoped3A = tpu.sem_alloc : memref<!tpu.dma_semaphore, #tpu.memory_space<semaphore_mem>>
        %dma_start3A_88 = arith.constant 9480 : i32
        %dma_start3A_89 = arith.constant 0 : i32
        %dma_start3A_90 = tpu.memref_slice %arg6[%arg0, %dma_start3A_88, %dma_start3A_89] : memref<2x10000x128xf32, #tpu.memory_space<hbm>> -> memref<1x520x128xf32, #tpu.memory_space<hbm>>
        %dma_start3A_91 = tpu.memref_squeeze %dma_start3A_90 : memref<1x520x128xf32, #tpu.memory_space<hbm>> -> memref<520x128xf32, #tpu.memory_space<hbm>>
        %dma_start3A_92 = arith.constant 9480 : i32
        %dma_start3A_93 = arith.constant 0 : i32
        %dma_start3A_94 = tpu.memref_slice %arg11[%dma_start3A_92, %dma_start3A_93] : memref<10112x128xf32, #tpu.memory_space<vmem_shared>> -> memref<520x128xf32, #tpu.memory_space<vmem_shared>>
        tpu.enqueue_dma source(%dma_start3A_94 : memref<520x128xf32, #tpu.memory_space<vmem_shared>>) target(%dma_start3A_91 : memref<520x128xf32, #tpu.memory_space<hbm>>) target_semaphore(%run_scoped3A : memref<!tpu.dma_semaphore, #tpu.memory_space<semaphore_mem>>)
        %dma_wait3A = arith.constant 9480 : i32
        %dma_wait3A_95 = arith.constant 0 : i32
        %dma_wait3A_96 = tpu.memref_slice %arg6[%arg0, %dma_wait3A, %dma_wait3A_95] : memref<2x10000x128xf32, #tpu.memory_space<hbm>> -> memref<1x520x128xf32, #tpu.memory_space<hbm>>
        %dma_wait3A_97 = tpu.memref_squeeze %dma_wait3A_96 : memref<1x520x128xf32, #tpu.memory_space<hbm>> -> memref<520x128xf32, #tpu.memory_space<hbm>>
        %dma_wait3A_98 = arith.constant 9480 : i32
        %dma_wait3A_99 = arith.constant 0 : i32
        %dma_wait3A_100 = tpu.memref_slice %arg11[%dma_wait3A_98, %dma_wait3A_99] : memref<10112x128xf32, #tpu.memory_space<vmem_shared>> -> memref<520x128xf32, #tpu.memory_space<vmem_shared>>
        tpu.wait_dma2 semaphore(%run_scoped3A : memref<!tpu.dma_semaphore, #tpu.memory_space<semaphore_mem>>) src(%dma_wait3A_100 : memref<520x128xf32, #tpu.memory_space<vmem_shared>>) dst(%dma_wait3A_97 : memref<520x128xf32, #tpu.memory_space<hbm>>)
        tpu.yield
      }) : () -> ()
    } else {
    }
    return
  }
}

module attributes {stable_mosaic.version = 14 : i64} {
  func.func @_a_body(%arg0: memref<10000x256xf32, #tpu.memory_space<vmem>>, %arg1: memref<256x256xf32, #tpu.memory_space<vmem>>, %arg2: memref<2x10000x16xf32, #tpu.memory_space<vmem>>, %arg3: memref<2x10000x128xf32, #tpu.memory_space<vmem>>) attributes {dimension_semantics = [], scalar_prefetch = 0 : i64, scratch_operands = 0 : i64, tpu.core_type = #tpu.core_type<tc>} {
    %get3A = arith.constant 0 : index
    %get3A_0 = arith.constant 0 : index
    %get3A_1 = arith.constant 0 : index
    %get3A_2 = vector.load %arg2[%get3A, %get3A_0, %get3A_1] : memref<2x10000x16xf32, #tpu.memory_space<vmem>>, vector<1x10000x16xf32>
    %get3A_3 = vector.shape_cast %get3A_2 : vector<1x10000x16xf32> to vector<10000x16xf32>
    %get3A_4 = arith.constant 1 : index
    %get3A_5 = arith.constant 0 : index
    %get3A_6 = arith.constant 0 : index
    %get3A_7 = vector.load %arg2[%get3A_4, %get3A_5, %get3A_6] : memref<2x10000x16xf32, #tpu.memory_space<vmem>>, vector<1x10000x16xf32>
    %get3A_8 = vector.shape_cast %get3A_7 : vector<1x10000x16xf32> to vector<10000x16xf32>
    %add3A = arith.addf %get3A_3, %get3A_8 : vector<10000x16xf32>
    %reduce_sum3A = arith.constant dense<0.000000e+00> : vector<10000xf32>
    %reduce_sum3A_9 = vector.multi_reduction <add>, %add3A, %reduce_sum3A [1] : vector<10000x16xf32> to vector<10000xf32>
    %broadcast_in_dim3A = vector.shape_cast %reduce_sum3A_9 : vector<10000xf32> to vector<10000x1xf32>
    %mul3A = arith.constant 6.250000e-02 : f32
    %mul3A_10 = vector.broadcast %mul3A : f32 to vector<10000x1xf32>
    %mul3A_11 = arith.mulf %broadcast_in_dim3A, %mul3A_10 : vector<10000x1xf32>
    %add3A_12 = arith.constant 1.000000e+00 : f32
    %add3A_13 = vector.broadcast %add3A_12 : f32 to vector<10000x1xf32>
    %add3A_14 = arith.addf %mul3A_11, %add3A_13 : vector<10000x1xf32>
    %rsqrt3A = math.rsqrt %add3A_14 : vector<10000x1xf32>
    %get3A_15 = arith.constant 0 : index
    %get3A_16 = arith.constant 0 : index
    %get3A_17 = vector.load %arg0[%get3A_15, %get3A_16] : memref<10000x256xf32, #tpu.memory_space<vmem>>, vector<10000x256xf32>
    %get3A_18 = arith.constant 0 : index
    %get3A_19 = arith.constant 0 : index
    %get3A_20 = vector.load %arg1[%get3A_18, %get3A_19] : memref<256x256xf32, #tpu.memory_space<vmem>>, vector<256x256xf32>
    %dot_general3A = arith.constant dense<0.000000e+00> : vector<10000x256xf32>
    %dot_general3A_21 = tpu.matmul %get3A_17, %get3A_20, %dot_general3A {dimension_numbers = #tpu.dot_dimension_numbers<[1], [0], [0], [1], [0, 0, 1, 1], [], []>, transpose_lhs_hint = false} : vector<10000x256xf32>, vector<256x256xf32>, vector<10000x256xf32> -> vector<10000x256xf32>
    %mul3A_22 = vector.broadcast %rsqrt3A : vector<10000x1xf32> to vector<10000x256xf32>
    %mul3A_23 = arith.mulf %dot_general3A_21, %mul3A_22 : vector<10000x256xf32>
    %slice3A = vector.extract_strided_slice %mul3A_23 {offsets = [0, 0], sizes = [10000, 128], strides = [1, 1]} : vector<10000x256xf32> to vector<10000x128xf32>
    %swap3A = arith.constant 0 : index
    %swap3A_24 = arith.constant 0 : index
    %swap3A_25 = arith.constant 0 : index
    %swap3A_26 = vector.load %arg3[%swap3A, %swap3A_24, %swap3A_25] : memref<2x10000x128xf32, #tpu.memory_space<vmem>>, vector<1x10000x128xf32>
    %swap3A_27 = vector.shape_cast %swap3A_26 : vector<1x10000x128xf32> to vector<10000x128xf32>
    %swap3A_28 = vector.shape_cast %slice3A : vector<10000x128xf32> to vector<1x10000x128xf32>
    tpu.vector_store %arg3[%swap3A, %swap3A_24, %swap3A_25], %swap3A_28 {strides = array<i32>} : memref<2x10000x128xf32, #tpu.memory_space<vmem>>, vector<1x10000x128xf32>,
    %slice3A_29 = vector.extract_strided_slice %mul3A_23 {offsets = [0, 128], sizes = [10000, 128], strides = [1, 1]} : vector<10000x256xf32> to vector<10000x128xf32>
    %swap3A_30 = arith.constant 1 : index
    %swap3A_31 = arith.constant 0 : index
    %swap3A_32 = arith.constant 0 : index
    %swap3A_33 = vector.load %arg3[%swap3A_30, %swap3A_31, %swap3A_32] : memref<2x10000x128xf32, #tpu.memory_space<vmem>>, vector<1x10000x128xf32>
    %swap3A_34 = vector.shape_cast %swap3A_33 : vector<1x10000x128xf32> to vector<10000x128xf32>
    %swap3A_35 = vector.shape_cast %slice3A_29 : vector<10000x128xf32> to vector<1x10000x128xf32>
    tpu.vector_store %arg3[%swap3A_30, %swap3A_31, %swap3A_32], %swap3A_35 {strides = array<i32>} : memref<2x10000x128xf32, #tpu.memory_space<vmem>>, vector<1x10000x128xf32>,
    return
  }
}

module attributes {stable_mosaic.version = 14 : i64} {
  func.func @_c_body(%arg0: memref<2x10000x128xf32, #tpu.memory_space<vmem>>, %arg1: memref<2x10000x128xf32, #tpu.memory_space<vmem>>, %arg2: memref<2x10000x16xf32, #tpu.memory_space<vmem>>, %arg3: memref<256xf32, #tpu.memory_space<vmem>>, %arg4: memref<256x128xf32, #tpu.memory_space<vmem>>, %arg5: memref<10000x128xf32, #tpu.memory_space<vmem>>) attributes {dimension_semantics = [], scalar_prefetch = 0 : i64, scratch_operands = 0 : i64, tpu.core_type = #tpu.core_type<tc>} {
    %get3A = arith.constant 0 : index
    %get3A_0 = arith.constant 0 : index
    %get3A_1 = arith.constant 0 : index
    %get3A_2 = vector.load %arg2[%get3A, %get3A_0, %get3A_1] : memref<2x10000x16xf32, #tpu.memory_space<vmem>>, vector<1x10000x16xf32>
    %get3A_3 = vector.shape_cast %get3A_2 : vector<1x10000x16xf32> to vector<10000x16xf32>
    %get3A_4 = arith.constant 1 : index
    %get3A_5 = arith.constant 0 : index
    %get3A_6 = arith.constant 0 : index
    %get3A_7 = vector.load %arg2[%get3A_4, %get3A_5, %get3A_6] : memref<2x10000x16xf32, #tpu.memory_space<vmem>>, vector<1x10000x16xf32>
    %get3A_8 = vector.shape_cast %get3A_7 : vector<1x10000x16xf32> to vector<10000x16xf32>
    %add3A = arith.addf %get3A_3, %get3A_8 : vector<10000x16xf32>
    %reduce_sum3A = arith.constant dense<0.000000e+00> : vector<10000xf32>
    %reduce_sum3A_9 = vector.multi_reduction <add>, %add3A, %reduce_sum3A [1] : vector<10000x16xf32> to vector<10000xf32>
    %broadcast_in_dim3A = vector.shape_cast %reduce_sum3A_9 : vector<10000xf32> to vector<10000x1xf32>
    %mul3A = arith.constant 6.250000e-02 : f32
    %mul3A_10 = vector.broadcast %mul3A : f32 to vector<10000x1xf32>
    %mul3A_11 = arith.mulf %broadcast_in_dim3A, %mul3A_10 : vector<10000x1xf32>
    %add3A_12 = arith.constant 1.000000e+00 : f32
    %add3A_13 = vector.broadcast %add3A_12 : f32 to vector<10000x1xf32>
    %add3A_14 = arith.addf %mul3A_11, %add3A_13 : vector<10000x1xf32>
    %rsqrt3A = math.rsqrt %add3A_14 : vector<10000x1xf32>
    %get3A_15 = arith.constant 0 : index
    %get3A_16 = vector.load %arg3[%get3A_15] : memref<256xf32, #tpu.memory_space<vmem>>, vector<256xf32>
    %get3A_17 = arith.constant 0 : index
    %get3A_18 = arith.constant 0 : index
    %get3A_19 = arith.constant 0 : index
    %get3A_20 = vector.load %arg0[%get3A_17, %get3A_18, %get3A_19] : memref<2x10000x128xf32, #tpu.memory_space<vmem>>, vector<1x10000x128xf32>
    %get3A_21 = vector.shape_cast %get3A_20 : vector<1x10000x128xf32> to vector<10000x128xf32>
    %get3A_22 = arith.constant 0 : index
    %get3A_23 = arith.constant 0 : index
    %get3A_24 = arith.constant 0 : index
    %get3A_25 = vector.load %arg1[%get3A_22, %get3A_23, %get3A_24] : memref<2x10000x128xf32, #tpu.memory_space<vmem>>, vector<1x10000x128xf32>
    %get3A_26 = vector.shape_cast %get3A_25 : vector<1x10000x128xf32> to vector<10000x128xf32>
    %add3A_27 = arith.addf %get3A_21, %get3A_26 : vector<10000x128xf32>
    %mul3A_28 = vector.broadcast %rsqrt3A : vector<10000x1xf32> to vector<10000x128xf32>
    %mul3A_29 = arith.mulf %mul3A_28, %add3A_27 : vector<10000x128xf32>
    %slice3A = vector.extract_strided_slice %get3A_16 {offsets = [0], sizes = [128], strides = [1]} : vector<256xf32> to vector<128xf32>
    %broadcast_in_dim3A_30 = vector.shape_cast %slice3A : vector<128xf32> to vector<1x128xf32>
    %add3A_31 = vector.broadcast %broadcast_in_dim3A_30 : vector<1x128xf32> to vector<10000x128xf32>
    %add3A_32 = arith.addf %mul3A_29, %add3A_31 : vector<10000x128xf32>
    %get3A_33 = arith.constant 1 : index
    %get3A_34 = arith.constant 0 : index
    %get3A_35 = arith.constant 0 : index
    %get3A_36 = vector.load %arg0[%get3A_33, %get3A_34, %get3A_35] : memref<2x10000x128xf32, #tpu.memory_space<vmem>>, vector<1x10000x128xf32>
    %get3A_37 = vector.shape_cast %get3A_36 : vector<1x10000x128xf32> to vector<10000x128xf32>
    %get3A_38 = arith.constant 1 : index
    %get3A_39 = arith.constant 0 : index
    %get3A_40 = arith.constant 0 : index
    %get3A_41 = vector.load %arg1[%get3A_38, %get3A_39, %get3A_40] : memref<2x10000x128xf32, #tpu.memory_space<vmem>>, vector<1x10000x128xf32>
    %get3A_42 = vector.shape_cast %get3A_41 : vector<1x10000x128xf32> to vector<10000x128xf32>
    %add3A_43 = arith.addf %get3A_37, %get3A_42 : vector<10000x128xf32>
    %mul3A_44 = vector.broadcast %rsqrt3A : vector<10000x1xf32> to vector<10000x128xf32>
    %mul3A_45 = arith.mulf %mul3A_44, %add3A_43 : vector<10000x128xf32>
    %slice3A_46 = vector.extract_strided_slice %get3A_16 {offsets = [128], sizes = [128], strides = [1]} : vector<256xf32> to vector<128xf32>
    %broadcast_in_dim3A_47 = vector.shape_cast %slice3A_46 : vector<128xf32> to vector<1x128xf32>
    %add3A_48 = vector.broadcast %broadcast_in_dim3A_47 : vector<1x128xf32> to vector<10000x128xf32>
    %add3A_49 = arith.addf %mul3A_45, %add3A_48 : vector<10000x128xf32>
    %concatenate3A = tpu.concatenate %add3A_32, %add3A_49 in 1 : vector<10000x128xf32>, vector<10000x128xf32> -> vector<10000x256xf32>
    %max3A = arith.constant 0.000000e+00 : f32
    %max3A_50 = vector.broadcast %max3A : f32 to vector<10000x256xf32>
    %max3A_51 = arith.maximumf %concatenate3A, %max3A_50 : vector<10000x256xf32>
    %get3A_52 = arith.constant 0 : index
    %get3A_53 = arith.constant 0 : index
    %get3A_54 = vector.load %arg4[%get3A_52, %get3A_53] : memref<256x128xf32, #tpu.memory_space<vmem>>, vector<256x128xf32>
    %dot_general3A = arith.constant dense<0.000000e+00> : vector<10000x128xf32>
    %dot_general3A_55 = tpu.matmul %max3A_51, %get3A_54, %dot_general3A {dimension_numbers = #tpu.dot_dimension_numbers<[1], [0], [0], [1], [0, 0, 1, 1], [], []>, transpose_lhs_hint = false} : vector<10000x256xf32>, vector<256x128xf32>, vector<10000x128xf32> -> vector<10000x128xf32>
    %mul3A_56 = vector.broadcast %rsqrt3A : vector<10000x1xf32> to vector<10000x128xf32>
    %mul3A_57 = arith.mulf %dot_general3A_55, %mul3A_56 : vector<10000x128xf32>
    %swap3A = arith.constant 0 : index
    %swap3A_58 = arith.constant 0 : index
    %swap3A_59 = vector.load %arg5[%swap3A, %swap3A_58] : memref<10000x128xf32, #tpu.memory_space<vmem>>, vector<10000x128xf32>
    tpu.vector_store %arg5[%swap3A, %swap3A_58], %mul3A_57 {strides = array<i32>} : memref<10000x128xf32, #tpu.memory_space<vmem>>, vector<10000x128xf32>,
    return
  }
}

module attributes {stable_mosaic.version = 14 : i64} {
  func.func @_d_body(%arg0: memref<2x10000x128xf32, #tpu.memory_space<vmem>>, %arg1: memref<10000x128xf32, #tpu.memory_space<vmem>>, %arg2: memref<2x10000x16xf32, #tpu.memory_space<vmem>>, %arg3: memref<128xf32, #tpu.memory_space<vmem>>, %arg4: memref<10x1000xi32, #tpu.memory_space<vmem>>, %arg5: memref<128x16xf32, #tpu.memory_space<vmem>>, %arg6: memref<16xf32, #tpu.memory_space<vmem>>, %arg7: memref<16x128x64xf32, #tpu.memory_space<vmem>>, %arg8: memref<16x64xf32, #tpu.memory_space<vmem>>, %arg9: memref<512x128xf32, #tpu.memory_space<vmem>>, %arg10: memref<512x16xf32, #tpu.memory_space<vmem>>, %arg11: memref<512x64xf32, #tpu.memory_space<vmem>>) attributes {dimension_semantics = [], scalar_prefetch = 0 : i64, scratch_operands = 0 : i64, tpu.core_type = #tpu.core_type<tc>} {
    %get3A = arith.constant 0 : index
    %get3A_0 = arith.constant 0 : index
    %get3A_1 = arith.constant 0 : index
    %get3A_2 = vector.load %arg2[%get3A, %get3A_0, %get3A_1] : memref<2x10000x16xf32, #tpu.memory_space<vmem>>, vector<1x10000x16xf32>
    %get3A_3 = vector.shape_cast %get3A_2 : vector<1x10000x16xf32> to vector<10000x16xf32>
    %get3A_4 = arith.constant 1 : index
    %get3A_5 = arith.constant 0 : index
    %get3A_6 = arith.constant 0 : index
    %get3A_7 = vector.load %arg2[%get3A_4, %get3A_5, %get3A_6] : memref<2x10000x16xf32, #tpu.memory_space<vmem>>, vector<1x10000x16xf32>
    %get3A_8 = vector.shape_cast %get3A_7 : vector<1x10000x16xf32> to vector<10000x16xf32>
    %add3A = arith.addf %get3A_3, %get3A_8 : vector<10000x16xf32>
    %reduce_sum3A = arith.constant dense<0.000000e+00> : vector<10000xf32>
    %reduce_sum3A_9 = vector.multi_reduction <add>, %add3A, %reduce_sum3A [1] : vector<10000x16xf32> to vector<10000xf32>
    %broadcast_in_dim3A = vector.shape_cast %reduce_sum3A_9 : vector<10000xf32> to vector<10000x1xf32>
    %mul3A = arith.constant 6.250000e-02 : f32
    %mul3A_10 = vector.broadcast %mul3A : f32 to vector<10000x1xf32>
    %mul3A_11 = arith.mulf %broadcast_in_dim3A, %mul3A_10 : vector<10000x1xf32>
    %add3A_12 = arith.constant 1.000000e+00 : f32
    %add3A_13 = vector.broadcast %add3A_12 : f32 to vector<10000x1xf32>
    %add3A_14 = arith.addf %mul3A_11, %add3A_13 : vector<10000x1xf32>
    %rsqrt3A = math.rsqrt %add3A_14 : vector<10000x1xf32>
    %get3A_15 = arith.constant 0 : index
    %get3A_16 = arith.constant 0 : index
    %get3A_17 = arith.constant 0 : index
    %get3A_18 = vector.load %arg0[%get3A_15, %get3A_16, %get3A_17] : memref<2x10000x128xf32, #tpu.memory_space<vmem>>, vector<1x10000x128xf32>
    %get3A_19 = vector.shape_cast %get3A_18 : vector<1x10000x128xf32> to vector<10000x128xf32>
    %get3A_20 = arith.constant 1 : index
    %get3A_21 = arith.constant 0 : index
    %get3A_22 = arith.constant 0 : index
    %get3A_23 = vector.load %arg0[%get3A_20, %get3A_21, %get3A_22] : memref<2x10000x128xf32, #tpu.memory_space<vmem>>, vector<1x10000x128xf32>
    %get3A_24 = vector.shape_cast %get3A_23 : vector<1x10000x128xf32> to vector<10000x128xf32>
    %add3A_25 = arith.addf %get3A_19, %get3A_24 : vector<10000x128xf32>
    %get3A_26 = arith.constant 0 : index
    %get3A_27 = arith.constant 0 : index
    %get3A_28 = vector.load %arg1[%get3A_26, %get3A_27] : memref<10000x128xf32, #tpu.memory_space<vmem>>, vector<10000x128xf32>
    %add3A_29 = arith.addf %add3A_25, %get3A_28 : vector<10000x128xf32>
    %mul3A_30 = vector.broadcast %rsqrt3A : vector<10000x1xf32> to vector<10000x128xf32>
    %mul3A_31 = arith.mulf %mul3A_30, %add3A_29 : vector<10000x128xf32>
    %get3A_32 = arith.constant 0 : index
    %get3A_33 = vector.load %arg3[%get3A_32] : memref<128xf32, #tpu.memory_space<vmem>>, vector<128xf32>
    %broadcast_in_dim3A_34 = vector.shape_cast %get3A_33 : vector<128xf32> to vector<1x128xf32>
    %add3A_35 = vector.broadcast %broadcast_in_dim3A_34 : vector<1x128xf32> to vector<10000x128xf32>
    %add3A_36 = arith.addf %mul3A_31, %add3A_35 : vector<10000x128xf32>
    %broadcast_in_dim3A_37 = arith.constant 0.000000e+00 : f32
    %broadcast_in_dim3A_38 = vector.broadcast %broadcast_in_dim3A_37 : f32 to vector<512x128xf32>
    %broadcast_in_dim3A_39 = arith.constant 0.000000e+00 : f32
    %broadcast_in_dim3A_40 = vector.broadcast %broadcast_in_dim3A_39 : f32 to vector<512x1xf32>
    %get3A_41 = arith.constant 0 : index
    %get3A_42 = arith.constant 0 : index
    %get3A_43 = vector.load %arg4[%get3A_41, %get3A_42] : memref<10x1000xi32, #tpu.memory_space<vmem>>, vector<1x1000xi32>
    %get3A_44 = vector.shape_cast %get3A_43 : vector<1x1000xi32> to vector<1000xi32>
    %broadcast_in_dim3A_45 = vector.shape_cast %get3A_44 : vector<1000xi32> to vector<1x1000xi32>
    %iota3A = tpu.iota {dimensions = array<i32: 0>} : vector<512x1000xi32>
    %eq3A = vector.broadcast %broadcast_in_dim3A_45 : vector<1x1000xi32> to vector<512x1000xi32>
    %eq3A_46 = arith.cmpi eq, %eq3A, %iota3A : vector<512x1000xi32>
    %convert_element_type3A = arith.extui %eq3A_46 : vector<512x1000xi1> to vector<512x1000xi32>
    %convert_element_type3A_47 = arith.sitofp %convert_element_type3A : vector<512x1000xi32> to vector<512x1000xf32>
    %slice3A = vector.extract_strided_slice %add3A_36 {offsets = [0, 0], sizes = [1000, 128], strides = [1, 1]} : vector<10000x128xf32> to vector<1000x128xf32>
    %dot_general3A = arith.constant dense<0.000000e+00> : vector<512x128xf32>
    %dot_general3A_48 = tpu.matmul %convert_element_type3A_47, %slice3A, %dot_general3A {dimension_numbers = #tpu.dot_dimension_numbers<[1], [0], [0], [1], [0, 0, 1, 1], [], []>, transpose_lhs_hint = false} : vector<512x1000xf32>, vector<1000x128xf32>, vector<512x128xf32> -> vector<512x128xf32>
    %add3A_49 = arith.addf %broadcast_in_dim3A_38, %dot_general3A_48 : vector<512x128xf32>
    %reduce_sum3A_50 = arith.constant dense<0.000000e+00> : vector<512xf32>
    %reduce_sum3A_51 = vector.multi_reduction <add>, %convert_element_type3A_47, %reduce_sum3A_50 [1] : vector<512x1000xf32> to vector<512xf32>
    %broadcast_in_dim3A_52 = vector.shape_cast %reduce_sum3A_51 : vector<512xf32> to vector<512x1xf32>
    %add3A_53 = arith.addf %broadcast_in_dim3A_40, %broadcast_in_dim3A_52 : vector<512x1xf32>
    %get3A_54 = arith.constant 1 : index
    %get3A_55 = arith.constant 0 : index
    %get3A_56 = vector.load %arg4[%get3A_54, %get3A_55] : memref<10x1000xi32, #tpu.memory_space<vmem>>, vector<1x1000xi32>
    %get3A_57 = vector.shape_cast %get3A_56 : vector<1x1000xi32> to vector<1000xi32>
    %broadcast_in_dim3A_58 = vector.shape_cast %get3A_57 : vector<1000xi32> to vector<1x1000xi32>
    %iota3A_59 = tpu.iota {dimensions = array<i32: 0>} : vector<512x1000xi32>
    %eq3A_60 = vector.broadcast %broadcast_in_dim3A_58 : vector<1x1000xi32> to vector<512x1000xi32>
    %eq3A_61 = arith.cmpi eq, %eq3A_60, %iota3A_59 : vector<512x1000xi32>
    %convert_element_type3A_62 = arith.extui %eq3A_61 : vector<512x1000xi1> to vector<512x1000xi32>
    %convert_element_type3A_63 = arith.sitofp %convert_element_type3A_62 : vector<512x1000xi32> to vector<512x1000xf32>
    %slice3A_64 = vector.extract_strided_slice %add3A_36 {offsets = [1000, 0], sizes = [1000, 128], strides = [1, 1]} : vector<10000x128xf32> to vector<1000x128xf32>
    %dot_general3A_65 = arith.constant dense<0.000000e+00> : vector<512x128xf32>
    %dot_general3A_66 = tpu.matmul %convert_element_type3A_63, %slice3A_64, %dot_general3A_65 {dimension_numbers = #tpu.dot_dimension_numbers<[1], [0], [0], [1], [0, 0, 1, 1], [], []>, transpose_lhs_hint = false} : vector<512x1000xf32>, vector<1000x128xf32>, vector<512x128xf32> -> vector<512x128xf32>
    %add3A_67 = arith.addf %add3A_49, %dot_general3A_66 : vector<512x128xf32>
    %reduce_sum3A_68 = arith.constant dense<0.000000e+00> : vector<512xf32>
    %reduce_sum3A_69 = vector.multi_reduction <add>, %convert_element_type3A_63, %reduce_sum3A_68 [1] : vector<512x1000xf32> to vector<512xf32>
    %broadcast_in_dim3A_70 = vector.shape_cast %reduce_sum3A_69 : vector<512xf32> to vector<512x1xf32>
    %add3A_71 = arith.addf %add3A_53, %broadcast_in_dim3A_70 : vector<512x1xf32>
    %get3A_72 = arith.constant 2 : index
    %get3A_73 = arith.constant 0 : index
    %get3A_74 = vector.load %arg4[%get3A_72, %get3A_73] : memref<10x1000xi32, #tpu.memory_space<vmem>>, vector<1x1000xi32>
    %get3A_75 = vector.shape_cast %get3A_74 : vector<1x1000xi32> to vector<1000xi32>
    %broadcast_in_dim3A_76 = vector.shape_cast %get3A_75 : vector<1000xi32> to vector<1x1000xi32>
    %iota3A_77 = tpu.iota {dimensions = array<i32: 0>} : vector<512x1000xi32>
    %eq3A_78 = vector.broadcast %broadcast_in_dim3A_76 : vector<1x1000xi32> to vector<512x1000xi32>
    %eq3A_79 = arith.cmpi eq, %eq3A_78, %iota3A_77 : vector<512x1000xi32>
    %convert_element_type3A_80 = arith.extui %eq3A_79 : vector<512x1000xi1> to vector<512x1000xi32>
    %convert_element_type3A_81 = arith.sitofp %convert_element_type3A_80 : vector<512x1000xi32> to vector<512x1000xf32>
    %slice3A_82 = vector.extract_strided_slice %add3A_36 {offsets = [2000, 0], sizes = [1000, 128], strides = [1, 1]} : vector<10000x128xf32> to vector<1000x128xf32>
    %dot_general3A_83 = arith.constant dense<0.000000e+00> : vector<512x128xf32>
    %dot_general3A_84 = tpu.matmul %convert_element_type3A_81, %slice3A_82, %dot_general3A_83 {dimension_numbers = #tpu.dot_dimension_numbers<[1], [0], [0], [1], [0, 0, 1, 1], [], []>, transpose_lhs_hint = false} : vector<512x1000xf32>, vector<1000x128xf32>, vector<512x128xf32> -> vector<512x128xf32>
    %add3A_85 = arith.addf %add3A_67, %dot_general3A_84 : vector<512x128xf32>
    %reduce_sum3A_86 = arith.constant dense<0.000000e+00> : vector<512xf32>
    %reduce_sum3A_87 = vector.multi_reduction <add>, %convert_element_type3A_81, %reduce_sum3A_86 [1] : vector<512x1000xf32> to vector<512xf32>
    %broadcast_in_dim3A_88 = vector.shape_cast %reduce_sum3A_87 : vector<512xf32> to vector<512x1xf32>
    %add3A_89 = arith.addf %add3A_71, %broadcast_in_dim3A_88 : vector<512x1xf32>
    %get3A_90 = arith.constant 3 : index
    %get3A_91 = arith.constant 0 : index
    %get3A_92 = vector.load %arg4[%get3A_90, %get3A_91] : memref<10x1000xi32, #tpu.memory_space<vmem>>, vector<1x1000xi32>
    %get3A_93 = vector.shape_cast %get3A_92 : vector<1x1000xi32> to vector<1000xi32>
    %broadcast_in_dim3A_94 = vector.shape_cast %get3A_93 : vector<1000xi32> to vector<1x1000xi32>
    %iota3A_95 = tpu.iota {dimensions = array<i32: 0>} : vector<512x1000xi32>
    %eq3A_96 = vector.broadcast %broadcast_in_dim3A_94 : vector<1x1000xi32> to vector<512x1000xi32>
    %eq3A_97 = arith.cmpi eq, %eq3A_96, %iota3A_95 : vector<512x1000xi32>
    %convert_element_type3A_98 = arith.extui %eq3A_97 : vector<512x1000xi1> to vector<512x1000xi32>
    %convert_element_type3A_99 = arith.sitofp %convert_element_type3A_98 : vector<512x1000xi32> to vector<512x1000xf32>
    %slice3A_100 = vector.extract_strided_slice %add3A_36 {offsets = [3000, 0], sizes = [1000, 128], strides = [1, 1]} : vector<10000x128xf32> to vector<1000x128xf32>
    %dot_general3A_101 = arith.constant dense<0.000000e+00> : vector<512x128xf32>
    %dot_general3A_102 = tpu.matmul %convert_element_type3A_99, %slice3A_100, %dot_general3A_101 {dimension_numbers = #tpu.dot_dimension_numbers<[1], [0], [0], [1], [0, 0, 1, 1], [], []>, transpose_lhs_hint = false} : vector<512x1000xf32>, vector<1000x128xf32>, vector<512x128xf32> -> vector<512x128xf32>
    %add3A_103 = arith.addf %add3A_85, %dot_general3A_102 : vector<512x128xf32>
    %reduce_sum3A_104 = arith.constant dense<0.000000e+00> : vector<512xf32>
    %reduce_sum3A_105 = vector.multi_reduction <add>, %convert_element_type3A_99, %reduce_sum3A_104 [1] : vector<512x1000xf32> to vector<512xf32>
    %broadcast_in_dim3A_106 = vector.shape_cast %reduce_sum3A_105 : vector<512xf32> to vector<512x1xf32>
    %add3A_107 = arith.addf %add3A_89, %broadcast_in_dim3A_106 : vector<512x1xf32>
    %get3A_108 = arith.constant 4 : index
    %get3A_109 = arith.constant 0 : index
    %get3A_110 = vector.load %arg4[%get3A_108, %get3A_109] : memref<10x1000xi32, #tpu.memory_space<vmem>>, vector<1x1000xi32>
    %get3A_111 = vector.shape_cast %get3A_110 : vector<1x1000xi32> to vector<1000xi32>
    %broadcast_in_dim3A_112 = vector.shape_cast %get3A_111 : vector<1000xi32> to vector<1x1000xi32>
    %iota3A_113 = tpu.iota {dimensions = array<i32: 0>} : vector<512x1000xi32>
    %eq3A_114 = vector.broadcast %broadcast_in_dim3A_112 : vector<1x1000xi32> to vector<512x1000xi32>
    %eq3A_115 = arith.cmpi eq, %eq3A_114, %iota3A_113 : vector<512x1000xi32>
    %convert_element_type3A_116 = arith.extui %eq3A_115 : vector<512x1000xi1> to vector<512x1000xi32>
    %convert_element_type3A_117 = arith.sitofp %convert_element_type3A_116 : vector<512x1000xi32> to vector<512x1000xf32>
    %slice3A_118 = vector.extract_strided_slice %add3A_36 {offsets = [4000, 0], sizes = [1000, 128], strides = [1, 1]} : vector<10000x128xf32> to vector<1000x128xf32>
    %dot_general3A_119 = arith.constant dense<0.000000e+00> : vector<512x128xf32>
    %dot_general3A_120 = tpu.matmul %convert_element_type3A_117, %slice3A_118, %dot_general3A_119 {dimension_numbers = #tpu.dot_dimension_numbers<[1], [0], [0], [1], [0, 0, 1, 1], [], []>, transpose_lhs_hint = false} : vector<512x1000xf32>, vector<1000x128xf32>, vector<512x128xf32> -> vector<512x128xf32>
    %add3A_121 = arith.addf %add3A_103, %dot_general3A_120 : vector<512x128xf32>
    %reduce_sum3A_122 = arith.constant dense<0.000000e+00> : vector<512xf32>
    %reduce_sum3A_123 = vector.multi_reduction <add>, %convert_element_type3A_117, %reduce_sum3A_122 [1] : vector<512x1000xf32> to vector<512xf32>
    %broadcast_in_dim3A_124 = vector.shape_cast %reduce_sum3A_123 : vector<512xf32> to vector<512x1xf32>
    %add3A_125 = arith.addf %add3A_107, %broadcast_in_dim3A_124 : vector<512x1xf32>
    %get3A_126 = arith.constant 5 : index
    %get3A_127 = arith.constant 0 : index
    %get3A_128 = vector.load %arg4[%get3A_126, %get3A_127] : memref<10x1000xi32, #tpu.memory_space<vmem>>, vector<1x1000xi32>
    %get3A_129 = vector.shape_cast %get3A_128 : vector<1x1000xi32> to vector<1000xi32>
    %broadcast_in_dim3A_130 = vector.shape_cast %get3A_129 : vector<1000xi32> to vector<1x1000xi32>
    %iota3A_131 = tpu.iota {dimensions = array<i32: 0>} : vector<512x1000xi32>
    %eq3A_132 = vector.broadcast %broadcast_in_dim3A_130 : vector<1x1000xi32> to vector<512x1000xi32>
    %eq3A_133 = arith.cmpi eq, %eq3A_132, %iota3A_131 : vector<512x1000xi32>
    %convert_element_type3A_134 = arith.extui %eq3A_133 : vector<512x1000xi1> to vector<512x1000xi32>
    %convert_element_type3A_135 = arith.sitofp %convert_element_type3A_134 : vector<512x1000xi32> to vector<512x1000xf32>
    %slice3A_136 = vector.extract_strided_slice %add3A_36 {offsets = [5000, 0], sizes = [1000, 128], strides = [1, 1]} : vector<10000x128xf32> to vector<1000x128xf32>
    %dot_general3A_137 = arith.constant dense<0.000000e+00> : vector<512x128xf32>
    %dot_general3A_138 = tpu.matmul %convert_element_type3A_135, %slice3A_136, %dot_general3A_137 {dimension_numbers = #tpu.dot_dimension_numbers<[1], [0], [0], [1], [0, 0, 1, 1], [], []>, transpose_lhs_hint = false} : vector<512x1000xf32>, vector<1000x128xf32>, vector<512x128xf32> -> vector<512x128xf32>
    %add3A_139 = arith.addf %add3A_121, %dot_general3A_138 : vector<512x128xf32>
    %reduce_sum3A_140 = arith.constant dense<0.000000e+00> : vector<512xf32>
    %reduce_sum3A_141 = vector.multi_reduction <add>, %convert_element_type3A_135, %reduce_sum3A_140 [1] : vector<512x1000xf32> to vector<512xf32>
    %broadcast_in_dim3A_142 = vector.shape_cast %reduce_sum3A_141 : vector<512xf32> to vector<512x1xf32>
    %add3A_143 = arith.addf %add3A_125, %broadcast_in_dim3A_142 : vector<512x1xf32>
    %get3A_144 = arith.constant 6 : index
    %get3A_145 = arith.constant 0 : index
    %get3A_146 = vector.load %arg4[%get3A_144, %get3A_145] : memref<10x1000xi32, #tpu.memory_space<vmem>>, vector<1x1000xi32>
    %get3A_147 = vector.shape_cast %get3A_146 : vector<1x1000xi32> to vector<1000xi32>
    %broadcast_in_dim3A_148 = vector.shape_cast %get3A_147 : vector<1000xi32> to vector<1x1000xi32>
    %iota3A_149 = tpu.iota {dimensions = array<i32: 0>} : vector<512x1000xi32>
    %eq3A_150 = vector.broadcast %broadcast_in_dim3A_148 : vector<1x1000xi32> to vector<512x1000xi32>
    %eq3A_151 = arith.cmpi eq, %eq3A_150, %iota3A_149 : vector<512x1000xi32>
    %convert_element_type3A_152 = arith.extui %eq3A_151 : vector<512x1000xi1> to vector<512x1000xi32>
    %convert_element_type3A_153 = arith.sitofp %convert_element_type3A_152 : vector<512x1000xi32> to vector<512x1000xf32>
    %slice3A_154 = vector.extract_strided_slice %add3A_36 {offsets = [6000, 0], sizes = [1000, 128], strides = [1, 1]} : vector<10000x128xf32> to vector<1000x128xf32>
    %dot_general3A_155 = arith.constant dense<0.000000e+00> : vector<512x128xf32>
    %dot_general3A_156 = tpu.matmul %convert_element_type3A_153, %slice3A_154, %dot_general3A_155 {dimension_numbers = #tpu.dot_dimension_numbers<[1], [0], [0], [1], [0, 0, 1, 1], [], []>, transpose_lhs_hint = false} : vector<512x1000xf32>, vector<1000x128xf32>, vector<512x128xf32> -> vector<512x128xf32>
    %add3A_157 = arith.addf %add3A_139, %dot_general3A_156 : vector<512x128xf32>
    %reduce_sum3A_158 = arith.constant dense<0.000000e+00> : vector<512xf32>
    %reduce_sum3A_159 = vector.multi_reduction <add>, %convert_element_type3A_153, %reduce_sum3A_158 [1] : vector<512x1000xf32> to vector<512xf32>
    %broadcast_in_dim3A_160 = vector.shape_cast %reduce_sum3A_159 : vector<512xf32> to vector<512x1xf32>
    %add3A_161 = arith.addf %add3A_143, %broadcast_in_dim3A_160 : vector<512x1xf32>
    %get3A_162 = arith.constant 7 : index
    %get3A_163 = arith.constant 0 : index
    %get3A_164 = vector.load %arg4[%get3A_162, %get3A_163] : memref<10x1000xi32, #tpu.memory_space<vmem>>, vector<1x1000xi32>
    %get3A_165 = vector.shape_cast %get3A_164 : vector<1x1000xi32> to vector<1000xi32>
    %broadcast_in_dim3A_166 = vector.shape_cast %get3A_165 : vector<1000xi32> to vector<1x1000xi32>
    %iota3A_167 = tpu.iota {dimensions = array<i32: 0>} : vector<512x1000xi32>
    %eq3A_168 = vector.broadcast %broadcast_in_dim3A_166 : vector<1x1000xi32> to vector<512x1000xi32>
    %eq3A_169 = arith.cmpi eq, %eq3A_168, %iota3A_167 : vector<512x1000xi32>
    %convert_element_type3A_170 = arith.extui %eq3A_169 : vector<512x1000xi1> to vector<512x1000xi32>
    %convert_element_type3A_171 = arith.sitofp %convert_element_type3A_170 : vector<512x1000xi32> to vector<512x1000xf32>
    %slice3A_172 = vector.extract_strided_slice %add3A_36 {offsets = [7000, 0], sizes = [1000, 128], strides = [1, 1]} : vector<10000x128xf32> to vector<1000x128xf32>
    %dot_general3A_173 = arith.constant dense<0.000000e+00> : vector<512x128xf32>
    %dot_general3A_174 = tpu.matmul %convert_element_type3A_171, %slice3A_172, %dot_general3A_173 {dimension_numbers = #tpu.dot_dimension_numbers<[1], [0], [0], [1], [0, 0, 1, 1], [], []>, transpose_lhs_hint = false} : vector<512x1000xf32>, vector<1000x128xf32>, vector<512x128xf32> -> vector<512x128xf32>
    %add3A_175 = arith.addf %add3A_157, %dot_general3A_174 : vector<512x128xf32>
    %reduce_sum3A_176 = arith.constant dense<0.000000e+00> : vector<512xf32>
    %reduce_sum3A_177 = vector.multi_reduction <add>, %convert_element_type3A_171, %reduce_sum3A_176 [1] : vector<512x1000xf32> to vector<512xf32>
    %broadcast_in_dim3A_178 = vector.shape_cast %reduce_sum3A_177 : vector<512xf32> to vector<512x1xf32>
    %add3A_179 = arith.addf %add3A_161, %broadcast_in_dim3A_178 : vector<512x1xf32>
    %get3A_180 = arith.constant 8 : index
    %get3A_181 = arith.constant 0 : index
    %get3A_182 = vector.load %arg4[%get3A_180, %get3A_181] : memref<10x1000xi32, #tpu.memory_space<vmem>>, vector<1x1000xi32>
    %get3A_183 = vector.shape_cast %get3A_182 : vector<1x1000xi32> to vector<1000xi32>
    %broadcast_in_dim3A_184 = vector.shape_cast %get3A_183 : vector<1000xi32> to vector<1x1000xi32>
    %iota3A_185 = tpu.iota {dimensions = array<i32: 0>} : vector<512x1000xi32>
    %eq3A_186 = vector.broadcast %broadcast_in_dim3A_184 : vector<1x1000xi32> to vector<512x1000xi32>
    %eq3A_187 = arith.cmpi eq, %eq3A_186, %iota3A_185 : vector<512x1000xi32>
    %convert_element_type3A_188 = arith.extui %eq3A_187 : vector<512x1000xi1> to vector<512x1000xi32>
    %convert_element_type3A_189 = arith.sitofp %convert_element_type3A_188 : vector<512x1000xi32> to vector<512x1000xf32>
    %slice3A_190 = vector.extract_strided_slice %add3A_36 {offsets = [8000, 0], sizes = [1000, 128], strides = [1, 1]} : vector<10000x128xf32> to vector<1000x128xf32>
    %dot_general3A_191 = arith.constant dense<0.000000e+00> : vector<512x128xf32>
    %dot_general3A_192 = tpu.matmul %convert_element_type3A_189, %slice3A_190, %dot_general3A_191 {dimension_numbers = #tpu.dot_dimension_numbers<[1], [0], [0], [1], [0, 0, 1, 1], [], []>, transpose_lhs_hint = false} : vector<512x1000xf32>, vector<1000x128xf32>, vector<512x128xf32> -> vector<512x128xf32>
    %add3A_193 = arith.addf %add3A_175, %dot_general3A_192 : vector<512x128xf32>
    %reduce_sum3A_194 = arith.constant dense<0.000000e+00> : vector<512xf32>
    %reduce_sum3A_195 = vector.multi_reduction <add>, %convert_element_type3A_189, %reduce_sum3A_194 [1] : vector<512x1000xf32> to vector<512xf32>
    %broadcast_in_dim3A_196 = vector.shape_cast %reduce_sum3A_195 : vector<512xf32> to vector<512x1xf32>
    %add3A_197 = arith.addf %add3A_179, %broadcast_in_dim3A_196 : vector<512x1xf32>
    %get3A_198 = arith.constant 9 : index
    %get3A_199 = arith.constant 0 : index
    %get3A_200 = vector.load %arg4[%get3A_198, %get3A_199] : memref<10x1000xi32, #tpu.memory_space<vmem>>, vector<1x1000xi32>
    %get3A_201 = vector.shape_cast %get3A_200 : vector<1x1000xi32> to vector<1000xi32>
    %broadcast_in_dim3A_202 = vector.shape_cast %get3A_201 : vector<1000xi32> to vector<1x1000xi32>
    %iota3A_203 = tpu.iota {dimensions = array<i32: 0>} : vector<512x1000xi32>
    %eq3A_204 = vector.broadcast %broadcast_in_dim3A_202 : vector<1x1000xi32> to vector<512x1000xi32>
    %eq3A_205 = arith.cmpi eq, %eq3A_204, %iota3A_203 : vector<512x1000xi32>
    %convert_element_type3A_206 = arith.extui %eq3A_205 : vector<512x1000xi1> to vector<512x1000xi32>
    %convert_element_type3A_207 = arith.sitofp %convert_element_type3A_206 : vector<512x1000xi32> to vector<512x1000xf32>
    %slice3A_208 = vector.extract_strided_slice %add3A_36 {offsets = [9000, 0], sizes = [1000, 128], strides = [1, 1]} : vector<10000x128xf32> to vector<1000x128xf32>
    %dot_general3A_209 = arith.constant dense<0.000000e+00> : vector<512x128xf32>
    %dot_general3A_210 = tpu.matmul %convert_element_type3A_207, %slice3A_208, %dot_general3A_209 {dimension_numbers = #tpu.dot_dimension_numbers<[1], [0], [0], [1], [0, 0, 1, 1], [], []>, transpose_lhs_hint = false} : vector<512x1000xf32>, vector<1000x128xf32>, vector<512x128xf32> -> vector<512x128xf32>
    %add3A_211 = arith.addf %add3A_193, %dot_general3A_210 : vector<512x128xf32>
    %reduce_sum3A_212 = arith.constant dense<0.000000e+00> : vector<512xf32>
    %reduce_sum3A_213 = vector.multi_reduction <add>, %convert_element_type3A_207, %reduce_sum3A_212 [1] : vector<512x1000xf32> to vector<512xf32>
    %broadcast_in_dim3A_214 = vector.shape_cast %reduce_sum3A_213 : vector<512xf32> to vector<512x1xf32>
    %add3A_215 = arith.addf %add3A_197, %broadcast_in_dim3A_214 : vector<512x1xf32>
    %max3A = arith.constant 1.000000e+00 : f32
    %max3A_216 = vector.broadcast %max3A : f32 to vector<512x1xf32>
    %max3A_217 = arith.maximumf %add3A_215, %max3A_216 : vector<512x1xf32>
    %div3A = vector.broadcast %max3A_217 : vector<512x1xf32> to vector<512x128xf32>
    %div3A_218 = arith.divf %add3A_211, %div3A : vector<512x128xf32>
    %get3A_219 = arith.constant 0 : index
    %get3A_220 = arith.constant 0 : index
    %get3A_221 = vector.load %arg5[%get3A_219, %get3A_220] : memref<128x16xf32, #tpu.memory_space<vmem>>, vector<128x16xf32>
    %dot_general3A_222 = arith.constant dense<0.000000e+00> : vector<512x16xf32>
    %dot_general3A_223 = tpu.matmul %div3A_218, %get3A_221, %dot_general3A_222 {dimension_numbers = #tpu.dot_dimension_numbers<[1], [0], [0], [1], [0, 0, 1, 1], [], []>, transpose_lhs_hint = false} : vector<512x128xf32>, vector<128x16xf32>, vector<512x16xf32> -> vector<512x16xf32>
    %get3A_224 = arith.constant 0 : index
    %get3A_225 = vector.load %arg6[%get3A_224] : memref<16xf32, #tpu.memory_space<vmem>>, vector<16xf32>
    %broadcast_in_dim3A_226 = vector.shape_cast %get3A_225 : vector<16xf32> to vector<1x16xf32>
    %add3A_227 = vector.broadcast %broadcast_in_dim3A_226 : vector<1x16xf32> to vector<512x16xf32>
    %add3A_228 = arith.addf %dot_general3A_223, %add3A_227 : vector<512x16xf32>
    %reduce_max3A = arith.constant dense<0xFF800000> : vector<512xf32>
    %reduce_max3A_229 = vector.multi_reduction <maximumf>, %add3A_228, %reduce_max3A [1] : vector<512x16xf32> to vector<512xf32>
    %broadcast_in_dim3A_230 = vector.shape_cast %reduce_max3A_229 : vector<512xf32> to vector<512x1xf32>
    %eq3A_231 = vector.broadcast %broadcast_in_dim3A_230 : vector<512x1xf32> to vector<512x16xf32>
    %eq3A_232 = arith.cmpf oeq, %add3A_228, %eq3A_231 : vector<512x16xf32>
    %iota3A_233 = tpu.iota {dimensions = array<i32: 1>} : vector<512x16xi32>
    %jit3A = arith.constant 16 : i32
    %broadcast_in_dim3A_234 = vector.broadcast %jit3A : i32 to vector<512x16xi32>
    %select_n3A = arith.select %eq3A_232, %iota3A_233, %broadcast_in_dim3A_234 : vector<512x16xi1>, vector<512x16xi32>
    %reduce_min3A = arith.constant dense<2147483647> : vector<512xi32>
    %reduce_min3A_235 = vector.multi_reduction <minsi>, %select_n3A, %reduce_min3A [1] : vector<512x16xi32> to vector<512xi32>
    %broadcast_in_dim3A_236 = vector.shape_cast %reduce_min3A_235 : vector<512xi32> to vector<512x1xi32>
    %broadcast_in_dim3A_237 = arith.constant 0.000000e+00 : f32
    %broadcast_in_dim3A_238 = vector.broadcast %broadcast_in_dim3A_237 : f32 to vector<512x64xf32>
    %eq3A_239 = arith.constant 0 : i32
    %eq3A_240 = vector.broadcast %eq3A_239 : i32 to vector<512x1xi32>
    %eq3A_241 = arith.cmpi eq, %broadcast_in_dim3A_236, %eq3A_240 : vector<512x1xi32>
    %convert_element_type3A_242 = arith.extui %eq3A_241 : vector<512x1xi1> to vector<512x1xi32>
    %convert_element_type3A_243 = arith.sitofp %convert_element_type3A_242 : vector<512x1xi32> to vector<512x1xf32>
    %get3A_244 = arith.constant 0 : index
    %get3A_245 = arith.constant 0 : index
    %get3A_246 = arith.constant 0 : index
    %get3A_247 = vector.load %arg7[%get3A_244, %get3A_245, %get3A_246] : memref<16x128x64xf32, #tpu.memory_space<vmem>>, vector<1x128x64xf32>
    %get3A_248 = vector.shape_cast %get3A_247 : vector<1x128x64xf32> to vector<128x64xf32>
    %dot_general3A_249 = arith.constant dense<0.000000e+00> : vector<512x64xf32>
    %dot_general3A_250 = tpu.matmul %div3A_218, %get3A_248, %dot_general3A_249 {dimension_numbers = #tpu.dot_dimension_numbers<[1], [0], [0], [1], [0, 0, 1, 1], [], []>, transpose_lhs_hint = false} : vector<512x128xf32>, vector<128x64xf32>, vector<512x64xf32> -> vector<512x64xf32>
    %get3A_251 = arith.constant 0 : index
    %get3A_252 = arith.constant 0 : index
    %get3A_253 = vector.load %arg8[%get3A_251, %get3A_252] : memref<16x64xf32, #tpu.memory_space<vmem>>, vector<1x64xf32>
    %get3A_254 = vector.shape_cast %get3A_253 : vector<1x64xf32> to vector<64xf32>
    %broadcast_in_dim3A_255 = vector.shape_cast %get3A_254 : vector<64xf32> to vector<1x64xf32>
    %add3A_256 = vector.broadcast %broadcast_in_dim3A_255 : vector<1x64xf32> to vector<512x64xf32>
    %add3A_257 = arith.addf %dot_general3A_250, %add3A_256 : vector<512x64xf32>
    %mul3A_258 = vector.broadcast %convert_element_type3A_243 : vector<512x1xf32> to vector<512x64xf32>
    %mul3A_259 = arith.mulf %mul3A_258, %add3A_257 : vector<512x64xf32>
    %add3A_260 = arith.addf %broadcast_in_dim3A_238, %mul3A_259 : vector<512x64xf32>
    %eq3A_261 = arith.constant 1 : i32
    %eq3A_262 = vector.broadcast %eq3A_261 : i32 to vector<512x1xi32>
    %eq3A_263 = arith.cmpi eq, %broadcast_in_dim3A_236, %eq3A_262 : vector<512x1xi32>
    %convert_element_type3A_264 = arith.extui %eq3A_263 : vector<512x1xi1> to vector<512x1xi32>
    %convert_element_type3A_265 = arith.sitofp %convert_element_type3A_264 : vector<512x1xi32> to vector<512x1xf32>
    %get3A_266 = arith.constant 1 : index
    %get3A_267 = arith.constant 0 : index
    %get3A_268 = arith.constant 0 : index
    %get3A_269 = vector.load %arg7[%get3A_266, %get3A_267, %get3A_268] : memref<16x128x64xf32, #tpu.memory_space<vmem>>, vector<1x128x64xf32>
    %get3A_270 = vector.shape_cast %get3A_269 : vector<1x128x64xf32> to vector<128x64xf32>
    %dot_general3A_271 = arith.constant dense<0.000000e+00> : vector<512x64xf32>
    %dot_general3A_272 = tpu.matmul %div3A_218, %get3A_270, %dot_general3A_271 {dimension_numbers = #tpu.dot_dimension_numbers<[1], [0], [0], [1], [0, 0, 1, 1], [], []>, transpose_lhs_hint = false} : vector<512x128xf32>, vector<128x64xf32>, vector<512x64xf32> -> vector<512x64xf32>
    %get3A_273 = arith.constant 1 : index
    %get3A_274 = arith.constant 0 : index
    %get3A_275 = vector.load %arg8[%get3A_273, %get3A_274] : memref<16x64xf32, #tpu.memory_space<vmem>>, vector<1x64xf32>
    %get3A_276 = vector.shape_cast %get3A_275 : vector<1x64xf32> to vector<64xf32>
    %broadcast_in_dim3A_277 = vector.shape_cast %get3A_276 : vector<64xf32> to vector<1x64xf32>
    %add3A_278 = vector.broadcast %broadcast_in_dim3A_277 : vector<1x64xf32> to vector<512x64xf32>
    %add3A_279 = arith.addf %dot_general3A_272, %add3A_278 : vector<512x64xf32>
    %mul3A_280 = vector.broadcast %convert_element_type3A_265 : vector<512x1xf32> to vector<512x64xf32>
    %mul3A_281 = arith.mulf %mul3A_280, %add3A_279 : vector<512x64xf32>
    %add3A_282 = arith.addf %add3A_260, %mul3A_281 : vector<512x64xf32>
    %eq3A_283 = arith.constant 2 : i32
    %eq3A_284 = vector.broadcast %eq3A_283 : i32 to vector<512x1xi32>
    %eq3A_285 = arith.cmpi eq, %broadcast_in_dim3A_236, %eq3A_284 : vector<512x1xi32>
    %convert_element_type3A_286 = arith.extui %eq3A_285 : vector<512x1xi1> to vector<512x1xi32>
    %convert_element_type3A_287 = arith.sitofp %convert_element_type3A_286 : vector<512x1xi32> to vector<512x1xf32>
    %get3A_288 = arith.constant 2 : index
    %get3A_289 = arith.constant 0 : index
    %get3A_290 = arith.constant 0 : index
    %get3A_291 = vector.load %arg7[%get3A_288, %get3A_289, %get3A_290] : memref<16x128x64xf32, #tpu.memory_space<vmem>>, vector<1x128x64xf32>
    %get3A_292 = vector.shape_cast %get3A_291 : vector<1x128x64xf32> to vector<128x64xf32>
    %dot_general3A_293 = arith.constant dense<0.000000e+00> : vector<512x64xf32>
    %dot_general3A_294 = tpu.matmul %div3A_218, %get3A_292, %dot_general3A_293 {dimension_numbers = #tpu.dot_dimension_numbers<[1], [0], [0], [1], [0, 0, 1, 1], [], []>, transpose_lhs_hint = false} : vector<512x128xf32>, vector<128x64xf32>, vector<512x64xf32> -> vector<512x64xf32>
    %get3A_295 = arith.constant 2 : index
    %get3A_296 = arith.constant 0 : index
    %get3A_297 = vector.load %arg8[%get3A_295, %get3A_296] : memref<16x64xf32, #tpu.memory_space<vmem>>, vector<1x64xf32>
    %get3A_298 = vector.shape_cast %get3A_297 : vector<1x64xf32> to vector<64xf32>
    %broadcast_in_dim3A_299 = vector.shape_cast %get3A_298 : vector<64xf32> to vector<1x64xf32>
    %add3A_300 = vector.broadcast %broadcast_in_dim3A_299 : vector<1x64xf32> to vector<512x64xf32>
    %add3A_301 = arith.addf %dot_general3A_294, %add3A_300 : vector<512x64xf32>
    %mul3A_302 = vector.broadcast %convert_element_type3A_287 : vector<512x1xf32> to vector<512x64xf32>
    %mul3A_303 = arith.mulf %mul3A_302, %add3A_301 : vector<512x64xf32>
    %add3A_304 = arith.addf %add3A_282, %mul3A_303 : vector<512x64xf32>
    %eq3A_305 = arith.constant 3 : i32
    %eq3A_306 = vector.broadcast %eq3A_305 : i32 to vector<512x1xi32>
    %eq3A_307 = arith.cmpi eq, %broadcast_in_dim3A_236, %eq3A_306 : vector<512x1xi32>
    %convert_element_type3A_308 = arith.extui %eq3A_307 : vector<512x1xi1> to vector<512x1xi32>
    %convert_element_type3A_309 = arith.sitofp %convert_element_type3A_308 : vector<512x1xi32> to vector<512x1xf32>
    %get3A_310 = arith.constant 3 : index
    %get3A_311 = arith.constant 0 : index
    %get3A_312 = arith.constant 0 : index
    %get3A_313 = vector.load %arg7[%get3A_310, %get3A_311, %get3A_312] : memref<16x128x64xf32, #tpu.memory_space<vmem>>, vector<1x128x64xf32>
    %get3A_314 = vector.shape_cast %get3A_313 : vector<1x128x64xf32> to vector<128x64xf32>
    %dot_general3A_315 = arith.constant dense<0.000000e+00> : vector<512x64xf32>
    %dot_general3A_316 = tpu.matmul %div3A_218, %get3A_314, %dot_general3A_315 {dimension_numbers = #tpu.dot_dimension_numbers<[1], [0], [0], [1], [0, 0, 1, 1], [], []>, transpose_lhs_hint = false} : vector<512x128xf32>, vector<128x64xf32>, vector<512x64xf32> -> vector<512x64xf32>
    %get3A_317 = arith.constant 3 : index
    %get3A_318 = arith.constant 0 : index
    %get3A_319 = vector.load %arg8[%get3A_317, %get3A_318] : memref<16x64xf32, #tpu.memory_space<vmem>>, vector<1x64xf32>
    %get3A_320 = vector.shape_cast %get3A_319 : vector<1x64xf32> to vector<64xf32>
    %broadcast_in_dim3A_321 = vector.shape_cast %get3A_320 : vector<64xf32> to vector<1x64xf32>
    %add3A_322 = vector.broadcast %broadcast_in_dim3A_321 : vector<1x64xf32> to vector<512x64xf32>
    %add3A_323 = arith.addf %dot_general3A_316, %add3A_322 : vector<512x64xf32>
    %mul3A_324 = vector.broadcast %convert_element_type3A_309 : vector<512x1xf32> to vector<512x64xf32>
    %mul3A_325 = arith.mulf %mul3A_324, %add3A_323 : vector<512x64xf32>
    %add3A_326 = arith.addf %add3A_304, %mul3A_325 : vector<512x64xf32>
    %eq3A_327 = arith.constant 4 : i32
    %eq3A_328 = vector.broadcast %eq3A_327 : i32 to vector<512x1xi32>
    %eq3A_329 = arith.cmpi eq, %broadcast_in_dim3A_236, %eq3A_328 : vector<512x1xi32>
    %convert_element_type3A_330 = arith.extui %eq3A_329 : vector<512x1xi1> to vector<512x1xi32>
    %convert_element_type3A_331 = arith.sitofp %convert_element_type3A_330 : vector<512x1xi32> to vector<512x1xf32>
    %get3A_332 = arith.constant 4 : index
    %get3A_333 = arith.constant 0 : index
    %get3A_334 = arith.constant 0 : index
    %get3A_335 = vector.load %arg7[%get3A_332, %get3A_333, %get3A_334] : memref<16x128x64xf32, #tpu.memory_space<vmem>>, vector<1x128x64xf32>
    %get3A_336 = vector.shape_cast %get3A_335 : vector<1x128x64xf32> to vector<128x64xf32>
    %dot_general3A_337 = arith.constant dense<0.000000e+00> : vector<512x64xf32>
    %dot_general3A_338 = tpu.matmul %div3A_218, %get3A_336, %dot_general3A_337 {dimension_numbers = #tpu.dot_dimension_numbers<[1], [0], [0], [1], [0, 0, 1, 1], [], []>, transpose_lhs_hint = false} : vector<512x128xf32>, vector<128x64xf32>, vector<512x64xf32> -> vector<512x64xf32>
    %get3A_339 = arith.constant 4 : index
    %get3A_340 = arith.constant 0 : index
    %get3A_341 = vector.load %arg8[%get3A_339, %get3A_340] : memref<16x64xf32, #tpu.memory_space<vmem>>, vector<1x64xf32>
    %get3A_342 = vector.shape_cast %get3A_341 : vector<1x64xf32> to vector<64xf32>
    %broadcast_in_dim3A_343 = vector.shape_cast %get3A_342 : vector<64xf32> to vector<1x64xf32>
    %add3A_344 = vector.broadcast %broadcast_in_dim3A_343 : vector<1x64xf32> to vector<512x64xf32>
    %add3A_345 = arith.addf %dot_general3A_338, %add3A_344 : vector<512x64xf32>
    %mul3A_346 = vector.broadcast %convert_element_type3A_331 : vector<512x1xf32> to vector<512x64xf32>
    %mul3A_347 = arith.mulf %mul3A_346, %add3A_345 : vector<512x64xf32>
    %add3A_348 = arith.addf %add3A_326, %mul3A_347 : vector<512x64xf32>
    %eq3A_349 = arith.constant 5 : i32
    %eq3A_350 = vector.broadcast %eq3A_349 : i32 to vector<512x1xi32>
    %eq3A_351 = arith.cmpi eq, %broadcast_in_dim3A_236, %eq3A_350 : vector<512x1xi32>
    %convert_element_type3A_352 = arith.extui %eq3A_351 : vector<512x1xi1> to vector<512x1xi32>
    %convert_element_type3A_353 = arith.sitofp %convert_element_type3A_352 : vector<512x1xi32> to vector<512x1xf32>
    %get3A_354 = arith.constant 5 : index
    %get3A_355 = arith.constant 0 : index
    %get3A_356 = arith.constant 0 : index
    %get3A_357 = vector.load %arg7[%get3A_354, %get3A_355, %get3A_356] : memref<16x128x64xf32, #tpu.memory_space<vmem>>, vector<1x128x64xf32>
    %get3A_358 = vector.shape_cast %get3A_357 : vector<1x128x64xf32> to vector<128x64xf32>
    %dot_general3A_359 = arith.constant dense<0.000000e+00> : vector<512x64xf32>
    %dot_general3A_360 = tpu.matmul %div3A_218, %get3A_358, %dot_general3A_359 {dimension_numbers = #tpu.dot_dimension_numbers<[1], [0], [0], [1], [0, 0, 1, 1], [], []>, transpose_lhs_hint = false} : vector<512x128xf32>, vector<128x64xf32>, vector<512x64xf32> -> vector<512x64xf32>
    %get3A_361 = arith.constant 5 : index
    %get3A_362 = arith.constant 0 : index
    %get3A_363 = vector.load %arg8[%get3A_361, %get3A_362] : memref<16x64xf32, #tpu.memory_space<vmem>>, vector<1x64xf32>
    %get3A_364 = vector.shape_cast %get3A_363 : vector<1x64xf32> to vector<64xf32>
    %broadcast_in_dim3A_365 = vector.shape_cast %get3A_364 : vector<64xf32> to vector<1x64xf32>
    %add3A_366 = vector.broadcast %broadcast_in_dim3A_365 : vector<1x64xf32> to vector<512x64xf32>
    %add3A_367 = arith.addf %dot_general3A_360, %add3A_366 : vector<512x64xf32>
    %mul3A_368 = vector.broadcast %convert_element_type3A_353 : vector<512x1xf32> to vector<512x64xf32>
    %mul3A_369 = arith.mulf %mul3A_368, %add3A_367 : vector<512x64xf32>
    %add3A_370 = arith.addf %add3A_348, %mul3A_369 : vector<512x64xf32>
    %eq3A_371 = arith.constant 6 : i32
    %eq3A_372 = vector.broadcast %eq3A_371 : i32 to vector<512x1xi32>
    %eq3A_373 = arith.cmpi eq, %broadcast_in_dim3A_236, %eq3A_372 : vector<512x1xi32>
    %convert_element_type3A_374 = arith.extui %eq3A_373 : vector<512x1xi1> to vector<512x1xi32>
    %convert_element_type3A_375 = arith.sitofp %convert_element_type3A_374 : vector<512x1xi32> to vector<512x1xf32>
    %get3A_376 = arith.constant 6 : index
    %get3A_377 = arith.constant 0 : index
    %get3A_378 = arith.constant 0 : index
    %get3A_379 = vector.load %arg7[%get3A_376, %get3A_377, %get3A_378] : memref<16x128x64xf32, #tpu.memory_space<vmem>>, vector<1x128x64xf32>
    %get3A_380 = vector.shape_cast %get3A_379 : vector<1x128x64xf32> to vector<128x64xf32>
    %dot_general3A_381 = arith.constant dense<0.000000e+00> : vector<512x64xf32>
    %dot_general3A_382 = tpu.matmul %div3A_218, %get3A_380, %dot_general3A_381 {dimension_numbers = #tpu.dot_dimension_numbers<[1], [0], [0], [1], [0, 0, 1, 1], [], []>, transpose_lhs_hint = false} : vector<512x128xf32>, vector<128x64xf32>, vector<512x64xf32> -> vector<512x64xf32>
    %get3A_383 = arith.constant 6 : index
    %get3A_384 = arith.constant 0 : index
    %get3A_385 = vector.load %arg8[%get3A_383, %get3A_384] : memref<16x64xf32, #tpu.memory_space<vmem>>, vector<1x64xf32>
    %get3A_386 = vector.shape_cast %get3A_385 : vector<1x64xf32> to vector<64xf32>
    %broadcast_in_dim3A_387 = vector.shape_cast %get3A_386 : vector<64xf32> to vector<1x64xf32>
    %add3A_388 = vector.broadcast %broadcast_in_dim3A_387 : vector<1x64xf32> to vector<512x64xf32>
    %add3A_389 = arith.addf %dot_general3A_382, %add3A_388 : vector<512x64xf32>
    %mul3A_390 = vector.broadcast %convert_element_type3A_375 : vector<512x1xf32> to vector<512x64xf32>
    %mul3A_391 = arith.mulf %mul3A_390, %add3A_389 : vector<512x64xf32>
    %add3A_392 = arith.addf %add3A_370, %mul3A_391 : vector<512x64xf32>
    %eq3A_393 = arith.constant 7 : i32
    %eq3A_394 = vector.broadcast %eq3A_393 : i32 to vector<512x1xi32>
    %eq3A_395 = arith.cmpi eq, %broadcast_in_dim3A_236, %eq3A_394 : vector<512x1xi32>
    %convert_element_type3A_396 = arith.extui %eq3A_395 : vector<512x1xi1> to vector<512x1xi32>
    %convert_element_type3A_397 = arith.sitofp %convert_element_type3A_396 : vector<512x1xi32> to vector<512x1xf32>
    %get3A_398 = arith.constant 7 : index
    %get3A_399 = arith.constant 0 : index
    %get3A_400 = arith.constant 0 : index
    %get3A_401 = vector.load %arg7[%get3A_398, %get3A_399, %get3A_400] : memref<16x128x64xf32, #tpu.memory_space<vmem>>, vector<1x128x64xf32>
    %get3A_402 = vector.shape_cast %get3A_401 : vector<1x128x64xf32> to vector<128x64xf32>
    %dot_general3A_403 = arith.constant dense<0.000000e+00> : vector<512x64xf32>
    %dot_general3A_404 = tpu.matmul %div3A_218, %get3A_402, %dot_general3A_403 {dimension_numbers = #tpu.dot_dimension_numbers<[1], [0], [0], [1], [0, 0, 1, 1], [], []>, transpose_lhs_hint = false} : vector<512x128xf32>, vector<128x64xf32>, vector<512x64xf32> -> vector<512x64xf32>
    %get3A_405 = arith.constant 7 : index
    %get3A_406 = arith.constant 0 : index
    %get3A_407 = vector.load %arg8[%get3A_405, %get3A_406] : memref<16x64xf32, #tpu.memory_space<vmem>>, vector<1x64xf32>
    %get3A_408 = vector.shape_cast %get3A_407 : vector<1x64xf32> to vector<64xf32>
    %broadcast_in_dim3A_409 = vector.shape_cast %get3A_408 : vector<64xf32> to vector<1x64xf32>
    %add3A_410 = vector.broadcast %broadcast_in_dim3A_409 : vector<1x64xf32> to vector<512x64xf32>
    %add3A_411 = arith.addf %dot_general3A_404, %add3A_410 : vector<512x64xf32>
    %mul3A_412 = vector.broadcast %convert_element_type3A_397 : vector<512x1xf32> to vector<512x64xf32>
    %mul3A_413 = arith.mulf %mul3A_412, %add3A_411 : vector<512x64xf32>
    %add3A_414 = arith.addf %add3A_392, %mul3A_413 : vector<512x64xf32>
    %eq3A_415 = arith.constant 8 : i32
    %eq3A_416 = vector.broadcast %eq3A_415 : i32 to vector<512x1xi32>
    %eq3A_417 = arith.cmpi eq, %broadcast_in_dim3A_236, %eq3A_416 : vector<512x1xi32>
    %convert_element_type3A_418 = arith.extui %eq3A_417 : vector<512x1xi1> to vector<512x1xi32>
    %convert_element_type3A_419 = arith.sitofp %convert_element_type3A_418 : vector<512x1xi32> to vector<512x1xf32>
    %get3A_420 = arith.constant 8 : index
    %get3A_421 = arith.constant 0 : index
    %get3A_422 = arith.constant 0 : index
    %get3A_423 = vector.load %arg7[%get3A_420, %get3A_421, %get3A_422] : memref<16x128x64xf32, #tpu.memory_space<vmem>>, vector<1x128x64xf32>
    %get3A_424 = vector.shape_cast %get3A_423 : vector<1x128x64xf32> to vector<128x64xf32>
    %dot_general3A_425 = arith.constant dense<0.000000e+00> : vector<512x64xf32>
    %dot_general3A_426 = tpu.matmul %div3A_218, %get3A_424, %dot_general3A_425 {dimension_numbers = #tpu.dot_dimension_numbers<[1], [0], [0], [1], [0, 0, 1, 1], [], []>, transpose_lhs_hint = false} : vector<512x128xf32>, vector<128x64xf32>, vector<512x64xf32> -> vector<512x64xf32>
    %get3A_427 = arith.constant 8 : index
    %get3A_428 = arith.constant 0 : index
    %get3A_429 = vector.load %arg8[%get3A_427, %get3A_428] : memref<16x64xf32, #tpu.memory_space<vmem>>, vector<1x64xf32>
    %get3A_430 = vector.shape_cast %get3A_429 : vector<1x64xf32> to vector<64xf32>
    %broadcast_in_dim3A_431 = vector.shape_cast %get3A_430 : vector<64xf32> to vector<1x64xf32>
    %add3A_432 = vector.broadcast %broadcast_in_dim3A_431 : vector<1x64xf32> to vector<512x64xf32>
    %add3A_433 = arith.addf %dot_general3A_426, %add3A_432 : vector<512x64xf32>
    %mul3A_434 = vector.broadcast %convert_element_type3A_419 : vector<512x1xf32> to vector<512x64xf32>
    %mul3A_435 = arith.mulf %mul3A_434, %add3A_433 : vector<512x64xf32>
    %add3A_436 = arith.addf %add3A_414, %mul3A_435 : vector<512x64xf32>
    %eq3A_437 = arith.constant 9 : i32
    %eq3A_438 = vector.broadcast %eq3A_437 : i32 to vector<512x1xi32>
    %eq3A_439 = arith.cmpi eq, %broadcast_in_dim3A_236, %eq3A_438 : vector<512x1xi32>
    %convert_element_type3A_440 = arith.extui %eq3A_439 : vector<512x1xi1> to vector<512x1xi32>
    %convert_element_type3A_441 = arith.sitofp %convert_element_type3A_440 : vector<512x1xi32> to vector<512x1xf32>
    %get3A_442 = arith.constant 9 : index
    %get3A_443 = arith.constant 0 : index
    %get3A_444 = arith.constant 0 : index
    %get3A_445 = vector.load %arg7[%get3A_442, %get3A_443, %get3A_444] : memref<16x128x64xf32, #tpu.memory_space<vmem>>, vector<1x128x64xf32>
    %get3A_446 = vector.shape_cast %get3A_445 : vector<1x128x64xf32> to vector<128x64xf32>
    %dot_general3A_447 = arith.constant dense<0.000000e+00> : vector<512x64xf32>
    %dot_general3A_448 = tpu.matmul %div3A_218, %get3A_446, %dot_general3A_447 {dimension_numbers = #tpu.dot_dimension_numbers<[1], [0], [0], [1], [0, 0, 1, 1], [], []>, transpose_lhs_hint = false} : vector<512x128xf32>, vector<128x64xf32>, vector<512x64xf32> -> vector<512x64xf32>
    %get3A_449 = arith.constant 9 : index
    %get3A_450 = arith.constant 0 : index
    %get3A_451 = vector.load %arg8[%get3A_449, %get3A_450] : memref<16x64xf32, #tpu.memory_space<vmem>>, vector<1x64xf32>
    %get3A_452 = vector.shape_cast %get3A_451 : vector<1x64xf32> to vector<64xf32>
    %broadcast_in_dim3A_453 = vector.shape_cast %get3A_452 : vector<64xf32> to vector<1x64xf32>
    %add3A_454 = vector.broadcast %broadcast_in_dim3A_453 : vector<1x64xf32> to vector<512x64xf32>
    %add3A_455 = arith.addf %dot_general3A_448, %add3A_454 : vector<512x64xf32>
    %mul3A_456 = vector.broadcast %convert_element_type3A_441 : vector<512x1xf32> to vector<512x64xf32>
    %mul3A_457 = arith.mulf %mul3A_456, %add3A_455 : vector<512x64xf32>
    %add3A_458 = arith.addf %add3A_436, %mul3A_457 : vector<512x64xf32>
    %eq3A_459 = arith.constant 10 : i32
    %eq3A_460 = vector.broadcast %eq3A_459 : i32 to vector<512x1xi32>
    %eq3A_461 = arith.cmpi eq, %broadcast_in_dim3A_236, %eq3A_460 : vector<512x1xi32>
    %convert_element_type3A_462 = arith.extui %eq3A_461 : vector<512x1xi1> to vector<512x1xi32>
    %convert_element_type3A_463 = arith.sitofp %convert_element_type3A_462 : vector<512x1xi32> to vector<512x1xf32>
    %get3A_464 = arith.constant 10 : index
    %get3A_465 = arith.constant 0 : index
    %get3A_466 = arith.constant 0 : index
    %get3A_467 = vector.load %arg7[%get3A_464, %get3A_465, %get3A_466] : memref<16x128x64xf32, #tpu.memory_space<vmem>>, vector<1x128x64xf32>
    %get3A_468 = vector.shape_cast %get3A_467 : vector<1x128x64xf32> to vector<128x64xf32>
    %dot_general3A_469 = arith.constant dense<0.000000e+00> : vector<512x64xf32>
    %dot_general3A_470 = tpu.matmul %div3A_218, %get3A_468, %dot_general3A_469 {dimension_numbers = #tpu.dot_dimension_numbers<[1], [0], [0], [1], [0, 0, 1, 1], [], []>, transpose_lhs_hint = false} : vector<512x128xf32>, vector<128x64xf32>, vector<512x64xf32> -> vector<512x64xf32>
    %get3A_471 = arith.constant 10 : index
    %get3A_472 = arith.constant 0 : index
    %get3A_473 = vector.load %arg8[%get3A_471, %get3A_472] : memref<16x64xf32, #tpu.memory_space<vmem>>, vector<1x64xf32>
    %get3A_474 = vector.shape_cast %get3A_473 : vector<1x64xf32> to vector<64xf32>
    %broadcast_in_dim3A_475 = vector.shape_cast %get3A_474 : vector<64xf32> to vector<1x64xf32>
    %add3A_476 = vector.broadcast %broadcast_in_dim3A_475 : vector<1x64xf32> to vector<512x64xf32>
    %add3A_477 = arith.addf %dot_general3A_470, %add3A_476 : vector<512x64xf32>
    %mul3A_478 = vector.broadcast %convert_element_type3A_463 : vector<512x1xf32> to vector<512x64xf32>
    %mul3A_479 = arith.mulf %mul3A_478, %add3A_477 : vector<512x64xf32>
    %add3A_480 = arith.addf %add3A_458, %mul3A_479 : vector<512x64xf32>
    %eq3A_481 = arith.constant 11 : i32
    %eq3A_482 = vector.broadcast %eq3A_481 : i32 to vector<512x1xi32>
    %eq3A_483 = arith.cmpi eq, %broadcast_in_dim3A_236, %eq3A_482 : vector<512x1xi32>
    %convert_element_type3A_484 = arith.extui %eq3A_483 : vector<512x1xi1> to vector<512x1xi32>
    %convert_element_type3A_485 = arith.sitofp %convert_element_type3A_484 : vector<512x1xi32> to vector<512x1xf32>
    %get3A_486 = arith.constant 11 : index
    %get3A_487 = arith.constant 0 : index
    %get3A_488 = arith.constant 0 : index
    %get3A_489 = vector.load %arg7[%get3A_486, %get3A_487, %get3A_488] : memref<16x128x64xf32, #tpu.memory_space<vmem>>, vector<1x128x64xf32>
    %get3A_490 = vector.shape_cast %get3A_489 : vector<1x128x64xf32> to vector<128x64xf32>
    %dot_general3A_491 = arith.constant dense<0.000000e+00> : vector<512x64xf32>
    %dot_general3A_492 = tpu.matmul %div3A_218, %get3A_490, %dot_general3A_491 {dimension_numbers = #tpu.dot_dimension_numbers<[1], [0], [0], [1], [0, 0, 1, 1], [], []>, transpose_lhs_hint = false} : vector<512x128xf32>, vector<128x64xf32>, vector<512x64xf32> -> vector<512x64xf32>
    %get3A_493 = arith.constant 11 : index
    %get3A_494 = arith.constant 0 : index
    %get3A_495 = vector.load %arg8[%get3A_493, %get3A_494] : memref<16x64xf32, #tpu.memory_space<vmem>>, vector<1x64xf32>
    %get3A_496 = vector.shape_cast %get3A_495 : vector<1x64xf32> to vector<64xf32>
    %broadcast_in_dim3A_497 = vector.shape_cast %get3A_496 : vector<64xf32> to vector<1x64xf32>
    %add3A_498 = vector.broadcast %broadcast_in_dim3A_497 : vector<1x64xf32> to vector<512x64xf32>
    %add3A_499 = arith.addf %dot_general3A_492, %add3A_498 : vector<512x64xf32>
    %mul3A_500 = vector.broadcast %convert_element_type3A_485 : vector<512x1xf32> to vector<512x64xf32>
    %mul3A_501 = arith.mulf %mul3A_500, %add3A_499 : vector<512x64xf32>
    %add3A_502 = arith.addf %add3A_480, %mul3A_501 : vector<512x64xf32>
    %eq3A_503 = arith.constant 12 : i32
    %eq3A_504 = vector.broadcast %eq3A_503 : i32 to vector<512x1xi32>
    %eq3A_505 = arith.cmpi eq, %broadcast_in_dim3A_236, %eq3A_504 : vector<512x1xi32>
    %convert_element_type3A_506 = arith.extui %eq3A_505 : vector<512x1xi1> to vector<512x1xi32>
    %convert_element_type3A_507 = arith.sitofp %convert_element_type3A_506 : vector<512x1xi32> to vector<512x1xf32>
    %get3A_508 = arith.constant 12 : index
    %get3A_509 = arith.constant 0 : index
    %get3A_510 = arith.constant 0 : index
    %get3A_511 = vector.load %arg7[%get3A_508, %get3A_509, %get3A_510] : memref<16x128x64xf32, #tpu.memory_space<vmem>>, vector<1x128x64xf32>
    %get3A_512 = vector.shape_cast %get3A_511 : vector<1x128x64xf32> to vector<128x64xf32>
    %dot_general3A_513 = arith.constant dense<0.000000e+00> : vector<512x64xf32>
    %dot_general3A_514 = tpu.matmul %div3A_218, %get3A_512, %dot_general3A_513 {dimension_numbers = #tpu.dot_dimension_numbers<[1], [0], [0], [1], [0, 0, 1, 1], [], []>, transpose_lhs_hint = false} : vector<512x128xf32>, vector<128x64xf32>, vector<512x64xf32> -> vector<512x64xf32>
    %get3A_515 = arith.constant 12 : index
    %get3A_516 = arith.constant 0 : index
    %get3A_517 = vector.load %arg8[%get3A_515, %get3A_516] : memref<16x64xf32, #tpu.memory_space<vmem>>, vector<1x64xf32>
    %get3A_518 = vector.shape_cast %get3A_517 : vector<1x64xf32> to vector<64xf32>
    %broadcast_in_dim3A_519 = vector.shape_cast %get3A_518 : vector<64xf32> to vector<1x64xf32>
    %add3A_520 = vector.broadcast %broadcast_in_dim3A_519 : vector<1x64xf32> to vector<512x64xf32>
    %add3A_521 = arith.addf %dot_general3A_514, %add3A_520 : vector<512x64xf32>
    %mul3A_522 = vector.broadcast %convert_element_type3A_507 : vector<512x1xf32> to vector<512x64xf32>
    %mul3A_523 = arith.mulf %mul3A_522, %add3A_521 : vector<512x64xf32>
    %add3A_524 = arith.addf %add3A_502, %mul3A_523 : vector<512x64xf32>
    %eq3A_525 = arith.constant 13 : i32
    %eq3A_526 = vector.broadcast %eq3A_525 : i32 to vector<512x1xi32>
    %eq3A_527 = arith.cmpi eq, %broadcast_in_dim3A_236, %eq3A_526 : vector<512x1xi32>
    %convert_element_type3A_528 = arith.extui %eq3A_527 : vector<512x1xi1> to vector<512x1xi32>
    %convert_element_type3A_529 = arith.sitofp %convert_element_type3A_528 : vector<512x1xi32> to vector<512x1xf32>
    %get3A_530 = arith.constant 13 : index
    %get3A_531 = arith.constant 0 : index
    %get3A_532 = arith.constant 0 : index
    %get3A_533 = vector.load %arg7[%get3A_530, %get3A_531, %get3A_532] : memref<16x128x64xf32, #tpu.memory_space<vmem>>, vector<1x128x64xf32>
    %get3A_534 = vector.shape_cast %get3A_533 : vector<1x128x64xf32> to vector<128x64xf32>
    %dot_general3A_535 = arith.constant dense<0.000000e+00> : vector<512x64xf32>
    %dot_general3A_536 = tpu.matmul %div3A_218, %get3A_534, %dot_general3A_535 {dimension_numbers = #tpu.dot_dimension_numbers<[1], [0], [0], [1], [0, 0, 1, 1], [], []>, transpose_lhs_hint = false} : vector<512x128xf32>, vector<128x64xf32>, vector<512x64xf32> -> vector<512x64xf32>
    %get3A_537 = arith.constant 13 : index
    %get3A_538 = arith.constant 0 : index
    %get3A_539 = vector.load %arg8[%get3A_537, %get3A_538] : memref<16x64xf32, #tpu.memory_space<vmem>>, vector<1x64xf32>
    %get3A_540 = vector.shape_cast %get3A_539 : vector<1x64xf32> to vector<64xf32>
    %broadcast_in_dim3A_541 = vector.shape_cast %get3A_540 : vector<64xf32> to vector<1x64xf32>
    %add3A_542 = vector.broadcast %broadcast_in_dim3A_541 : vector<1x64xf32> to vector<512x64xf32>
    %add3A_543 = arith.addf %dot_general3A_536, %add3A_542 : vector<512x64xf32>
    %mul3A_544 = vector.broadcast %convert_element_type3A_529 : vector<512x1xf32> to vector<512x64xf32>
    %mul3A_545 = arith.mulf %mul3A_544, %add3A_543 : vector<512x64xf32>
    %add3A_546 = arith.addf %add3A_524, %mul3A_545 : vector<512x64xf32>
    %eq3A_547 = arith.constant 14 : i32
    %eq3A_548 = vector.broadcast %eq3A_547 : i32 to vector<512x1xi32>
    %eq3A_549 = arith.cmpi eq, %broadcast_in_dim3A_236, %eq3A_548 : vector<512x1xi32>
    %convert_element_type3A_550 = arith.extui %eq3A_549 : vector<512x1xi1> to vector<512x1xi32>
    %convert_element_type3A_551 = arith.sitofp %convert_element_type3A_550 : vector<512x1xi32> to vector<512x1xf32>
    %get3A_552 = arith.constant 14 : index
    %get3A_553 = arith.constant 0 : index
    %get3A_554 = arith.constant 0 : index
    %get3A_555 = vector.load %arg7[%get3A_552, %get3A_553, %get3A_554] : memref<16x128x64xf32, #tpu.memory_space<vmem>>, vector<1x128x64xf32>
    %get3A_556 = vector.shape_cast %get3A_555 : vector<1x128x64xf32> to vector<128x64xf32>
    %dot_general3A_557 = arith.constant dense<0.000000e+00> : vector<512x64xf32>
    %dot_general3A_558 = tpu.matmul %div3A_218, %get3A_556, %dot_general3A_557 {dimension_numbers = #tpu.dot_dimension_numbers<[1], [0], [0], [1], [0, 0, 1, 1], [], []>, transpose_lhs_hint = false} : vector<512x128xf32>, vector<128x64xf32>, vector<512x64xf32> -> vector<512x64xf32>
    %get3A_559 = arith.constant 14 : index
    %get3A_560 = arith.constant 0 : index
    %get3A_561 = vector.load %arg8[%get3A_559, %get3A_560] : memref<16x64xf32, #tpu.memory_space<vmem>>, vector<1x64xf32>
    %get3A_562 = vector.shape_cast %get3A_561 : vector<1x64xf32> to vector<64xf32>
    %broadcast_in_dim3A_563 = vector.shape_cast %get3A_562 : vector<64xf32> to vector<1x64xf32>
    %add3A_564 = vector.broadcast %broadcast_in_dim3A_563 : vector<1x64xf32> to vector<512x64xf32>
    %add3A_565 = arith.addf %dot_general3A_558, %add3A_564 : vector<512x64xf32>
    %mul3A_566 = vector.broadcast %convert_element_type3A_551 : vector<512x1xf32> to vector<512x64xf32>
    %mul3A_567 = arith.mulf %mul3A_566, %add3A_565 : vector<512x64xf32>
    %add3A_568 = arith.addf %add3A_546, %mul3A_567 : vector<512x64xf32>
    %eq3A_569 = arith.constant 15 : i32
    %eq3A_570 = vector.broadcast %eq3A_569 : i32 to vector<512x1xi32>
    %eq3A_571 = arith.cmpi eq, %broadcast_in_dim3A_236, %eq3A_570 : vector<512x1xi32>
    %convert_element_type3A_572 = arith.extui %eq3A_571 : vector<512x1xi1> to vector<512x1xi32>
    %convert_element_type3A_573 = arith.sitofp %convert_element_type3A_572 : vector<512x1xi32> to vector<512x1xf32>
    %get3A_574 = arith.constant 15 : index
    %get3A_575 = arith.constant 0 : index
    %get3A_576 = arith.constant 0 : index
    %get3A_577 = vector.load %arg7[%get3A_574, %get3A_575, %get3A_576] : memref<16x128x64xf32, #tpu.memory_space<vmem>>, vector<1x128x64xf32>
    %get3A_578 = vector.shape_cast %get3A_577 : vector<1x128x64xf32> to vector<128x64xf32>
    %dot_general3A_579 = arith.constant dense<0.000000e+00> : vector<512x64xf32>
    %dot_general3A_580 = tpu.matmul %div3A_218, %get3A_578, %dot_general3A_579 {dimension_numbers = #tpu.dot_dimension_numbers<[1], [0], [0], [1], [0, 0, 1, 1], [], []>, transpose_lhs_hint = false} : vector<512x128xf32>, vector<128x64xf32>, vector<512x64xf32> -> vector<512x64xf32>
    %get3A_581 = arith.constant 15 : index
    %get3A_582 = arith.constant 0 : index
    %get3A_583 = vector.load %arg8[%get3A_581, %get3A_582] : memref<16x64xf32, #tpu.memory_space<vmem>>, vector<1x64xf32>
    %get3A_584 = vector.shape_cast %get3A_583 : vector<1x64xf32> to vector<64xf32>
    %broadcast_in_dim3A_585 = vector.shape_cast %get3A_584 : vector<64xf32> to vector<1x64xf32>
    %add3A_586 = vector.broadcast %broadcast_in_dim3A_585 : vector<1x64xf32> to vector<512x64xf32>
    %add3A_587 = arith.addf %dot_general3A_580, %add3A_586 : vector<512x64xf32>
    %mul3A_588 = vector.broadcast %convert_element_type3A_573 : vector<512x1xf32> to vector<512x64xf32>
    %mul3A_589 = arith.mulf %mul3A_588, %add3A_587 : vector<512x64xf32>
    %add3A_590 = arith.addf %add3A_568, %mul3A_589 : vector<512x64xf32>
    %swap3A = arith.constant 0 : index
    %swap3A_591 = arith.constant 0 : index
    %swap3A_592 = vector.load %arg9[%swap3A, %swap3A_591] : memref<512x128xf32, #tpu.memory_space<vmem>>, vector<512x128xf32>
    tpu.vector_store %arg9[%swap3A, %swap3A_591], %div3A_218 {strides = array<i32>} : memref<512x128xf32, #tpu.memory_space<vmem>>, vector<512x128xf32>,
    %swap3A_593 = arith.constant 0 : index
    %swap3A_594 = arith.constant 0 : index
    %swap3A_595 = vector.load %arg10[%swap3A_593, %swap3A_594] : memref<512x16xf32, #tpu.memory_space<vmem>>, vector<512x16xf32>
    tpu.vector_store %arg10[%swap3A_593, %swap3A_594], %add3A_228 {strides = array<i32>} : memref<512x16xf32, #tpu.memory_space<vmem>>, vector<512x16xf32>,
    %swap3A_596 = arith.constant 0 : index
    %swap3A_597 = arith.constant 0 : index
    %swap3A_598 = vector.load %arg11[%swap3A_596, %swap3A_597] : memref<512x64xf32, #tpu.memory_space<vmem>>, vector<512x64xf32>
    tpu.vector_store %arg11[%swap3A_596, %swap3A_597], %add3A_590 {strides = array<i32>} : memref<512x64xf32, #tpu.memory_space<vmem>>, vector<512x64xf32>,
    return
  }
}

</mosaic_0001>

<sc_bundles>
// kernel: kernel.11.cloned.1.call-start
scs
__scs_entry_jumppad:
0x0: {  	(pc) =	sbr.rel $0x88, $3  }
0x1: {  	(tag) =	ssettag $0x0;
	lr =	simm.s32 $0x1  }
0x2: {  	[smem:$0x3F96] =	sst lr;
	_ =	strace $0xD0000000  }
0x3: {  	_ = 	snop  }
0x4: {  	_ = 	snop  }
0x5: {  	_ = 	snop  }
0x6: {  	_ = 	snop  }
0x7: {  	_ = 	snop  }
__scs_overlays_trampoline_lowered:
0x8: {  	[smem:$0x3FA5] =	sst s0  }
0x9: {  	[smem:$0x3FA6] =	sst s1  }
0xa: {  	[smem:$0x3FA7] =	sst s2  }
0xb: {  	[smem:$0x3FA8] =	sst s3  }
0xc: {  	[smem:$0x3FA9] =	sst s4  }
0xd: {  	[smem:$0x3FAA] =	sst s5  }
0xe: {  	[smem:$0x3FAB] =	sst s6  }
0xf: {  	[smem:$0x3FAC] =	sst s7  }
0x10: {  	[smem:$0x3FAD] =	sst s8  }
0x11: {  	[smem:$0x3FAE] =	sst s9;
	s0 =	simm.s32 @!p0 $0x0  }
0x12: {  	s1 =	sld [smem:$0x3F94];
	s0 =	simm.s32 @p0 $0x1  }
0x13: {  	[smem:$0x3FAF] =	sst s0;
	s0 =	simm.s32 @!p1 $0x0  }
0x14: {  	s2 =	sld [smem:$0x3F93];
	s0 =	simm.s32 @p1 $0x1  }
0x15: {  	[smem:$0x3FB0] =	sst s0;
	s0 =	simm.s32 @!p2 $0x0  }
0x16: {  	s3 =	sld [smem:$0x3FDB];
	s0 =	simm.s32 @p2 $0x1  }
0x17: {  	s4 =	simm.s32 $0x1BF5;
	[smem:$0x3FB2] =	sst s0  }
0x18: {  	s0 =	sld [smem:$0x3F95];
	_ =	swait.ge [sflag:s4], $0x0  }
0x19: {  	s7 =	sld [smem:$0x3F96]  }
0x1a: {  	s8 =	sadd.s32 $0xFFFFE003, lr  }
0x1b: {  	s9 =	sadd.s32 $0xFFFFFEF7, lr;
	s5 =	simm.s32 $0xFFFFFFFF;
	p2 =	slt.u32 s8, $0xFFFFF086  }
0x1c: {  	p1 =	slt.u32 s9, $0xF7A;
	s5 =	simm.s32 @!p2 $0x0  }
0x1d: {  	s5 =	simm.s32 @p1 $0x1;
	p0 =	seq.s32 s7, s2  }
0x1e: {  	s7 =	smul.u32 @!p0 $0xF7A, s2;
	p2 =	seq.s32 @!p0 s5, $0x0  }
0x1f: {  	s9 =	smul.u32 $0xF7A, s1;
	s8 =	simm.s32 @!p0 $0x1BF5;
	p2 =	por !p2, p0  }
0x20: {  	[sflag:s8] =	ssyncset.s32 @!p0 $0xFFFFF086;
	s6 =	sadd.s32 @!p0 s3, s7;
	s7 =	simm.s32 @!p0 $0x108  }
0x21: {  	s3 =	sadd.s32 s3, s9;
	s6 =	sadd.s32 @!p0 $0x88, s6;
	s7 =	simm.s32 @p2 $0x1082  }
0x22: {  	[simem:s7], [sflag:s8] =	dma.local @!p0 [hbm:s6], $0xF7A  }
0x23: {  	s9 =	sor.u32 $0xD0000000, s2;
	s6 =	simm.s32 $0x108;
	_ =	swait.ge @!p0 [sflag:s8], $0x0  }
0x24: {  	s3 =	sadd.s32 $0x88, s3;
	s6 =	simm.s32 @!p1 $0x1082;
	[sflag:s4] =	ssyncset.s32 $0xFFFFF086  }
0x25: {  	[simem:s6], [sflag:s4] =	dma.local [hbm:s3], $0xF7A  }
0x26: {  	[smem:$0x3F96] =	sst s1;
	(tag) =	ssettag s2;
	_ =	strace s9  }
0x27: {  	s1 =	sld [smem:$0x3FA6]  }
0x28: {  	s2 =	sld [smem:$0x3FA7]  }
0x29: {  	s4 =	sld [smem:$0x3FA9]  }
0x2a: {  	p0 =	seq.s32 s5, $0x0;
	s5 =	sld [smem:$0x3FAA]  }
0x2b: {  	s6 =	sld [smem:$0x3FAB]  }
0x2c: {  	s7 =	sld [smem:$0x3FAC]  }
0x2d: {  	s3 =	simm.s32 $0x108;
	s8 =	sld [smem:$0x3FAD]  }
0x2e: {  	s3 =	simm.s32 @!p0 $0x1082;
	s9 =	sld [smem:$0x3FAE]  }
0x2f: {  	lr =	sadd.s32 s0, s3;
	s0 =	sld [smem:$0x3FA5]  }
0x30: {  	s3 =	sld [smem:$0x3FA8]  }
0x31: {  	[smem:$0x3FB1] =	sst s10  }
0x32: {  	s10 =	sld [smem:$0x3FAF];
	_ =	sdelay $0x3  }
0x33: {  	p0 =	seq.s32 s10, $0x1;
	s10 =	sld [smem:$0x3FB1];
	_ =	sdelay $0x3  }
0x34: {  	[smem:$0x3FB1] =	sst s10  }
0x35: {  	s10 =	sld [smem:$0x3FB0];
	_ =	sdelay $0x3  }
0x36: {  	p1 =	seq.s32 s10, $0x1;
	s10 =	sld [smem:$0x3FB1];
	_ =	sdelay $0x3  }
0x37: {  	[smem:$0x3FB1] =	sst s10  }
0x38: {  	s10 =	sld [smem:$0x3FB2]  }
0x39: {  	_ = 	snop;
	(pc) =	sbr.ind lr, $3  }
0x3a: {  	_ = 	snop  }
0x3b: {  	_ = 	snop  }
0x3c: {  	p2 =	seq.s32 s10, $0x1;
	s10 =	sld [smem:$0x3FB1]  }
0x3d: {  	_ =	shalt  }
0x3e: {  	_ =	shalt  }
0x3f: {  	_ =	shalt  }
0x40: {  	_ =	shalt  }
0x41: {  	_ =	shalt  }
0x42: {  	_ =	shalt  }
0x43: {  	_ =	shalt  }
0x44: {  	_ =	shalt  }
0x45: {  	_ =	shalt  }
0x46: {  	_ =	shalt  }
0x47: {  	_ =	shalt  }
0x48: {  	_ =	shalt  }
0x49: {  	_ =	shalt  }
0x4a: {  	_ =	shalt  }
0x4b: {  	_ =	shalt  }
0x4c: {  	_ =	shalt  }
0x4d: {  	_ =	shalt  }
0x4e: {  	_ =	shalt  }
0x4f: {  	_ =	shalt  }
0x50: {  	_ =	shalt  }
0x51: {  	_ =	shalt  }
0x52: {  	_ =	shalt  }
0x53: {  	_ =	shalt  }
0x54: {  	_ =	shalt  }
0x55: {  	_ =	shalt  }
0x56: {  	_ =	shalt  }
0x57: {  	_ =	shalt  }
0x58: {  	_ =	shalt  }
0x59: {  	_ =	shalt  }
0x5a: {  	_ =	shalt  }
0x5b: {  	_ =	shalt  }
0x5c: {  	_ =	shalt  }
0x5d: {  	_ =	shalt  }
0x5e: {  	_ =	shalt  }
0x5f: {  	_ =	shalt  }
0x60: {  	_ =	shalt  }
0x61: {  	_ =	shalt  }
0x62: {  	_ =	shalt  }
0x63: {  	_ =	shalt  }
0x64: {  	_ =	shalt  }
0x65: {  	_ =	shalt  }
0x66: {  	_ =	shalt  }
0x67: {  	_ =	shalt  }
0x68: {  	_ =	shalt  }
0x69: {  	_ =	shalt  }
0x6a: {  	_ =	shalt  }
0x6b: {  	_ =	shalt  }
0x6c: {  	_ =	shalt  }
0x6d: {  	_ =	shalt  }
0x6e: {  	_ =	shalt  }
0x6f: {  	_ =	shalt  }
0x70: {  	_ =	shalt  }
0x71: {  	_ =	shalt  }
0x72: {  	_ =	shalt  }
0x73: {  	_ =	shalt  }
0x74: {  	_ =	shalt  }
0x75: {  	_ =	shalt  }
0x76: {  	_ =	shalt  }
0x77: {  	_ =	shalt  }
0x78: {  	_ =	shalt  }
0x79: {  	_ =	shalt  }
0x7a: {  	_ =	shalt  }
0x7b: {  	_ =	shalt  }
0x7c: {  	_ =	shalt  }
0x7d: {  	_ =	shalt  }
0x7e: {  	_ =	shalt  }
0x7f: {  	_ =	shalt  }
0x80: {  	_ =	shalt  }
0x81: {  	_ =	shalt  }
0x82: {  	_ =	shalt  }
0x83: {  	_ =	shalt  }
0x84: {  	_ =	shalt  }
0x85: {  	_ =	shalt  }
0x86: {  	_ =	shalt  }
0x87: {  	_ =	shalt  }
.Lfunc_end0:
.L_simem_size_0:
called_computation.1_lowered:
.L_overlay_start_0:
0x88: {  	s2 =	sld [smem:$0x3FD9]  }
0x89: {  	s3 =	sld [smem:$0x3FFE];
	_ =	sdelay $0x1  }
0x8a: {  	s1 =	srdreg.scid  }
0x8b: {  	s0 =	sand.u32 $0x1, s1  }
0x8c: {  	s16 =	sshll.u32 s0, $0xA;
	s2 =	sadd.s32 s3, s2  }
0x8d: {  	s2 =	sadd.s32 s2, s16  }
0x8e: {  	[smem:$0x3FBD] =	sst s2  }
0x8f: {  	_ = 	snop  }
0x90: {  	(tm) =	ssettm $0x1  }
0x91: {  	s17 =	sld [smem:$0x3FFB];
	_ =	sdelay $0x3  }
0x92: {  	_ =	strace s17  }
0x93: {  	s2 =	sld [smem:$0x3FFC];
	_ =	sdelay $0x3  }
0x94: {  	_ =	strace s2  }
0x95: {  	s2 =	sld [smem:$0x3FFD];
	_ =	sdelay $0x3  }
0x96: {  	_ =	strace s2  }
0x97: {  	_ =	strace $0x8FFFFFFF  }
0x98: {  	s18 =	sld [smem:$0x3FDB];
	_ =	sdelay $0x1  }
0x99: {  	s19 =	simm.s32 $_scs_section_size  }
0x9a: {  	s4 =	simm.s32 $_size__tile_overlayer_lowered;
	s5 =	simm.s32 $_tile_overlayer_lowered  }
0x9b: {  	s22 =	simm.s32 $0x1BFF;
	s21 =	sshll.u32 s5, $0x1;
	s2 =	sadd.s32 s19, s18  }
0x9c: {  	s6 =	simm.s32 $0x0;
	s20 =	sshll.u32 s4, $0x1;
	s4 =	sadd.s32 s21, s2  }
0x9d: {  	[timem:s6], [sflag:s22] =	dma.local [hbm:s4], s20  }
0x9e: {  	_ =	swait.ge [sflag:s22], s20  }
0x9f: {  	s3 =	ssub.s32 $0x0, s20;
	[sflag:s22] =	ssyncset.done $0x0  }
0xa0: {  	[sflag:s22] =	ssyncadd.s32 s3;
	_ =	sdelay $0x1  }
0xa1: {  	s23 =	simm.s32 $0x1B8B  }
0xa2: {  	_ =	swait.ge [sflag:s23], $0x1  }
0xa3: {  	[sflag:s23] =	ssyncset.done $0x0  }
0xa4: {  	s25 =	simm.s32 $0x1B8E;
	s24 =	sld [smem:$0x3FFE];
	[sflag:s23] =	ssyncadd.s32 $0xFFFFFFFF  }
0xa5: {  	s26 =	simm.s32 $execute0_lowered;
	[smem:$0x3FD2] =	sst s25  }
0xa6: {  	s4 =	sshll.u32 s26, $0x1;
	_ =	strace $0x80000049;
	[dreg:$0x1] =	wrdreg $0xFFFFFFFF  }
0xa7: {  	s28 =	simm.s32 $_size_execute0_lowered;
	s2 =	sadd.s32 s2, s4;
	[dreg:$0x0] =	wrdreg $0x0  }
0xa8: {  	s4 =	sshll.u32 s28, $0x1;
	[dreg:$0x2] =	wrdreg s2  }
0xa9: {  	[dreg:$0x3] =	wrdreg s4  }
0xaa: {  	[dreg:$0x4] =	wrdreg $0xC0  }
0xab: {  	_ =	task [dreg:s6], $0x5FFFF  }
0xac: {  	[dreg:$0x1] =	wrdreg $0xFFFFFFFF  }
0xad: {  	[dreg:$0x0] =	wrdreg $0x60  }
0xae: {  	[dreg:$0x2] =	wrdreg s24  }
0xaf: {  	[dreg:$0x3] =	wrdreg $0x94000  }
0xb0: {  	[dreg:$0x4] =	wrdreg $0x9  }
0xb1: {  	_ =	task.clear_ibuf [dreg:s6], $0x5FFFF;
	_ =	strace $0x90000049  }
0xb2: {  	s29 =	simm.s32 $0x9;
	_ =	strace $0x8000004B  }
0xb3: {  	_ =	swait.ge [sflag:s29], $0x1  }
0xb4: {  	[sflag:s29] =	ssyncadd.s32 $0xFFFFFFFF  }
0xb5: {  	_ =	strace $0x9000004B  }
0xb6: {  	_ =	sfence  }
0xb7: {  	s30 =	sld [smem:$0x0];
	_ =	sdelay $0x2  }
0xb8: {  	s31 =	sshll.u32 s1, $0xD;
	s1 =	sshrl.u32 s1, $0x2  }
0xb9: {  	s3 =	sand.u32 $0x4000, s31;
	s1 =	sadd.s32 s1, s30  }
0xba: {  	s0 =	sor.u32 s3, s0;
	s1 =	sshll.u32 s1, $0x11  }
0xbb: {  	s0 =	sor.u32 s1, s0  }
0xbc: {  	s0 =	sadd.s32 $0x8F2B, s0  }
0xbd: {  	[sflag:s0] =	ssyncadd.remote.s32 $0x1  }
0xbe: {  	_ =	sfence.sel $0xFFFF  }
0xbf: {  	[dreg:$0x0] =	wrdreg $0xFFFFFFFF;
	(pc) =	sbr.abs _section_cstart, $3  }
0xc0: {  	[dreg:$0x1] =	wrdreg $0xFFFFFFFF  }
0xc1: {  	_ =	task.clear_ibuf [dreg:s6], $0x2FFFF;
	_ =	strace $0x9FFFFFFF  }
0xc2: {  	(tm) =	ssettm $0x7FFFFFFF  }
0xc3: {  	_ =	shalt  }
tec
execute0_lowered:
.L_overlay_start_1:
0x0: {  	(tag) =	ssettag $0x1  }
0x1: {  	s11 =	stileid.u32;
	s1 =	rddreg [dreg:$0x0]  }
0x2: {  	s0 =	srdreg.scid;
	s2 =	rddreg [dreg:$0x1]  }
0x3: {  	s31 =	simm.s32 $0x0;
	s4 =	smul.u32 $0x13C00, s11;
	s0 =	sand.u32 $0x1, s0  }
0x4: {  	s6 =	smul.u32 $0x2800, s11;
	[smem:$0x7FF] =	sst s31;
	s3 =	sadd.s32 $0x26800, s1  }
0x5: {  	s8 =	sadd.s32 $0x1C800, s1;
	s10 =	sadd.s32 $0xF4400, s1;
	s5 =	smul.u32 $0x28000, s0  }
0x6: {  	[dreg:$0x13] =	wrdreg s0;
	s19 =	smul.u32 $0x138800, s0;
	s7 =	sshrl.u32 s4, $0x3  }
0x7: {  	_ =	strace $0x8000004A;
	s21 =	sadd.s32 s4, s2;
	s7 =	sadd.s32 s7, s1  }
0x8: {  	s5 =	sadd.s32 s6, s5;
	[dreg:$0x12] =	wrdreg s21;
	s26 =	sshrl.u32 s21, $0x3  }
0x9: {  	s7 =	sadd.s32 $0xCCC00, s7;
	s5 =	sshrl.u32 s5, $0x3;
	[dreg:$0xf] =	wrdreg s26  }
0xa: {  	s4 =	sadd.s32 s4, s19;
	[dreg:$0x3] =	wrdreg s7;
	s12 =	sadd.s32 s3, s5  }
0xb: {  	s4 =	sshrl.u32 s4, $0x3;
	s13 =	sadd.s32 s8, s5;
	[dreg:$0x4] =	wrdreg s12  }
0xc: {  	s4 =	sadd.s32 s10, s4;
	[dreg:$0x5] =	wrdreg s13  }
0xd: {  	s9 =	sadd.s32 $0x140, s5;
	[dreg:$0xc] =	wrdreg s4  }
0xe: {  	s14 =	sadd.s32 s3, s9;
	s25 =	rddreg [dreg:$0x3]  }
0xf: {  	s16 =	sadd.s32 $0x280, s5;
	s15 =	sadd.s32 s8, s9;
	[dreg:$0x6] =	wrdreg s14  }
0x10: {  	s24 =	sshll.u32 s11, $0x6;
	s17 =	sadd.s32 s3, s16;
	[dreg:$0x7] =	wrdreg s15  }
0x11: {  	s5 =	sadd.s32 $0x3C0, s5;
	s18 =	sadd.s32 s8, s16;
	[dreg:$0x8] =	wrdreg s17  }
0x12: {  	p0 =	seq.s32 s11, $0xF;
	s20 =	sadd.s32 s3, s5;
	[dreg:$0x9] =	wrdreg s18  }
0x13: {  	s22 =	sshrl.u32 s19, $0x3;
	s5 =	sadd.s32 s8, s5;
	[dreg:$0xa] =	wrdreg s20  }
0x14: {  	s23 =	sadd.s32 s10, s22;
	s3 =	sor.u32 $0x1C03, s24;
	[dreg:$0xb] =	wrdreg s5  }
0x15: {  	s8 =	sadd.s32 $0x128400, s2;
	s5 =	sadd.s32 $0x25080, s23;
	[dreg:$0x10] =	wrdreg s3  }
0x16: {  	s7 =	sshrl.u32 @p0 s8, $0x3;
	[dreg:$0xd] =	wrdreg s5  }
0x17: {  	s5 =	simm.s32 $0x3;
	[dreg:$0xe] =	wrdreg s7  }
0x18: {  	[spmem:s26], [sflag:s3] =	dma.local [hbm:s25], $0x2780  }
0x19: {  	_ =	swait.ge [sflag:s5], $0x2780  }
0x1a: {  	[sflag:s5] =	ssyncset.done $0x0  }
0x1b: {  	[sflag:s5] =	ssyncadd.s32 $0xFFFFD880  }
0x1c: {  	[bflag:$0x0] =	sbarrier.arrive $0xFFFF  }
0x1d: {  	s28 =	rddreg [dreg:$0x4]  }
0x1e: {  	[tilespmem:s31], [sflag:$0x3] =	stream.linear.gather [hbm4b:s28+s31], $0xA00, $0x38;
	[tilespmem:$0x1D000] =	vst v63  }
0x1f: {  	_ =	swait.ge [sflag:s5], $0xA00  }
0x20: {  	[sflag:s5] =	ssyncset.done $0x0  }
0x21: {  	s30 =	simm.s32 $0xA00;
	s29 =	rddreg [dreg:$0x5];
	[sflag:s5] =	ssyncadd.s32 $0xFFFFF600  }
0x22: {  	[tilespmem:s30], [sflag:$0x3] =	stream.linear.gather [hbm4b:s29+s31], $0xA00, $0x38;
	[tilespmem:$0x1D000] =	vst v63  }
0x23: {  	_ =	swait.ge [sflag:s5], $0xA00  }
0x24: {  	s10 =	simm.s32 $0x1400;
	[sflag:s5] =	ssyncset.done $0x0  }
0x25: {  	s9 =	simm.s32 $0x80;
	s8 =	sadd.s32 $0x7EA00, s1;
	[sflag:s5] =	ssyncadd.s32 $0xFFFFF600  }
0x26: {  	[tilespmem:s10], [sflag:$0x1] =	stream.indirect.gather [hbm4b:s8+s9], $0x80, s31, s9, $0xb8;
	[tilespmem:$0x1D000] =	vst v63  }
0x27: {  	s11 =	simm.s32 $0x5400;
	s12 =	simm.s32 $0x1  }
0x28: {  	[tilespmem:s11], [sflag:$0x2] =	stream.indirect.gather [hbm4b:s8+s9], $0x80, s9, s9, $0xb8;
	[tilespmem:$0x1D000] =	vst v63  }
0x29: {  	_ =	swait.ge [sflag:s12], $0x4000  }
0x2a: {  	[sflag:s12] =	ssyncset.done $0x0  }
0x2b: {  	[sflag:s12] =	ssyncadd.s32 $0xFFFFC000  }
0x2c: {  	[spmem:s2] =	stream.indirect.scatter.add.f32 [tilespmem:s10], [sflag:$0x3], $0x80, s30, s9, $0xb8;
	[tilespmem:$0x1D000] =	vst v63  }
0x2d: {  	_ =	swait.ge [sflag:s5], $0x4000  }
0x2e: {  	[sflag:s5] =	ssyncset.done $0x0  }
0x2f: {  	s14 =	simm.s32 $0x2;
	s3 =	simm.s32 $0x100;
	[sflag:s5] =	ssyncadd.s32 $0xFFFFC000  }
0x30: {  	[tilespmem:s10], [sflag:$0x1] =	stream.indirect.gather [hbm4b:s8+s9], $0x80, s3, s9, $0xb8;
	[tilespmem:$0x1D000] =	vst v63  }
0x31: {  	_ =	swait.ge [sflag:s14], $0x4000  }
0x32: {  	[sflag:s14] =	ssyncset.done $0x0  }
0x33: {  	s4 =	simm.s32 $0xA80;
	[sflag:s14] =	ssyncadd.s32 $0xFFFFC000  }
0x34: {  	[spmem:s2] =	stream.indirect.scatter.add.f32 [tilespmem:s11], [sflag:$0x3], $0x80, s4, s9, $0xb8;
	[tilespmem:$0x1D000] =	vst v63  }
0x35: {  	_ =	swait.ge [sflag:s5], $0x4000  }
0x36: {  	[sflag:s5] =	ssyncset.done $0x0  }
0x37: {  	s6 =	simm.s32 $0x180;
	[sflag:s5] =	ssyncadd.s32 $0xFFFFC000  }
0x38: {  	[tilespmem:s11], [sflag:$0x2] =	stream.indirect.gather [hbm4b:s8+s9], $0x80, s6, s9, $0xb8;
	[tilespmem:$0x1D000] =	vst v63  }
0x39: {  	_ =	swait.ge [sflag:s12], $0x4000  }
0x3a: {  	[sflag:s12] =	ssyncset.done $0x0  }
0x3b: {  	s7 =	simm.s32 $0xB00;
	[sflag:s12] =	ssyncadd.s32 $0xFFFFC000  }
0x3c: {  	[spmem:s2] =	stream.indirect.scatter.add.f32 [tilespmem:s10], [sflag:$0x3], $0x80, s7, s9, $0xb8;
	[tilespmem:$0x1D000] =	vst v63  }
0x3d: {  	_ =	swait.ge [sflag:s5], $0x4000  }
0x3e: {  	[sflag:s5] =	ssyncset.done $0x0  }
0x3f: {  	s13 =	simm.s32 $0x200;
	[sflag:s5] =	ssyncadd.s32 $0xFFFFC000  }
0x40: {  	[tilespmem:s10], [sflag:$0x1] =	stream.indirect.gather [hbm4b:s8+s9], $0x80, s13, s9, $0xb8;
	[tilespmem:$0x1D000] =	vst v63  }
0x41: {  	_ =	swait.ge [sflag:s14], $0x4000  }
0x42: {  	[sflag:s14] =	ssyncset.done $0x0  }
0x43: {  	s15 =	simm.s32 $0xB80;
	[sflag:s14] =	ssyncadd.s32 $0xFFFFC000  }
0x44: {  	[spmem:s2] =	stream.indirect.scatter.add.f32 [tilespmem:s11], [sflag:$0x3], $0x80, s15, s9, $0xb8;
	[tilespmem:$0x1D000] =	vst v63  }
0x45: {  	_ =	swait.ge [sflag:s5], $0x4000  }
0x46: {  	[sflag:s5] =	ssyncset.done $0x0  }
0x47: {  	s16 =	simm.s32 $0x280;
	[sflag:s5] =	ssyncadd.s32 $0xFFFFC000  }
0x48: {  	[tilespmem:s11], [sflag:$0x2] =	stream.indirect.gather [hbm4b:s8+s9], $0x80, s16, s9, $0xb8;
	[tilespmem:$0x1D000] =	vst v63  }
0x49: {  	_ =	swait.ge [sflag:s12], $0x4000  }
0x4a: {  	[sflag:s12] =	ssyncset.done $0x0  }
0x4b: {  	s17 =	simm.s32 $0xC00;
	[sflag:s12] =	ssyncadd.s32 $0xFFFFC000  }
0x4c: {  	[spmem:s2] =	stream.indirect.scatter.add.f32 [tilespmem:s10], [sflag:$0x3], $0x80, s17, s9, $0xb8;
	[tilespmem:$0x1D000] =	vst v63  }
0x4d: {  	_ =	swait.ge [sflag:s5], $0x4000  }
0x4e: {  	[sflag:s5] =	ssyncset.done $0x0  }
0x4f: {  	s18 =	simm.s32 $0x300;
	[sflag:s5] =	ssyncadd.s32 $0xFFFFC000  }
0x50: {  	[tilespmem:s10], [sflag:$0x1] =	stream.indirect.gather [hbm4b:s8+s9], $0x80, s18, s9, $0xb8;
	[tilespmem:$0x1D000] =	vst v63  }
0x51: {  	_ =	swait.ge [sflag:s14], $0x4000  }
0x52: {  	[sflag:s14] =	ssyncset.done $0x0  }
0x53: {  	s19 =	simm.s32 $0xC80;
	[sflag:s14] =	ssyncadd.s32 $0xFFFFC000  }
0x54: {  	[spmem:s2] =	stream.indirect.scatter.add.f32 [tilespmem:s11], [sflag:$0x3], $0x80, s19, s9, $0xb8;
	[tilespmem:$0x1D000] =	vst v63  }
0x55: {  	_ =	swait.ge [sflag:s5], $0x4000  }
0x56: {  	[sflag:s5] =	ssyncset.done $0x0  }
0x57: {  	s20 =	simm.s32 $0x380;
	[sflag:s5] =	ssyncadd.s32 $0xFFFFC000  }
0x58: {  	[tilespmem:s11], [sflag:$0x2] =	stream.indirect.gather [hbm4b:s8+s9], $0x80, s20, s9, $0xb8;
	[tilespmem:$0x1D000] =	vst v63  }
0x59: {  	_ =	swait.ge [sflag:s12], $0x4000  }
0x5a: {  	[sflag:s12] =	ssyncset.done $0x0  }
0x5b: {  	s21 =	simm.s32 $0xD00;
	[sflag:s12] =	ssyncadd.s32 $0xFFFFC000  }
0x5c: {  	[spmem:s2] =	stream.indirect.scatter.add.f32 [tilespmem:s10], [sflag:$0x3], $0x80, s21, s9, $0xb8;
	[tilespmem:$0x1D000] =	vst v63  }
0x5d: {  	_ =	swait.ge [sflag:s5], $0x4000  }
0x5e: {  	[sflag:s5] =	ssyncset.done $0x0  }
0x5f: {  	s22 =	simm.s32 $0x400;
	[sflag:s5] =	ssyncadd.s32 $0xFFFFC000  }
0x60: {  	[tilespmem:s10], [sflag:$0x1] =	stream.indirect.gather [hbm4b:s8+s9], $0x80, s22, s9, $0xb8;
	[tilespmem:$0x1D000] =	vst v63  }
0x61: {  	_ =	swait.ge [sflag:s14], $0x4000  }
0x62: {  	[sflag:s14] =	ssyncset.done $0x0  }
0x63: {  	s23 =	simm.s32 $0xD80;
	[sflag:s14] =	ssyncadd.s32 $0xFFFFC000  }
0x64: {  	[spmem:s2] =	stream.indirect.scatter.add.f32 [tilespmem:s11], [sflag:$0x3], $0x80, s23, s9, $0xb8;
	[tilespmem:$0x1D000] =	vst v63  }
0x65: {  	_ =	swait.ge [sflag:s5], $0x4000  }
0x66: {  	[sflag:s5] =	ssyncset.done $0x0  }
0x67: {  	s24 =	simm.s32 $0x480;
	[sflag:s5] =	ssyncadd.s32 $0xFFFFC000  }
0x68: {  	[tilespmem:s11], [sflag:$0x2] =	stream.indirect.gather [hbm4b:s8+s9], $0x80, s24, s9, $0xb8;
	[tilespmem:$0x1D000] =	vst v63  }
0x69: {  	_ =	swait.ge [sflag:s12], $0x4000  }
0x6a: {  	[sflag:s12] =	ssyncset.done $0x0  }
0x6b: {  	s25 =	simm.s32 $0xE00;
	[sflag:s12] =	ssyncadd.s32 $0xFFFFC000  }
0x6c: {  	[spmem:s2] =	stream.indirect.scatter.add.f32 [tilespmem:s10], [sflag:$0x3], $0x80, s25, s9, $0xb8;
	[tilespmem:$0x1D000] =	vst v63  }
0x6d: {  	_ =	swait.ge [sflag:s5], $0x4000  }
0x6e: {  	[sflag:s5] =	ssyncset.done $0x0  }
0x6f: {  	s26 =	simm.s32 $0x500;
	[sflag:s5] =	ssyncadd.s32 $0xFFFFC000  }
0x70: {  	[tilespmem:s10], [sflag:$0x1] =	stream.indirect.gather [hbm4b:s8+s9], $0x80, s26, s9, $0xb8;
	[tilespmem:$0x1D000] =	vst v63  }
0x71: {  	_ =	swait.ge [sflag:s14], $0x4000  }
0x72: {  	[sflag:s14] =	ssyncset.done $0x0  }
0x73: {  	s28 =	simm.s32 $0xE80;
	[sflag:s14] =	ssyncadd.s32 $0xFFFFC000  }
0x74: {  	[spmem:s2] =	stream.indirect.scatter.add.f32 [tilespmem:s11], [sflag:$0x3], $0x80, s28, s9, $0xb8;
	[tilespmem:$0x1D000] =	vst v63  }
0x75: {  	_ =	swait.ge [sflag:s5], $0x4000  }
0x76: {  	[sflag:s5] =	ssyncset.done $0x0  }
0x77: {  	s29 =	simm.s32 $0x580;
	[sflag:s5] =	ssyncadd.s32 $0xFFFFC000  }
0x78: {  	[tilespmem:s11], [sflag:$0x2] =	stream.indirect.gather [hbm4b:s8+s9], $0x80, s29, s9, $0xb8;
	[tilespmem:$0x1D000] =	vst v63  }
0x79: {  	_ =	swait.ge [sflag:s12], $0x4000  }
0x7a: {  	[sflag:s12] =	ssyncset.done $0x0  }
0x7b: {  	s30 =	simm.s32 $0xF00;
	[sflag:s12] =	ssyncadd.s32 $0xFFFFC000  }
0x7c: {  	[spmem:s2] =	stream.indirect.scatter.add.f32 [tilespmem:s10], [sflag:$0x3], $0x80, s30, s9, $0xb8;
	[tilespmem:$0x1D000] =	vst v63  }
0x7d: {  	_ =	swait.ge [sflag:s5], $0x4000  }
0x7e: {  	[sflag:s5] =	ssyncset.done $0x0  }
0x7f: {  	s1 =	simm.s32 $0x600;
	[sflag:s5] =	ssyncadd.s32 $0xFFFFC000  }
0x80: {  	[tilespmem:s10], [sflag:$0x1] =	stream.indirect.gather [hbm4b:s8+s9], $0x80, s1, s9, $0xb8;
	[tilespmem:$0x1D000] =	vst v63  }
0x81: {  	_ =	swait.ge [sflag:s14], $0x4000  }
0x82: {  	[sflag:s14] =	ssyncset.done $0x0  }
0x83: {  	s3 =	simm.s32 $0xF80;
	[sflag:s14] =	ssyncadd.s32 $0xFFFFC000  }
0x84: {  	[spmem:s2] =	stream.indirect.scatter.add.f32 [tilespmem:s11], [sflag:$0x3], $0x80, s3, s9, $0xb8;
	[tilespmem:$0x1D000] =	vst v63  }
0x85: {  	_ =	swait.ge [sflag:s5], $0x4000  }
0x86: {  	[sflag:s5] =	ssyncset.done $0x0  }
0x87: {  	s4 =	simm.s32 $0x680;
	[sflag:s5] =	ssyncadd.s32 $0xFFFFC000  }
0x88: {  	[tilespmem:s11], [sflag:$0x2] =	stream.indirect.gather [hbm4b:s8+s9], $0x80, s4, s9, $0xb8;
	[tilespmem:$0x1D000] =	vst v63  }
0x89: {  	_ =	swait.ge [sflag:s12], $0x4000  }
0x8a: {  	[sflag:s12] =	ssyncset.done $0x0  }
0x8b: {  	s6 =	simm.s32 $0x1000;
	[sflag:s12] =	ssyncadd.s32 $0xFFFFC000  }
0x8c: {  	[spmem:s2] =	stream.indirect.scatter.add.f32 [tilespmem:s10], [sflag:$0x3], $0x80, s6, s9, $0xb8;
	[tilespmem:$0x1D000] =	vst v63  }
0x8d: {  	_ =	swait.ge [sflag:s5], $0x4000  }
0x8e: {  	[sflag:s5] =	ssyncset.done $0x0  }
0x8f: {  	s7 =	simm.s32 $0x700;
	[sflag:s5] =	ssyncadd.s32 $0xFFFFC000  }
0x90: {  	[tilespmem:s10], [sflag:$0x1] =	stream.indirect.gather [hbm4b:s8+s9], $0x80, s7, s9, $0xb8;
	[tilespmem:$0x1D000] =	vst v63  }
0x91: {  	_ =	swait.ge [sflag:s14], $0x4000  }
0x92: {  	[sflag:s14] =	ssyncset.done $0x0  }
0x93: {  	s13 =	simm.s32 $0x1080;
	[sflag:s14] =	ssyncadd.s32 $0xFFFFC000  }
0x94: {  	[spmem:s2] =	stream.indirect.scatter.add.f32 [tilespmem:s11], [sflag:$0x3], $0x80, s13, s9, $0xb8;
	[tilespmem:$0x1D000] =	vst v63  }
0x95: {  	_ =	swait.ge [sflag:s5], $0x4000  }
0x96: {  	[sflag:s5] =	ssyncset.done $0x0  }
0x97: {  	s15 =	simm.s32 $0x780;
	[sflag:s5] =	ssyncadd.s32 $0xFFFFC000  }
0x98: {  	[tilespmem:s11], [sflag:$0x2] =	stream.indirect.gather [hbm4b:s8+s9], $0x80, s15, s9, $0xb8;
	[tilespmem:$0x1D000] =	vst v63  }
0x99: {  	_ =	swait.ge [sflag:s12], $0x4000  }
0x9a: {  	[sflag:s12] =	ssyncset.done $0x0  }
0x9b: {  	s16 =	simm.s32 $0x1100;
	[sflag:s12] =	ssyncadd.s32 $0xFFFFC000  }
0x9c: {  	[spmem:s2] =	stream.indirect.scatter.add.f32 [tilespmem:s10], [sflag:$0x3], $0x80, s16, s9, $0xb8;
	[tilespmem:$0x1D000] =	vst v63  }
0x9d: {  	_ =	swait.ge [sflag:s5], $0x4000  }
0x9e: {  	[sflag:s5] =	ssyncset.done $0x0  }
0x9f: {  	s17 =	simm.s32 $0x800;
	[sflag:s5] =	ssyncadd.s32 $0xFFFFC000  }
0xa0: {  	[tilespmem:s10], [sflag:$0x1] =	stream.indirect.gather [hbm4b:s8+s9], $0x80, s17, s9, $0xb8;
	[tilespmem:$0x1D000] =	vst v63  }
0xa1: {  	_ =	swait.ge [sflag:s14], $0x4000  }
0xa2: {  	[sflag:s14] =	ssyncset.done $0x0  }
0xa3: {  	s18 =	simm.s32 $0x1180;
	[sflag:s14] =	ssyncadd.s32 $0xFFFFC000  }
0xa4: {  	[spmem:s2] =	stream.indirect.scatter.add.f32 [tilespmem:s11], [sflag:$0x3], $0x80, s18, s9, $0xb8;
	[tilespmem:$0x1D000] =	vst v63  }
0xa5: {  	_ =	swait.ge [sflag:s5], $0x4000  }
0xa6: {  	[sflag:s5] =	ssyncset.done $0x0  }
0xa7: {  	s19 =	simm.s32 $0x880;
	[sflag:s5] =	ssyncadd.s32 $0xFFFFC000  }
0xa8: {  	[tilespmem:s11], [sflag:$0x2] =	stream.indirect.gather [hbm4b:s8+s9], $0x80, s19, s9, $0xb8;
	[tilespmem:$0x1D000] =	vst v63  }
0xa9: {  	_ =	swait.ge [sflag:s12], $0x4000  }
0xaa: {  	[sflag:s12] =	ssyncset.done $0x0  }
0xab: {  	s20 =	simm.s32 $0x1200;
	[sflag:s12] =	ssyncadd.s32 $0xFFFFC000  }
0xac: {  	[spmem:s2] =	stream.indirect.scatter.add.f32 [tilespmem:s10], [sflag:$0x3], $0x80, s20, s9, $0xb8;
	[tilespmem:$0x1D000] =	vst v63  }
0xad: {  	_ =	swait.ge [sflag:s5], $0x4000  }
0xae: {  	[sflag:s5] =	ssyncset.done $0x0  }
0xaf: {  	s21 =	simm.s32 $0x900;
	[sflag:s5] =	ssyncadd.s32 $0xFFFFC000  }
0xb0: {  	[tilespmem:s10], [sflag:$0x1] =	stream.indirect.gather [hbm4b:s8+s9], $0x80, s21, s9, $0xb8;
	[tilespmem:$0x1D000] =	vst v63  }
0xb1: {  	_ =	swait.ge [sflag:s14], $0x4000  }
0xb2: {  	[sflag:s14] =	ssyncset.done $0x0  }
0xb3: {  	s22 =	simm.s32 $0x1280;
	[sflag:s14] =	ssyncadd.s32 $0xFFFFC000  }
0xb4: {  	[spmem:s2] =	stream.indirect.scatter.add.f32 [tilespmem:s11], [sflag:$0x3], $0x80, s22, s9, $0xb8;
	[tilespmem:$0x1D000] =	vst v63  }
0xb5: {  	_ =	swait.ge [sflag:s5], $0x4000  }
0xb6: {  	[sflag:s5] =	ssyncset.done $0x0  }
0xb7: {  	s23 =	simm.s32 $0x980;
	[sflag:s5] =	ssyncadd.s32 $0xFFFFC000  }
0xb8: {  	[tilespmem:s11], [sflag:$0x2] =	stream.indirect.gather [hbm4b:s8+s9], $0x80, s23, s9, $0xb8;
	[tilespmem:$0x1D000] =	vst v63  }
0xb9: {  	_ =	swait.ge [sflag:s12], $0x4000  }
0xba: {  	[sflag:s12] =	ssyncset.done $0x0  }
0xbb: {  	s24 =	simm.s32 $0x1300;
	[sflag:s12] =	ssyncadd.s32 $0xFFFFC000  }
0xbc: {  	[spmem:s2] =	stream.indirect.scatter.add.f32 [tilespmem:s10], [sflag:$0x3], $0x80, s24, s9, $0xb8;
	[tilespmem:$0x1D000] =	vst v63  }
0xbd: {  	_ =	swait.ge [sflag:s5], $0x4000  }
0xbe: {  	[sflag:s5] =	ssyncset.done $0x0  }
0xbf: {  	[sflag:s5] =	ssyncadd.s32 $0xFFFFC000  }
0xc0: {  	_ =	swait.ge [sflag:s14], $0x4000  }
0xc1: {  	[sflag:s14] =	ssyncset.done $0x0  }
0xc2: {  	s25 =	simm.s32 $0x1380;
	[sflag:s14] =	ssyncadd.s32 $0xFFFFC000  }
0xc3: {  	[spmem:s2] =	stream.indirect.scatter.add.f32 [tilespmem:s11], [sflag:$0x3], $0x80, s25, s9, $0xb8;
	[tilespmem:$0x1D000] =	vst v63  }
0xc4: {  	_ =	swait.ge [sflag:s5], $0x4000  }
0xc5: {  	[sflag:s5] =	ssyncset.done $0x0  }
0xc6: {  	s26 =	rddreg [dreg:$0x6];
	[sflag:s5] =	ssyncadd.s32 $0xFFFFC000  }
0xc7: {  	[tilespmem:s31], [sflag:$0x3] =	stream.linear.gather [hbm4b:s26+s31], $0xA00, $0x38;
	[tilespmem:$0x1D000] =	vst v63  }
0xc8: {  	_ =	swait.ge [sflag:s5], $0xA00  }
0xc9: {  	[sflag:s5] =	ssyncset.done $0x0  }
0xca: {  	s29 =	simm.s32 $0xA00;
	s28 =	rddreg [dreg:$0x7];
	[sflag:s5] =	ssyncadd.s32 $0xFFFFF600  }
0xcb: {  	[tilespmem:s29], [sflag:$0x3] =	stream.linear.gather [hbm4b:s28+s31], $0xA00, $0x38;
	[tilespmem:$0x1D000] =	vst v63  }
0xcc: {  	_ =	swait.ge [sflag:s5], $0xA00  }
0xcd: {  	[sflag:s5] =	ssyncset.done $0x0  }
0xce: {  	[sflag:s5] =	ssyncadd.s32 $0xFFFFF600  }
0xcf: {  	[tilespmem:s10], [sflag:$0x1] =	stream.indirect.gather [hbm4b:s8+s9], $0x80, s31, s9, $0xb8;
	[tilespmem:$0x1D000] =	vst v63  }
0xd0: {  	_ = 	snop  }
0xd1: {  	[tilespmem:s11], [sflag:$0x2] =	stream.indirect.gather [hbm4b:s8+s9], $0x80, s9, s9, $0xb8;
	[tilespmem:$0x1D000] =	vst v63  }
0xd2: {  	_ =	swait.ge [sflag:s12], $0x4000  }
0xd3: {  	[sflag:s12] =	ssyncset.done $0x0  }
0xd4: {  	[sflag:s12] =	ssyncadd.s32 $0xFFFFC000  }
0xd5: {  	[spmem:s2] =	stream.indirect.scatter.add.f32 [tilespmem:s10], [sflag:$0x3], $0x80, s29, s9, $0xb8;
	[tilespmem:$0x1D000] =	vst v63  }
0xd6: {  	_ =	swait.ge [sflag:s5], $0x4000  }
0xd7: {  	[sflag:s5] =	ssyncset.done $0x0  }
0xd8: {  	s30 =	simm.s32 $0x100;
	[sflag:s5] =	ssyncadd.s32 $0xFFFFC000  }
0xd9: {  	[tilespmem:s10], [sflag:$0x1] =	stream.indirect.gather [hbm4b:s8+s9], $0x80, s30, s9, $0xb8;
	[tilespmem:$0x1D000] =	vst v63  }
0xda: {  	_ =	swait.ge [sflag:s14], $0x4000  }
0xdb: {  	[sflag:s14] =	ssyncset.done $0x0  }
0xdc: {  	s3 =	simm.s32 $0xA80;
	[sflag:s14] =	ssyncadd.s32 $0xFFFFC000  }
0xdd: {  	[spmem:s2] =	stream.indirect.scatter.add.f32 [tilespmem:s11], [sflag:$0x3], $0x80, s3, s9, $0xb8;
	[tilespmem:$0x1D000] =	vst v63  }
0xde: {  	_ =	swait.ge [sflag:s5], $0x4000  }
0xdf: {  	[sflag:s5] =	ssyncset.done $0x0  }
0xe0: {  	s4 =	simm.s32 $0x180;
	[sflag:s5] =	ssyncadd.s32 $0xFFFFC000  }
0xe1: {  	[tilespmem:s11], [sflag:$0x2] =	stream.indirect.gather [hbm4b:s8+s9], $0x80, s4, s9, $0xb8;
	[tilespmem:$0x1D000] =	vst v63  }
0xe2: {  	_ =	swait.ge [sflag:s12], $0x4000  }
0xe3: {  	[sflag:s12] =	ssyncset.done $0x0  }
0xe4: {  	s6 =	simm.s32 $0xB00;
	[sflag:s12] =	ssyncadd.s32 $0xFFFFC000  }
0xe5: {  	[spmem:s2] =	stream.indirect.scatter.add.f32 [tilespmem:s10], [sflag:$0x3], $0x80, s6, s9, $0xb8;
	[tilespmem:$0x1D000] =	vst v63  }
0xe6: {  	_ =	swait.ge [sflag:s5], $0x4000  }
0xe7: {  	[sflag:s5] =	ssyncset.done $0x0  }
0xe8: {  	s7 =	simm.s32 $0x200;
	[sflag:s5] =	ssyncadd.s32 $0xFFFFC000  }
0xe9: {  	[tilespmem:s10], [sflag:$0x1] =	stream.indirect.gather [hbm4b:s8+s9], $0x80, s7, s9, $0xb8;
	[tilespmem:$0x1D000] =	vst v63  }
0xea: {  	_ =	swait.ge [sflag:s14], $0x4000  }
0xeb: {  	[sflag:s14] =	ssyncset.done $0x0  }
0xec: {  	s13 =	simm.s32 $0xB80;
	[sflag:s14] =	ssyncadd.s32 $0xFFFFC000  }
0xed: {  	[spmem:s2] =	stream.indirect.scatter.add.f32 [tilespmem:s11], [sflag:$0x3], $0x80, s13, s9, $0xb8;
	[tilespmem:$0x1D000] =	vst v63  }
0xee: {  	_ =	swait.ge [sflag:s5], $0x4000  }
0xef: {  	[sflag:s5] =	ssyncset.done $0x0  }
0xf0: {  	s15 =	simm.s32 $0x280;
	[sflag:s5] =	ssyncadd.s32 $0xFFFFC000  }
0xf1: {  	[tilespmem:s11], [sflag:$0x2] =	stream.indirect.gather [hbm4b:s8+s9], $0x80, s15, s9, $0xb8;
	[tilespmem:$0x1D000] =	vst v63  }
0xf2: {  	_ =	swait.ge [sflag:s12], $0x4000  }
0xf3: {  	[sflag:s12] =	ssyncset.done $0x0  }
0xf4: {  	s16 =	simm.s32 $0xC00;
	[sflag:s12] =	ssyncadd.s32 $0xFFFFC000  }
0xf5: {  	[spmem:s2] =	stream.indirect.scatter.add.f32 [tilespmem:s10], [sflag:$0x3], $0x80, s16, s9, $0xb8;
	[tilespmem:$0x1D000] =	vst v63  }
0xf6: {  	_ =	swait.ge [sflag:s5], $0x4000  }
0xf7: {  	[sflag:s5] =	ssyncset.done $0x0  }
0xf8: {  	s17 =	simm.s32 $0x300;
	[sflag:s5] =	ssyncadd.s32 $0xFFFFC000  }
0xf9: {  	[tilespmem:s10], [sflag:$0x1] =	stream.indirect.gather [hbm4b:s8+s9], $0x80, s17, s9, $0xb8;
	[tilespmem:$0x1D000] =	vst v63  }
0xfa: {  	_ =	swait.ge [sflag:s14], $0x4000  }
0xfb: {  	[sflag:s14] =	ssyncset.done $0x0  }
0xfc: {  	s18 =	simm.s32 $0xC80;
	[sflag:s14] =	ssyncadd.s32 $0xFFFFC000  }
0xfd: {  	[spmem:s2] =	stream.indirect.scatter.add.f32 [tilespmem:s11], [sflag:$0x3], $0x80, s18, s9, $0xb8;
	[tilespmem:$0x1D000] =	vst v63  }
0xfe: {  	_ =	swait.ge [sflag:s5], $0x4000  }
0xff: {  	[sflag:s5] =	ssyncset.done $0x0  }
0x100: {  	s19 =	simm.s32 $0x380;
	[sflag:s5] =	ssyncadd.s32 $0xFFFFC000  }
0x101: {  	[tilespmem:s11], [sflag:$0x2] =	stream.indirect.gather [hbm4b:s8+s9], $0x80, s19, s9, $0xb8;
	[tilespmem:$0x1D000] =	vst v63  }
0x102: {  	_ =	swait.ge [sflag:s12], $0x4000  }
0x103: {  	[sflag:s12] =	ssyncset.done $0x0  }
0x104: {  	s20 =	simm.s32 $0xD00;
	[sflag:s12] =	ssyncadd.s32 $0xFFFFC000  }
0x105: {  	[spmem:s2] =	stream.indirect.scatter.add.f32 [tilespmem:s10], [sflag:$0x3], $0x80, s20, s9, $0xb8;
	[tilespmem:$0x1D000] =	vst v63  }
0x106: {  	_ =	swait.ge [sflag:s5], $0x4000  }
0x107: {  	[sflag:s5] =	ssyncset.done $0x0  }
0x108: {  	s21 =	simm.s32 $0x400;
	[sflag:s5] =	ssyncadd.s32 $0xFFFFC000  }
0x109: {  	[tilespmem:s10], [sflag:$0x1] =	stream.indirect.gather [hbm4b:s8+s9], $0x80, s21, s9, $0xb8;
	[tilespmem:$0x1D000] =	vst v63  }
0x10a: {  	_ =	swait.ge [sflag:s14], $0x4000  }
0x10b: {  	[sflag:s14] =	ssyncset.done $0x0  }
0x10c: {  	s22 =	simm.s32 $0xD80;
	[sflag:s14] =	ssyncadd.s32 $0xFFFFC000  }
0x10d: {  	[spmem:s2] =	stream.indirect.scatter.add.f32 [tilespmem:s11], [sflag:$0x3], $0x80, s22, s9, $0xb8;
	[tilespmem:$0x1D000] =	vst v63  }
0x10e: {  	_ =	swait.ge [sflag:s5], $0x4000  }
0x10f: {  	[sflag:s5] =	ssyncset.done $0x0  }
0x110: {  	s23 =	simm.s32 $0x480;
	[sflag:s5] =	ssyncadd.s32 $0xFFFFC000  }
0x111: {  	[tilespmem:s11], [sflag:$0x2] =	stream.indirect.gather [hbm4b:s8+s9], $0x80, s23, s9, $0xb8;
	[tilespmem:$0x1D000] =	vst v63  }
0x112: {  	_ =	swait.ge [sflag:s12], $0x4000  }
0x113: {  	[sflag:s12] =	ssyncset.done $0x0  }
0x114: {  	s24 =	simm.s32 $0xE00;
	[sflag:s12] =	ssyncadd.s32 $0xFFFFC000  }
0x115: {  	[spmem:s2] =	stream.indirect.scatter.add.f32 [tilespmem:s10], [sflag:$0x3], $0x80, s24, s9, $0xb8;
	[tilespmem:$0x1D000] =	vst v63  }
0x116: {  	_ =	swait.ge [sflag:s5], $0x4000  }
0x117: {  	[sflag:s5] =	ssyncset.done $0x0  }
0x118: {  	s25 =	simm.s32 $0x500;
	[sflag:s5] =	ssyncadd.s32 $0xFFFFC000  }
0x119: {  	[tilespmem:s10], [sflag:$0x1] =	stream.indirect.gather [hbm4b:s8+s9], $0x80, s25, s9, $0xb8;
	[tilespmem:$0x1D000] =	vst v63  }
0x11a: {  	_ =	swait.ge [sflag:s14], $0x4000  }
0x11b: {  	[sflag:s14] =	ssyncset.done $0x0  }
0x11c: {  	s26 =	simm.s32 $0xE80;
	[sflag:s14] =	ssyncadd.s32 $0xFFFFC000  }
0x11d: {  	[spmem:s2] =	stream.indirect.scatter.add.f32 [tilespmem:s11], [sflag:$0x3], $0x80, s26, s9, $0xb8;
	[tilespmem:$0x1D000] =	vst v63  }
0x11e: {  	_ =	swait.ge [sflag:s5], $0x4000  }
0x11f: {  	[sflag:s5] =	ssyncset.done $0x0  }
0x120: {  	s28 =	simm.s32 $0x580;
	[sflag:s5] =	ssyncadd.s32 $0xFFFFC000  }
0x121: {  	[tilespmem:s11], [sflag:$0x2] =	stream.indirect.gather [hbm4b:s8+s9], $0x80, s28, s9, $0xb8;
	[tilespmem:$0x1D000] =	vst v63  }
0x122: {  	_ =	swait.ge [sflag:s12], $0x4000  }
0x123: {  	[sflag:s12] =	ssyncset.done $0x0  }
0x124: {  	s29 =	simm.s32 $0xF00;
	[sflag:s12] =	ssyncadd.s32 $0xFFFFC000  }
0x125: {  	[spmem:s2] =	stream.indirect.scatter.add.f32 [tilespmem:s10], [sflag:$0x3], $0x80, s29, s9, $0xb8;
	[tilespmem:$0x1D000] =	vst v63  }
0x126: {  	_ =	swait.ge [sflag:s5], $0x4000  }
0x127: {  	[sflag:s5] =	ssyncset.done $0x0  }
0x128: {  	s30 =	simm.s32 $0x600;
	[sflag:s5] =	ssyncadd.s32 $0xFFFFC000  }
0x129: {  	[tilespmem:s10], [sflag:$0x1] =	stream.indirect.gather [hbm4b:s8+s9], $0x80, s30, s9, $0xb8;
	[tilespmem:$0x1D000] =	vst v63  }
0x12a: {  	_ =	swait.ge [sflag:s14], $0x4000  }
0x12b: {  	[sflag:s14] =	ssyncset.done $0x0  }
0x12c: {  	s0 =	simm.s32 $0xF80;
	[sflag:s14] =	ssyncadd.s32 $0xFFFFC000  }
0x12d: {  	[spmem:s2] =	stream.indirect.scatter.add.f32 [tilespmem:s11], [sflag:$0x3], $0x80, s0, s9, $0xb8;
	[tilespmem:$0x1D000] =	vst v63  }
0x12e: {  	_ =	swait.ge [sflag:s5], $0x4000  }
0x12f: {  	[sflag:s5] =	ssyncset.done $0x0  }
0x130: {  	s0 =	simm.s32 $0x680;
	[sflag:s5] =	ssyncadd.s32 $0xFFFFC000  }
0x131: {  	[tilespmem:s11], [sflag:$0x2] =	stream.indirect.gather [hbm4b:s8+s9], $0x80, s0, s9, $0xb8;
	[tilespmem:$0x1D000] =	vst v63  }
0x132: {  	_ =	swait.ge [sflag:s12], $0x4000  }
0x133: {  	[sflag:s12] =	ssyncset.done $0x0  }
0x134: {  	s0 =	simm.s32 $0x1000;
	[sflag:s12] =	ssyncadd.s32 $0xFFFFC000  }
0x135: {  	[spmem:s2] =	stream.indirect.scatter.add.f32 [tilespmem:s10], [sflag:$0x3], $0x80, s0, s9, $0xb8;
	[tilespmem:$0x1D000] =	vst v63  }
0x136: {  	_ =	swait.ge [sflag:s5], $0x4000  }
0x137: {  	[sflag:s5] =	ssyncset.done $0x0  }
0x138: {  	s0 =	simm.s32 $0x700;
	[sflag:s5] =	ssyncadd.s32 $0xFFFFC000  }
0x139: {  	[tilespmem:s10], [sflag:$0x1] =	stream.indirect.gather [hbm4b:s8+s9], $0x80, s0, s9, $0xb8;
	[tilespmem:$0x1D000] =	vst v63  }
0x13a: {  	_ =	swait.ge [sflag:s14], $0x4000  }
0x13b: {  	[sflag:s14] =	ssyncset.done $0x0  }
0x13c: {  	s0 =	simm.s32 $0x1080;
	[sflag:s14] =	ssyncadd.s32 $0xFFFFC000  }
0x13d: {  	[spmem:s2] =	stream.indirect.scatter.add.f32 [tilespmem:s11], [sflag:$0x3], $0x80, s0, s9, $0xb8;
	[tilespmem:$0x1D000] =	vst v63  }
0x13e: {  	_ =	swait.ge [sflag:s5], $0x4000  }
0x13f: {  	[sflag:s5] =	ssyncset.done $0x0  }
0x140: {  	s0 =	simm.s32 $0x780;
	[sflag:s5] =	ssyncadd.s32 $0xFFFFC000  }
0x141: {  	[tilespmem:s11], [sflag:$0x2] =	stream.indirect.gather [hbm4b:s8+s9], $0x80, s0, s9, $0xb8;
	[tilespmem:$0x1D000] =	vst v63  }
0x142: {  	_ =	swait.ge [sflag:s12], $0x4000  }
0x143: {  	[sflag:s12] =	ssyncset.done $0x0  }
0x144: {  	s0 =	simm.s32 $0x1100;
	[sflag:s12] =	ssyncadd.s32 $0xFFFFC000  }
0x145: {  	[spmem:s2] =	stream.indirect.scatter.add.f32 [tilespmem:s10], [sflag:$0x3], $0x80, s0, s9, $0xb8;
	[tilespmem:$0x1D000] =	vst v63  }
0x146: {  	_ =	swait.ge [sflag:s5], $0x4000  }
0x147: {  	[sflag:s5] =	ssyncset.done $0x0  }
0x148: {  	s0 =	simm.s32 $0x800;
	[sflag:s5] =	ssyncadd.s32 $0xFFFFC000  }
0x149: {  	[tilespmem:s10], [sflag:$0x1] =	stream.indirect.gather [hbm4b:s8+s9], $0x80, s0, s9, $0xb8;
	[tilespmem:$0x1D000] =	vst v63  }
0x14a: {  	_ =	swait.ge [sflag:s14], $0x4000  }
0x14b: {  	[sflag:s14] =	ssyncset.done $0x0  }
0x14c: {  	s0 =	simm.s32 $0x1180;
	[sflag:s14] =	ssyncadd.s32 $0xFFFFC000  }
0x14d: {  	[spmem:s2] =	stream.indirect.scatter.add.f32 [tilespmem:s11], [sflag:$0x3], $0x80, s0, s9, $0xb8;
	[tilespmem:$0x1D000] =	vst v63  }
0x14e: {  	_ =	swait.ge [sflag:s5], $0x4000  }
0x14f: {  	[sflag:s5] =	ssyncset.done $0x0  }
0x150: {  	s0 =	simm.s32 $0x880;
	[sflag:s5] =	ssyncadd.s32 $0xFFFFC000  }
0x151: {  	[tilespmem:s11], [sflag:$0x2] =	stream.indirect.gather [hbm4b:s8+s9], $0x80, s0, s9, $0xb8;
	[tilespmem:$0x1D000] =	vst v63  }
0x152: {  	_ =	swait.ge [sflag:s12], $0x4000  }
0x153: {  	[sflag:s12] =	ssyncset.done $0x0  }
0x154: {  	s0 =	simm.s32 $0x1200;
	[sflag:s12] =	ssyncadd.s32 $0xFFFFC000  }
0x155: {  	[spmem:s2] =	stream.indirect.scatter.add.f32 [tilespmem:s10], [sflag:$0x3], $0x80, s0, s9, $0xb8;
	[tilespmem:$0x1D000] =	vst v63  }
0x156: {  	_ =	swait.ge [sflag:s5], $0x4000  }
0x157: {  	[sflag:s5] =	ssyncset.done $0x0  }
0x158: {  	s0 =	simm.s32 $0x900;
	[sflag:s5] =	ssyncadd.s32 $0xFFFFC000  }
0x159: {  	[tilespmem:s10], [sflag:$0x1] =	stream.indirect.gather [hbm4b:s8+s9], $0x80, s0, s9, $0xb8;
	[tilespmem:$0x1D000] =	vst v63  }
0x15a: {  	_ =	swait.ge [sflag:s14], $0x4000  }
0x15b: {  	[sflag:s14] =	ssyncset.done $0x0  }
0x15c: {  	s0 =	simm.s32 $0x1280;
	[sflag:s14] =	ssyncadd.s32 $0xFFFFC000  }
0x15d: {  	[spmem:s2] =	stream.indirect.scatter.add.f32 [tilespmem:s11], [sflag:$0x3], $0x80, s0, s9, $0xb8;
	[tilespmem:$0x1D000] =	vst v63  }
0x15e: {  	_ =	swait.ge [sflag:s5], $0x4000  }
0x15f: {  	[sflag:s5] =	ssyncset.done $0x0  }
0x160: {  	s0 =	simm.s32 $0x980;
	[sflag:s5] =	ssyncadd.s32 $0xFFFFC000  }
0x161: {  	[tilespmem:s11], [sflag:$0x2] =	stream.indirect.gather [hbm4b:s8+s9], $0x80, s0, s9, $0xb8;
	[tilespmem:$0x1D000] =	vst v63  }
0x162: {  	_ =	swait.ge [sflag:s12], $0x4000  }
0x163: {  	[sflag:s12] =	ssyncset.done $0x0  }
0x164: {  	s0 =	simm.s32 $0x1300;
	[sflag:s12] =	ssyncadd.s32 $0xFFFFC000  }
0x165: {  	[spmem:s2] =	stream.indirect.scatter.add.f32 [tilespmem:s10], [sflag:$0x3], $0x80, s0, s9, $0xb8;
	[tilespmem:$0x1D000] =	vst v63  }
0x166: {  	_ =	swait.ge [sflag:s5], $0x4000  }
0x167: {  	[sflag:s5] =	ssyncset.done $0x0  }
0x168: {  	[sflag:s5] =	ssyncadd.s32 $0xFFFFC000  }
0x169: {  	_ =	swait.ge [sflag:s14], $0x4000  }
0x16a: {  	[sflag:s14] =	ssyncset.done $0x0  }
0x16b: {  	s0 =	simm.s32 $0x1380;
	[sflag:s14] =	ssyncadd.s32 $0xFFFFC000  }
0x16c: {  	[spmem:s2] =	stream.indirect.scatter.add.f32 [tilespmem:s11], [sflag:$0x3], $0x80, s0, s9, $0xb8;
	[tilespmem:$0x1D000] =	vst v63  }
0x16d: {  	_ =	swait.ge [sflag:s5], $0x4000  }
0x16e: {  	[sflag:s5] =	ssyncset.done $0x0  }
0x16f: {  	s0 =	rddreg [dreg:$0x8];
	[sflag:s5] =	ssyncadd.s32 $0xFFFFC000  }
0x170: {  	[tilespmem:s31], [sflag:$0x3] =	stream.linear.gather [hbm4b:s0+s31], $0xA00, $0x38;
	[tilespmem:$0x1D000] =	vst v63  }
0x171: {  	_ =	swait.ge [sflag:s5], $0xA00  }
0x172: {  	[sflag:s5] =	ssyncset.done $0x0  }
0x173: {  	s0 =	simm.s32 $0xA00;
	s1 =	rddreg [dreg:$0x9];
	[sflag:s5] =	ssyncadd.s32 $0xFFFFF600  }
0x174: {  	[tilespmem:s0], [sflag:$0x3] =	stream.linear.gather [hbm4b:s1+s31], $0xA00, $0x38;
	[tilespmem:$0x1D000] =	vst v63  }
0x175: {  	_ =	swait.ge [sflag:s5], $0xA00  }
0x176: {  	[sflag:s5] =	ssyncset.done $0x0  }
0x177: {  	[sflag:s5] =	ssyncadd.s32 $0xFFFFF600  }
0x178: {  	[tilespmem:s10], [sflag:$0x1] =	stream.indirect.gather [hbm4b:s8+s9], $0x80, s31, s9, $0xb8;
	[tilespmem:$0x1D000] =	vst v63  }
0x179: {  	_ = 	snop  }
0x17a: {  	[tilespmem:s11], [sflag:$0x2] =	stream.indirect.gather [hbm4b:s8+s9], $0x80, s9, s9, $0xb8;
	[tilespmem:$0x1D000] =	vst v63  }
0x17b: {  	_ =	swait.ge [sflag:s12], $0x4000  }
0x17c: {  	[sflag:s12] =	ssyncset.done $0x0  }
0x17d: {  	[sflag:s12] =	ssyncadd.s32 $0xFFFFC000  }
0x17e: {  	[spmem:s2] =	stream.indirect.scatter.add.f32 [tilespmem:s10], [sflag:$0x3], $0x80, s0, s9, $0xb8;
	[tilespmem:$0x1D000] =	vst v63  }
0x17f: {  	_ =	swait.ge [sflag:s5], $0x4000  }
0x180: {  	[sflag:s5] =	ssyncset.done $0x0  }
0x181: {  	s1 =	simm.s32 $0x100;
	[sflag:s5] =	ssyncadd.s32 $0xFFFFC000  }
0x182: {  	[tilespmem:s10], [sflag:$0x1] =	stream.indirect.gather [hbm4b:s8+s9], $0x80, s1, s9, $0xb8;
	[tilespmem:$0x1D000] =	vst v63  }
0x183: {  	_ =	swait.ge [sflag:s14], $0x4000  }
0x184: {  	[sflag:s14] =	ssyncset.done $0x0  }
0x185: {  	[sflag:s14] =	ssyncadd.s32 $0xFFFFC000  }
0x186: {  	[spmem:s2] =	stream.indirect.scatter.add.f32 [tilespmem:s11], [sflag:$0x3], $0x80, s3, s9, $0xb8;
	[tilespmem:$0x1D000] =	vst v63  }
0x187: {  	_ =	swait.ge [sflag:s5], $0x4000  }
0x188: {  	[sflag:s5] =	ssyncset.done $0x0  }
0x189: {  	[sflag:s5] =	ssyncadd.s32 $0xFFFFC000  }
0x18a: {  	[tilespmem:s11], [sflag:$0x2] =	stream.indirect.gather [hbm4b:s8+s9], $0x80, s4, s9, $0xb8;
	[tilespmem:$0x1D000] =	vst v63  }
0x18b: {  	_ =	swait.ge [sflag:s12], $0x4000  }
0x18c: {  	[sflag:s12] =	ssyncset.done $0x0  }
0x18d: {  	[sflag:s12] =	ssyncadd.s32 $0xFFFFC000  }
0x18e: {  	[spmem:s2] =	stream.indirect.scatter.add.f32 [tilespmem:s10], [sflag:$0x3], $0x80, s6, s9, $0xb8;
	[tilespmem:$0x1D000] =	vst v63  }
0x18f: {  	_ =	swait.ge [sflag:s5], $0x4000  }
0x190: {  	[sflag:s5] =	ssyncset.done $0x0  }
0x191: {  	[sflag:s5] =	ssyncadd.s32 $0xFFFFC000  }
0x192: {  	[tilespmem:s10], [sflag:$0x1] =	stream.indirect.gather [hbm4b:s8+s9], $0x80, s7, s9, $0xb8;
	[tilespmem:$0x1D000] =	vst v63  }
0x193: {  	_ =	swait.ge [sflag:s14], $0x4000  }
0x194: {  	[sflag:s14] =	ssyncset.done $0x0  }
0x195: {  	[sflag:s14] =	ssyncadd.s32 $0xFFFFC000  }
0x196: {  	[spmem:s2] =	stream.indirect.scatter.add.f32 [tilespmem:s11], [sflag:$0x3], $0x80, s13, s9, $0xb8;
	[tilespmem:$0x1D000] =	vst v63  }
0x197: {  	_ =	swait.ge [sflag:s5], $0x4000  }
0x198: {  	[sflag:s5] =	ssyncset.done $0x0  }
0x199: {  	[sflag:s5] =	ssyncadd.s32 $0xFFFFC000  }
0x19a: {  	[tilespmem:s11], [sflag:$0x2] =	stream.indirect.gather [hbm4b:s8+s9], $0x80, s15, s9, $0xb8;
	[tilespmem:$0x1D000] =	vst v63  }
0x19b: {  	_ =	swait.ge [sflag:s12], $0x4000  }
0x19c: {  	[sflag:s12] =	ssyncset.done $0x0  }
0x19d: {  	[sflag:s12] =	ssyncadd.s32 $0xFFFFC000  }
0x19e: {  	[spmem:s2] =	stream.indirect.scatter.add.f32 [tilespmem:s10], [sflag:$0x3], $0x80, s16, s9, $0xb8;
	[tilespmem:$0x1D000] =	vst v63  }
0x19f: {  	_ =	swait.ge [sflag:s5], $0x4000  }
0x1a0: {  	[sflag:s5] =	ssyncset.done $0x0  }
0x1a1: {  	[sflag:s5] =	ssyncadd.s32 $0xFFFFC000  }
0x1a2: {  	[tilespmem:s10], [sflag:$0x1] =	stream.indirect.gather [hbm4b:s8+s9], $0x80, s17, s9, $0xb8;
	[tilespmem:$0x1D000] =	vst v63  }
0x1a3: {  	_ =	swait.ge [sflag:s14], $0x4000  }
0x1a4: {  	[sflag:s14] =	ssyncset.done $0x0  }
0x1a5: {  	[sflag:s14] =	ssyncadd.s32 $0xFFFFC000  }
0x1a6: {  	[spmem:s2] =	stream.indirect.scatter.add.f32 [tilespmem:s11], [sflag:$0x3], $0x80, s18, s9, $0xb8;
	[tilespmem:$0x1D000] =	vst v63  }
0x1a7: {  	_ =	swait.ge [sflag:s5], $0x4000  }
0x1a8: {  	[sflag:s5] =	ssyncset.done $0x0  }
0x1a9: {  	[sflag:s5] =	ssyncadd.s32 $0xFFFFC000  }
0x1aa: {  	[tilespmem:s11], [sflag:$0x2] =	stream.indirect.gather [hbm4b:s8+s9], $0x80, s19, s9, $0xb8;
	[tilespmem:$0x1D000] =	vst v63  }
0x1ab: {  	_ =	swait.ge [sflag:s12], $0x4000  }
0x1ac: {  	[sflag:s12] =	ssyncset.done $0x0  }
0x1ad: {  	[sflag:s12] =	ssyncadd.s32 $0xFFFFC000  }
0x1ae: {  	[spmem:s2] =	stream.indirect.scatter.add.f32 [tilespmem:s10], [sflag:$0x3], $0x80, s20, s9, $0xb8;
	[tilespmem:$0x1D000] =	vst v63  }
0x1af: {  	_ =	swait.ge [sflag:s5], $0x4000  }
0x1b0: {  	[sflag:s5] =	ssyncset.done $0x0  }
0x1b1: {  	[sflag:s5] =	ssyncadd.s32 $0xFFFFC000  }
0x1b2: {  	[tilespmem:s10], [sflag:$0x1] =	stream.indirect.gather [hbm4b:s8+s9], $0x80, s21, s9, $0xb8;
	[tilespmem:$0x1D000] =	vst v63  }
0x1b3: {  	_ =	swait.ge [sflag:s14], $0x4000  }
0x1b4: {  	[sflag:s14] =	ssyncset.done $0x0  }
0x1b5: {  	[sflag:s14] =	ssyncadd.s32 $0xFFFFC000  }
0x1b6: {  	[spmem:s2] =	stream.indirect.scatter.add.f32 [tilespmem:s11], [sflag:$0x3], $0x80, s22, s9, $0xb8;
	[tilespmem:$0x1D000] =	vst v63  }
0x1b7: {  	_ =	swait.ge [sflag:s5], $0x4000  }
0x1b8: {  	[sflag:s5] =	ssyncset.done $0x0  }
0x1b9: {  	[sflag:s5] =	ssyncadd.s32 $0xFFFFC000  }
0x1ba: {  	[tilespmem:s11], [sflag:$0x2] =	stream.indirect.gather [hbm4b:s8+s9], $0x80, s23, s9, $0xb8;
	[tilespmem:$0x1D000] =	vst v63  }
0x1bb: {  	_ =	swait.ge [sflag:s12], $0x4000  }
0x1bc: {  	[sflag:s12] =	ssyncset.done $0x0  }
0x1bd: {  	[sflag:s12] =	ssyncadd.s32 $0xFFFFC000  }
0x1be: {  	[spmem:s2] =	stream.indirect.scatter.add.f32 [tilespmem:s10], [sflag:$0x3], $0x80, s24, s9, $0xb8;
	[tilespmem:$0x1D000] =	vst v63  }
0x1bf: {  	_ =	swait.ge [sflag:s5], $0x4000  }
0x1c0: {  	[sflag:s5] =	ssyncset.done $0x0  }
0x1c1: {  	[sflag:s5] =	ssyncadd.s32 $0xFFFFC000  }
0x1c2: {  	[tilespmem:s10], [sflag:$0x1] =	stream.indirect.gather [hbm4b:s8+s9], $0x80, s25, s9, $0xb8;
	[tilespmem:$0x1D000] =	vst v63  }
0x1c3: {  	_ =	swait.ge [sflag:s14], $0x4000  }
0x1c4: {  	[sflag:s14] =	ssyncset.done $0x0  }
0x1c5: {  	[sflag:s14] =	ssyncadd.s32 $0xFFFFC000  }
0x1c6: {  	[spmem:s2] =	stream.indirect.scatter.add.f32 [tilespmem:s11], [sflag:$0x3], $0x80, s26, s9, $0xb8;
	[tilespmem:$0x1D000] =	vst v63  }
0x1c7: {  	_ =	swait.ge [sflag:s5], $0x4000  }
0x1c8: {  	[sflag:s5] =	ssyncset.done $0x0  }
0x1c9: {  	[sflag:s5] =	ssyncadd.s32 $0xFFFFC000  }
0x1ca: {  	[tilespmem:s11], [sflag:$0x2] =	stream.indirect.gather [hbm4b:s8+s9], $0x80, s28, s9, $0xb8;
	[tilespmem:$0x1D000] =	vst v63  }
0x1cb: {  	_ =	swait.ge [sflag:s12], $0x4000  }
0x1cc: {  	[sflag:s12] =	ssyncset.done $0x0  }
0x1cd: {  	[sflag:s12] =	ssyncadd.s32 $0xFFFFC000  }
0x1ce: {  	[spmem:s2] =	stream.indirect.scatter.add.f32 [tilespmem:s10], [sflag:$0x3], $0x80, s29, s9, $0xb8;
	[tilespmem:$0x1D000] =	vst v63  }
0x1cf: {  	_ =	swait.ge [sflag:s5], $0x4000  }
0x1d0: {  	[sflag:s5] =	ssyncset.done $0x0  }
0x1d1: {  	[sflag:s5] =	ssyncadd.s32 $0xFFFFC000  }
0x1d2: {  	[tilespmem:s10], [sflag:$0x1] =	stream.indirect.gather [hbm4b:s8+s9], $0x80, s30, s9, $0xb8;
	[tilespmem:$0x1D000] =	vst v63  }
0x1d3: {  	_ =	swait.ge [sflag:s14], $0x4000  }
0x1d4: {  	[sflag:s14] =	ssyncset.done $0x0  }
0x1d5: {  	s1 =	simm.s32 $0xF80;
	[sflag:s14] =	ssyncadd.s32 $0xFFFFC000  }
0x1d6: {  	[spmem:s2] =	stream.indirect.scatter.add.f32 [tilespmem:s11], [sflag:$0x3], $0x80, s1, s9, $0xb8;
	[tilespmem:$0x1D000] =	vst v63  }
0x1d7: {  	_ =	swait.ge [sflag:s5], $0x4000  }
0x1d8: {  	[sflag:s5] =	ssyncset.done $0x0  }
0x1d9: {  	s1 =	simm.s32 $0x680;
	[sflag:s5] =	ssyncadd.s32 $0xFFFFC000  }
0x1da: {  	[tilespmem:s11], [sflag:$0x2] =	stream.indirect.gather [hbm4b:s8+s9], $0x80, s1, s9, $0xb8;
	[tilespmem:$0x1D000] =	vst v63  }
0x1db: {  	_ =	swait.ge [sflag:s12], $0x4000  }
0x1dc: {  	[sflag:s12] =	ssyncset.done $0x0  }
0x1dd: {  	s1 =	simm.s32 $0x1000;
	[sflag:s12] =	ssyncadd.s32 $0xFFFFC000  }
0x1de: {  	[spmem:s2] =	stream.indirect.scatter.add.f32 [tilespmem:s10], [sflag:$0x3], $0x80, s1, s9, $0xb8;
	[tilespmem:$0x1D000] =	vst v63  }
0x1df: {  	_ =	swait.ge [sflag:s5], $0x4000  }
0x1e0: {  	[sflag:s5] =	ssyncset.done $0x0  }
0x1e1: {  	s1 =	simm.s32 $0x700;
	[sflag:s5] =	ssyncadd.s32 $0xFFFFC000  }
0x1e2: {  	[tilespmem:s10], [sflag:$0x1] =	stream.indirect.gather [hbm4b:s8+s9], $0x80, s1, s9, $0xb8;
	[tilespmem:$0x1D000] =	vst v63  }
0x1e3: {  	_ =	swait.ge [sflag:s14], $0x4000  }
0x1e4: {  	[sflag:s14] =	ssyncset.done $0x0  }
0x1e5: {  	s1 =	simm.s32 $0x1080;
	[sflag:s14] =	ssyncadd.s32 $0xFFFFC000  }
0x1e6: {  	[spmem:s2] =	stream.indirect.scatter.add.f32 [tilespmem:s11], [sflag:$0x3], $0x80, s1, s9, $0xb8;
	[tilespmem:$0x1D000] =	vst v63  }
0x1e7: {  	_ =	swait.ge [sflag:s5], $0x4000  }
0x1e8: {  	[sflag:s5] =	ssyncset.done $0x0  }
0x1e9: {  	s1 =	simm.s32 $0x780;
	[sflag:s5] =	ssyncadd.s32 $0xFFFFC000  }
0x1ea: {  	[tilespmem:s11], [sflag:$0x2] =	stream.indirect.gather [hbm4b:s8+s9], $0x80, s1, s9, $0xb8;
	[tilespmem:$0x1D000] =	vst v63  }
0x1eb: {  	_ =	swait.ge [sflag:s12], $0x4000  }
0x1ec: {  	[sflag:s12] =	ssyncset.done $0x0  }
0x1ed: {  	s1 =	simm.s32 $0x1100;
	[sflag:s12] =	ssyncadd.s32 $0xFFFFC000  }
0x1ee: {  	[spmem:s2] =	stream.indirect.scatter.add.f32 [tilespmem:s10], [sflag:$0x3], $0x80, s1, s9, $0xb8;
	[tilespmem:$0x1D000] =	vst v63  }
0x1ef: {  	_ =	swait.ge [sflag:s5], $0x4000  }
0x1f0: {  	[sflag:s5] =	ssyncset.done $0x0  }
0x1f1: {  	s1 =	simm.s32 $0x800;
	[sflag:s5] =	ssyncadd.s32 $0xFFFFC000  }
0x1f2: {  	[tilespmem:s10], [sflag:$0x1] =	stream.indirect.gather [hbm4b:s8+s9], $0x80, s1, s9, $0xb8;
	[tilespmem:$0x1D000] =	vst v63  }
0x1f3: {  	_ =	swait.ge [sflag:s14], $0x4000  }
0x1f4: {  	[sflag:s14] =	ssyncset.done $0x0  }
0x1f5: {  	s1 =	simm.s32 $0x1180;
	[sflag:s14] =	ssyncadd.s32 $0xFFFFC000  }
0x1f6: {  	[spmem:s2] =	stream.indirect.scatter.add.f32 [tilespmem:s11], [sflag:$0x3], $0x80, s1, s9, $0xb8;
	[tilespmem:$0x1D000] =	vst v63  }
0x1f7: {  	_ =	swait.ge [sflag:s5], $0x4000  }
0x1f8: {  	[sflag:s5] =	ssyncset.done $0x0  }
0x1f9: {  	s1 =	simm.s32 $0x880;
	[sflag:s5] =	ssyncadd.s32 $0xFFFFC000  }
0x1fa: {  	[tilespmem:s11], [sflag:$0x2] =	stream.indirect.gather [hbm4b:s8+s9], $0x80, s1, s9, $0xb8;
	[tilespmem:$0x1D000] =	vst v63  }
0x1fb: {  	_ =	swait.ge [sflag:s12], $0x4000  }
0x1fc: {  	[sflag:s12] =	ssyncset.done $0x0  }
0x1fd: {  	s1 =	simm.s32 $0x1200;
	[sflag:s12] =	ssyncadd.s32 $0xFFFFC000  }
0x1fe: {  	[spmem:s2] =	stream.indirect.scatter.add.f32 [tilespmem:s10], [sflag:$0x3], $0x80, s1, s9, $0xb8;
	[tilespmem:$0x1D000] =	vst v63  }
0x1ff: {  	_ =	swait.ge [sflag:s5], $0x4000  }
0x200: {  	[sflag:s5] =	ssyncset.done $0x0  }
0x201: {  	s1 =	simm.s32 $0x900;
	[sflag:s5] =	ssyncadd.s32 $0xFFFFC000  }
0x202: {  	[tilespmem:s10], [sflag:$0x1] =	stream.indirect.gather [hbm4b:s8+s9], $0x80, s1, s9, $0xb8;
	[tilespmem:$0x1D000] =	vst v63  }
0x203: {  	_ =	swait.ge [sflag:s14], $0x4000  }
0x204: {  	[sflag:s14] =	ssyncset.done $0x0  }
0x205: {  	s1 =	simm.s32 $0x1280;
	[sflag:s14] =	ssyncadd.s32 $0xFFFFC000  }
0x206: {  	[spmem:s2] =	stream.indirect.scatter.add.f32 [tilespmem:s11], [sflag:$0x3], $0x80, s1, s9, $0xb8;
	[tilespmem:$0x1D000] =	vst v63  }
0x207: {  	_ =	swait.ge [sflag:s5], $0x4000  }
0x208: {  	[sflag:s5] =	ssyncset.done $0x0  }
0x209: {  	s1 =	simm.s32 $0x980;
	[sflag:s5] =	ssyncadd.s32 $0xFFFFC000  }
0x20a: {  	[tilespmem:s11], [sflag:$0x2] =	stream.indirect.gather [hbm4b:s8+s9], $0x80, s1, s9, $0xb8;
	[tilespmem:$0x1D000] =	vst v63  }
0x20b: {  	_ =	swait.ge [sflag:s12], $0x4000  }
0x20c: {  	[sflag:s12] =	ssyncset.done $0x0  }
0x20d: {  	s1 =	simm.s32 $0x1300;
	[sflag:s12] =	ssyncadd.s32 $0xFFFFC000  }
0x20e: {  	[spmem:s2] =	stream.indirect.scatter.add.f32 [tilespmem:s10], [sflag:$0x3], $0x80, s1, s9, $0xb8;
	[tilespmem:$0x1D000] =	vst v63  }
0x20f: {  	_ =	swait.ge [sflag:s5], $0x4000  }
0x210: {  	[sflag:s5] =	ssyncset.done $0x0  }
0x211: {  	[sflag:s5] =	ssyncadd.s32 $0xFFFFC000  }
0x212: {  	_ =	swait.ge [sflag:s14], $0x4000  }
0x213: {  	[sflag:s14] =	ssyncset.done $0x0  }
0x214: {  	s1 =	simm.s32 $0x1380;
	[sflag:s14] =	ssyncadd.s32 $0xFFFFC000  }
0x215: {  	[spmem:s2] =	stream.indirect.scatter.add.f32 [tilespmem:s11], [sflag:$0x3], $0x80, s1, s9, $0xb8;
	[tilespmem:$0x1D000] =	vst v63  }
0x216: {  	_ =	swait.ge [sflag:s5], $0x4000  }
0x217: {  	[sflag:s5] =	ssyncset.done $0x0  }
0x218: {  	s1 =	rddreg [dreg:$0xa];
	[sflag:s5] =	ssyncadd.s32 $0xFFFFC000  }
0x219: {  	[tilespmem:s31], [sflag:$0x3] =	stream.linear.gather [hbm4b:s1+s31], $0xA00, $0x38;
	[tilespmem:$0x1D000] =	vst v63  }
0x21a: {  	_ =	swait.ge [sflag:s5], $0xA00  }
0x21b: {  	[sflag:s5] =	ssyncset.done $0x0  }
0x21c: {  	s0 =	simm.s32 $0xA00;
	s1 =	rddreg [dreg:$0xb];
	[sflag:s5] =	ssyncadd.s32 $0xFFFFF600  }
0x21d: {  	[tilespmem:s0], [sflag:$0x3] =	stream.linear.gather [hbm4b:s1+s31], $0xA00, $0x38;
	[tilespmem:$0x1D000] =	vst v63  }
0x21e: {  	_ =	swait.ge [sflag:s5], $0xA00  }
0x21f: {  	[sflag:s5] =	ssyncset.done $0x0  }
0x220: {  	[sflag:s5] =	ssyncadd.s32 $0xFFFFF600  }
0x221: {  	[tilespmem:s10], [sflag:$0x1] =	stream.indirect.gather [hbm4b:s8+s9], $0x80, s31, s9, $0xb8;
	[tilespmem:$0x1D000] =	vst v63  }
0x222: {  	_ = 	snop  }
0x223: {  	[tilespmem:s11], [sflag:$0x2] =	stream.indirect.gather [hbm4b:s8+s9], $0x80, s9, s9, $0xb8;
	[tilespmem:$0x1D000] =	vst v63  }
0x224: {  	_ =	swait.ge [sflag:s12], $0x4000  }
0x225: {  	[sflag:s12] =	ssyncset.done $0x0  }
0x226: {  	[sflag:s12] =	ssyncadd.s32 $0xFFFFC000  }
0x227: {  	[spmem:s2] =	stream.indirect.scatter.add.f32 [tilespmem:s10], [sflag:$0x3], $0x80, s0, s9, $0xb8;
	[tilespmem:$0x1D000] =	vst v63  }
0x228: {  	_ =	swait.ge [sflag:s5], $0x4000  }
0x229: {  	[sflag:s5] =	ssyncset.done $0x0  }
0x22a: {  	s1 =	simm.s32 $0x100;
	[sflag:s5] =	ssyncadd.s32 $0xFFFFC000  }
0x22b: {  	[tilespmem:s10], [sflag:$0x1] =	stream.indirect.gather [hbm4b:s8+s9], $0x80, s1, s9, $0xb8;
	[tilespmem:$0x1D000] =	vst v63  }
0x22c: {  	_ =	swait.ge [sflag:s14], $0x4000  }
0x22d: {  	[sflag:s14] =	ssyncset.done $0x0  }
0x22e: {  	s3 =	simm.s32 $0xA80;
	[sflag:s14] =	ssyncadd.s32 $0xFFFFC000  }
0x22f: {  	[spmem:s2] =	stream.indirect.scatter.add.f32 [tilespmem:s11], [sflag:$0x3], $0x80, s3, s9, $0xb8;
	[tilespmem:$0x1D000] =	vst v63  }
0x230: {  	_ =	swait.ge [sflag:s5], $0x4000  }
0x231: {  	[sflag:s5] =	ssyncset.done $0x0  }
0x232: {  	s4 =	simm.s32 $0x180;
	[sflag:s5] =	ssyncadd.s32 $0xFFFFC000  }
0x233: {  	[tilespmem:s11], [sflag:$0x2] =	stream.indirect.gather [hbm4b:s8+s9], $0x80, s4, s9, $0xb8;
	[tilespmem:$0x1D000] =	vst v63  }
0x234: {  	_ =	swait.ge [sflag:s12], $0x4000  }
0x235: {  	[sflag:s12] =	ssyncset.done $0x0  }
0x236: {  	s6 =	simm.s32 $0xB00;
	[sflag:s12] =	ssyncadd.s32 $0xFFFFC000  }
0x237: {  	[spmem:s2] =	stream.indirect.scatter.add.f32 [tilespmem:s10], [sflag:$0x3], $0x80, s6, s9, $0xb8;
	[tilespmem:$0x1D000] =	vst v63  }
0x238: {  	_ =	swait.ge [sflag:s5], $0x4000  }
0x239: {  	[sflag:s5] =	ssyncset.done $0x0  }
0x23a: {  	s7 =	simm.s32 $0x200;
	[sflag:s5] =	ssyncadd.s32 $0xFFFFC000  }
0x23b: {  	[tilespmem:s10], [sflag:$0x1] =	stream.indirect.gather [hbm4b:s8+s9], $0x80, s7, s9, $0xb8;
	[tilespmem:$0x1D000] =	vst v63  }
0x23c: {  	_ =	swait.ge [sflag:s14], $0x4000  }
0x23d: {  	[sflag:s14] =	ssyncset.done $0x0  }
0x23e: {  	s13 =	simm.s32 $0xB80;
	[sflag:s14] =	ssyncadd.s32 $0xFFFFC000  }
0x23f: {  	[spmem:s2] =	stream.indirect.scatter.add.f32 [tilespmem:s11], [sflag:$0x3], $0x80, s13, s9, $0xb8;
	[tilespmem:$0x1D000] =	vst v63  }
0x240: {  	_ =	swait.ge [sflag:s5], $0x4000  }
0x241: {  	[sflag:s5] =	ssyncset.done $0x0  }
0x242: {  	s15 =	simm.s32 $0x280;
	[sflag:s5] =	ssyncadd.s32 $0xFFFFC000  }
0x243: {  	[tilespmem:s11], [sflag:$0x2] =	stream.indirect.gather [hbm4b:s8+s9], $0x80, s15, s9, $0xb8;
	[tilespmem:$0x1D000] =	vst v63  }
0x244: {  	_ =	swait.ge [sflag:s12], $0x4000  }
0x245: {  	[sflag:s12] =	ssyncset.done $0x0  }
0x246: {  	s16 =	simm.s32 $0xC00;
	[sflag:s12] =	ssyncadd.s32 $0xFFFFC000  }
0x247: {  	[spmem:s2] =	stream.indirect.scatter.add.f32 [tilespmem:s10], [sflag:$0x3], $0x80, s16, s9, $0xb8;
	[tilespmem:$0x1D000] =	vst v63  }
0x248: {  	_ =	swait.ge [sflag:s5], $0x4000  }
0x249: {  	[sflag:s5] =	ssyncset.done $0x0  }
0x24a: {  	s17 =	simm.s32 $0x300;
	[sflag:s5] =	ssyncadd.s32 $0xFFFFC000  }
0x24b: {  	[tilespmem:s10], [sflag:$0x1] =	stream.indirect.gather [hbm4b:s8+s9], $0x80, s17, s9, $0xb8;
	[tilespmem:$0x1D000] =	vst v63  }
0x24c: {  	_ =	swait.ge [sflag:s14], $0x4000  }
0x24d: {  	[sflag:s14] =	ssyncset.done $0x0  }
0x24e: {  	s18 =	simm.s32 $0xC80;
	[sflag:s14] =	ssyncadd.s32 $0xFFFFC000  }
0x24f: {  	[spmem:s2] =	stream.indirect.scatter.add.f32 [tilespmem:s11], [sflag:$0x3], $0x80, s18, s9, $0xb8;
	[tilespmem:$0x1D000] =	vst v63  }
0x250: {  	_ =	swait.ge [sflag:s5], $0x4000  }
0x251: {  	[sflag:s5] =	ssyncset.done $0x0  }
0x252: {  	s19 =	simm.s32 $0x380;
	[sflag:s5] =	ssyncadd.s32 $0xFFFFC000  }
0x253: {  	[tilespmem:s11], [sflag:$0x2] =	stream.indirect.gather [hbm4b:s8+s9], $0x80, s19, s9, $0xb8;
	[tilespmem:$0x1D000] =	vst v63  }
0x254: {  	_ =	swait.ge [sflag:s12], $0x4000  }
0x255: {  	[sflag:s12] =	ssyncset.done $0x0  }
0x256: {  	s20 =	simm.s32 $0xD00;
	[sflag:s12] =	ssyncadd.s32 $0xFFFFC000  }
0x257: {  	[spmem:s2] =	stream.indirect.scatter.add.f32 [tilespmem:s10], [sflag:$0x3], $0x80, s20, s9, $0xb8;
	[tilespmem:$0x1D000] =	vst v63  }
0x258: {  	_ =	swait.ge [sflag:s5], $0x4000  }
0x259: {  	[sflag:s5] =	ssyncset.done $0x0  }
0x25a: {  	s21 =	simm.s32 $0x400;
	[sflag:s5] =	ssyncadd.s32 $0xFFFFC000  }
0x25b: {  	[tilespmem:s10], [sflag:$0x1] =	stream.indirect.gather [hbm4b:s8+s9], $0x80, s21, s9, $0xb8;
	[tilespmem:$0x1D000] =	vst v63  }
0x25c: {  	_ =	swait.ge [sflag:s14], $0x4000  }
0x25d: {  	[sflag:s14] =	ssyncset.done $0x0  }
0x25e: {  	s22 =	simm.s32 $0xD80;
	[sflag:s14] =	ssyncadd.s32 $0xFFFFC000  }
0x25f: {  	[spmem:s2] =	stream.indirect.scatter.add.f32 [tilespmem:s11], [sflag:$0x3], $0x80, s22, s9, $0xb8;
	[tilespmem:$0x1D000] =	vst v63  }
0x260: {  	_ =	swait.ge [sflag:s5], $0x4000  }
0x261: {  	[sflag:s5] =	ssyncset.done $0x0  }
0x262: {  	s23 =	simm.s32 $0x480;
	[sflag:s5] =	ssyncadd.s32 $0xFFFFC000  }
0x263: {  	[tilespmem:s11], [sflag:$0x2] =	stream.indirect.gather [hbm4b:s8+s9], $0x80, s23, s9, $0xb8;
	[tilespmem:$0x1D000] =	vst v63  }
0x264: {  	_ =	swait.ge [sflag:s12], $0x4000  }
0x265: {  	[sflag:s12] =	ssyncset.done $0x0  }
0x266: {  	s24 =	simm.s32 $0xE00;
	[sflag:s12] =	ssyncadd.s32 $0xFFFFC000  }
0x267: {  	[spmem:s2] =	stream.indirect.scatter.add.f32 [tilespmem:s10], [sflag:$0x3], $0x80, s24, s9, $0xb8;
	[tilespmem:$0x1D000] =	vst v63  }
0x268: {  	_ =	swait.ge [sflag:s5], $0x4000  }
0x269: {  	[sflag:s5] =	ssyncset.done $0x0  }
0x26a: {  	s25 =	simm.s32 $0x500;
	[sflag:s5] =	ssyncadd.s32 $0xFFFFC000  }
0x26b: {  	[tilespmem:s10], [sflag:$0x1] =	stream.indirect.gather [hbm4b:s8+s9], $0x80, s25, s9, $0xb8;
	[tilespmem:$0x1D000] =	vst v63  }
0x26c: {  	_ =	swait.ge [sflag:s14], $0x4000  }
0x26d: {  	[sflag:s14] =	ssyncset.done $0x0  }
0x26e: {  	s26 =	simm.s32 $0xE80;
	[sflag:s14] =	ssyncadd.s32 $0xFFFFC000  }
0x26f: {  	[spmem:s2] =	stream.indirect.scatter.add.f32 [tilespmem:s11], [sflag:$0x3], $0x80, s26, s9, $0xb8;
	[tilespmem:$0x1D000] =	vst v63  }
0x270: {  	_ =	swait.ge [sflag:s5], $0x4000  }
0x271: {  	[sflag:s5] =	ssyncset.done $0x0  }
0x272: {  	s28 =	simm.s32 $0x580;
	[sflag:s5] =	ssyncadd.s32 $0xFFFFC000  }
0x273: {  	[tilespmem:s11], [sflag:$0x2] =	stream.indirect.gather [hbm4b:s8+s9], $0x80, s28, s9, $0xb8;
	[tilespmem:$0x1D000] =	vst v63  }
0x274: {  	_ =	swait.ge [sflag:s12], $0x4000  }
0x275: {  	[sflag:s12] =	ssyncset.done $0x0  }
0x276: {  	s29 =	simm.s32 $0xF00;
	[sflag:s12] =	ssyncadd.s32 $0xFFFFC000  }
0x277: {  	[spmem:s2] =	stream.indirect.scatter.add.f32 [tilespmem:s10], [sflag:$0x3], $0x80, s29, s9, $0xb8;
	[tilespmem:$0x1D000] =	vst v63  }
0x278: {  	_ =	swait.ge [sflag:s5], $0x4000  }
0x279: {  	[sflag:s5] =	ssyncset.done $0x0  }
0x27a: {  	s30 =	simm.s32 $0x600;
	[sflag:s5] =	ssyncadd.s32 $0xFFFFC000  }
0x27b: {  	[tilespmem:s10], [sflag:$0x1] =	stream.indirect.gather [hbm4b:s8+s9], $0x80, s30, s9, $0xb8;
	[tilespmem:$0x1D000] =	vst v63  }
0x27c: {  	_ =	swait.ge [sflag:s14], $0x4000  }
0x27d: {  	[sflag:s14] =	ssyncset.done $0x0  }
0x27e: {  	s7 =	simm.s32 $0xF80;
	[sflag:s14] =	ssyncadd.s32 $0xFFFFC000  }
0x27f: {  	[spmem:s2] =	stream.indirect.scatter.add.f32 [tilespmem:s11], [sflag:$0x3], $0x80, s7, s9, $0xb8;
	[tilespmem:$0x1D000] =	vst v63  }
0x280: {  	_ =	swait.ge [sflag:s5], $0x4000  }
0x281: {  	[sflag:s5] =	ssyncset.done $0x0  }
0x282: {  	s13 =	simm.s32 $0x680;
	[sflag:s5] =	ssyncadd.s32 $0xFFFFC000  }
0x283: {  	[tilespmem:s11], [sflag:$0x2] =	stream.indirect.gather [hbm4b:s8+s9], $0x80, s13, s9, $0xb8;
	[tilespmem:$0x1D000] =	vst v63  }
0x284: {  	_ =	swait.ge [sflag:s12], $0x4000  }
0x285: {  	[sflag:s12] =	ssyncset.done $0x0  }
0x286: {  	s15 =	simm.s32 $0x1000;
	[sflag:s12] =	ssyncadd.s32 $0xFFFFC000  }
0x287: {  	[spmem:s2] =	stream.indirect.scatter.add.f32 [tilespmem:s10], [sflag:$0x3], $0x80, s15, s9, $0xb8;
	[tilespmem:$0x1D000] =	vst v63  }
0x288: {  	_ =	swait.ge [sflag:s5], $0x4000  }
0x289: {  	[sflag:s5] =	ssyncset.done $0x0  }
0x28a: {  	s16 =	simm.s32 $0x700;
	[sflag:s5] =	ssyncadd.s32 $0xFFFFC000  }
0x28b: {  	[tilespmem:s10], [sflag:$0x1] =	stream.indirect.gather [hbm4b:s8+s9], $0x80, s16, s9, $0xb8;
	[tilespmem:$0x1D000] =	vst v63  }
0x28c: {  	_ =	swait.ge [sflag:s14], $0x4000  }
0x28d: {  	[sflag:s14] =	ssyncset.done $0x0  }
0x28e: {  	s17 =	simm.s32 $0x1080;
	[sflag:s14] =	ssyncadd.s32 $0xFFFFC000  }
0x28f: {  	[spmem:s2] =	stream.indirect.scatter.add.f32 [tilespmem:s11], [sflag:$0x3], $0x80, s17, s9, $0xb8;
	[tilespmem:$0x1D000] =	vst v63  }
0x290: {  	_ =	swait.ge [sflag:s5], $0x4000  }
0x291: {  	[sflag:s5] =	ssyncset.done $0x0  }
0x292: {  	s18 =	simm.s32 $0x780;
	[sflag:s5] =	ssyncadd.s32 $0xFFFFC000  }
0x293: {  	[tilespmem:s11], [sflag:$0x2] =	stream.indirect.gather [hbm4b:s8+s9], $0x80, s18, s9, $0xb8;
	[tilespmem:$0x1D000] =	vst v63  }
0x294: {  	_ =	swait.ge [sflag:s12], $0x4000  }
0x295: {  	[sflag:s12] =	ssyncset.done $0x0  }
0x296: {  	s19 =	simm.s32 $0x1100;
	[sflag:s12] =	ssyncadd.s32 $0xFFFFC000  }
0x297: {  	[spmem:s2] =	stream.indirect.scatter.add.f32 [tilespmem:s10], [sflag:$0x3], $0x80, s19, s9, $0xb8;
	[tilespmem:$0x1D000] =	vst v63  }
0x298: {  	_ =	swait.ge [sflag:s5], $0x4000  }
0x299: {  	[sflag:s5] =	ssyncset.done $0x0  }
0x29a: {  	s20 =	simm.s32 $0x800;
	[sflag:s5] =	ssyncadd.s32 $0xFFFFC000  }
0x29b: {  	[tilespmem:s10], [sflag:$0x1] =	stream.indirect.gather [hbm4b:s8+s9], $0x80, s20, s9, $0xb8;
	[tilespmem:$0x1D000] =	vst v63  }
0x29c: {  	_ =	swait.ge [sflag:s14], $0x4000  }
0x29d: {  	[sflag:s14] =	ssyncset.done $0x0  }
0x29e: {  	s21 =	simm.s32 $0x1180;
	[sflag:s14] =	ssyncadd.s32 $0xFFFFC000  }
0x29f: {  	[spmem:s2] =	stream.indirect.scatter.add.f32 [tilespmem:s11], [sflag:$0x3], $0x80, s21, s9, $0xb8;
	[tilespmem:$0x1D000] =	vst v63  }
0x2a0: {  	_ =	swait.ge [sflag:s5], $0x4000  }
0x2a1: {  	[sflag:s5] =	ssyncset.done $0x0  }
0x2a2: {  	s22 =	simm.s32 $0x880;
	[sflag:s5] =	ssyncadd.s32 $0xFFFFC000  }
0x2a3: {  	[tilespmem:s11], [sflag:$0x2] =	stream.indirect.gather [hbm4b:s8+s9], $0x80, s22, s9, $0xb8;
	[tilespmem:$0x1D000] =	vst v63  }
0x2a4: {  	_ =	swait.ge [sflag:s12], $0x4000  }
0x2a5: {  	[sflag:s12] =	ssyncset.done $0x0  }
0x2a6: {  	s23 =	simm.s32 $0x1200;
	[sflag:s12] =	ssyncadd.s32 $0xFFFFC000  }
0x2a7: {  	[spmem:s2] =	stream.indirect.scatter.add.f32 [tilespmem:s10], [sflag:$0x3], $0x80, s23, s9, $0xb8;
	[tilespmem:$0x1D000] =	vst v63  }
0x2a8: {  	_ =	swait.ge [sflag:s5], $0x4000  }
0x2a9: {  	[sflag:s5] =	ssyncset.done $0x0  }
0x2aa: {  	s24 =	simm.s32 $0x900;
	[sflag:s5] =	ssyncadd.s32 $0xFFFFC000  }
0x2ab: {  	[tilespmem:s10], [sflag:$0x1] =	stream.indirect.gather [hbm4b:s8+s9], $0x80, s24, s9, $0xb8;
	[tilespmem:$0x1D000] =	vst v63  }
0x2ac: {  	_ =	swait.ge [sflag:s14], $0x4000  }
0x2ad: {  	[sflag:s14] =	ssyncset.done $0x0  }
0x2ae: {  	s25 =	simm.s32 $0x1280;
	[sflag:s14] =	ssyncadd.s32 $0xFFFFC000  }
0x2af: {  	[spmem:s2] =	stream.indirect.scatter.add.f32 [tilespmem:s11], [sflag:$0x3], $0x80, s25, s9, $0xb8;
	[tilespmem:$0x1D000] =	vst v63  }
0x2b0: {  	_ =	swait.ge [sflag:s5], $0x4000  }
0x2b1: {  	[sflag:s5] =	ssyncset.done $0x0  }
0x2b2: {  	s26 =	simm.s32 $0x980;
	[sflag:s5] =	ssyncadd.s32 $0xFFFFC000  }
0x2b3: {  	[tilespmem:s11], [sflag:$0x2] =	stream.indirect.gather [hbm4b:s8+s9], $0x80, s26, s9, $0xb8;
	[tilespmem:$0x1D000] =	vst v63  }
0x2b4: {  	_ =	swait.ge [sflag:s12], $0x4000  }
0x2b5: {  	[sflag:s12] =	ssyncset.done $0x0  }
0x2b6: {  	s28 =	simm.s32 $0x1300;
	[sflag:s12] =	ssyncadd.s32 $0xFFFFC000  }
0x2b7: {  	[spmem:s2] =	stream.indirect.scatter.add.f32 [tilespmem:s10], [sflag:$0x3], $0x80, s28, s9, $0xb8;
	[tilespmem:$0x1D000] =	vst v63  }
0x2b8: {  	_ =	swait.ge [sflag:s5], $0x4000  }
0x2b9: {  	[sflag:s5] =	ssyncset.done $0x0  }
0x2ba: {  	[sflag:s5] =	ssyncadd.s32 $0xFFFFC000  }
0x2bb: {  	_ =	swait.ge [sflag:s14], $0x4000  }
0x2bc: {  	[sflag:s14] =	ssyncset.done $0x0  }
0x2bd: {  	s29 =	simm.s32 $0x1380;
	[sflag:s14] =	ssyncadd.s32 $0xFFFFC000  }
0x2be: {  	[spmem:s2] =	stream.indirect.scatter.add.f32 [tilespmem:s11], [sflag:$0x3], $0x80, s29, s9, $0xb8;
	[tilespmem:$0x1D000] =	vst v63  }
0x2bf: {  	_ =	swait.ge [sflag:s5], $0x4000  }
0x2c0: {  	[sflag:s5] =	ssyncset.done $0x0  }
0x2c1: {  	[sflag:s5] =	ssyncadd.s32 $0xFFFFC000  }
0x2c2: {  	[bflag:$0x0] =	sbarrier.arrive $0xFFFF  }
0x2c3: {  	s1 =	rddreg [dreg:$0xe]  }
0x2c4: {  	s6 =	rddreg [dreg:$0xd]  }
0x2c5: {  	s3 =	rddreg [dreg:$0x10]  }
0x2c6: {  	[hbm:s6], [sflag:s3] =	dma.local @p0 [spmem:s1], $0x2080  }
0x2c7: {  	s1 =	simm.s32 @p0 $0x3  }
0x2c8: {  	_ =	swait.ge @p0 [sflag:s1], $0x2080  }
0x2c9: {  	s30 =	rddreg [dreg:$0x13]  }
0x2ca: {  	s0 =	ssub.s32 $0x2, s30  }
0x2cb: {  	s31 =	sshrl.u32 s0, $0x1  }
0x2cc: {  	s0 =	ssub.s32 s0, s31  }
0x2cd: {  	s0 =	smax.u32 s0, $0x1  }
0x2ce: {  	[sflag:s1] =	ssyncset.done @p0 $0x0;
	s6 =	sadd.s32 $0xFFFFFFFF, s0  }
0x2cf: {  	[sflag:s1] =	ssyncadd.s32 @p0 $0xFFFFDF80;
	s1 =	rddreg [dreg:$0x12];
	p1 =	sne.s32 s6, $0x0  }
.Ltmp0:
0x2d0: {  	s4 =	rddreg [dreg:$0xc];
	s1 =	sshrl.u32 @!p0 s1, $0x3;
	(pc) =	sbr.rel @!p1 .LBB2_3-.Ltmp0, $4  }
0x2d1: {  	[dreg:$0x11] =	wrdreg s1  }
0x2d2: {  	[hbm:s4], [sflag:s3] =	dma.local @!p0 [spmem:s1], $0x2780  }
0x2d3: {  	s0 =	simm.s32 @!p0 $0x3  }
0x2d4: {  	_ =	swait.ge @!p0 [sflag:s0], $0x2780  }
0x2d5: {  	s7 =	simm.s32 $0xA00  }
.LBB2_2:
0x2d6: {  	s13 =	rddreg [dreg:$0x3]  }
0x2d7: {  	[sflag:s0] =	ssyncset.done @!p0 $0x0;
	s15 =	rddreg [dreg:$0xf]  }
0x2d8: {  	s30 =	rddreg [dreg:$0x10];
	[sflag:s0] =	ssyncadd.s32 @!p0 $0xFFFFD880  }
0x2d9: {  	[spmem:s15], [sflag:s30] =	dma.local [hbm:s13], $0x2780  }
0x2da: {  	_ =	swait.ge [sflag:s5], $0x2780  }
0x2db: {  	[sflag:s5] =	ssyncset.done $0x0  }
0x2dc: {  	[sflag:s5] =	ssyncadd.s32 $0xFFFFD880  }
0x2dd: {  	[bflag:$0x0] =	sbarrier.arrive $0xFFFF  }
0x2de: {  	s0 =	simm.s32 $0x0;
	s28 =	rddreg [dreg:$0x4]  }
0x2df: {  	[tilespmem:s0], [sflag:$0x3] =	stream.linear.gather [hbm4b:s28+s0], $0xA00, $0x38;
	[tilespmem:$0x1D000] =	vst v63  }
0x2e0: {  	_ =	swait.ge [sflag:s5], $0xA00  }
0x2e1: {  	[sflag:s5] =	ssyncset.done $0x0  }
0x2e2: {  	s29 =	rddreg [dreg:$0x5];
	[sflag:s5] =	ssyncadd.s32 $0xFFFFF600  }
0x2e3: {  	[tilespmem:s7], [sflag:$0x3] =	stream.linear.gather [hbm4b:s29+s0], $0xA00, $0x38;
	[tilespmem:$0x1D000] =	vst v63  }
0x2e4: {  	_ =	swait.ge [sflag:s5], $0xA00  }
0x2e5: {  	[sflag:s5] =	ssyncset.done $0x0  }
0x2e6: {  	[sflag:s5] =	ssyncadd.s32 $0xFFFFF600  }
0x2e7: {  	[tilespmem:s10], [sflag:$0x1] =	stream.indirect.gather [hbm4b:s8+s9], $0x80, s0, s9, $0xb8;
	[tilespmem:$0x1D000] =	vst v63  }
0x2e8: {  	_ = 	snop  }
0x2e9: {  	[tilespmem:s11], [sflag:$0x2] =	stream.indirect.gather [hbm4b:s8+s9], $0x80, s9, s9, $0xb8;
	[tilespmem:$0x1D000] =	vst v63  }
0x2ea: {  	_ =	swait.ge [sflag:s12], $0x4000  }
0x2eb: {  	[sflag:s12] =	ssyncset.done $0x0  }
0x2ec: {  	[sflag:s12] =	ssyncadd.s32 $0xFFFFC000  }
0x2ed: {  	[spmem:s2] =	stream.indirect.scatter.add.f32 [tilespmem:s10], [sflag:$0x3], $0x80, s7, s9, $0xb8;
	[tilespmem:$0x1D000] =	vst v63  }
0x2ee: {  	_ =	swait.ge [sflag:s5], $0x4000  }
0x2ef: {  	[sflag:s5] =	ssyncset.done $0x0  }
0x2f0: {  	s1 =	simm.s32 $0x100;
	[sflag:s5] =	ssyncadd.s32 $0xFFFFC000  }
0x2f1: {  	[tilespmem:s10], [sflag:$0x1] =	stream.indirect.gather [hbm4b:s8+s9], $0x80, s1, s9, $0xb8;
	[tilespmem:$0x1D000] =	vst v63  }
0x2f2: {  	_ =	swait.ge [sflag:s14], $0x4000  }
0x2f3: {  	[sflag:s14] =	ssyncset.done $0x0  }
0x2f4: {  	s31 =	simm.s32 $0xA80;
	[sflag:s14] =	ssyncadd.s32 $0xFFFFC000  }
0x2f5: {  	[spmem:s2] =	stream.indirect.scatter.add.f32 [tilespmem:s11], [sflag:$0x3], $0x80, s31, s9, $0xb8;
	[tilespmem:$0x1D000] =	vst v63  }
0x2f6: {  	_ =	swait.ge [sflag:s5], $0x4000  }
0x2f7: {  	[sflag:s5] =	ssyncset.done $0x0  }
0x2f8: {  	s3 =	simm.s32 $0x180;
	[sflag:s5] =	ssyncadd.s32 $0xFFFFC000  }
0x2f9: {  	[tilespmem:s11], [sflag:$0x2] =	stream.indirect.gather [hbm4b:s8+s9], $0x80, s3, s9, $0xb8;
	[tilespmem:$0x1D000] =	vst v63  }
0x2fa: {  	_ =	swait.ge [sflag:s12], $0x4000  }
0x2fb: {  	[sflag:s12] =	ssyncset.done $0x0  }
0x2fc: {  	s4 =	simm.s32 $0xB00;
	[sflag:s12] =	ssyncadd.s32 $0xFFFFC000  }
0x2fd: {  	[spmem:s2] =	stream.indirect.scatter.add.f32 [tilespmem:s10], [sflag:$0x3], $0x80, s4, s9, $0xb8;
	[tilespmem:$0x1D000] =	vst v63  }
0x2fe: {  	_ =	swait.ge [sflag:s5], $0x4000  }
0x2ff: {  	[sflag:s5] =	ssyncset.done $0x0  }
0x300: {  	s13 =	simm.s32 $0x200;
	[sflag:s5] =	ssyncadd.s32 $0xFFFFC000  }
0x301: {  	[tilespmem:s10], [sflag:$0x1] =	stream.indirect.gather [hbm4b:s8+s9], $0x80, s13, s9, $0xb8;
	[tilespmem:$0x1D000] =	vst v63  }
0x302: {  	_ =	swait.ge [sflag:s14], $0x4000  }
0x303: {  	[sflag:s14] =	ssyncset.done $0x0  }
0x304: {  	s15 =	simm.s32 $0xB80;
	[sflag:s14] =	ssyncadd.s32 $0xFFFFC000  }
0x305: {  	[spmem:s2] =	stream.indirect.scatter.add.f32 [tilespmem:s11], [sflag:$0x3], $0x80, s15, s9, $0xb8;
	[tilespmem:$0x1D000] =	vst v63  }
0x306: {  	_ =	swait.ge [sflag:s5], $0x4000  }
0x307: {  	[sflag:s5] =	ssyncset.done $0x0  }
0x308: {  	s16 =	simm.s32 $0x280;
	[sflag:s5] =	ssyncadd.s32 $0xFFFFC000  }
0x309: {  	[tilespmem:s11], [sflag:$0x2] =	stream.indirect.gather [hbm4b:s8+s9], $0x80, s16, s9, $0xb8;
	[tilespmem:$0x1D000] =	vst v63  }
0x30a: {  	_ =	swait.ge [sflag:s12], $0x4000  }
0x30b: {  	[sflag:s12] =	ssyncset.done $0x0  }
0x30c: {  	s17 =	simm.s32 $0xC00;
	[sflag:s12] =	ssyncadd.s32 $0xFFFFC000  }
0x30d: {  	[spmem:s2] =	stream.indirect.scatter.add.f32 [tilespmem:s10], [sflag:$0x3], $0x80, s17, s9, $0xb8;
	[tilespmem:$0x1D000] =	vst v63  }
0x30e: {  	_ =	swait.ge [sflag:s5], $0x4000  }
0x30f: {  	[sflag:s5] =	ssyncset.done $0x0  }
0x310: {  	s18 =	simm.s32 $0x300;
	[sflag:s5] =	ssyncadd.s32 $0xFFFFC000  }
0x311: {  	[tilespmem:s10], [sflag:$0x1] =	stream.indirect.gather [hbm4b:s8+s9], $0x80, s18, s9, $0xb8;
	[tilespmem:$0x1D000] =	vst v63  }
0x312: {  	_ =	swait.ge [sflag:s14], $0x4000  }
0x313: {  	[sflag:s14] =	ssyncset.done $0x0  }
0x314: {  	s19 =	simm.s32 $0xC80;
	[sflag:s14] =	ssyncadd.s32 $0xFFFFC000  }
0x315: {  	[spmem:s2] =	stream.indirect.scatter.add.f32 [tilespmem:s11], [sflag:$0x3], $0x80, s19, s9, $0xb8;
	[tilespmem:$0x1D000] =	vst v63  }
0x316: {  	_ =	swait.ge [sflag:s5], $0x4000  }
0x317: {  	[sflag:s5] =	ssyncset.done $0x0  }
0x318: {  	s20 =	simm.s32 $0x380;
	[sflag:s5] =	ssyncadd.s32 $0xFFFFC000  }
0x319: {  	[tilespmem:s11], [sflag:$0x2] =	stream.indirect.gather [hbm4b:s8+s9], $0x80, s20, s9, $0xb8;
	[tilespmem:$0x1D000] =	vst v63  }
0x31a: {  	_ =	swait.ge [sflag:s12], $0x4000  }
0x31b: {  	[sflag:s12] =	ssyncset.done $0x0  }
0x31c: {  	s21 =	simm.s32 $0xD00;
	[sflag:s12] =	ssyncadd.s32 $0xFFFFC000  }
0x31d: {  	[spmem:s2] =	stream.indirect.scatter.add.f32 [tilespmem:s10], [sflag:$0x3], $0x80, s21, s9, $0xb8;
	[tilespmem:$0x1D000] =	vst v63  }
0x31e: {  	_ =	swait.ge [sflag:s5], $0x4000  }
0x31f: {  	[sflag:s5] =	ssyncset.done $0x0  }
0x320: {  	s22 =	simm.s32 $0x400;
	[sflag:s5] =	ssyncadd.s32 $0xFFFFC000  }
0x321: {  	[tilespmem:s10], [sflag:$0x1] =	stream.indirect.gather [hbm4b:s8+s9], $0x80, s22, s9, $0xb8;
	[tilespmem:$0x1D000] =	vst v63  }
0x322: {  	_ =	swait.ge [sflag:s14], $0x4000  }
0x323: {  	[sflag:s14] =	ssyncset.done $0x0  }
0x324: {  	s23 =	simm.s32 $0xD80;
	[sflag:s14] =	ssyncadd.s32 $0xFFFFC000  }
0x325: {  	[spmem:s2] =	stream.indirect.scatter.add.f32 [tilespmem:s11], [sflag:$0x3], $0x80, s23, s9, $0xb8;
	[tilespmem:$0x1D000] =	vst v63  }
0x326: {  	_ =	swait.ge [sflag:s5], $0x4000  }
0x327: {  	[sflag:s5] =	ssyncset.done $0x0  }
0x328: {  	s24 =	simm.s32 $0x480;
	[sflag:s5] =	ssyncadd.s32 $0xFFFFC000  }
0x329: {  	[tilespmem:s11], [sflag:$0x2] =	stream.indirect.gather [hbm4b:s8+s9], $0x80, s24, s9, $0xb8;
	[tilespmem:$0x1D000] =	vst v63  }
0x32a: {  	_ =	swait.ge [sflag:s12], $0x4000  }
0x32b: {  	[sflag:s12] =	ssyncset.done $0x0  }
0x32c: {  	s25 =	simm.s32 $0xE00;
	[sflag:s12] =	ssyncadd.s32 $0xFFFFC000  }
0x32d: {  	[spmem:s2] =	stream.indirect.scatter.add.f32 [tilespmem:s10], [sflag:$0x3], $0x80, s25, s9, $0xb8;
	[tilespmem:$0x1D000] =	vst v63  }
0x32e: {  	_ =	swait.ge [sflag:s5], $0x4000  }
0x32f: {  	[sflag:s5] =	ssyncset.done $0x0  }
0x330: {  	s26 =	simm.s32 $0x500;
	[sflag:s5] =	ssyncadd.s32 $0xFFFFC000  }
0x331: {  	[tilespmem:s10], [sflag:$0x1] =	stream.indirect.gather [hbm4b:s8+s9], $0x80, s26, s9, $0xb8;
	[tilespmem:$0x1D000] =	vst v63  }
0x332: {  	_ =	swait.ge [sflag:s14], $0x4000  }
0x333: {  	[sflag:s14] =	ssyncset.done $0x0  }
0x334: {  	s4 =	simm.s32 $0xE80;
	[sflag:s14] =	ssyncadd.s32 $0xFFFFC000  }
0x335: {  	[spmem:s2] =	stream.indirect.scatter.add.f32 [tilespmem:s11], [sflag:$0x3], $0x80, s4, s9, $0xb8;
	[tilespmem:$0x1D000] =	vst v63  }
0x336: {  	_ =	swait.ge [sflag:s5], $0x4000  }
0x337: {  	[sflag:s5] =	ssyncset.done $0x0  }
0x338: {  	s3 =	simm.s32 $0x580;
	[sflag:s5] =	ssyncadd.s32 $0xFFFFC000  }
0x339: {  	[tilespmem:s11], [sflag:$0x2] =	stream.indirect.gather [hbm4b:s8+s9], $0x80, s3, s9, $0xb8;
	[tilespmem:$0x1D000] =	vst v63  }
0x33a: {  	_ =	swait.ge [sflag:s12], $0x4000  }
0x33b: {  	[sflag:s12] =	ssyncset.done $0x0  }
0x33c: {  	s28 =	simm.s32 $0xF00;
	[sflag:s12] =	ssyncadd.s32 $0xFFFFC000  }
0x33d: {  	[spmem:s2] =	stream.indirect.scatter.add.f32 [tilespmem:s10], [sflag:$0x3], $0x80, s28, s9, $0xb8;
	[tilespmem:$0x1D000] =	vst v63  }
0x33e: {  	_ =	swait.ge [sflag:s5], $0x4000  }
0x33f: {  	[sflag:s5] =	ssyncset.done $0x0  }
0x340: {  	s29 =	simm.s32 $0x600;
	[sflag:s5] =	ssyncadd.s32 $0xFFFFC000  }
0x341: {  	[tilespmem:s10], [sflag:$0x1] =	stream.indirect.gather [hbm4b:s8+s9], $0x80, s29, s9, $0xb8;
	[tilespmem:$0x1D000] =	vst v63  }
0x342: {  	_ =	swait.ge [sflag:s14], $0x4000  }
0x343: {  	[sflag:s14] =	ssyncset.done $0x0  }
0x344: {  	s31 =	simm.s32 $0xF80;
	[sflag:s14] =	ssyncadd.s32 $0xFFFFC000  }
0x345: {  	[spmem:s2] =	stream.indirect.scatter.add.f32 [tilespmem:s11], [sflag:$0x3], $0x80, s31, s9, $0xb8;
	[tilespmem:$0x1D000] =	vst v63  }
0x346: {  	_ =	swait.ge [sflag:s5], $0x4000  }
0x347: {  	[sflag:s5] =	ssyncset.done $0x0  }
0x348: {  	s1 =	simm.s32 $0x680;
	[sflag:s5] =	ssyncadd.s32 $0xFFFFC000  }
0x349: {  	[tilespmem:s11], [sflag:$0x2] =	stream.indirect.gather [hbm4b:s8+s9], $0x80, s1, s9, $0xb8;
	[tilespmem:$0x1D000] =	vst v63  }
0x34a: {  	_ =	swait.ge [sflag:s12], $0x4000  }
0x34b: {  	[sflag:s12] =	ssyncset.done $0x0  }
0x34c: {  	s3 =	simm.s32 $0x1000;
	[sflag:s12] =	ssyncadd.s32 $0xFFFFC000  }
0x34d: {  	[spmem:s2] =	stream.indirect.scatter.add.f32 [tilespmem:s10], [sflag:$0x3], $0x80, s3, s9, $0xb8;
	[tilespmem:$0x1D000] =	vst v63  }
0x34e: {  	_ =	swait.ge [sflag:s5], $0x4000  }
0x34f: {  	[sflag:s5] =	ssyncset.done $0x0  }
0x350: {  	s4 =	simm.s32 $0x700;
	[sflag:s5] =	ssyncadd.s32 $0xFFFFC000  }
0x351: {  	[tilespmem:s10], [sflag:$0x1] =	stream.indirect.gather [hbm4b:s8+s9], $0x80, s4, s9, $0xb8;
	[tilespmem:$0x1D000] =	vst v63  }
0x352: {  	_ =	swait.ge [sflag:s14], $0x4000  }
0x353: {  	[sflag:s14] =	ssyncset.done $0x0  }
0x354: {  	s15 =	simm.s32 $0x1080;
	[sflag:s14] =	ssyncadd.s32 $0xFFFFC000  }
0x355: {  	[spmem:s2] =	stream.indirect.scatter.add.f32 [tilespmem:s11], [sflag:$0x3], $0x80, s15, s9, $0xb8;
	[tilespmem:$0x1D000] =	vst v63  }
0x356: {  	_ =	swait.ge [sflag:s5], $0x4000  }
0x357: {  	[sflag:s5] =	ssyncset.done $0x0  }
0x358: {  	s16 =	simm.s32 $0x780;
	[sflag:s5] =	ssyncadd.s32 $0xFFFFC000  }
0x359: {  	[tilespmem:s11], [sflag:$0x2] =	stream.indirect.gather [hbm4b:s8+s9], $0x80, s16, s9, $0xb8;
	[tilespmem:$0x1D000] =	vst v63  }
0x35a: {  	_ =	swait.ge [sflag:s12], $0x4000  }
0x35b: {  	[sflag:s12] =	ssyncset.done $0x0  }
0x35c: {  	s17 =	simm.s32 $0x1100;
	[sflag:s12] =	ssyncadd.s32 $0xFFFFC000  }
0x35d: {  	[spmem:s2] =	stream.indirect.scatter.add.f32 [tilespmem:s10], [sflag:$0x3], $0x80, s17, s9, $0xb8;
	[tilespmem:$0x1D000] =	vst v63  }
0x35e: {  	_ =	swait.ge [sflag:s5], $0x4000  }
0x35f: {  	[sflag:s5] =	ssyncset.done $0x0  }
0x360: {  	s18 =	simm.s32 $0x800;
	[sflag:s5] =	ssyncadd.s32 $0xFFFFC000  }
0x361: {  	[tilespmem:s10], [sflag:$0x1] =	stream.indirect.gather [hbm4b:s8+s9], $0x80, s18, s9, $0xb8;
	[tilespmem:$0x1D000] =	vst v63  }
0x362: {  	_ =	swait.ge [sflag:s14], $0x4000  }
0x363: {  	[sflag:s14] =	ssyncset.done $0x0  }
0x364: {  	s19 =	simm.s32 $0x1180;
	[sflag:s14] =	ssyncadd.s32 $0xFFFFC000  }
0x365: {  	[spmem:s2] =	stream.indirect.scatter.add.f32 [tilespmem:s11], [sflag:$0x3], $0x80, s19, s9, $0xb8;
	[tilespmem:$0x1D000] =	vst v63  }
0x366: {  	_ =	swait.ge [sflag:s5], $0x4000  }
0x367: {  	[sflag:s5] =	ssyncset.done $0x0  }
0x368: {  	s20 =	simm.s32 $0x880;
	[sflag:s5] =	ssyncadd.s32 $0xFFFFC000  }
0x369: {  	[tilespmem:s11], [sflag:$0x2] =	stream.indirect.gather [hbm4b:s8+s9], $0x80, s20, s9, $0xb8;
	[tilespmem:$0x1D000] =	vst v63  }
0x36a: {  	_ =	swait.ge [sflag:s12], $0x4000  }
0x36b: {  	[sflag:s12] =	ssyncset.done $0x0  }
0x36c: {  	s21 =	simm.s32 $0x1200;
	[sflag:s12] =	ssyncadd.s32 $0xFFFFC000  }
0x36d: {  	[spmem:s2] =	stream.indirect.scatter.add.f32 [tilespmem:s10], [sflag:$0x3], $0x80, s21, s9, $0xb8;
	[tilespmem:$0x1D000] =	vst v63  }
0x36e: {  	_ =	swait.ge [sflag:s5], $0x4000  }
0x36f: {  	[sflag:s5] =	ssyncset.done $0x0  }
0x370: {  	s22 =	simm.s32 $0x900;
	[sflag:s5] =	ssyncadd.s32 $0xFFFFC000  }
0x371: {  	[tilespmem:s10], [sflag:$0x1] =	stream.indirect.gather [hbm4b:s8+s9], $0x80, s22, s9, $0xb8;
	[tilespmem:$0x1D000] =	vst v63  }
0x372: {  	_ =	swait.ge [sflag:s14], $0x4000  }
0x373: {  	[sflag:s14] =	ssyncset.done $0x0  }
0x374: {  	s23 =	simm.s32 $0x1280;
	[sflag:s14] =	ssyncadd.s32 $0xFFFFC000  }
0x375: {  	[spmem:s2] =	stream.indirect.scatter.add.f32 [tilespmem:s11], [sflag:$0x3], $0x80, s23, s9, $0xb8;
	[tilespmem:$0x1D000] =	vst v63  }
0x376: {  	_ =	swait.ge [sflag:s5], $0x4000  }
0x377: {  	[sflag:s5] =	ssyncset.done $0x0  }
0x378: {  	s24 =	simm.s32 $0x980;
	[sflag:s5] =	ssyncadd.s32 $0xFFFFC000  }
0x379: {  	[tilespmem:s11], [sflag:$0x2] =	stream.indirect.gather [hbm4b:s8+s9], $0x80, s24, s9, $0xb8;
	[tilespmem:$0x1D000] =	vst v63  }
0x37a: {  	_ =	swait.ge [sflag:s12], $0x4000  }
0x37b: {  	[sflag:s12] =	ssyncset.done $0x0  }
0x37c: {  	s25 =	simm.s32 $0x1300;
	[sflag:s12] =	ssyncadd.s32 $0xFFFFC000  }
0x37d: {  	[spmem:s2] =	stream.indirect.scatter.add.f32 [tilespmem:s10], [sflag:$0x3], $0x80, s25, s9, $0xb8;
	[tilespmem:$0x1D000] =	vst v63  }
0x37e: {  	_ =	swait.ge [sflag:s5], $0x4000  }
0x37f: {  	[sflag:s5] =	ssyncset.done $0x0  }
0x380: {  	[sflag:s5] =	ssyncadd.s32 $0xFFFFC000  }
0x381: {  	_ =	swait.ge [sflag:s14], $0x4000  }
0x382: {  	[sflag:s14] =	ssyncset.done $0x0  }
0x383: {  	s26 =	simm.s32 $0x1380;
	[sflag:s14] =	ssyncadd.s32 $0xFFFFC000  }
0x384: {  	[spmem:s2] =	stream.indirect.scatter.add.f32 [tilespmem:s11], [sflag:$0x3], $0x80, s26, s9, $0xb8;
	[tilespmem:$0x1D000] =	vst v63  }
0x385: {  	_ =	swait.ge [sflag:s5], $0x4000  }
0x386: {  	[sflag:s5] =	ssyncset.done $0x0  }
0x387: {  	s28 =	rddreg [dreg:$0x6];
	[sflag:s5] =	ssyncadd.s32 $0xFFFFC000  }
0x388: {  	[tilespmem:s0], [sflag:$0x3] =	stream.linear.gather [hbm4b:s28+s0], $0xA00, $0x38;
	[tilespmem:$0x1D000] =	vst v63  }
0x389: {  	_ =	swait.ge [sflag:s5], $0xA00  }
0x38a: {  	[sflag:s5] =	ssyncset.done $0x0  }
0x38b: {  	s29 =	rddreg [dreg:$0x7];
	[sflag:s5] =	ssyncadd.s32 $0xFFFFF600  }
0x38c: {  	[tilespmem:s7], [sflag:$0x3] =	stream.linear.gather [hbm4b:s29+s0], $0xA00, $0x38;
	[tilespmem:$0x1D000] =	vst v63  }
0x38d: {  	_ =	swait.ge [sflag:s5], $0xA00  }
0x38e: {  	[sflag:s5] =	ssyncset.done $0x0  }
0x38f: {  	[sflag:s5] =	ssyncadd.s32 $0xFFFFF600  }
0x390: {  	[tilespmem:s10], [sflag:$0x1] =	stream.indirect.gather [hbm4b:s8+s9], $0x80, s0, s9, $0xb8;
	[tilespmem:$0x1D000] =	vst v63  }
0x391: {  	_ = 	snop  }
0x392: {  	[tilespmem:s11], [sflag:$0x2] =	stream.indirect.gather [hbm4b:s8+s9], $0x80, s9, s9, $0xb8;
	[tilespmem:$0x1D000] =	vst v63  }
0x393: {  	_ =	swait.ge [sflag:s12], $0x4000  }
0x394: {  	[sflag:s12] =	ssyncset.done $0x0  }
0x395: {  	[sflag:s12] =	ssyncadd.s32 $0xFFFFC000  }
0x396: {  	[spmem:s2] =	stream.indirect.scatter.add.f32 [tilespmem:s10], [sflag:$0x3], $0x80, s7, s9, $0xb8;
	[tilespmem:$0x1D000] =	vst v63  }
0x397: {  	_ =	swait.ge [sflag:s5], $0x4000  }
0x398: {  	[sflag:s5] =	ssyncset.done $0x0  }
0x399: {  	s4 =	simm.s32 $0x100;
	[sflag:s5] =	ssyncadd.s32 $0xFFFFC000  }
0x39a: {  	[tilespmem:s10], [sflag:$0x1] =	stream.indirect.gather [hbm4b:s8+s9], $0x80, s4, s9, $0xb8;
	[tilespmem:$0x1D000] =	vst v63  }
0x39b: {  	_ =	swait.ge [sflag:s14], $0x4000  }
0x39c: {  	[sflag:s14] =	ssyncset.done $0x0  }
0x39d: {  	s3 =	simm.s32 $0xA80;
	[sflag:s14] =	ssyncadd.s32 $0xFFFFC000  }
0x39e: {  	[spmem:s2] =	stream.indirect.scatter.add.f32 [tilespmem:s11], [sflag:$0x3], $0x80, s3, s9, $0xb8;
	[tilespmem:$0x1D000] =	vst v63  }
0x39f: {  	_ =	swait.ge [sflag:s5], $0x4000  }
0x3a0: {  	[sflag:s5] =	ssyncset.done $0x0  }
0x3a1: {  	s15 =	simm.s32 $0x180;
	[sflag:s5] =	ssyncadd.s32 $0xFFFFC000  }
0x3a2: {  	[tilespmem:s11], [sflag:$0x2] =	stream.indirect.gather [hbm4b:s8+s9], $0x80, s15, s9, $0xb8;
	[tilespmem:$0x1D000] =	vst v63  }
0x3a3: {  	_ =	swait.ge [sflag:s12], $0x4000  }
0x3a4: {  	[sflag:s12] =	ssyncset.done $0x0  }
0x3a5: {  	s16 =	simm.s32 $0xB00;
	[sflag:s12] =	ssyncadd.s32 $0xFFFFC000  }
0x3a6: {  	[spmem:s2] =	stream.indirect.scatter.add.f32 [tilespmem:s10], [sflag:$0x3], $0x80, s16, s9, $0xb8;
	[tilespmem:$0x1D000] =	vst v63  }
0x3a7: {  	_ =	swait.ge [sflag:s5], $0x4000  }
0x3a8: {  	[sflag:s5] =	ssyncset.done $0x0  }
0x3a9: {  	s17 =	simm.s32 $0x200;
	[sflag:s5] =	ssyncadd.s32 $0xFFFFC000  }
0x3aa: {  	[tilespmem:s10], [sflag:$0x1] =	stream.indirect.gather [hbm4b:s8+s9], $0x80, s17, s9, $0xb8;
	[tilespmem:$0x1D000] =	vst v63  }
0x3ab: {  	_ =	swait.ge [sflag:s14], $0x4000  }
0x3ac: {  	[sflag:s14] =	ssyncset.done $0x0  }
0x3ad: {  	s18 =	simm.s32 $0xB80;
	[sflag:s14] =	ssyncadd.s32 $0xFFFFC000  }
0x3ae: {  	[spmem:s2] =	stream.indirect.scatter.add.f32 [tilespmem:s11], [sflag:$0x3], $0x80, s18, s9, $0xb8;
	[tilespmem:$0x1D000] =	vst v63  }
0x3af: {  	_ =	swait.ge [sflag:s5], $0x4000  }
0x3b0: {  	[sflag:s5] =	ssyncset.done $0x0  }
0x3b1: {  	s19 =	simm.s32 $0x280;
	[sflag:s5] =	ssyncadd.s32 $0xFFFFC000  }
0x3b2: {  	[tilespmem:s11], [sflag:$0x2] =	stream.indirect.gather [hbm4b:s8+s9], $0x80, s19, s9, $0xb8;
	[tilespmem:$0x1D000] =	vst v63  }
0x3b3: {  	_ =	swait.ge [sflag:s12], $0x4000  }
0x3b4: {  	[sflag:s12] =	ssyncset.done $0x0  }
0x3b5: {  	s20 =	simm.s32 $0xC00;
	[sflag:s12] =	ssyncadd.s32 $0xFFFFC000  }
0x3b6: {  	[spmem:s2] =	stream.indirect.scatter.add.f32 [tilespmem:s10], [sflag:$0x3], $0x80, s20, s9, $0xb8;
	[tilespmem:$0x1D000] =	vst v63  }
0x3b7: {  	_ =	swait.ge [sflag:s5], $0x4000  }
0x3b8: {  	[sflag:s5] =	ssyncset.done $0x0  }
0x3b9: {  	s21 =	simm.s32 $0x300;
	[sflag:s5] =	ssyncadd.s32 $0xFFFFC000  }
0x3ba: {  	[tilespmem:s10], [sflag:$0x1] =	stream.indirect.gather [hbm4b:s8+s9], $0x80, s21, s9, $0xb8;
	[tilespmem:$0x1D000] =	vst v63  }
0x3bb: {  	_ =	swait.ge [sflag:s14], $0x4000  }
0x3bc: {  	[sflag:s14] =	ssyncset.done $0x0  }
0x3bd: {  	s22 =	simm.s32 $0xC80;
	[sflag:s14] =	ssyncadd.s32 $0xFFFFC000  }
0x3be: {  	[spmem:s2] =	stream.indirect.scatter.add.f32 [tilespmem:s11], [sflag:$0x3], $0x80, s22, s9, $0xb8;
	[tilespmem:$0x1D000] =	vst v63  }
0x3bf: {  	_ =	swait.ge [sflag:s5], $0x4000  }
0x3c0: {  	[sflag:s5] =	ssyncset.done $0x0  }
0x3c1: {  	s23 =	simm.s32 $0x380;
	[sflag:s5] =	ssyncadd.s32 $0xFFFFC000  }
0x3c2: {  	[tilespmem:s11], [sflag:$0x2] =	stream.indirect.gather [hbm4b:s8+s9], $0x80, s23, s9, $0xb8;
	[tilespmem:$0x1D000] =	vst v63  }
0x3c3: {  	_ =	swait.ge [sflag:s12], $0x4000  }
0x3c4: {  	[sflag:s12] =	ssyncset.done $0x0  }
0x3c5: {  	s24 =	simm.s32 $0xD00;
	[sflag:s12] =	ssyncadd.s32 $0xFFFFC000  }
0x3c6: {  	[spmem:s2] =	stream.indirect.scatter.add.f32 [tilespmem:s10], [sflag:$0x3], $0x80, s24, s9, $0xb8;
	[tilespmem:$0x1D000] =	vst v63  }
0x3c7: {  	_ =	swait.ge [sflag:s5], $0x4000  }
0x3c8: {  	[sflag:s5] =	ssyncset.done $0x0  }
0x3c9: {  	s25 =	simm.s32 $0x400;
	[sflag:s5] =	ssyncadd.s32 $0xFFFFC000  }
0x3ca: {  	[tilespmem:s10], [sflag:$0x1] =	stream.indirect.gather [hbm4b:s8+s9], $0x80, s25, s9, $0xb8;
	[tilespmem:$0x1D000] =	vst v63  }
0x3cb: {  	_ =	swait.ge [sflag:s14], $0x4000  }
0x3cc: {  	[sflag:s14] =	ssyncset.done $0x0  }
0x3cd: {  	s26 =	simm.s32 $0xD80;
	[sflag:s14] =	ssyncadd.s32 $0xFFFFC000  }
0x3ce: {  	[spmem:s2] =	stream.indirect.scatter.add.f32 [tilespmem:s11], [sflag:$0x3], $0x80, s26, s9, $0xb8;
	[tilespmem:$0x1D000] =	vst v63  }
0x3cf: {  	_ =	swait.ge [sflag:s5], $0x4000  }
0x3d0: {  	[sflag:s5] =	ssyncset.done $0x0  }
0x3d1: {  	s28 =	simm.s32 $0x480;
	[sflag:s5] =	ssyncadd.s32 $0xFFFFC000  }
0x3d2: {  	[tilespmem:s11], [sflag:$0x2] =	stream.indirect.gather [hbm4b:s8+s9], $0x80, s28, s9, $0xb8;
	[tilespmem:$0x1D000] =	vst v63  }
0x3d3: {  	_ =	swait.ge [sflag:s12], $0x4000  }
0x3d4: {  	[sflag:s12] =	ssyncset.done $0x0  }
0x3d5: {  	s29 =	simm.s32 $0xE00;
	[sflag:s12] =	ssyncadd.s32 $0xFFFFC000  }
0x3d6: {  	[spmem:s2] =	stream.indirect.scatter.add.f32 [tilespmem:s10], [sflag:$0x3], $0x80, s29, s9, $0xb8;
	[tilespmem:$0x1D000] =	vst v63  }
0x3d7: {  	_ =	swait.ge [sflag:s5], $0x4000  }
0x3d8: {  	[sflag:s5] =	ssyncset.done $0x0  }
0x3d9: {  	s1 =	simm.s32 $0x500;
	[sflag:s5] =	ssyncadd.s32 $0xFFFFC000  }
0x3da: {  	[tilespmem:s10], [sflag:$0x1] =	stream.indirect.gather [hbm4b:s8+s9], $0x80, s1, s9, $0xb8;
	[tilespmem:$0x1D000] =	vst v63  }
0x3db: {  	_ =	swait.ge [sflag:s14], $0x4000  }
0x3dc: {  	[sflag:s14] =	ssyncset.done $0x0  }
0x3dd: {  	s13 =	simm.s32 $0xE80;
	[sflag:s14] =	ssyncadd.s32 $0xFFFFC000  }
0x3de: {  	[spmem:s2] =	stream.indirect.scatter.add.f32 [tilespmem:s11], [sflag:$0x3], $0x80, s13, s9, $0xb8;
	[tilespmem:$0x1D000] =	vst v63  }
0x3df: {  	_ =	swait.ge [sflag:s5], $0x4000  }
0x3e0: {  	[sflag:s5] =	ssyncset.done $0x0  }
0x3e1: {  	s13 =	simm.s32 $0x580;
	[sflag:s5] =	ssyncadd.s32 $0xFFFFC000  }
0x3e2: {  	[tilespmem:s11], [sflag:$0x2] =	stream.indirect.gather [hbm4b:s8+s9], $0x80, s13, s9, $0xb8;
	[tilespmem:$0x1D000] =	vst v63  }
0x3e3: {  	_ =	swait.ge [sflag:s12], $0x4000  }
0x3e4: {  	[sflag:s12] =	ssyncset.done $0x0  }
0x3e5: {  	s13 =	simm.s32 $0xF00;
	[sflag:s12] =	ssyncadd.s32 $0xFFFFC000  }
0x3e6: {  	[spmem:s2] =	stream.indirect.scatter.add.f32 [tilespmem:s10], [sflag:$0x3], $0x80, s13, s9, $0xb8;
	[tilespmem:$0x1D000] =	vst v63  }
0x3e7: {  	_ =	swait.ge [sflag:s5], $0x4000  }
0x3e8: {  	[sflag:s5] =	ssyncset.done $0x0  }
0x3e9: {  	s13 =	simm.s32 $0x600;
	[sflag:s5] =	ssyncadd.s32 $0xFFFFC000  }
0x3ea: {  	[tilespmem:s10], [sflag:$0x1] =	stream.indirect.gather [hbm4b:s8+s9], $0x80, s13, s9, $0xb8;
	[tilespmem:$0x1D000] =	vst v63  }
0x3eb: {  	_ =	swait.ge [sflag:s14], $0x4000  }
0x3ec: {  	[sflag:s14] =	ssyncset.done $0x0  }
0x3ed: {  	s13 =	simm.s32 $0xF80;
	[sflag:s14] =	ssyncadd.s32 $0xFFFFC000  }
0x3ee: {  	[spmem:s2] =	stream.indirect.scatter.add.f32 [tilespmem:s11], [sflag:$0x3], $0x80, s13, s9, $0xb8;
	[tilespmem:$0x1D000] =	vst v63  }
0x3ef: {  	_ =	swait.ge [sflag:s5], $0x4000  }
0x3f0: {  	[sflag:s5] =	ssyncset.done $0x0  }
0x3f1: {  	s13 =	simm.s32 $0x680;
	[sflag:s5] =	ssyncadd.s32 $0xFFFFC000  }
0x3f2: {  	[tilespmem:s11], [sflag:$0x2] =	stream.indirect.gather [hbm4b:s8+s9], $0x80, s13, s9, $0xb8;
	[tilespmem:$0x1D000] =	vst v63  }
0x3f3: {  	_ =	swait.ge [sflag:s12], $0x4000  }
0x3f4: {  	[sflag:s12] =	ssyncset.done $0x0  }
0x3f5: {  	s13 =	simm.s32 $0x1000;
	[sflag:s12] =	ssyncadd.s32 $0xFFFFC000  }
0x3f6: {  	[spmem:s2] =	stream.indirect.scatter.add.f32 [tilespmem:s10], [sflag:$0x3], $0x80, s13, s9, $0xb8;
	[tilespmem:$0x1D000] =	vst v63  }
0x3f7: {  	_ =	swait.ge [sflag:s5], $0x4000  }
0x3f8: {  	[sflag:s5] =	ssyncset.done $0x0  }
0x3f9: {  	s13 =	simm.s32 $0x700;
	[sflag:s5] =	ssyncadd.s32 $0xFFFFC000  }
0x3fa: {  	[tilespmem:s10], [sflag:$0x1] =	stream.indirect.gather [hbm4b:s8+s9], $0x80, s13, s9, $0xb8;
	[tilespmem:$0x1D000] =	vst v63  }
0x3fb: {  	_ =	swait.ge [sflag:s14], $0x4000  }
0x3fc: {  	[sflag:s14] =	ssyncset.done $0x0  }
0x3fd: {  	s13 =	simm.s32 $0x1080;
	[sflag:s14] =	ssyncadd.s32 $0xFFFFC000  }
0x3fe: {  	[spmem:s2] =	stream.indirect.scatter.add.f32 [tilespmem:s11], [sflag:$0x3], $0x80, s13, s9, $0xb8;
	[tilespmem:$0x1D000] =	vst v63  }
0x3ff: {  	_ =	swait.ge [sflag:s5], $0x4000  }
0x400: {  	[sflag:s5] =	ssyncset.done $0x0  }
0x401: {  	s13 =	simm.s32 $0x780;
	[sflag:s5] =	ssyncadd.s32 $0xFFFFC000  }
0x402: {  	[tilespmem:s11], [sflag:$0x2] =	stream.indirect.gather [hbm4b:s8+s9], $0x80, s13, s9, $0xb8;
	[tilespmem:$0x1D000] =	vst v63  }
0x403: {  	_ =	swait.ge [sflag:s12], $0x4000  }
0x404: {  	[sflag:s12] =	ssyncset.done $0x0  }
0x405: {  	s13 =	simm.s32 $0x1100;
	[sflag:s12] =	ssyncadd.s32 $0xFFFFC000  }
0x406: {  	[spmem:s2] =	stream.indirect.scatter.add.f32 [tilespmem:s10], [sflag:$0x3], $0x80, s13, s9, $0xb8;
	[tilespmem:$0x1D000] =	vst v63  }
0x407: {  	_ =	swait.ge [sflag:s5], $0x4000  }
0x408: {  	[sflag:s5] =	ssyncset.done $0x0  }
0x409: {  	s13 =	simm.s32 $0x800;
	[sflag:s5] =	ssyncadd.s32 $0xFFFFC000  }
0x40a: {  	[tilespmem:s10], [sflag:$0x1] =	stream.indirect.gather [hbm4b:s8+s9], $0x80, s13, s9, $0xb8;
	[tilespmem:$0x1D000] =	vst v63  }
0x40b: {  	_ =	swait.ge [sflag:s14], $0x4000  }
0x40c: {  	[sflag:s14] =	ssyncset.done $0x0  }
0x40d: {  	s13 =	simm.s32 $0x1180;
	[sflag:s14] =	ssyncadd.s32 $0xFFFFC000  }
0x40e: {  	[spmem:s2] =	stream.indirect.scatter.add.f32 [tilespmem:s11], [sflag:$0x3], $0x80, s13, s9, $0xb8;
	[tilespmem:$0x1D000] =	vst v63  }
0x40f: {  	_ =	swait.ge [sflag:s5], $0x4000  }
0x410: {  	[sflag:s5] =	ssyncset.done $0x0  }
0x411: {  	s13 =	simm.s32 $0x880;
	[sflag:s5] =	ssyncadd.s32 $0xFFFFC000  }
0x412: {  	[tilespmem:s11], [sflag:$0x2] =	stream.indirect.gather [hbm4b:s8+s9], $0x80, s13, s9, $0xb8;
	[tilespmem:$0x1D000] =	vst v63  }
0x413: {  	_ =	swait.ge [sflag:s12], $0x4000  }
0x414: {  	[sflag:s12] =	ssyncset.done $0x0  }
0x415: {  	s13 =	simm.s32 $0x1200;
	[sflag:s12] =	ssyncadd.s32 $0xFFFFC000  }
0x416: {  	[spmem:s2] =	stream.indirect.scatter.add.f32 [tilespmem:s10], [sflag:$0x3], $0x80, s13, s9, $0xb8;
	[tilespmem:$0x1D000] =	vst v63  }
0x417: {  	_ =	swait.ge [sflag:s5], $0x4000  }
0x418: {  	[sflag:s5] =	ssyncset.done $0x0  }
0x419: {  	s13 =	simm.s32 $0x900;
	[sflag:s5] =	ssyncadd.s32 $0xFFFFC000  }
0x41a: {  	[tilespmem:s10], [sflag:$0x1] =	stream.indirect.gather [hbm4b:s8+s9], $0x80, s13, s9, $0xb8;
	[tilespmem:$0x1D000] =	vst v63  }
0x41b: {  	_ =	swait.ge [sflag:s14], $0x4000  }
0x41c: {  	[sflag:s14] =	ssyncset.done $0x0  }
0x41d: {  	s13 =	simm.s32 $0x1280;
	[sflag:s14] =	ssyncadd.s32 $0xFFFFC000  }
0x41e: {  	[spmem:s2] =	stream.indirect.scatter.add.f32 [tilespmem:s11], [sflag:$0x3], $0x80, s13, s9, $0xb8;
	[tilespmem:$0x1D000] =	vst v63  }
0x41f: {  	_ =	swait.ge [sflag:s5], $0x4000  }
0x420: {  	[sflag:s5] =	ssyncset.done $0x0  }
0x421: {  	s13 =	simm.s32 $0x980;
	[sflag:s5] =	ssyncadd.s32 $0xFFFFC000  }
0x422: {  	[tilespmem:s11], [sflag:$0x2] =	stream.indirect.gather [hbm4b:s8+s9], $0x80, s13, s9, $0xb8;
	[tilespmem:$0x1D000] =	vst v63  }
0x423: {  	_ =	swait.ge [sflag:s12], $0x4000  }
0x424: {  	[sflag:s12] =	ssyncset.done $0x0  }
0x425: {  	s13 =	simm.s32 $0x1300;
	[sflag:s12] =	ssyncadd.s32 $0xFFFFC000  }
0x426: {  	[spmem:s2] =	stream.indirect.scatter.add.f32 [tilespmem:s10], [sflag:$0x3], $0x80, s13, s9, $0xb8;
	[tilespmem:$0x1D000] =	vst v63  }
0x427: {  	_ =	swait.ge [sflag:s5], $0x4000  }
0x428: {  	[sflag:s5] =	ssyncset.done $0x0  }
0x429: {  	[sflag:s5] =	ssyncadd.s32 $0xFFFFC000  }
0x42a: {  	_ =	swait.ge [sflag:s14], $0x4000  }
0x42b: {  	[sflag:s14] =	ssyncset.done $0x0  }
0x42c: {  	s31 =	simm.s32 $0x1380;
	[sflag:s14] =	ssyncadd.s32 $0xFFFFC000  }
0x42d: {  	[spmem:s2] =	stream.indirect.scatter.add.f32 [tilespmem:s11], [sflag:$0x3], $0x80, s31, s9, $0xb8;
	[tilespmem:$0x1D000] =	vst v63  }
0x42e: {  	_ =	swait.ge [sflag:s5], $0x4000  }
0x42f: {  	[sflag:s5] =	ssyncset.done $0x0  }
0x430: {  	s31 =	rddreg [dreg:$0x8];
	[sflag:s5] =	ssyncadd.s32 $0xFFFFC000  }
0x431: {  	[tilespmem:s0], [sflag:$0x3] =	stream.linear.gather [hbm4b:s31+s0], $0xA00, $0x38;
	[tilespmem:$0x1D000] =	vst v63  }
0x432: {  	_ =	swait.ge [sflag:s5], $0xA00  }
0x433: {  	[sflag:s5] =	ssyncset.done $0x0  }
0x434: {  	s31 =	rddreg [dreg:$0x9];
	[sflag:s5] =	ssyncadd.s32 $0xFFFFF600  }
0x435: {  	[tilespmem:s7], [sflag:$0x3] =	stream.linear.gather [hbm4b:s31+s0], $0xA00, $0x38;
	[tilespmem:$0x1D000] =	vst v63  }
0x436: {  	_ =	swait.ge [sflag:s5], $0xA00  }
0x437: {  	[sflag:s5] =	ssyncset.done $0x0  }
0x438: {  	[sflag:s5] =	ssyncadd.s32 $0xFFFFF600  }
0x439: {  	[tilespmem:s10], [sflag:$0x1] =	stream.indirect.gather [hbm4b:s8+s9], $0x80, s0, s9, $0xb8;
	[tilespmem:$0x1D000] =	vst v63  }
0x43a: {  	_ = 	snop  }
0x43b: {  	[tilespmem:s11], [sflag:$0x2] =	stream.indirect.gather [hbm4b:s8+s9], $0x80, s9, s9, $0xb8;
	[tilespmem:$0x1D000] =	vst v63  }
0x43c: {  	_ =	swait.ge [sflag:s12], $0x4000  }
0x43d: {  	[sflag:s12] =	ssyncset.done $0x0  }
0x43e: {  	[sflag:s12] =	ssyncadd.s32 $0xFFFFC000  }
0x43f: {  	[spmem:s2] =	stream.indirect.scatter.add.f32 [tilespmem:s10], [sflag:$0x3], $0x80, s7, s9, $0xb8;
	[tilespmem:$0x1D000] =	vst v63  }
0x440: {  	_ =	swait.ge [sflag:s5], $0x4000  }
0x441: {  	[sflag:s5] =	ssyncset.done $0x0  }
0x442: {  	[sflag:s5] =	ssyncadd.s32 $0xFFFFC000  }
0x443: {  	[tilespmem:s10], [sflag:$0x1] =	stream.indirect.gather [hbm4b:s8+s9], $0x80, s4, s9, $0xb8;
	[tilespmem:$0x1D000] =	vst v63  }
0x444: {  	_ =	swait.ge [sflag:s14], $0x4000  }
0x445: {  	[sflag:s14] =	ssyncset.done $0x0  }
0x446: {  	[sflag:s14] =	ssyncadd.s32 $0xFFFFC000  }
0x447: {  	[spmem:s2] =	stream.indirect.scatter.add.f32 [tilespmem:s11], [sflag:$0x3], $0x80, s3, s9, $0xb8;
	[tilespmem:$0x1D000] =	vst v63  }
0x448: {  	_ =	swait.ge [sflag:s5], $0x4000  }
0x449: {  	[sflag:s5] =	ssyncset.done $0x0  }
0x44a: {  	[sflag:s5] =	ssyncadd.s32 $0xFFFFC000  }
0x44b: {  	[tilespmem:s11], [sflag:$0x2] =	stream.indirect.gather [hbm4b:s8+s9], $0x80, s15, s9, $0xb8;
	[tilespmem:$0x1D000] =	vst v63  }
0x44c: {  	_ =	swait.ge [sflag:s12], $0x4000  }
0x44d: {  	[sflag:s12] =	ssyncset.done $0x0  }
0x44e: {  	[sflag:s12] =	ssyncadd.s32 $0xFFFFC000  }
0x44f: {  	[spmem:s2] =	stream.indirect.scatter.add.f32 [tilespmem:s10], [sflag:$0x3], $0x80, s16, s9, $0xb8;
	[tilespmem:$0x1D000] =	vst v63  }
0x450: {  	_ =	swait.ge [sflag:s5], $0x4000  }
0x451: {  	[sflag:s5] =	ssyncset.done $0x0  }
0x452: {  	[sflag:s5] =	ssyncadd.s32 $0xFFFFC000  }
0x453: {  	[tilespmem:s10], [sflag:$0x1] =	stream.indirect.gather [hbm4b:s8+s9], $0x80, s17, s9, $0xb8;
	[tilespmem:$0x1D000] =	vst v63  }
0x454: {  	_ =	swait.ge [sflag:s14], $0x4000  }
0x455: {  	[sflag:s14] =	ssyncset.done $0x0  }
0x456: {  	[sflag:s14] =	ssyncadd.s32 $0xFFFFC000  }
0x457: {  	[spmem:s2] =	stream.indirect.scatter.add.f32 [tilespmem:s11], [sflag:$0x3], $0x80, s18, s9, $0xb8;
	[tilespmem:$0x1D000] =	vst v63  }
0x458: {  	_ =	swait.ge [sflag:s5], $0x4000  }
0x459: {  	[sflag:s5] =	ssyncset.done $0x0  }
0x45a: {  	[sflag:s5] =	ssyncadd.s32 $0xFFFFC000  }
0x45b: {  	[tilespmem:s11], [sflag:$0x2] =	stream.indirect.gather [hbm4b:s8+s9], $0x80, s19, s9, $0xb8;
	[tilespmem:$0x1D000] =	vst v63  }
0x45c: {  	_ =	swait.ge [sflag:s12], $0x4000  }
0x45d: {  	[sflag:s12] =	ssyncset.done $0x0  }
0x45e: {  	[sflag:s12] =	ssyncadd.s32 $0xFFFFC000  }
0x45f: {  	[spmem:s2] =	stream.indirect.scatter.add.f32 [tilespmem:s10], [sflag:$0x3], $0x80, s20, s9, $0xb8;
	[tilespmem:$0x1D000] =	vst v63  }
0x460: {  	_ =	swait.ge [sflag:s5], $0x4000  }
0x461: {  	[sflag:s5] =	ssyncset.done $0x0  }
0x462: {  	[sflag:s5] =	ssyncadd.s32 $0xFFFFC000  }
0x463: {  	[tilespmem:s10], [sflag:$0x1] =	stream.indirect.gather [hbm4b:s8+s9], $0x80, s21, s9, $0xb8;
	[tilespmem:$0x1D000] =	vst v63  }
0x464: {  	_ =	swait.ge [sflag:s14], $0x4000  }
0x465: {  	[sflag:s14] =	ssyncset.done $0x0  }
0x466: {  	[sflag:s14] =	ssyncadd.s32 $0xFFFFC000  }
0x467: {  	[spmem:s2] =	stream.indirect.scatter.add.f32 [tilespmem:s11], [sflag:$0x3], $0x80, s22, s9, $0xb8;
	[tilespmem:$0x1D000] =	vst v63  }
0x468: {  	_ =	swait.ge [sflag:s5], $0x4000  }
0x469: {  	[sflag:s5] =	ssyncset.done $0x0  }
0x46a: {  	[sflag:s5] =	ssyncadd.s32 $0xFFFFC000  }
0x46b: {  	[tilespmem:s11], [sflag:$0x2] =	stream.indirect.gather [hbm4b:s8+s9], $0x80, s23, s9, $0xb8;
	[tilespmem:$0x1D000] =	vst v63  }
0x46c: {  	_ =	swait.ge [sflag:s12], $0x4000  }
0x46d: {  	[sflag:s12] =	ssyncset.done $0x0  }
0x46e: {  	[sflag:s12] =	ssyncadd.s32 $0xFFFFC000  }
0x46f: {  	[spmem:s2] =	stream.indirect.scatter.add.f32 [tilespmem:s10], [sflag:$0x3], $0x80, s24, s9, $0xb8;
	[tilespmem:$0x1D000] =	vst v63  }
0x470: {  	_ =	swait.ge [sflag:s5], $0x4000  }
0x471: {  	[sflag:s5] =	ssyncset.done $0x0  }
0x472: {  	[sflag:s5] =	ssyncadd.s32 $0xFFFFC000  }
0x473: {  	[tilespmem:s10], [sflag:$0x1] =	stream.indirect.gather [hbm4b:s8+s9], $0x80, s25, s9, $0xb8;
	[tilespmem:$0x1D000] =	vst v63  }
0x474: {  	_ =	swait.ge [sflag:s14], $0x4000  }
0x475: {  	[sflag:s14] =	ssyncset.done $0x0  }
0x476: {  	[sflag:s14] =	ssyncadd.s32 $0xFFFFC000  }
0x477: {  	[spmem:s2] =	stream.indirect.scatter.add.f32 [tilespmem:s11], [sflag:$0x3], $0x80, s26, s9, $0xb8;
	[tilespmem:$0x1D000] =	vst v63  }
0x478: {  	_ =	swait.ge [sflag:s5], $0x4000  }
0x479: {  	[sflag:s5] =	ssyncset.done $0x0  }
0x47a: {  	[sflag:s5] =	ssyncadd.s32 $0xFFFFC000  }
0x47b: {  	[tilespmem:s11], [sflag:$0x2] =	stream.indirect.gather [hbm4b:s8+s9], $0x80, s28, s9, $0xb8;
	[tilespmem:$0x1D000] =	vst v63  }
0x47c: {  	_ =	swait.ge [sflag:s12], $0x4000  }
0x47d: {  	[sflag:s12] =	ssyncset.done $0x0  }
0x47e: {  	[sflag:s12] =	ssyncadd.s32 $0xFFFFC000  }
0x47f: {  	[spmem:s2] =	stream.indirect.scatter.add.f32 [tilespmem:s10], [sflag:$0x3], $0x80, s29, s9, $0xb8;
	[tilespmem:$0x1D000] =	vst v63  }
0x480: {  	_ =	swait.ge [sflag:s5], $0x4000  }
0x481: {  	[sflag:s5] =	ssyncset.done $0x0  }
0x482: {  	[sflag:s5] =	ssyncadd.s32 $0xFFFFC000  }
0x483: {  	[tilespmem:s10], [sflag:$0x1] =	stream.indirect.gather [hbm4b:s8+s9], $0x80, s1, s9, $0xb8;
	[tilespmem:$0x1D000] =	vst v63  }
0x484: {  	_ =	swait.ge [sflag:s14], $0x4000  }
0x485: {  	[sflag:s14] =	ssyncset.done $0x0  }
0x486: {  	s31 =	simm.s32 $0xE80;
	[sflag:s14] =	ssyncadd.s32 $0xFFFFC000  }
0x487: {  	[spmem:s2] =	stream.indirect.scatter.add.f32 [tilespmem:s11], [sflag:$0x3], $0x80, s31, s9, $0xb8;
	[tilespmem:$0x1D000] =	vst v63  }
0x488: {  	_ =	swait.ge [sflag:s5], $0x4000  }
0x489: {  	[sflag:s5] =	ssyncset.done $0x0  }
0x48a: {  	s13 =	simm.s32 $0x580;
	[sflag:s5] =	ssyncadd.s32 $0xFFFFC000  }
0x48b: {  	[tilespmem:s11], [sflag:$0x2] =	stream.indirect.gather [hbm4b:s8+s9], $0x80, s13, s9, $0xb8;
	[tilespmem:$0x1D000] =	vst v63  }
0x48c: {  	_ =	swait.ge [sflag:s12], $0x4000  }
0x48d: {  	[sflag:s12] =	ssyncset.done $0x0  }
0x48e: {  	s13 =	simm.s32 $0xF00;
	[sflag:s12] =	ssyncadd.s32 $0xFFFFC000  }
0x48f: {  	[spmem:s2] =	stream.indirect.scatter.add.f32 [tilespmem:s10], [sflag:$0x3], $0x80, s13, s9, $0xb8;
	[tilespmem:$0x1D000] =	vst v63  }
0x490: {  	_ =	swait.ge [sflag:s5], $0x4000  }
0x491: {  	[sflag:s5] =	ssyncset.done $0x0  }
0x492: {  	s13 =	simm.s32 $0x600;
	[sflag:s5] =	ssyncadd.s32 $0xFFFFC000  }
0x493: {  	[tilespmem:s10], [sflag:$0x1] =	stream.indirect.gather [hbm4b:s8+s9], $0x80, s13, s9, $0xb8;
	[tilespmem:$0x1D000] =	vst v63  }
0x494: {  	_ =	swait.ge [sflag:s14], $0x4000  }
0x495: {  	[sflag:s14] =	ssyncset.done $0x0  }
0x496: {  	s13 =	simm.s32 $0xF80;
	[sflag:s14] =	ssyncadd.s32 $0xFFFFC000  }
0x497: {  	[spmem:s2] =	stream.indirect.scatter.add.f32 [tilespmem:s11], [sflag:$0x3], $0x80, s13, s9, $0xb8;
	[tilespmem:$0x1D000] =	vst v63  }
0x498: {  	_ =	swait.ge [sflag:s5], $0x4000  }
0x499: {  	[sflag:s5] =	ssyncset.done $0x0  }
0x49a: {  	s13 =	simm.s32 $0x680;
	[sflag:s5] =	ssyncadd.s32 $0xFFFFC000  }
0x49b: {  	[tilespmem:s11], [sflag:$0x2] =	stream.indirect.gather [hbm4b:s8+s9], $0x80, s13, s9, $0xb8;
	[tilespmem:$0x1D000] =	vst v63  }
0x49c: {  	_ =	swait.ge [sflag:s12], $0x4000  }
0x49d: {  	[sflag:s12] =	ssyncset.done $0x0  }
0x49e: {  	s13 =	simm.s32 $0x1000;
	[sflag:s12] =	ssyncadd.s32 $0xFFFFC000  }
0x49f: {  	[spmem:s2] =	stream.indirect.scatter.add.f32 [tilespmem:s10], [sflag:$0x3], $0x80, s13, s9, $0xb8;
	[tilespmem:$0x1D000] =	vst v63  }
0x4a0: {  	_ =	swait.ge [sflag:s5], $0x4000  }
0x4a1: {  	[sflag:s5] =	ssyncset.done $0x0  }
0x4a2: {  	s13 =	simm.s32 $0x700;
	[sflag:s5] =	ssyncadd.s32 $0xFFFFC000  }
0x4a3: {  	[tilespmem:s10], [sflag:$0x1] =	stream.indirect.gather [hbm4b:s8+s9], $0x80, s13, s9, $0xb8;
	[tilespmem:$0x1D000] =	vst v63  }
0x4a4: {  	_ =	swait.ge [sflag:s14], $0x4000  }
0x4a5: {  	[sflag:s14] =	ssyncset.done $0x0  }
0x4a6: {  	s13 =	simm.s32 $0x1080;
	[sflag:s14] =	ssyncadd.s32 $0xFFFFC000  }
0x4a7: {  	[spmem:s2] =	stream.indirect.scatter.add.f32 [tilespmem:s11], [sflag:$0x3], $0x80, s13, s9, $0xb8;
	[tilespmem:$0x1D000] =	vst v63  }
0x4a8: {  	_ =	swait.ge [sflag:s5], $0x4000  }
0x4a9: {  	[sflag:s5] =	ssyncset.done $0x0  }
0x4aa: {  	s13 =	simm.s32 $0x780;
	[sflag:s5] =	ssyncadd.s32 $0xFFFFC000  }
0x4ab: {  	[tilespmem:s11], [sflag:$0x2] =	stream.indirect.gather [hbm4b:s8+s9], $0x80, s13, s9, $0xb8;
	[tilespmem:$0x1D000] =	vst v63  }
0x4ac: {  	_ =	swait.ge [sflag:s12], $0x4000  }
0x4ad: {  	[sflag:s12] =	ssyncset.done $0x0  }
0x4ae: {  	s13 =	simm.s32 $0x1100;
	[sflag:s12] =	ssyncadd.s32 $0xFFFFC000  }
0x4af: {  	[spmem:s2] =	stream.indirect.scatter.add.f32 [tilespmem:s10], [sflag:$0x3], $0x80, s13, s9, $0xb8;
	[tilespmem:$0x1D000] =	vst v63  }
0x4b0: {  	_ =	swait.ge [sflag:s5], $0x4000  }
0x4b1: {  	[sflag:s5] =	ssyncset.done $0x0  }
0x4b2: {  	s13 =	simm.s32 $0x800;
	[sflag:s5] =	ssyncadd.s32 $0xFFFFC000  }
0x4b3: {  	[tilespmem:s10], [sflag:$0x1] =	stream.indirect.gather [hbm4b:s8+s9], $0x80, s13, s9, $0xb8;
	[tilespmem:$0x1D000] =	vst v63  }
0x4b4: {  	_ =	swait.ge [sflag:s14], $0x4000  }
0x4b5: {  	[sflag:s14] =	ssyncset.done $0x0  }
0x4b6: {  	s13 =	simm.s32 $0x1180;
	[sflag:s14] =	ssyncadd.s32 $0xFFFFC000  }
0x4b7: {  	[spmem:s2] =	stream.indirect.scatter.add.f32 [tilespmem:s11], [sflag:$0x3], $0x80, s13, s9, $0xb8;
	[tilespmem:$0x1D000] =	vst v63  }
0x4b8: {  	_ =	swait.ge [sflag:s5], $0x4000  }
0x4b9: {  	[sflag:s5] =	ssyncset.done $0x0  }
0x4ba: {  	s13 =	simm.s32 $0x880;
	[sflag:s5] =	ssyncadd.s32 $0xFFFFC000  }
0x4bb: {  	[tilespmem:s11], [sflag:$0x2] =	stream.indirect.gather [hbm4b:s8+s9], $0x80, s13, s9, $0xb8;
	[tilespmem:$0x1D000] =	vst v63  }
0x4bc: {  	_ =	swait.ge [sflag:s12], $0x4000  }
0x4bd: {  	[sflag:s12] =	ssyncset.done $0x0  }
0x4be: {  	s13 =	simm.s32 $0x1200;
	[sflag:s12] =	ssyncadd.s32 $0xFFFFC000  }
0x4bf: {  	[spmem:s2] =	stream.indirect.scatter.add.f32 [tilespmem:s10], [sflag:$0x3], $0x80, s13, s9, $0xb8;
	[tilespmem:$0x1D000] =	vst v63  }
0x4c0: {  	_ =	swait.ge [sflag:s5], $0x4000  }
0x4c1: {  	[sflag:s5] =	ssyncset.done $0x0  }
0x4c2: {  	s13 =	simm.s32 $0x900;
	[sflag:s5] =	ssyncadd.s32 $0xFFFFC000  }
0x4c3: {  	[tilespmem:s10], [sflag:$0x1] =	stream.indirect.gather [hbm4b:s8+s9], $0x80, s13, s9, $0xb8;
	[tilespmem:$0x1D000] =	vst v63  }
0x4c4: {  	_ =	swait.ge [sflag:s14], $0x4000  }
0x4c5: {  	[sflag:s14] =	ssyncset.done $0x0  }
0x4c6: {  	s13 =	simm.s32 $0x1280;
	[sflag:s14] =	ssyncadd.s32 $0xFFFFC000  }
0x4c7: {  	[spmem:s2] =	stream.indirect.scatter.add.f32 [tilespmem:s11], [sflag:$0x3], $0x80, s13, s9, $0xb8;
	[tilespmem:$0x1D000] =	vst v63  }
0x4c8: {  	_ =	swait.ge [sflag:s5], $0x4000  }
0x4c9: {  	[sflag:s5] =	ssyncset.done $0x0  }
0x4ca: {  	s13 =	simm.s32 $0x980;
	[sflag:s5] =	ssyncadd.s32 $0xFFFFC000  }
0x4cb: {  	[tilespmem:s11], [sflag:$0x2] =	stream.indirect.gather [hbm4b:s8+s9], $0x80, s13, s9, $0xb8;
	[tilespmem:$0x1D000] =	vst v63  }
0x4cc: {  	_ =	swait.ge [sflag:s12], $0x4000  }
0x4cd: {  	[sflag:s12] =	ssyncset.done $0x0  }
0x4ce: {  	s13 =	simm.s32 $0x1300;
	[sflag:s12] =	ssyncadd.s32 $0xFFFFC000  }
0x4cf: {  	[spmem:s2] =	stream.indirect.scatter.add.f32 [tilespmem:s10], [sflag:$0x3], $0x80, s13, s9, $0xb8;
	[tilespmem:$0x1D000] =	vst v63  }
0x4d0: {  	_ =	swait.ge [sflag:s5], $0x4000  }
0x4d1: {  	[sflag:s5] =	ssyncset.done $0x0  }
0x4d2: {  	[sflag:s5] =	ssyncadd.s32 $0xFFFFC000  }
0x4d3: {  	_ =	swait.ge [sflag:s14], $0x4000  }
0x4d4: {  	[sflag:s14] =	ssyncset.done $0x0  }
0x4d5: {  	s13 =	simm.s32 $0x1380;
	[sflag:s14] =	ssyncadd.s32 $0xFFFFC000  }
0x4d6: {  	[spmem:s2] =	stream.indirect.scatter.add.f32 [tilespmem:s11], [sflag:$0x3], $0x80, s13, s9, $0xb8;
	[tilespmem:$0x1D000] =	vst v63  }
0x4d7: {  	_ =	swait.ge [sflag:s5], $0x4000  }
0x4d8: {  	[sflag:s5] =	ssyncset.done $0x0  }
0x4d9: {  	s13 =	rddreg [dreg:$0xa];
	[sflag:s5] =	ssyncadd.s32 $0xFFFFC000  }
0x4da: {  	[tilespmem:s0], [sflag:$0x3] =	stream.linear.gather [hbm4b:s13+s0], $0xA00, $0x38;
	[tilespmem:$0x1D000] =	vst v63  }
0x4db: {  	_ =	swait.ge [sflag:s5], $0xA00  }
0x4dc: {  	[sflag:s5] =	ssyncset.done $0x0  }
0x4dd: {  	s13 =	rddreg [dreg:$0xb];
	[sflag:s5] =	ssyncadd.s32 $0xFFFFF600  }
0x4de: {  	[tilespmem:s7], [sflag:$0x3] =	stream.linear.gather [hbm4b:s13+s0], $0xA00, $0x38;
	[tilespmem:$0x1D000] =	vst v63  }
0x4df: {  	_ =	swait.ge [sflag:s5], $0xA00  }
0x4e0: {  	[sflag:s5] =	ssyncset.done $0x0  }
0x4e1: {  	[sflag:s5] =	ssyncadd.s32 $0xFFFFF600  }
0x4e2: {  	[tilespmem:s10], [sflag:$0x1] =	stream.indirect.gather [hbm4b:s8+s9], $0x80, s0, s9, $0xb8;
	[tilespmem:$0x1D000] =	vst v63  }
0x4e3: {  	_ = 	snop  }
0x4e4: {  	[tilespmem:s11], [sflag:$0x2] =	stream.indirect.gather [hbm4b:s8+s9], $0x80, s9, s9, $0xb8;
	[tilespmem:$0x1D000] =	vst v63  }
0x4e5: {  	_ =	swait.ge [sflag:s12], $0x4000  }
0x4e6: {  	[sflag:s12] =	ssyncset.done $0x0  }
0x4e7: {  	[sflag:s12] =	ssyncadd.s32 $0xFFFFC000  }
0x4e8: {  	[spmem:s2] =	stream.indirect.scatter.add.f32 [tilespmem:s10], [sflag:$0x3], $0x80, s7, s9, $0xb8;
	[tilespmem:$0x1D000] =	vst v63  }
0x4e9: {  	_ =	swait.ge [sflag:s5], $0x4000  }
0x4ea: {  	[sflag:s5] =	ssyncset.done $0x0  }
0x4eb: {  	s4 =	simm.s32 $0x100;
	[sflag:s5] =	ssyncadd.s32 $0xFFFFC000  }
0x4ec: {  	[tilespmem:s10], [sflag:$0x1] =	stream.indirect.gather [hbm4b:s8+s9], $0x80, s4, s9, $0xb8;
	[tilespmem:$0x1D000] =	vst v63  }
0x4ed: {  	_ =	swait.ge [sflag:s14], $0x4000  }
0x4ee: {  	[sflag:s14] =	ssyncset.done $0x0  }
0x4ef: {  	s3 =	simm.s32 $0xA80;
	[sflag:s14] =	ssyncadd.s32 $0xFFFFC000  }
0x4f0: {  	[spmem:s2] =	stream.indirect.scatter.add.f32 [tilespmem:s11], [sflag:$0x3], $0x80, s3, s9, $0xb8;
	[tilespmem:$0x1D000] =	vst v63  }
0x4f1: {  	_ =	swait.ge [sflag:s5], $0x4000  }
0x4f2: {  	[sflag:s5] =	ssyncset.done $0x0  }
0x4f3: {  	s15 =	simm.s32 $0x180;
	[sflag:s5] =	ssyncadd.s32 $0xFFFFC000  }
0x4f4: {  	[tilespmem:s11], [sflag:$0x2] =	stream.indirect.gather [hbm4b:s8+s9], $0x80, s15, s9, $0xb8;
	[tilespmem:$0x1D000] =	vst v63  }
0x4f5: {  	_ =	swait.ge [sflag:s12], $0x4000  }
0x4f6: {  	[sflag:s12] =	ssyncset.done $0x0  }
0x4f7: {  	s16 =	simm.s32 $0xB00;
	[sflag:s12] =	ssyncadd.s32 $0xFFFFC000  }
0x4f8: {  	[spmem:s2] =	stream.indirect.scatter.add.f32 [tilespmem:s10], [sflag:$0x3], $0x80, s16, s9, $0xb8;
	[tilespmem:$0x1D000] =	vst v63  }
0x4f9: {  	_ =	swait.ge [sflag:s5], $0x4000  }
0x4fa: {  	[sflag:s5] =	ssyncset.done $0x0  }
0x4fb: {  	s17 =	simm.s32 $0x200;
	[sflag:s5] =	ssyncadd.s32 $0xFFFFC000  }
0x4fc: {  	[tilespmem:s10], [sflag:$0x1] =	stream.indirect.gather [hbm4b:s8+s9], $0x80, s17, s9, $0xb8;
	[tilespmem:$0x1D000] =	vst v63  }
0x4fd: {  	_ =	swait.ge [sflag:s14], $0x4000  }
0x4fe: {  	[sflag:s14] =	ssyncset.done $0x0  }
0x4ff: {  	s18 =	simm.s32 $0xB80;
	[sflag:s14] =	ssyncadd.s32 $0xFFFFC000  }
0x500: {  	[spmem:s2] =	stream.indirect.scatter.add.f32 [tilespmem:s11], [sflag:$0x3], $0x80, s18, s9, $0xb8;
	[tilespmem:$0x1D000] =	vst v63  }
0x501: {  	_ =	swait.ge [sflag:s5], $0x4000  }
0x502: {  	[sflag:s5] =	ssyncset.done $0x0  }
0x503: {  	s19 =	simm.s32 $0x280;
	[sflag:s5] =	ssyncadd.s32 $0xFFFFC000  }
0x504: {  	[tilespmem:s11], [sflag:$0x2] =	stream.indirect.gather [hbm4b:s8+s9], $0x80, s19, s9, $0xb8;
	[tilespmem:$0x1D000] =	vst v63  }
0x505: {  	_ =	swait.ge [sflag:s12], $0x4000  }
0x506: {  	[sflag:s12] =	ssyncset.done $0x0  }
0x507: {  	s20 =	simm.s32 $0xC00;
	[sflag:s12] =	ssyncadd.s32 $0xFFFFC000  }
0x508: {  	[spmem:s2] =	stream.indirect.scatter.add.f32 [tilespmem:s10], [sflag:$0x3], $0x80, s20, s9, $0xb8;
	[tilespmem:$0x1D000] =	vst v63  }
0x509: {  	_ =	swait.ge [sflag:s5], $0x4000  }
0x50a: {  	[sflag:s5] =	ssyncset.done $0x0  }
0x50b: {  	s21 =	simm.s32 $0x300;
	[sflag:s5] =	ssyncadd.s32 $0xFFFFC000  }
0x50c: {  	[tilespmem:s10], [sflag:$0x1] =	stream.indirect.gather [hbm4b:s8+s9], $0x80, s21, s9, $0xb8;
	[tilespmem:$0x1D000] =	vst v63  }
0x50d: {  	_ =	swait.ge [sflag:s14], $0x4000  }
0x50e: {  	[sflag:s14] =	ssyncset.done $0x0  }
0x50f: {  	s22 =	simm.s32 $0xC80;
	[sflag:s14] =	ssyncadd.s32 $0xFFFFC000  }
0x510: {  	[spmem:s2] =	stream.indirect.scatter.add.f32 [tilespmem:s11], [sflag:$0x3], $0x80, s22, s9, $0xb8;
	[tilespmem:$0x1D000] =	vst v63  }
0x511: {  	_ =	swait.ge [sflag:s5], $0x4000  }
0x512: {  	[sflag:s5] =	ssyncset.done $0x0  }
0x513: {  	s23 =	simm.s32 $0x380;
	[sflag:s5] =	ssyncadd.s32 $0xFFFFC000  }
0x514: {  	[tilespmem:s11], [sflag:$0x2] =	stream.indirect.gather [hbm4b:s8+s9], $0x80, s23, s9, $0xb8;
	[tilespmem:$0x1D000] =	vst v63  }
0x515: {  	_ =	swait.ge [sflag:s12], $0x4000  }
0x516: {  	[sflag:s12] =	ssyncset.done $0x0  }
0x517: {  	s24 =	simm.s32 $0xD00;
	[sflag:s12] =	ssyncadd.s32 $0xFFFFC000  }
0x518: {  	[spmem:s2] =	stream.indirect.scatter.add.f32 [tilespmem:s10], [sflag:$0x3], $0x80, s24, s9, $0xb8;
	[tilespmem:$0x1D000] =	vst v63  }
0x519: {  	_ =	swait.ge [sflag:s5], $0x4000  }
0x51a: {  	[sflag:s5] =	ssyncset.done $0x0  }
0x51b: {  	s25 =	simm.s32 $0x400;
	[sflag:s5] =	ssyncadd.s32 $0xFFFFC000  }
0x51c: {  	[tilespmem:s10], [sflag:$0x1] =	stream.indirect.gather [hbm4b:s8+s9], $0x80, s25, s9, $0xb8;
	[tilespmem:$0x1D000] =	vst v63  }
0x51d: {  	_ =	swait.ge [sflag:s14], $0x4000  }
0x51e: {  	[sflag:s14] =	ssyncset.done $0x0  }
0x51f: {  	s26 =	simm.s32 $0xD80;
	[sflag:s14] =	ssyncadd.s32 $0xFFFFC000  }
0x520: {  	[spmem:s2] =	stream.indirect.scatter.add.f32 [tilespmem:s11], [sflag:$0x3], $0x80, s26, s9, $0xb8;
	[tilespmem:$0x1D000] =	vst v63  }
0x521: {  	_ =	swait.ge [sflag:s5], $0x4000  }
0x522: {  	[sflag:s5] =	ssyncset.done $0x0  }
0x523: {  	s28 =	simm.s32 $0x480;
	[sflag:s5] =	ssyncadd.s32 $0xFFFFC000  }
0x524: {  	[tilespmem:s11], [sflag:$0x2] =	stream.indirect.gather [hbm4b:s8+s9], $0x80, s28, s9, $0xb8;
	[tilespmem:$0x1D000] =	vst v63  }
0x525: {  	_ =	swait.ge [sflag:s12], $0x4000  }
0x526: {  	[sflag:s12] =	ssyncset.done $0x0  }
0x527: {  	s29 =	simm.s32 $0xE00;
	[sflag:s12] =	ssyncadd.s32 $0xFFFFC000  }
0x528: {  	[spmem:s2] =	stream.indirect.scatter.add.f32 [tilespmem:s10], [sflag:$0x3], $0x80, s29, s9, $0xb8;
	[tilespmem:$0x1D000] =	vst v63  }
0x529: {  	_ =	swait.ge [sflag:s5], $0x4000  }
0x52a: {  	[sflag:s5] =	ssyncset.done $0x0  }
0x52b: {  	s1 =	simm.s32 $0x500;
	[sflag:s5] =	ssyncadd.s32 $0xFFFFC000  }
0x52c: {  	[tilespmem:s10], [sflag:$0x1] =	stream.indirect.gather [hbm4b:s8+s9], $0x80, s1, s9, $0xb8;
	[tilespmem:$0x1D000] =	vst v63  }
0x52d: {  	_ =	swait.ge [sflag:s14], $0x4000  }
0x52e: {  	[sflag:s14] =	ssyncset.done $0x0  }
0x52f: {  	s31 =	simm.s32 $0xE80;
	[sflag:s14] =	ssyncadd.s32 $0xFFFFC000  }
0x530: {  	[spmem:s2] =	stream.indirect.scatter.add.f32 [tilespmem:s11], [sflag:$0x3], $0x80, s31, s9, $0xb8;
	[tilespmem:$0x1D000] =	vst v63  }
0x531: {  	_ =	swait.ge [sflag:s5], $0x4000  }
0x532: {  	[sflag:s5] =	ssyncset.done $0x0  }
0x533: {  	s1 =	simm.s32 $0x580;
	[sflag:s5] =	ssyncadd.s32 $0xFFFFC000  }
0x534: {  	[tilespmem:s11], [sflag:$0x2] =	stream.indirect.gather [hbm4b:s8+s9], $0x80, s1, s9, $0xb8;
	[tilespmem:$0x1D000] =	vst v63  }
0x535: {  	_ =	swait.ge [sflag:s12], $0x4000  }
0x536: {  	[sflag:s12] =	ssyncset.done $0x0  }
0x537: {  	s3 =	simm.s32 $0xF00;
	[sflag:s12] =	ssyncadd.s32 $0xFFFFC000  }
0x538: {  	[spmem:s2] =	stream.indirect.scatter.add.f32 [tilespmem:s10], [sflag:$0x3], $0x80, s3, s9, $0xb8;
	[tilespmem:$0x1D000] =	vst v63  }
0x539: {  	_ =	swait.ge [sflag:s5], $0x4000  }
0x53a: {  	[sflag:s5] =	ssyncset.done $0x0  }
0x53b: {  	s4 =	simm.s32 $0x600;
	[sflag:s5] =	ssyncadd.s32 $0xFFFFC000  }
0x53c: {  	[tilespmem:s10], [sflag:$0x1] =	stream.indirect.gather [hbm4b:s8+s9], $0x80, s4, s9, $0xb8;
	[tilespmem:$0x1D000] =	vst v63  }
0x53d: {  	_ =	swait.ge [sflag:s14], $0x4000  }
0x53e: {  	[sflag:s14] =	ssyncset.done $0x0  }
0x53f: {  	s13 =	simm.s32 $0xF80;
	[sflag:s14] =	ssyncadd.s32 $0xFFFFC000  }
0x540: {  	[spmem:s2] =	stream.indirect.scatter.add.f32 [tilespmem:s11], [sflag:$0x3], $0x80, s13, s9, $0xb8;
	[tilespmem:$0x1D000] =	vst v63  }
0x541: {  	_ =	swait.ge [sflag:s5], $0x4000  }
0x542: {  	[sflag:s5] =	ssyncset.done $0x0  }
0x543: {  	s15 =	simm.s32 $0x680;
	[sflag:s5] =	ssyncadd.s32 $0xFFFFC000  }
0x544: {  	[tilespmem:s11], [sflag:$0x2] =	stream.indirect.gather [hbm4b:s8+s9], $0x80, s15, s9, $0xb8;
	[tilespmem:$0x1D000] =	vst v63  }
0x545: {  	_ =	swait.ge [sflag:s12], $0x4000  }
0x546: {  	[sflag:s12] =	ssyncset.done $0x0  }
0x547: {  	s16 =	simm.s32 $0x1000;
	[sflag:s12] =	ssyncadd.s32 $0xFFFFC000  }
0x548: {  	[spmem:s2] =	stream.indirect.scatter.add.f32 [tilespmem:s10], [sflag:$0x3], $0x80, s16, s9, $0xb8;
	[tilespmem:$0x1D000] =	vst v63  }
0x549: {  	_ =	swait.ge [sflag:s5], $0x4000  }
0x54a: {  	[sflag:s5] =	ssyncset.done $0x0  }
0x54b: {  	s17 =	simm.s32 $0x700;
	[sflag:s5] =	ssyncadd.s32 $0xFFFFC000  }
0x54c: {  	[tilespmem:s10], [sflag:$0x1] =	stream.indirect.gather [hbm4b:s8+s9], $0x80, s17, s9, $0xb8;
	[tilespmem:$0x1D000] =	vst v63  }
0x54d: {  	_ =	swait.ge [sflag:s14], $0x4000  }
0x54e: {  	[sflag:s14] =	ssyncset.done $0x0  }
0x54f: {  	s18 =	simm.s32 $0x1080;
	[sflag:s14] =	ssyncadd.s32 $0xFFFFC000  }
0x550: {  	[spmem:s2] =	stream.indirect.scatter.add.f32 [tilespmem:s11], [sflag:$0x3], $0x80, s18, s9, $0xb8;
	[tilespmem:$0x1D000] =	vst v63  }
0x551: {  	_ =	swait.ge [sflag:s5], $0x4000  }
0x552: {  	[sflag:s5] =	ssyncset.done $0x0  }
0x553: {  	s19 =	simm.s32 $0x780;
	[sflag:s5] =	ssyncadd.s32 $0xFFFFC000  }
0x554: {  	[tilespmem:s11], [sflag:$0x2] =	stream.indirect.gather [hbm4b:s8+s9], $0x80, s19, s9, $0xb8;
	[tilespmem:$0x1D000] =	vst v63  }
0x555: {  	_ =	swait.ge [sflag:s12], $0x4000  }
0x556: {  	[sflag:s12] =	ssyncset.done $0x0  }
0x557: {  	s20 =	simm.s32 $0x1100;
	[sflag:s12] =	ssyncadd.s32 $0xFFFFC000  }
0x558: {  	[spmem:s2] =	stream.indirect.scatter.add.f32 [tilespmem:s10], [sflag:$0x3], $0x80, s20, s9, $0xb8;
	[tilespmem:$0x1D000] =	vst v63  }
0x559: {  	_ =	swait.ge [sflag:s5], $0x4000  }
0x55a: {  	[sflag:s5] =	ssyncset.done $0x0  }
0x55b: {  	s21 =	simm.s32 $0x800;
	[sflag:s5] =	ssyncadd.s32 $0xFFFFC000  }
0x55c: {  	[tilespmem:s10], [sflag:$0x1] =	stream.indirect.gather [hbm4b:s8+s9], $0x80, s21, s9, $0xb8;
	[tilespmem:$0x1D000] =	vst v63  }
0x55d: {  	_ =	swait.ge [sflag:s14], $0x4000  }
0x55e: {  	[sflag:s14] =	ssyncset.done $0x0  }
0x55f: {  	s22 =	simm.s32 $0x1180;
	[sflag:s14] =	ssyncadd.s32 $0xFFFFC000  }
0x560: {  	[spmem:s2] =	stream.indirect.scatter.add.f32 [tilespmem:s11], [sflag:$0x3], $0x80, s22, s9, $0xb8;
	[tilespmem:$0x1D000] =	vst v63  }
0x561: {  	_ =	swait.ge [sflag:s5], $0x4000  }
0x562: {  	[sflag:s5] =	ssyncset.done $0x0  }
0x563: {  	s23 =	simm.s32 $0x880;
	[sflag:s5] =	ssyncadd.s32 $0xFFFFC000  }
0x564: {  	[tilespmem:s11], [sflag:$0x2] =	stream.indirect.gather [hbm4b:s8+s9], $0x80, s23, s9, $0xb8;
	[tilespmem:$0x1D000] =	vst v63  }
0x565: {  	_ =	swait.ge [sflag:s12], $0x4000  }
0x566: {  	[sflag:s12] =	ssyncset.done $0x0  }
0x567: {  	s24 =	simm.s32 $0x1200;
	[sflag:s12] =	ssyncadd.s32 $0xFFFFC000  }
0x568: {  	[spmem:s2] =	stream.indirect.scatter.add.f32 [tilespmem:s10], [sflag:$0x3], $0x80, s24, s9, $0xb8;
	[tilespmem:$0x1D000] =	vst v63  }
0x569: {  	_ =	swait.ge [sflag:s5], $0x4000  }
0x56a: {  	[sflag:s5] =	ssyncset.done $0x0  }
0x56b: {  	s25 =	simm.s32 $0x900;
	[sflag:s5] =	ssyncadd.s32 $0xFFFFC000  }
0x56c: {  	[tilespmem:s10], [sflag:$0x1] =	stream.indirect.gather [hbm4b:s8+s9], $0x80, s25, s9, $0xb8;
	[tilespmem:$0x1D000] =	vst v63  }
0x56d: {  	_ =	swait.ge [sflag:s14], $0x4000  }
0x56e: {  	[sflag:s14] =	ssyncset.done $0x0  }
0x56f: {  	s26 =	simm.s32 $0x1280;
	[sflag:s14] =	ssyncadd.s32 $0xFFFFC000  }
0x570: {  	[spmem:s2] =	stream.indirect.scatter.add.f32 [tilespmem:s11], [sflag:$0x3], $0x80, s26, s9, $0xb8;
	[tilespmem:$0x1D000] =	vst v63  }
0x571: {  	_ =	swait.ge [sflag:s5], $0x4000  }
0x572: {  	[sflag:s5] =	ssyncset.done $0x0  }
0x573: {  	s28 =	simm.s32 $0x980;
	[sflag:s5] =	ssyncadd.s32 $0xFFFFC000  }
0x574: {  	[tilespmem:s11], [sflag:$0x2] =	stream.indirect.gather [hbm4b:s8+s9], $0x80, s28, s9, $0xb8;
	[tilespmem:$0x1D000] =	vst v63  }
0x575: {  	_ =	swait.ge [sflag:s12], $0x4000  }
0x576: {  	[sflag:s12] =	ssyncset.done $0x0  }
0x577: {  	s29 =	simm.s32 $0x1300;
	[sflag:s12] =	ssyncadd.s32 $0xFFFFC000  }
0x578: {  	[spmem:s2] =	stream.indirect.scatter.add.f32 [tilespmem:s10], [sflag:$0x3], $0x80, s29, s9, $0xb8;
	[tilespmem:$0x1D000] =	vst v63  }
0x579: {  	_ =	swait.ge [sflag:s5], $0x4000  }
0x57a: {  	[sflag:s5] =	ssyncset.done $0x0  }
0x57b: {  	[sflag:s5] =	ssyncadd.s32 $0xFFFFC000  }
0x57c: {  	_ =	swait.ge [sflag:s14], $0x4000  }
0x57d: {  	[sflag:s14] =	ssyncset.done $0x0  }
0x57e: {  	s31 =	simm.s32 $0x1380;
	[sflag:s14] =	ssyncadd.s32 $0xFFFFC000  }
0x57f: {  	[spmem:s2] =	stream.indirect.scatter.add.f32 [tilespmem:s11], [sflag:$0x3], $0x80, s31, s9, $0xb8;
	[tilespmem:$0x1D000] =	vst v63  }
0x580: {  	_ =	swait.ge [sflag:s5], $0x4000  }
0x581: {  	[sflag:s5] =	ssyncset.done $0x0  }
0x582: {  	[sflag:s5] =	ssyncadd.s32 $0xFFFFC000  }
0x583: {  	[bflag:$0x0] =	sbarrier.arrive $0xFFFF  }
0x584: {  	s6 =	sadd.s32 $0xFFFFFFFF, s6;
	s13 =	rddreg [dreg:$0xe]  }
0x585: {  	p1 =	sne.s32 s6, $0x0;
	s0 =	simm.s32 @p0 $0x3;
	s15 =	rddreg [dreg:$0xd]  }
0x586: {  	[hbm:s15], [sflag:s30] =	dma.local @p0 [spmem:s13], $0x2080  }
.Ltmp1:
0x587: {  	_ =	swait.ge @p0 [sflag:s0], $0x2080;
	(pc) =	sbr.rel @p1 .LBB2_2-.Ltmp1, $4  }
0x588: {  	[sflag:s0] =	ssyncset.done @p0 $0x0;
	s13 =	rddreg [dreg:$0xc]  }
0x589: {  	s1 =	rddreg [dreg:$0x11];
	[sflag:s0] =	ssyncadd.s32 @p0 $0xFFFFDF80;
	s0 =	simm.s32 @!p0 $0x3  }
0x58a: {  	[hbm:s13], [sflag:s30] =	dma.local @!p0 [spmem:s1], $0x2780  }
0x58b: {  	_ =	swait.ge @!p0 [sflag:s0], $0x2780  }
.LBB2_3:
0x58c: {  	[sflag:s0] =	ssyncset.done @!p0 $0x0  }
0x58d: {  	[sflag:s0] =	ssyncadd.s32 @!p0 $0xFFFFD880  }
0x58e: {  	_ =	sfence.sel $0x180000  }
0x58f: {  	[bflag:$0x0] =	sbarrier.arrive $0xFFFF  }
0x590: {  	_ =	strace $0x9000004A  }
0x591: {  	s31 =	stileid.u32;
	[bflag:$0x2] =	sbarrier.arrive $0xFFFF  }
0x592: {  	p0 =	sne.s32 s31, $0x0;
	s0 =	rddreg [dreg:$0x2]  }
0x593: {  	s0 =	sadd.s32 @!p0 $0x100000, s0  }
0x594: {  	[sflag:s0] =	ssyncadd.tile.s32 @!p0 $0x1;
	_ =	shalt  }
.Lfunc_end2:
_tile_overlayer_lowered:
.L_overlay_start_2:
0x595: {  	(tag) =	ssettag $0x2  }
0x596: {  	s0 =	rddreg [dreg:$0x0];
	s2 =	stileid.u32  }
0x597: {  	s1 =	rddreg [dreg:$0x1];
	p0 =	sne.s32 s2, $0x0  }
0x598: {  	s3 =	rddreg [dreg:$0x2];
	[bflag:$0x3] =	sbarrier.arrive $0xFFFF;
	s2 =	simm.s32 @!p0 $0x1C03  }
0x599: {  	[timem:s3], [sflag:s2] =	dma.local @!p0 [hbm:s0], s1  }
0x59a: {  	s0 =	simm.s32 @!p0 $0x3  }
0x59b: {  	_ =	swait.ge @!p0 [sflag:s0], s1  }
0x59c: {  	s1 =	ssub.s32 @!p0 $0x0, s1;
	[sflag:s0] =	ssyncset.done @!p0 $0x0  }
0x59d: {  	[sflag:s0] =	ssyncadd.s32 @!p0 s1  }
0x59e: {  	[bflag:$0x3] =	sbarrier.arrive $0xFFFF  }
0x59f: {  	_ =	shalt  }

// kernel: kernel.14.cloned.1.call-start
scs
__scs_entry_jumppad:
0x0: {  	(pc) =	sbr.rel $0x88, $3  }
0x1: {  	(tag) =	ssettag $0x0;
	lr =	simm.s32 $0x1  }
0x2: {  	[smem:$0x3F96] =	sst lr;
	_ =	strace $0xD0000000  }
0x3: {  	_ = 	snop  }
0x4: {  	_ = 	snop  }
0x5: {  	_ = 	snop  }
0x6: {  	_ = 	snop  }
0x7: {  	_ = 	snop  }
__scs_overlays_trampoline_lowered:
0x8: {  	[smem:$0x3FA5] =	sst s0  }
0x9: {  	[smem:$0x3FA6] =	sst s1  }
0xa: {  	[smem:$0x3FA7] =	sst s2  }
0xb: {  	[smem:$0x3FA8] =	sst s3  }
0xc: {  	[smem:$0x3FA9] =	sst s4  }
0xd: {  	[smem:$0x3FAA] =	sst s5  }
0xe: {  	[smem:$0x3FAB] =	sst s6  }
0xf: {  	[smem:$0x3FAC] =	sst s7  }
0x10: {  	[smem:$0x3FAD] =	sst s8  }
0x11: {  	[smem:$0x3FAE] =	sst s9;
	s0 =	simm.s32 @!p0 $0x0  }
0x12: {  	s1 =	sld [smem:$0x3F94];
	s0 =	simm.s32 @p0 $0x1  }
0x13: {  	[smem:$0x3FAF] =	sst s0;
	s0 =	simm.s32 @!p1 $0x0  }
0x14: {  	s2 =	sld [smem:$0x3F93];
	s0 =	simm.s32 @p1 $0x1  }
0x15: {  	[smem:$0x3FB0] =	sst s0;
	s0 =	simm.s32 @!p2 $0x0  }
0x16: {  	s3 =	sld [smem:$0x3FDB];
	s0 =	simm.s32 @p2 $0x1  }
0x17: {  	s4 =	simm.s32 $0x1BF5;
	[smem:$0x3FB2] =	sst s0  }
0x18: {  	s0 =	sld [smem:$0x3F95];
	_ =	swait.ge [sflag:s4], $0x0  }
0x19: {  	s7 =	sld [smem:$0x3F96]  }
0x1a: {  	s8 =	sadd.s32 $0xFFFFE003, lr  }
0x1b: {  	s9 =	sadd.s32 $0xFFFFFEF7, lr;
	s5 =	simm.s32 $0xFFFFFFFF;
	p2 =	slt.u32 s8, $0xFFFFF086  }
0x1c: {  	p1 =	slt.u32 s9, $0xF7A;
	s5 =	simm.s32 @!p2 $0x0  }
0x1d: {  	s5 =	simm.s32 @p1 $0x1;
	p0 =	seq.s32 s7, s2  }
0x1e: {  	s7 =	smul.u32 @!p0 $0xF7A, s2;
	p2 =	seq.s32 @!p0 s5, $0x0  }
0x1f: {  	s9 =	smul.u32 $0xF7A, s1;
	s8 =	simm.s32 @!p0 $0x1BF5;
	p2 =	por !p2, p0  }
0x20: {  	[sflag:s8] =	ssyncset.s32 @!p0 $0xFFFFF086;
	s6 =	sadd.s32 @!p0 s3, s7;
	s7 =	simm.s32 @!p0 $0x108  }
0x21: {  	s3 =	sadd.s32 s3, s9;
	s6 =	sadd.s32 @!p0 $0x88, s6;
	s7 =	simm.s32 @p2 $0x1082  }
0x22: {  	[simem:s7], [sflag:s8] =	dma.local @!p0 [hbm:s6], $0xF7A  }
0x23: {  	s9 =	sor.u32 $0xD0000000, s2;
	s6 =	simm.s32 $0x108;
	_ =	swait.ge @!p0 [sflag:s8], $0x0  }
0x24: {  	s3 =	sadd.s32 $0x88, s3;
	s6 =	simm.s32 @!p1 $0x1082;
	[sflag:s4] =	ssyncset.s32 $0xFFFFF086  }
0x25: {  	[simem:s6], [sflag:s4] =	dma.local [hbm:s3], $0xF7A  }
0x26: {  	[smem:$0x3F96] =	sst s1;
	(tag) =	ssettag s2;
	_ =	strace s9  }
0x27: {  	s1 =	sld [smem:$0x3FA6]  }
0x28: {  	s2 =	sld [smem:$0x3FA7]  }
0x29: {  	s4 =	sld [smem:$0x3FA9]  }
0x2a: {  	p0 =	seq.s32 s5, $0x0;
	s5 =	sld [smem:$0x3FAA]  }
0x2b: {  	s6 =	sld [smem:$0x3FAB]  }
0x2c: {  	s7 =	sld [smem:$0x3FAC]  }
0x2d: {  	s3 =	simm.s32 $0x108;
	s8 =	sld [smem:$0x3FAD]  }
0x2e: {  	s3 =	simm.s32 @!p0 $0x1082;
	s9 =	sld [smem:$0x3FAE]  }
0x2f: {  	lr =	sadd.s32 s0, s3;
	s0 =	sld [smem:$0x3FA5]  }
0x30: {  	s3 =	sld [smem:$0x3FA8]  }
0x31: {  	[smem:$0x3FB1] =	sst s10  }
0x32: {  	s10 =	sld [smem:$0x3FAF];
	_ =	sdelay $0x3  }
0x33: {  	p0 =	seq.s32 s10, $0x1;
	s10 =	sld [smem:$0x3FB1];
	_ =	sdelay $0x3  }
0x34: {  	[smem:$0x3FB1] =	sst s10  }
0x35: {  	s10 =	sld [smem:$0x3FB0];
	_ =	sdelay $0x3  }
0x36: {  	p1 =	seq.s32 s10, $0x1;
	s10 =	sld [smem:$0x3FB1];
	_ =	sdelay $0x3  }
0x37: {  	[smem:$0x3FB1] =	sst s10  }
0x38: {  	s10 =	sld [smem:$0x3FB2]  }
0x39: {  	_ = 	snop;
	(pc) =	sbr.ind lr, $3  }
0x3a: {  	_ = 	snop  }
0x3b: {  	_ = 	snop  }
0x3c: {  	p2 =	seq.s32 s10, $0x1;
	s10 =	sld [smem:$0x3FB1]  }
0x3d: {  	_ =	shalt  }
0x3e: {  	_ =	shalt  }
0x3f: {  	_ =	shalt  }
0x40: {  	_ =	shalt  }
0x41: {  	_ =	shalt  }
0x42: {  	_ =	shalt  }
0x43: {  	_ =	shalt  }
0x44: {  	_ =	shalt  }
0x45: {  	_ =	shalt  }
0x46: {  	_ =	shalt  }
0x47: {  	_ =	shalt  }
0x48: {  	_ =	shalt  }
0x49: {  	_ =	shalt  }
0x4a: {  	_ =	shalt  }
0x4b: {  	_ =	shalt  }
0x4c: {  	_ =	shalt  }
0x4d: {  	_ =	shalt  }
0x4e: {  	_ =	shalt  }
0x4f: {  	_ =	shalt  }
0x50: {  	_ =	shalt  }
0x51: {  	_ =	shalt  }
0x52: {  	_ =	shalt  }
0x53: {  	_ =	shalt  }
0x54: {  	_ =	shalt  }
0x55: {  	_ =	shalt  }
0x56: {  	_ =	shalt  }
0x57: {  	_ =	shalt  }
0x58: {  	_ =	shalt  }
0x59: {  	_ =	shalt  }
0x5a: {  	_ =	shalt  }
0x5b: {  	_ =	shalt  }
0x5c: {  	_ =	shalt  }
0x5d: {  	_ =	shalt  }
0x5e: {  	_ =	shalt  }
0x5f: {  	_ =	shalt  }
0x60: {  	_ =	shalt  }
0x61: {  	_ =	shalt  }
0x62: {  	_ =	shalt  }
0x63: {  	_ =	shalt  }
0x64: {  	_ =	shalt  }
0x65: {  	_ =	shalt  }
0x66: {  	_ =	shalt  }
0x67: {  	_ =	shalt  }
0x68: {  	_ =	shalt  }
0x69: {  	_ =	shalt  }
0x6a: {  	_ =	shalt  }
0x6b: {  	_ =	shalt  }
0x6c: {  	_ =	shalt  }
0x6d: {  	_ =	shalt  }
0x6e: {  	_ =	shalt  }
0x6f: {  	_ =	shalt  }
0x70: {  	_ =	shalt  }
0x71: {  	_ =	shalt  }
0x72: {  	_ =	shalt  }
0x73: {  	_ =	shalt  }
0x74: {  	_ =	shalt  }
0x75: {  	_ =	shalt  }
0x76: {  	_ =	shalt  }
0x77: {  	_ =	shalt  }
0x78: {  	_ =	shalt  }
0x79: {  	_ =	shalt  }
0x7a: {  	_ =	shalt  }
0x7b: {  	_ =	shalt  }
0x7c: {  	_ =	shalt  }
0x7d: {  	_ =	shalt  }
0x7e: {  	_ =	shalt  }
0x7f: {  	_ =	shalt  }
0x80: {  	_ =	shalt  }
0x81: {  	_ =	shalt  }
0x82: {  	_ =	shalt  }
0x83: {  	_ =	shalt  }
0x84: {  	_ =	shalt  }
0x85: {  	_ =	shalt  }
0x86: {  	_ =	shalt  }
0x87: {  	_ =	shalt  }
.Lfunc_end0:
.L_simem_size_0:
called_computation.2_lowered:
.L_overlay_start_0:
0x88: {  	s2 =	sld [smem:$0x3FD9]  }
0x89: {  	s3 =	sld [smem:$0x3FFE];
	_ =	sdelay $0x1  }
0x8a: {  	s1 =	srdreg.scid  }
0x8b: {  	s0 =	sand.u32 $0x1, s1  }
0x8c: {  	s16 =	sshll.u32 s0, $0xA;
	s2 =	sadd.s32 s3, s2  }
0x8d: {  	s2 =	sadd.s32 s2, s16  }
0x8e: {  	[smem:$0x3FBD] =	sst s2  }
0x8f: {  	_ = 	snop  }
0x90: {  	(tm) =	ssettm $0x1  }
0x91: {  	s17 =	sld [smem:$0x3FFB];
	_ =	sdelay $0x3  }
0x92: {  	_ =	strace s17  }
0x93: {  	s2 =	sld [smem:$0x3FFC];
	_ =	sdelay $0x3  }
0x94: {  	_ =	strace s2  }
0x95: {  	s2 =	sld [smem:$0x3FFD];
	_ =	sdelay $0x3  }
0x96: {  	_ =	strace s2  }
0x97: {  	_ =	strace $0x8FFFFFFF  }
0x98: {  	s18 =	sld [smem:$0x3FDB];
	_ =	sdelay $0x1  }
0x99: {  	s19 =	simm.s32 $_scs_section_size  }
0x9a: {  	s4 =	simm.s32 $_size__tile_overlayer_lowered;
	s5 =	simm.s32 $_tile_overlayer_lowered  }
0x9b: {  	s22 =	simm.s32 $0x1BFF;
	s21 =	sshll.u32 s5, $0x1;
	s2 =	sadd.s32 s19, s18  }
0x9c: {  	s6 =	simm.s32 $0x0;
	s20 =	sshll.u32 s4, $0x1;
	s4 =	sadd.s32 s21, s2  }
0x9d: {  	[timem:s6], [sflag:s22] =	dma.local [hbm:s4], s20  }
0x9e: {  	_ =	swait.ge [sflag:s22], s20  }
0x9f: {  	s3 =	ssub.s32 $0x0, s20;
	[sflag:s22] =	ssyncset.done $0x0  }
0xa0: {  	[sflag:s22] =	ssyncadd.s32 s3;
	_ =	sdelay $0x1  }
0xa1: {  	s23 =	simm.s32 $0x1B8B  }
0xa2: {  	_ =	swait.ge [sflag:s23], $0x1  }
0xa3: {  	[sflag:s23] =	ssyncset.done $0x0  }
0xa4: {  	s25 =	simm.s32 $0x1B8E;
	s24 =	sld [smem:$0x3FFE];
	[sflag:s23] =	ssyncadd.s32 $0xFFFFFFFF  }
0xa5: {  	s26 =	simm.s32 $execute0_lowered;
	[smem:$0x3FD2] =	sst s25  }
0xa6: {  	s4 =	sshll.u32 s26, $0x1;
	_ =	strace $0x8000004C;
	[dreg:$0x1] =	wrdreg $0xFFFFFFFF  }
0xa7: {  	s28 =	simm.s32 $_size_execute0_lowered;
	s2 =	sadd.s32 s2, s4;
	[dreg:$0x0] =	wrdreg $0x0  }
0xa8: {  	s4 =	sshll.u32 s28, $0x1;
	[dreg:$0x2] =	wrdreg s2  }
0xa9: {  	[dreg:$0x3] =	wrdreg s4  }
0xaa: {  	[dreg:$0x4] =	wrdreg $0xC0  }
0xab: {  	_ =	task [dreg:s6], $0x5FFFF  }
0xac: {  	[dreg:$0x1] =	wrdreg $0xFFFFFFFF  }
0xad: {  	[dreg:$0x0] =	wrdreg $0x60  }
0xae: {  	[dreg:$0x2] =	wrdreg s24  }
0xaf: {  	[dreg:$0x3] =	wrdreg $0x94000  }
0xb0: {  	[dreg:$0x4] =	wrdreg $0x9  }
0xb1: {  	_ =	task.clear_ibuf [dreg:s6], $0x5FFFF;
	_ =	strace $0x9000004C  }
0xb2: {  	s29 =	simm.s32 $0x9;
	_ =	strace $0x8000004E  }
0xb3: {  	_ =	swait.ge [sflag:s29], $0x1  }
0xb4: {  	[sflag:s29] =	ssyncadd.s32 $0xFFFFFFFF  }
0xb5: {  	_ =	strace $0x9000004E  }
0xb6: {  	_ =	sfence  }
0xb7: {  	s30 =	sld [smem:$0x0];
	_ =	sdelay $0x2  }
0xb8: {  	s31 =	sshll.u32 s1, $0xD;
	s1 =	sshrl.u32 s1, $0x2  }
0xb9: {  	s3 =	sand.u32 $0x4000, s31;
	s1 =	sadd.s32 s1, s30  }
0xba: {  	s0 =	sor.u32 s3, s0;
	s1 =	sshll.u32 s1, $0x11  }
0xbb: {  	s0 =	sor.u32 s1, s0  }
0xbc: {  	s0 =	sadd.s32 $0x8F2B, s0  }
0xbd: {  	[sflag:s0] =	ssyncadd.remote.s32 $0x1  }
0xbe: {  	_ =	sfence.sel $0xFFFF  }
0xbf: {  	[dreg:$0x0] =	wrdreg $0xFFFFFFFF;
	(pc) =	sbr.abs _section_cstart, $3  }
0xc0: {  	[dreg:$0x1] =	wrdreg $0xFFFFFFFF  }
0xc1: {  	_ =	task.clear_ibuf [dreg:s6], $0x2FFFF;
	_ =	strace $0x9FFFFFFF  }
0xc2: {  	(tm) =	ssettm $0x7FFFFFFF  }
0xc3: {  	_ =	shalt  }
tec
execute0_lowered:
.L_overlay_start_1:
0x0: {  	(tag) =	ssettag $0x1  }
0x1: {  	s7 =	rddreg [dreg:$0x0]  }
0x2: {  	s11 =	stileid.u32;
	s0 =	srdreg.scid  }
0x3: {  	s2 =	rddreg [dreg:$0x1];
	s1 =	smul.u32 $0x13C00, s11  }
0x4: {  	s14 =	simm.s32 $0x0;
	s0 =	sand.u32 $0x1, s0;
	s5 =	smul.u32 $0x1400, s11  }
0x5: {  	[smem:$0x7FF] =	sst s14;
	s6 =	sadd.s32 $0x8A00, s7;
	s4 =	smul.u32 $0x14000, s0  }
0x6: {  	s9 =	sadd.s32 $0x3A00, s7;
	s10 =	smul.u32 $0x138800, s0;
	s8 =	sshrl.u32 s1, $0x3  }
0x7: {  	p0 =	seq.s32 s11, $0xF;
	_ =	strace $0x8000004D;
	s8 =	sadd.s32 s8, s7  }
0x8: {  	s4 =	sadd.s32 s5, s4;
	s19 =	sadd.s32 s1, s10;
	s1 =	sadd.s32 s1, s2  }
0x9: {  	s22 =	sshrl.u32 s10, $0x3;
	s8 =	sadd.s32 $0xCCC00, s8;
	[dreg:$0xe] =	wrdreg s1  }
0xa: {  	s5 =	sadd.s32 $0x128400, s2;
	s23 =	sshrl.u32 s1, $0x3;
	[dreg:$0x3] =	wrdreg s8  }
0xb: {  	s4 =	sshrl.u32 s4, $0x3;
	s10 =	sshrl.u32 @p0 s5, $0x3;
	[dreg:$0xa] =	wrdreg s23  }
0xc: {  	s16 =	sadd.s32 $0xF4400, s7;
	s17 =	sadd.s32 s6, s4;
	[dreg:$0xb] =	wrdreg s10  }
0xd: {  	s20 =	sshrl.u32 s19, $0x3;
	s18 =	sadd.s32 s9, s4;
	[dreg:$0x4] =	wrdreg s17  }
0xe: {  	s21 =	sadd.s32 s16, s20;
	[dreg:$0x5] =	wrdreg s18  }
0xf: {  	s4 =	sadd.s32 $0x140, s4;
	[dreg:$0x8] =	wrdreg s21  }
0x10: {  	s6 =	sadd.s32 s6, s4;
	s24 =	rddreg [dreg:$0x3]  }
0x11: {  	s4 =	sadd.s32 s9, s4;
	[dreg:$0x6] =	wrdreg s6  }
0x12: {  	[dreg:$0x7] =	wrdreg s4;
	s4 =	sadd.s32 s16, s22  }
0x13: {  	s25 =	sshll.u32 s11, $0x6;
	s6 =	rddreg [dreg:$0xa];
	s4 =	sadd.s32 $0x25080, s4  }
0x14: {  	s3 =	sor.u32 $0x1C03, s25;
	s5 =	simm.s32 $0x3;
	[dreg:$0x9] =	wrdreg s4  }
0x15: {  	[spmem:s6], [sflag:s3] =	dma.local [hbm:s24], $0x2780  }
0x16: {  	_ =	swait.ge [sflag:s5], $0x2780  }
0x17: {  	[sflag:s5] =	ssyncset.done $0x0  }
0x18: {  	[sflag:s5] =	ssyncadd.s32 $0xFFFFD880  }
0x19: {  	[bflag:$0x0] =	sbarrier.arrive $0xFFFF  }
0x1a: {  	s26 =	rddreg [dreg:$0x4]  }
0x1b: {  	[tilespmem:s14], [sflag:$0x3] =	stream.linear.gather [hbm4b:s26+s14], $0xA00, $0x38;
	[tilespmem:$0x1D000] =	vst v63  }
0x1c: {  	_ =	swait.ge [sflag:s5], $0xA00  }
0x1d: {  	[sflag:s5] =	ssyncset.done $0x0  }
0x1e: {  	s30 =	simm.s32 $0xA00;
	s28 =	rddreg [dreg:$0x5];
	[sflag:s5] =	ssyncadd.s32 $0xFFFFF600  }
0x1f: {  	[tilespmem:s30], [sflag:$0x3] =	stream.linear.gather [hbm4b:s28+s14], $0xA00, $0x38;
	[tilespmem:$0x1D000] =	vst v63  }
0x20: {  	_ =	swait.ge [sflag:s5], $0xA00  }
0x21: {  	s7 =	sadd.s32 $0x7EA00, s7;
	[sflag:s5] =	ssyncset.done $0x0  }
0x22: {  	s8 =	simm.s32 $0x80;
	s9 =	simm.s32 $0x1400;
	[sflag:s5] =	ssyncadd.s32 $0xFFFFF600  }
0x23: {  	[tilespmem:s9], [sflag:$0x1] =	stream.indirect.gather [hbm4b:s7+s8], $0x80, s14, s8, $0xb8;
	[tilespmem:$0x1D000] =	vst v63  }
0x24: {  	s11 =	simm.s32 $0x1;
	s10 =	simm.s32 $0x5400  }
0x25: {  	[tilespmem:s10], [sflag:$0x2] =	stream.indirect.gather [hbm4b:s7+s8], $0x80, s8, s8, $0xb8;
	[tilespmem:$0x1D000] =	vst v63  }
0x26: {  	_ =	swait.ge [sflag:s11], $0x4000  }
0x27: {  	[sflag:s11] =	ssyncset.done $0x0  }
0x28: {  	[sflag:s11] =	ssyncadd.s32 $0xFFFFC000  }
0x29: {  	[spmem:s2] =	stream.indirect.scatter.add.f32 [tilespmem:s9], [sflag:$0x3], $0x80, s30, s8, $0xb8;
	[tilespmem:$0x1D000] =	vst v63  }
0x2a: {  	_ =	swait.ge [sflag:s5], $0x4000  }
0x2b: {  	[sflag:s5] =	ssyncset.done $0x0  }
0x2c: {  	s29 =	simm.s32 $0x100;
	s13 =	simm.s32 $0x2;
	[sflag:s5] =	ssyncadd.s32 $0xFFFFC000  }
0x2d: {  	[tilespmem:s9], [sflag:$0x1] =	stream.indirect.gather [hbm4b:s7+s8], $0x80, s29, s8, $0xb8;
	[tilespmem:$0x1D000] =	vst v63  }
0x2e: {  	_ =	swait.ge [sflag:s13], $0x4000  }
0x2f: {  	[sflag:s13] =	ssyncset.done $0x0  }
0x30: {  	s31 =	simm.s32 $0xA80;
	[sflag:s13] =	ssyncadd.s32 $0xFFFFC000  }
0x31: {  	[spmem:s2] =	stream.indirect.scatter.add.f32 [tilespmem:s10], [sflag:$0x3], $0x80, s31, s8, $0xb8;
	[tilespmem:$0x1D000] =	vst v63  }
0x32: {  	_ =	swait.ge [sflag:s5], $0x4000  }
0x33: {  	[sflag:s5] =	ssyncset.done $0x0  }
0x34: {  	s4 =	simm.s32 $0x180;
	[sflag:s5] =	ssyncadd.s32 $0xFFFFC000  }
0x35: {  	[tilespmem:s10], [sflag:$0x2] =	stream.indirect.gather [hbm4b:s7+s8], $0x80, s4, s8, $0xb8;
	[tilespmem:$0x1D000] =	vst v63  }
0x36: {  	_ =	swait.ge [sflag:s11], $0x4000  }
0x37: {  	[sflag:s11] =	ssyncset.done $0x0  }
0x38: {  	s6 =	simm.s32 $0xB00;
	[sflag:s11] =	ssyncadd.s32 $0xFFFFC000  }
0x39: {  	[spmem:s2] =	stream.indirect.scatter.add.f32 [tilespmem:s9], [sflag:$0x3], $0x80, s6, s8, $0xb8;
	[tilespmem:$0x1D000] =	vst v63  }
0x3a: {  	_ =	swait.ge [sflag:s5], $0x4000  }
0x3b: {  	[sflag:s5] =	ssyncset.done $0x0  }
0x3c: {  	s12 =	simm.s32 $0x200;
	[sflag:s5] =	ssyncadd.s32 $0xFFFFC000  }
0x3d: {  	[tilespmem:s9], [sflag:$0x1] =	stream.indirect.gather [hbm4b:s7+s8], $0x80, s12, s8, $0xb8;
	[tilespmem:$0x1D000] =	vst v63  }
0x3e: {  	_ =	swait.ge [sflag:s13], $0x4000  }
0x3f: {  	[sflag:s13] =	ssyncset.done $0x0  }
0x40: {  	s15 =	simm.s32 $0xB80;
	[sflag:s13] =	ssyncadd.s32 $0xFFFFC000  }
0x41: {  	[spmem:s2] =	stream.indirect.scatter.add.f32 [tilespmem:s10], [sflag:$0x3], $0x80, s15, s8, $0xb8;
	[tilespmem:$0x1D000] =	vst v63  }
0x42: {  	_ =	swait.ge [sflag:s5], $0x4000  }
0x43: {  	[sflag:s5] =	ssyncset.done $0x0  }
0x44: {  	s16 =	simm.s32 $0x280;
	[sflag:s5] =	ssyncadd.s32 $0xFFFFC000  }
0x45: {  	[tilespmem:s10], [sflag:$0x2] =	stream.indirect.gather [hbm4b:s7+s8], $0x80, s16, s8, $0xb8;
	[tilespmem:$0x1D000] =	vst v63  }
0x46: {  	_ =	swait.ge [sflag:s11], $0x4000  }
0x47: {  	[sflag:s11] =	ssyncset.done $0x0  }
0x48: {  	s17 =	simm.s32 $0xC00;
	[sflag:s11] =	ssyncadd.s32 $0xFFFFC000  }
0x49: {  	[spmem:s2] =	stream.indirect.scatter.add.f32 [tilespmem:s9], [sflag:$0x3], $0x80, s17, s8, $0xb8;
	[tilespmem:$0x1D000] =	vst v63  }
0x4a: {  	_ =	swait.ge [sflag:s5], $0x4000  }
0x4b: {  	[sflag:s5] =	ssyncset.done $0x0  }
0x4c: {  	s18 =	simm.s32 $0x300;
	[sflag:s5] =	ssyncadd.s32 $0xFFFFC000  }
0x4d: {  	[tilespmem:s9], [sflag:$0x1] =	stream.indirect.gather [hbm4b:s7+s8], $0x80, s18, s8, $0xb8;
	[tilespmem:$0x1D000] =	vst v63  }
0x4e: {  	_ =	swait.ge [sflag:s13], $0x4000  }
0x4f: {  	[sflag:s13] =	ssyncset.done $0x0  }
0x50: {  	s19 =	simm.s32 $0xC80;
	[sflag:s13] =	ssyncadd.s32 $0xFFFFC000  }
0x51: {  	[spmem:s2] =	stream.indirect.scatter.add.f32 [tilespmem:s10], [sflag:$0x3], $0x80, s19, s8, $0xb8;
	[tilespmem:$0x1D000] =	vst v63  }
0x52: {  	_ =	swait.ge [sflag:s5], $0x4000  }
0x53: {  	[sflag:s5] =	ssyncset.done $0x0  }
0x54: {  	s20 =	simm.s32 $0x380;
	[sflag:s5] =	ssyncadd.s32 $0xFFFFC000  }
0x55: {  	[tilespmem:s10], [sflag:$0x2] =	stream.indirect.gather [hbm4b:s7+s8], $0x80, s20, s8, $0xb8;
	[tilespmem:$0x1D000] =	vst v63  }
0x56: {  	_ =	swait.ge [sflag:s11], $0x4000  }
0x57: {  	[sflag:s11] =	ssyncset.done $0x0  }
0x58: {  	s21 =	simm.s32 $0xD00;
	[sflag:s11] =	ssyncadd.s32 $0xFFFFC000  }
0x59: {  	[spmem:s2] =	stream.indirect.scatter.add.f32 [tilespmem:s9], [sflag:$0x3], $0x80, s21, s8, $0xb8;
	[tilespmem:$0x1D000] =	vst v63  }
0x5a: {  	_ =	swait.ge [sflag:s5], $0x4000  }
0x5b: {  	[sflag:s5] =	ssyncset.done $0x0  }
0x5c: {  	s22 =	simm.s32 $0x400;
	[sflag:s5] =	ssyncadd.s32 $0xFFFFC000  }
0x5d: {  	[tilespmem:s9], [sflag:$0x1] =	stream.indirect.gather [hbm4b:s7+s8], $0x80, s22, s8, $0xb8;
	[tilespmem:$0x1D000] =	vst v63  }
0x5e: {  	_ =	swait.ge [sflag:s13], $0x4000  }
0x5f: {  	[sflag:s13] =	ssyncset.done $0x0  }
0x60: {  	s23 =	simm.s32 $0xD80;
	[sflag:s13] =	ssyncadd.s32 $0xFFFFC000  }
0x61: {  	[spmem:s2] =	stream.indirect.scatter.add.f32 [tilespmem:s10], [sflag:$0x3], $0x80, s23, s8, $0xb8;
	[tilespmem:$0x1D000] =	vst v63  }
0x62: {  	_ =	swait.ge [sflag:s5], $0x4000  }
0x63: {  	[sflag:s5] =	ssyncset.done $0x0  }
0x64: {  	s24 =	simm.s32 $0x480;
	[sflag:s5] =	ssyncadd.s32 $0xFFFFC000  }
0x65: {  	[tilespmem:s10], [sflag:$0x2] =	stream.indirect.gather [hbm4b:s7+s8], $0x80, s24, s8, $0xb8;
	[tilespmem:$0x1D000] =	vst v63  }
0x66: {  	_ =	swait.ge [sflag:s11], $0x4000  }
0x67: {  	[sflag:s11] =	ssyncset.done $0x0  }
0x68: {  	s25 =	simm.s32 $0xE00;
	[sflag:s11] =	ssyncadd.s32 $0xFFFFC000  }
0x69: {  	[spmem:s2] =	stream.indirect.scatter.add.f32 [tilespmem:s9], [sflag:$0x3], $0x80, s25, s8, $0xb8;
	[tilespmem:$0x1D000] =	vst v63  }
0x6a: {  	_ =	swait.ge [sflag:s5], $0x4000  }
0x6b: {  	[sflag:s5] =	ssyncset.done $0x0  }
0x6c: {  	s26 =	simm.s32 $0x500;
	[sflag:s5] =	ssyncadd.s32 $0xFFFFC000  }
0x6d: {  	[tilespmem:s9], [sflag:$0x1] =	stream.indirect.gather [hbm4b:s7+s8], $0x80, s26, s8, $0xb8;
	[tilespmem:$0x1D000] =	vst v63  }
0x6e: {  	_ =	swait.ge [sflag:s13], $0x4000  }
0x6f: {  	[sflag:s13] =	ssyncset.done $0x0  }
0x70: {  	s28 =	simm.s32 $0xE80;
	[sflag:s13] =	ssyncadd.s32 $0xFFFFC000  }
0x71: {  	[spmem:s2] =	stream.indirect.scatter.add.f32 [tilespmem:s10], [sflag:$0x3], $0x80, s28, s8, $0xb8;
	[tilespmem:$0x1D000] =	vst v63  }
0x72: {  	_ =	swait.ge [sflag:s5], $0x4000  }
0x73: {  	[sflag:s5] =	ssyncset.done $0x0  }
0x74: {  	s29 =	simm.s32 $0x580;
	[sflag:s5] =	ssyncadd.s32 $0xFFFFC000  }
0x75: {  	[tilespmem:s10], [sflag:$0x2] =	stream.indirect.gather [hbm4b:s7+s8], $0x80, s29, s8, $0xb8;
	[tilespmem:$0x1D000] =	vst v63  }
0x76: {  	_ =	swait.ge [sflag:s11], $0x4000  }
0x77: {  	[sflag:s11] =	ssyncset.done $0x0  }
0x78: {  	s31 =	simm.s32 $0xF00;
	[sflag:s11] =	ssyncadd.s32 $0xFFFFC000  }
0x79: {  	[spmem:s2] =	stream.indirect.scatter.add.f32 [tilespmem:s9], [sflag:$0x3], $0x80, s31, s8, $0xb8;
	[tilespmem:$0x1D000] =	vst v63  }
0x7a: {  	_ =	swait.ge [sflag:s5], $0x4000  }
0x7b: {  	[sflag:s5] =	ssyncset.done $0x0  }
0x7c: {  	s29 =	simm.s32 $0x600;
	[sflag:s5] =	ssyncadd.s32 $0xFFFFC000  }
0x7d: {  	[tilespmem:s9], [sflag:$0x1] =	stream.indirect.gather [hbm4b:s7+s8], $0x80, s29, s8, $0xb8;
	[tilespmem:$0x1D000] =	vst v63  }
0x7e: {  	_ =	swait.ge [sflag:s13], $0x4000  }
0x7f: {  	[sflag:s13] =	ssyncset.done $0x0  }
0x80: {  	s28 =	simm.s32 $0xF80;
	[sflag:s13] =	ssyncadd.s32 $0xFFFFC000  }
0x81: {  	[spmem:s2] =	stream.indirect.scatter.add.f32 [tilespmem:s10], [sflag:$0x3], $0x80, s28, s8, $0xb8;
	[tilespmem:$0x1D000] =	vst v63  }
0x82: {  	_ =	swait.ge [sflag:s5], $0x4000  }
0x83: {  	[sflag:s5] =	ssyncset.done $0x0  }
0x84: {  	s26 =	simm.s32 $0x680;
	[sflag:s5] =	ssyncadd.s32 $0xFFFFC000  }
0x85: {  	[tilespmem:s10], [sflag:$0x2] =	stream.indirect.gather [hbm4b:s7+s8], $0x80, s26, s8, $0xb8;
	[tilespmem:$0x1D000] =	vst v63  }
0x86: {  	_ =	swait.ge [sflag:s11], $0x4000  }
0x87: {  	[sflag:s11] =	ssyncset.done $0x0  }
0x88: {  	s25 =	simm.s32 $0x1000;
	[sflag:s11] =	ssyncadd.s32 $0xFFFFC000  }
0x89: {  	[spmem:s2] =	stream.indirect.scatter.add.f32 [tilespmem:s9], [sflag:$0x3], $0x80, s25, s8, $0xb8;
	[tilespmem:$0x1D000] =	vst v63  }
0x8a: {  	_ =	swait.ge [sflag:s5], $0x4000  }
0x8b: {  	[sflag:s5] =	ssyncset.done $0x0  }
0x8c: {  	s24 =	simm.s32 $0x700;
	[sflag:s5] =	ssyncadd.s32 $0xFFFFC000  }
0x8d: {  	[tilespmem:s9], [sflag:$0x1] =	stream.indirect.gather [hbm4b:s7+s8], $0x80, s24, s8, $0xb8;
	[tilespmem:$0x1D000] =	vst v63  }
0x8e: {  	_ =	swait.ge [sflag:s13], $0x4000  }
0x8f: {  	[sflag:s13] =	ssyncset.done $0x0  }
0x90: {  	s23 =	simm.s32 $0x1080;
	[sflag:s13] =	ssyncadd.s32 $0xFFFFC000  }
0x91: {  	[spmem:s2] =	stream.indirect.scatter.add.f32 [tilespmem:s10], [sflag:$0x3], $0x80, s23, s8, $0xb8;
	[tilespmem:$0x1D000] =	vst v63  }
0x92: {  	_ =	swait.ge [sflag:s5], $0x4000  }
0x93: {  	[sflag:s5] =	ssyncset.done $0x0  }
0x94: {  	s22 =	simm.s32 $0x780;
	[sflag:s5] =	ssyncadd.s32 $0xFFFFC000  }
0x95: {  	[tilespmem:s10], [sflag:$0x2] =	stream.indirect.gather [hbm4b:s7+s8], $0x80, s22, s8, $0xb8;
	[tilespmem:$0x1D000] =	vst v63  }
0x96: {  	_ =	swait.ge [sflag:s11], $0x4000  }
0x97: {  	[sflag:s11] =	ssyncset.done $0x0  }
0x98: {  	s21 =	simm.s32 $0x1100;
	[sflag:s11] =	ssyncadd.s32 $0xFFFFC000  }
0x99: {  	[spmem:s2] =	stream.indirect.scatter.add.f32 [tilespmem:s9], [sflag:$0x3], $0x80, s21, s8, $0xb8;
	[tilespmem:$0x1D000] =	vst v63  }
0x9a: {  	_ =	swait.ge [sflag:s5], $0x4000  }
0x9b: {  	[sflag:s5] =	ssyncset.done $0x0  }
0x9c: {  	s20 =	simm.s32 $0x800;
	[sflag:s5] =	ssyncadd.s32 $0xFFFFC000  }
0x9d: {  	[tilespmem:s9], [sflag:$0x1] =	stream.indirect.gather [hbm4b:s7+s8], $0x80, s20, s8, $0xb8;
	[tilespmem:$0x1D000] =	vst v63  }
0x9e: {  	_ =	swait.ge [sflag:s13], $0x4000  }
0x9f: {  	[sflag:s13] =	ssyncset.done $0x0  }
0xa0: {  	s19 =	simm.s32 $0x1180;
	[sflag:s13] =	ssyncadd.s32 $0xFFFFC000  }
0xa1: {  	[spmem:s2] =	stream.indirect.scatter.add.f32 [tilespmem:s10], [sflag:$0x3], $0x80, s19, s8, $0xb8;
	[tilespmem:$0x1D000] =	vst v63  }
0xa2: {  	_ =	swait.ge [sflag:s5], $0x4000  }
0xa3: {  	[sflag:s5] =	ssyncset.done $0x0  }
0xa4: {  	s18 =	simm.s32 $0x880;
	[sflag:s5] =	ssyncadd.s32 $0xFFFFC000  }
0xa5: {  	[tilespmem:s10], [sflag:$0x2] =	stream.indirect.gather [hbm4b:s7+s8], $0x80, s18, s8, $0xb8;
	[tilespmem:$0x1D000] =	vst v63  }
0xa6: {  	_ =	swait.ge [sflag:s11], $0x4000  }
0xa7: {  	[sflag:s11] =	ssyncset.done $0x0  }
0xa8: {  	s17 =	simm.s32 $0x1200;
	[sflag:s11] =	ssyncadd.s32 $0xFFFFC000  }
0xa9: {  	[spmem:s2] =	stream.indirect.scatter.add.f32 [tilespmem:s9], [sflag:$0x3], $0x80, s17, s8, $0xb8;
	[tilespmem:$0x1D000] =	vst v63  }
0xaa: {  	_ =	swait.ge [sflag:s5], $0x4000  }
0xab: {  	[sflag:s5] =	ssyncset.done $0x0  }
0xac: {  	s16 =	simm.s32 $0x900;
	[sflag:s5] =	ssyncadd.s32 $0xFFFFC000  }
0xad: {  	[tilespmem:s9], [sflag:$0x1] =	stream.indirect.gather [hbm4b:s7+s8], $0x80, s16, s8, $0xb8;
	[tilespmem:$0x1D000] =	vst v63  }
0xae: {  	_ =	swait.ge [sflag:s13], $0x4000  }
0xaf: {  	[sflag:s13] =	ssyncset.done $0x0  }
0xb0: {  	s15 =	simm.s32 $0x1280;
	[sflag:s13] =	ssyncadd.s32 $0xFFFFC000  }
0xb1: {  	[spmem:s2] =	stream.indirect.scatter.add.f32 [tilespmem:s10], [sflag:$0x3], $0x80, s15, s8, $0xb8;
	[tilespmem:$0x1D000] =	vst v63  }
0xb2: {  	_ =	swait.ge [sflag:s5], $0x4000  }
0xb3: {  	[sflag:s5] =	ssyncset.done $0x0  }
0xb4: {  	s6 =	simm.s32 $0x980;
	[sflag:s5] =	ssyncadd.s32 $0xFFFFC000  }
0xb5: {  	[tilespmem:s10], [sflag:$0x2] =	stream.indirect.gather [hbm4b:s7+s8], $0x80, s6, s8, $0xb8;
	[tilespmem:$0x1D000] =	vst v63  }
0xb6: {  	_ =	swait.ge [sflag:s11], $0x4000  }
0xb7: {  	[sflag:s11] =	ssyncset.done $0x0  }
0xb8: {  	s4 =	simm.s32 $0x1300;
	[sflag:s11] =	ssyncadd.s32 $0xFFFFC000  }
0xb9: {  	[spmem:s2] =	stream.indirect.scatter.add.f32 [tilespmem:s9], [sflag:$0x3], $0x80, s4, s8, $0xb8;
	[tilespmem:$0x1D000] =	vst v63  }
0xba: {  	_ =	swait.ge [sflag:s5], $0x4000  }
0xbb: {  	[sflag:s5] =	ssyncset.done $0x0  }
0xbc: {  	[sflag:s5] =	ssyncadd.s32 $0xFFFFC000  }
0xbd: {  	_ =	swait.ge [sflag:s13], $0x4000  }
0xbe: {  	[sflag:s13] =	ssyncset.done $0x0  }
0xbf: {  	s1 =	simm.s32 $0x1380;
	[sflag:s13] =	ssyncadd.s32 $0xFFFFC000  }
0xc0: {  	[spmem:s2] =	stream.indirect.scatter.add.f32 [tilespmem:s10], [sflag:$0x3], $0x80, s1, s8, $0xb8;
	[tilespmem:$0x1D000] =	vst v63  }
0xc1: {  	_ =	swait.ge [sflag:s5], $0x4000  }
0xc2: {  	[sflag:s5] =	ssyncset.done $0x0  }
0xc3: {  	s12 =	rddreg [dreg:$0x6];
	[sflag:s5] =	ssyncadd.s32 $0xFFFFC000  }
0xc4: {  	[tilespmem:s14], [sflag:$0x3] =	stream.linear.gather [hbm4b:s12+s14], $0xA00, $0x38;
	[tilespmem:$0x1D000] =	vst v63  }
0xc5: {  	_ =	swait.ge [sflag:s5], $0xA00  }
0xc6: {  	[sflag:s5] =	ssyncset.done $0x0  }
0xc7: {  	s12 =	rddreg [dreg:$0x7];
	[sflag:s5] =	ssyncadd.s32 $0xFFFFF600  }
0xc8: {  	[tilespmem:s30], [sflag:$0x3] =	stream.linear.gather [hbm4b:s12+s14], $0xA00, $0x38;
	[tilespmem:$0x1D000] =	vst v63  }
0xc9: {  	_ =	swait.ge [sflag:s5], $0xA00  }
0xca: {  	[sflag:s5] =	ssyncset.done $0x0  }
0xcb: {  	[sflag:s5] =	ssyncadd.s32 $0xFFFFF600  }
0xcc: {  	[tilespmem:s9], [sflag:$0x1] =	stream.indirect.gather [hbm4b:s7+s8], $0x80, s14, s8, $0xb8;
	[tilespmem:$0x1D000] =	vst v63  }
0xcd: {  	_ = 	snop  }
0xce: {  	[tilespmem:s10], [sflag:$0x2] =	stream.indirect.gather [hbm4b:s7+s8], $0x80, s8, s8, $0xb8;
	[tilespmem:$0x1D000] =	vst v63  }
0xcf: {  	_ =	swait.ge [sflag:s11], $0x4000  }
0xd0: {  	[sflag:s11] =	ssyncset.done $0x0  }
0xd1: {  	[sflag:s11] =	ssyncadd.s32 $0xFFFFC000  }
0xd2: {  	[spmem:s2] =	stream.indirect.scatter.add.f32 [tilespmem:s9], [sflag:$0x3], $0x80, s30, s8, $0xb8;
	[tilespmem:$0x1D000] =	vst v63  }
0xd3: {  	_ =	swait.ge [sflag:s5], $0x4000  }
0xd4: {  	[sflag:s5] =	ssyncset.done $0x0  }
0xd5: {  	s30 =	simm.s32 $0x100;
	[sflag:s5] =	ssyncadd.s32 $0xFFFFC000  }
0xd6: {  	[tilespmem:s9], [sflag:$0x1] =	stream.indirect.gather [hbm4b:s7+s8], $0x80, s30, s8, $0xb8;
	[tilespmem:$0x1D000] =	vst v63  }
0xd7: {  	_ =	swait.ge [sflag:s13], $0x4000  }
0xd8: {  	[sflag:s13] =	ssyncset.done $0x0  }
0xd9: {  	s14 =	simm.s32 $0xA80;
	[sflag:s13] =	ssyncadd.s32 $0xFFFFC000  }
0xda: {  	[spmem:s2] =	stream.indirect.scatter.add.f32 [tilespmem:s10], [sflag:$0x3], $0x80, s14, s8, $0xb8;
	[tilespmem:$0x1D000] =	vst v63  }
0xdb: {  	_ =	swait.ge [sflag:s5], $0x4000  }
0xdc: {  	[sflag:s5] =	ssyncset.done $0x0  }
0xdd: {  	s30 =	simm.s32 $0x180;
	[sflag:s5] =	ssyncadd.s32 $0xFFFFC000  }
0xde: {  	[tilespmem:s10], [sflag:$0x2] =	stream.indirect.gather [hbm4b:s7+s8], $0x80, s30, s8, $0xb8;
	[tilespmem:$0x1D000] =	vst v63  }
0xdf: {  	_ =	swait.ge [sflag:s11], $0x4000  }
0xe0: {  	[sflag:s11] =	ssyncset.done $0x0  }
0xe1: {  	s14 =	simm.s32 $0xB00;
	[sflag:s11] =	ssyncadd.s32 $0xFFFFC000  }
0xe2: {  	[spmem:s2] =	stream.indirect.scatter.add.f32 [tilespmem:s9], [sflag:$0x3], $0x80, s14, s8, $0xb8;
	[tilespmem:$0x1D000] =	vst v63  }
0xe3: {  	_ =	swait.ge [sflag:s5], $0x4000  }
0xe4: {  	[sflag:s5] =	ssyncset.done $0x0  }
0xe5: {  	s30 =	simm.s32 $0x200;
	[sflag:s5] =	ssyncadd.s32 $0xFFFFC000  }
0xe6: {  	[tilespmem:s9], [sflag:$0x1] =	stream.indirect.gather [hbm4b:s7+s8], $0x80, s30, s8, $0xb8;
	[tilespmem:$0x1D000] =	vst v63  }
0xe7: {  	_ =	swait.ge [sflag:s13], $0x4000  }
0xe8: {  	[sflag:s13] =	ssyncset.done $0x0  }
0xe9: {  	s14 =	simm.s32 $0xB80;
	[sflag:s13] =	ssyncadd.s32 $0xFFFFC000  }
0xea: {  	[spmem:s2] =	stream.indirect.scatter.add.f32 [tilespmem:s10], [sflag:$0x3], $0x80, s14, s8, $0xb8;
	[tilespmem:$0x1D000] =	vst v63  }
0xeb: {  	_ =	swait.ge [sflag:s5], $0x4000  }
0xec: {  	[sflag:s5] =	ssyncset.done $0x0  }
0xed: {  	s30 =	simm.s32 $0x280;
	[sflag:s5] =	ssyncadd.s32 $0xFFFFC000  }
0xee: {  	[tilespmem:s10], [sflag:$0x2] =	stream.indirect.gather [hbm4b:s7+s8], $0x80, s30, s8, $0xb8;
	[tilespmem:$0x1D000] =	vst v63  }
0xef: {  	_ =	swait.ge [sflag:s11], $0x4000  }
0xf0: {  	[sflag:s11] =	ssyncset.done $0x0  }
0xf1: {  	s14 =	simm.s32 $0xC00;
	[sflag:s11] =	ssyncadd.s32 $0xFFFFC000  }
0xf2: {  	[spmem:s2] =	stream.indirect.scatter.add.f32 [tilespmem:s9], [sflag:$0x3], $0x80, s14, s8, $0xb8;
	[tilespmem:$0x1D000] =	vst v63  }
0xf3: {  	_ =	swait.ge [sflag:s5], $0x4000  }
0xf4: {  	[sflag:s5] =	ssyncset.done $0x0  }
0xf5: {  	s30 =	simm.s32 $0x300;
	[sflag:s5] =	ssyncadd.s32 $0xFFFFC000  }
0xf6: {  	[tilespmem:s9], [sflag:$0x1] =	stream.indirect.gather [hbm4b:s7+s8], $0x80, s30, s8, $0xb8;
	[tilespmem:$0x1D000] =	vst v63  }
0xf7: {  	_ =	swait.ge [sflag:s13], $0x4000  }
0xf8: {  	[sflag:s13] =	ssyncset.done $0x0  }
0xf9: {  	s14 =	simm.s32 $0xC80;
	[sflag:s13] =	ssyncadd.s32 $0xFFFFC000  }
0xfa: {  	[spmem:s2] =	stream.indirect.scatter.add.f32 [tilespmem:s10], [sflag:$0x3], $0x80, s14, s8, $0xb8;
	[tilespmem:$0x1D000] =	vst v63  }
0xfb: {  	_ =	swait.ge [sflag:s5], $0x4000  }
0xfc: {  	[sflag:s5] =	ssyncset.done $0x0  }
0xfd: {  	s30 =	simm.s32 $0x380;
	[sflag:s5] =	ssyncadd.s32 $0xFFFFC000  }
0xfe: {  	[tilespmem:s10], [sflag:$0x2] =	stream.indirect.gather [hbm4b:s7+s8], $0x80, s30, s8, $0xb8;
	[tilespmem:$0x1D000] =	vst v63  }
0xff: {  	_ =	swait.ge [sflag:s11], $0x4000  }
0x100: {  	[sflag:s11] =	ssyncset.done $0x0  }
0x101: {  	s14 =	simm.s32 $0xD00;
	[sflag:s11] =	ssyncadd.s32 $0xFFFFC000  }
0x102: {  	[spmem:s2] =	stream.indirect.scatter.add.f32 [tilespmem:s9], [sflag:$0x3], $0x80, s14, s8, $0xb8;
	[tilespmem:$0x1D000] =	vst v63  }
0x103: {  	_ =	swait.ge [sflag:s5], $0x4000  }
0x104: {  	[sflag:s5] =	ssyncset.done $0x0  }
0x105: {  	s30 =	simm.s32 $0x400;
	[sflag:s5] =	ssyncadd.s32 $0xFFFFC000  }
0x106: {  	[tilespmem:s9], [sflag:$0x1] =	stream.indirect.gather [hbm4b:s7+s8], $0x80, s30, s8, $0xb8;
	[tilespmem:$0x1D000] =	vst v63  }
0x107: {  	_ =	swait.ge [sflag:s13], $0x4000  }
0x108: {  	[sflag:s13] =	ssyncset.done $0x0  }
0x109: {  	s14 =	simm.s32 $0xD80;
	[sflag:s13] =	ssyncadd.s32 $0xFFFFC000  }
0x10a: {  	[spmem:s2] =	stream.indirect.scatter.add.f32 [tilespmem:s10], [sflag:$0x3], $0x80, s14, s8, $0xb8;
	[tilespmem:$0x1D000] =	vst v63  }
0x10b: {  	_ =	swait.ge [sflag:s5], $0x4000  }
0x10c: {  	[sflag:s5] =	ssyncset.done $0x0  }
0x10d: {  	s30 =	simm.s32 $0x480;
	[sflag:s5] =	ssyncadd.s32 $0xFFFFC000  }
0x10e: {  	[tilespmem:s10], [sflag:$0x2] =	stream.indirect.gather [hbm4b:s7+s8], $0x80, s30, s8, $0xb8;
	[tilespmem:$0x1D000] =	vst v63  }
0x10f: {  	_ =	swait.ge [sflag:s11], $0x4000  }
0x110: {  	[sflag:s11] =	ssyncset.done $0x0  }
0x111: {  	s14 =	simm.s32 $0xE00;
	[sflag:s11] =	ssyncadd.s32 $0xFFFFC000  }
0x112: {  	[spmem:s2] =	stream.indirect.scatter.add.f32 [tilespmem:s9], [sflag:$0x3], $0x80, s14, s8, $0xb8;
	[tilespmem:$0x1D000] =	vst v63  }
0x113: {  	_ =	swait.ge [sflag:s5], $0x4000  }
0x114: {  	[sflag:s5] =	ssyncset.done $0x0  }
0x115: {  	s30 =	simm.s32 $0x500;
	[sflag:s5] =	ssyncadd.s32 $0xFFFFC000  }
0x116: {  	[tilespmem:s9], [sflag:$0x1] =	stream.indirect.gather [hbm4b:s7+s8], $0x80, s30, s8, $0xb8;
	[tilespmem:$0x1D000] =	vst v63  }
0x117: {  	_ =	swait.ge [sflag:s13], $0x4000  }
0x118: {  	[sflag:s13] =	ssyncset.done $0x0  }
0x119: {  	s14 =	simm.s32 $0xE80;
	[sflag:s13] =	ssyncadd.s32 $0xFFFFC000  }
0x11a: {  	[spmem:s2] =	stream.indirect.scatter.add.f32 [tilespmem:s10], [sflag:$0x3], $0x80, s14, s8, $0xb8;
	[tilespmem:$0x1D000] =	vst v63  }
0x11b: {  	_ =	swait.ge [sflag:s5], $0x4000  }
0x11c: {  	[sflag:s5] =	ssyncset.done $0x0  }
0x11d: {  	s30 =	simm.s32 $0x580;
	[sflag:s5] =	ssyncadd.s32 $0xFFFFC000  }
0x11e: {  	[tilespmem:s10], [sflag:$0x2] =	stream.indirect.gather [hbm4b:s7+s8], $0x80, s30, s8, $0xb8;
	[tilespmem:$0x1D000] =	vst v63  }
0x11f: {  	_ =	swait.ge [sflag:s11], $0x4000  }
0x120: {  	[sflag:s11] =	ssyncset.done $0x0  }
0x121: {  	[sflag:s11] =	ssyncadd.s32 $0xFFFFC000  }
0x122: {  	[spmem:s2] =	stream.indirect.scatter.add.f32 [tilespmem:s9], [sflag:$0x3], $0x80, s31, s8, $0xb8;
	[tilespmem:$0x1D000] =	vst v63  }
0x123: {  	_ =	swait.ge [sflag:s5], $0x4000  }
0x124: {  	[sflag:s5] =	ssyncset.done $0x0  }
0x125: {  	[sflag:s5] =	ssyncadd.s32 $0xFFFFC000  }
0x126: {  	[tilespmem:s9], [sflag:$0x1] =	stream.indirect.gather [hbm4b:s7+s8], $0x80, s29, s8, $0xb8;
	[tilespmem:$0x1D000] =	vst v63  }
0x127: {  	_ =	swait.ge [sflag:s13], $0x4000  }
0x128: {  	[sflag:s13] =	ssyncset.done $0x0  }
0x129: {  	[sflag:s13] =	ssyncadd.s32 $0xFFFFC000  }
0x12a: {  	[spmem:s2] =	stream.indirect.scatter.add.f32 [tilespmem:s10], [sflag:$0x3], $0x80, s28, s8, $0xb8;
	[tilespmem:$0x1D000] =	vst v63  }
0x12b: {  	_ =	swait.ge [sflag:s5], $0x4000  }
0x12c: {  	[sflag:s5] =	ssyncset.done $0x0  }
0x12d: {  	[sflag:s5] =	ssyncadd.s32 $0xFFFFC000  }
0x12e: {  	[tilespmem:s10], [sflag:$0x2] =	stream.indirect.gather [hbm4b:s7+s8], $0x80, s26, s8, $0xb8;
	[tilespmem:$0x1D000] =	vst v63  }
0x12f: {  	_ =	swait.ge [sflag:s11], $0x4000  }
0x130: {  	[sflag:s11] =	ssyncset.done $0x0  }
0x131: {  	[sflag:s11] =	ssyncadd.s32 $0xFFFFC000  }
0x132: {  	[spmem:s2] =	stream.indirect.scatter.add.f32 [tilespmem:s9], [sflag:$0x3], $0x80, s25, s8, $0xb8;
	[tilespmem:$0x1D000] =	vst v63  }
0x133: {  	_ =	swait.ge [sflag:s5], $0x4000  }
0x134: {  	[sflag:s5] =	ssyncset.done $0x0  }
0x135: {  	[sflag:s5] =	ssyncadd.s32 $0xFFFFC000  }
0x136: {  	[tilespmem:s9], [sflag:$0x1] =	stream.indirect.gather [hbm4b:s7+s8], $0x80, s24, s8, $0xb8;
	[tilespmem:$0x1D000] =	vst v63  }
0x137: {  	_ =	swait.ge [sflag:s13], $0x4000  }
0x138: {  	[sflag:s13] =	ssyncset.done $0x0  }
0x139: {  	[sflag:s13] =	ssyncadd.s32 $0xFFFFC000  }
0x13a: {  	[spmem:s2] =	stream.indirect.scatter.add.f32 [tilespmem:s10], [sflag:$0x3], $0x80, s23, s8, $0xb8;
	[tilespmem:$0x1D000] =	vst v63  }
0x13b: {  	_ =	swait.ge [sflag:s5], $0x4000  }
0x13c: {  	[sflag:s5] =	ssyncset.done $0x0  }
0x13d: {  	[sflag:s5] =	ssyncadd.s32 $0xFFFFC000  }
0x13e: {  	[tilespmem:s10], [sflag:$0x2] =	stream.indirect.gather [hbm4b:s7+s8], $0x80, s22, s8, $0xb8;
	[tilespmem:$0x1D000] =	vst v63  }
0x13f: {  	_ =	swait.ge [sflag:s11], $0x4000  }
0x140: {  	[sflag:s11] =	ssyncset.done $0x0  }
0x141: {  	[sflag:s11] =	ssyncadd.s32 $0xFFFFC000  }
0x142: {  	[spmem:s2] =	stream.indirect.scatter.add.f32 [tilespmem:s9], [sflag:$0x3], $0x80, s21, s8, $0xb8;
	[tilespmem:$0x1D000] =	vst v63  }
0x143: {  	_ =	swait.ge [sflag:s5], $0x4000  }
0x144: {  	[sflag:s5] =	ssyncset.done $0x0  }
0x145: {  	[sflag:s5] =	ssyncadd.s32 $0xFFFFC000  }
0x146: {  	[tilespmem:s9], [sflag:$0x1] =	stream.indirect.gather [hbm4b:s7+s8], $0x80, s20, s8, $0xb8;
	[tilespmem:$0x1D000] =	vst v63  }
0x147: {  	_ =	swait.ge [sflag:s13], $0x4000  }
0x148: {  	[sflag:s13] =	ssyncset.done $0x0  }
0x149: {  	[sflag:s13] =	ssyncadd.s32 $0xFFFFC000  }
0x14a: {  	[spmem:s2] =	stream.indirect.scatter.add.f32 [tilespmem:s10], [sflag:$0x3], $0x80, s19, s8, $0xb8;
	[tilespmem:$0x1D000] =	vst v63  }
0x14b: {  	_ =	swait.ge [sflag:s5], $0x4000  }
0x14c: {  	[sflag:s5] =	ssyncset.done $0x0  }
0x14d: {  	[sflag:s5] =	ssyncadd.s32 $0xFFFFC000  }
0x14e: {  	[tilespmem:s10], [sflag:$0x2] =	stream.indirect.gather [hbm4b:s7+s8], $0x80, s18, s8, $0xb8;
	[tilespmem:$0x1D000] =	vst v63  }
0x14f: {  	_ =	swait.ge [sflag:s11], $0x4000  }
0x150: {  	[sflag:s11] =	ssyncset.done $0x0  }
0x151: {  	[sflag:s11] =	ssyncadd.s32 $0xFFFFC000  }
0x152: {  	[spmem:s2] =	stream.indirect.scatter.add.f32 [tilespmem:s9], [sflag:$0x3], $0x80, s17, s8, $0xb8;
	[tilespmem:$0x1D000] =	vst v63  }
0x153: {  	_ =	swait.ge [sflag:s5], $0x4000  }
0x154: {  	[sflag:s5] =	ssyncset.done $0x0  }
0x155: {  	[sflag:s5] =	ssyncadd.s32 $0xFFFFC000  }
0x156: {  	[tilespmem:s9], [sflag:$0x1] =	stream.indirect.gather [hbm4b:s7+s8], $0x80, s16, s8, $0xb8;
	[tilespmem:$0x1D000] =	vst v63  }
0x157: {  	_ =	swait.ge [sflag:s13], $0x4000  }
0x158: {  	[sflag:s13] =	ssyncset.done $0x0  }
0x159: {  	[sflag:s13] =	ssyncadd.s32 $0xFFFFC000  }
0x15a: {  	[spmem:s2] =	stream.indirect.scatter.add.f32 [tilespmem:s10], [sflag:$0x3], $0x80, s15, s8, $0xb8;
	[tilespmem:$0x1D000] =	vst v63  }
0x15b: {  	_ =	swait.ge [sflag:s5], $0x4000  }
0x15c: {  	[sflag:s5] =	ssyncset.done $0x0  }
0x15d: {  	[sflag:s5] =	ssyncadd.s32 $0xFFFFC000  }
0x15e: {  	[tilespmem:s10], [sflag:$0x2] =	stream.indirect.gather [hbm4b:s7+s8], $0x80, s6, s8, $0xb8;
	[tilespmem:$0x1D000] =	vst v63  }
0x15f: {  	_ =	swait.ge [sflag:s11], $0x4000  }
0x160: {  	[sflag:s11] =	ssyncset.done $0x0  }
0x161: {  	[sflag:s11] =	ssyncadd.s32 $0xFFFFC000  }
0x162: {  	[spmem:s2] =	stream.indirect.scatter.add.f32 [tilespmem:s9], [sflag:$0x3], $0x80, s4, s8, $0xb8;
	[tilespmem:$0x1D000] =	vst v63  }
0x163: {  	_ =	swait.ge [sflag:s5], $0x4000  }
0x164: {  	[sflag:s5] =	ssyncset.done $0x0  }
0x165: {  	[sflag:s5] =	ssyncadd.s32 $0xFFFFC000  }
0x166: {  	_ =	swait.ge [sflag:s13], $0x4000  }
0x167: {  	[sflag:s13] =	ssyncset.done $0x0  }
0x168: {  	[sflag:s13] =	ssyncadd.s32 $0xFFFFC000  }
0x169: {  	[spmem:s2] =	stream.indirect.scatter.add.f32 [tilespmem:s10], [sflag:$0x3], $0x80, s1, s8, $0xb8;
	[tilespmem:$0x1D000] =	vst v63  }
0x16a: {  	_ =	swait.ge [sflag:s5], $0x4000  }
0x16b: {  	[sflag:s5] =	ssyncset.done $0x0  }
0x16c: {  	[sflag:s5] =	ssyncadd.s32 $0xFFFFC000  }
0x16d: {  	[bflag:$0x0] =	sbarrier.arrive $0xFFFF  }
0x16e: {  	s12 =	rddreg [dreg:$0x9]  }
0x16f: {  	s0 =	ssub.s32 $0x2, s0;
	s4 =	simm.s32 @p0 $0x3;
	s31 =	rddreg [dreg:$0xb]  }
0x170: {  	[hbm:s12], [sflag:s3] =	dma.local @p0 [spmem:s31], $0x2080  }
0x171: {  	s31 =	sshrl.u32 s0, $0x1;
	_ =	swait.ge @p0 [sflag:s4], $0x2080;
	[dreg:$0xc] =	wrdreg s3  }
0x172: {  	s1 =	ssub.s32 s0, s31;
	s0 =	rddreg [dreg:$0xe]  }
0x173: {  	s12 =	rddreg [dreg:$0x8];
	[sflag:s4] =	ssyncset.done @p0 $0x0;
	s0 =	sshrl.u32 @!p0 s0, $0x3  }
0x174: {  	s1 =	smax.u32 s1, $0x1;
	[sflag:s4] =	ssyncadd.s32 @p0 $0xFFFFDF80;
	[dreg:$0xd] =	wrdreg s0  }
0x175: {  	[hbm:s12], [sflag:s3] =	dma.local @!p0 [spmem:s0], $0x2780  }
0x176: {  	s12 =	sadd.s32 $0xFFFFFFFF, s1  }
0x177: {  	p1 =	sne.s32 s12, $0x0  }
.Ltmp0:
0x178: {  	_ = 	snop;
	(pc) =	sbr.rel @!p1 .LBB2_3-.Ltmp0, $3  }
0x179: {  	_ =	sdelay $0x1  }
0x17a: {  	s0 =	simm.s32 @!p0 $0x3  }
0x17b: {  	_ =	swait.ge @!p0 [sflag:s0], $0x2780  }
0x17c: {  	s31 =	simm.s32 $0xA00;
	s16 =	simm.s32 $0xA80  }
0x17d: {  	s17 =	simm.s32 $0x180;
	s18 =	simm.s32 $0xB00;
	s19 =	simm.s32 $0x200  }
0x17e: {  	s20 =	simm.s32 $0xB80;
	s21 =	simm.s32 $0x280;
	s22 =	simm.s32 $0xC00  }
0x17f: {  	s23 =	simm.s32 $0x300;
	s24 =	simm.s32 $0xC80;
	s25 =	simm.s32 $0x380  }
0x180: {  	s26 =	simm.s32 $0xD00;
	s28 =	simm.s32 $0x400;
	s29 =	simm.s32 $0xD80  }
0x181: {  	s30 =	simm.s32 $0x480;
	s6 =	simm.s32 $0x500;
	s3 =	simm.s32 $0x580  }
.LBB2_2:
0x182: {  	s14 =	rddreg [dreg:$0xa]  }
0x183: {  	[sflag:s0] =	ssyncset.done @!p0 $0x0;
	s15 =	rddreg [dreg:$0x3]  }
0x184: {  	[sflag:s0] =	ssyncadd.s32 @!p0 $0xFFFFD880;
	s0 =	rddreg [dreg:$0xc]  }
0x185: {  	[spmem:s14], [sflag:s0] =	dma.local [hbm:s15], $0x2780  }
0x186: {  	_ =	swait.ge [sflag:s5], $0x2780  }
0x187: {  	[sflag:s5] =	ssyncset.done $0x0  }
0x188: {  	[sflag:s5] =	ssyncadd.s32 $0xFFFFD880  }
0x189: {  	[bflag:$0x0] =	sbarrier.arrive $0xFFFF  }
0x18a: {  	s4 =	simm.s32 $0x0;
	s15 =	rddreg [dreg:$0x4]  }
0x18b: {  	[tilespmem:s4], [sflag:$0x3] =	stream.linear.gather [hbm4b:s15+s4], $0xA00, $0x38;
	[tilespmem:$0x1D000] =	vst v63  }
0x18c: {  	_ =	swait.ge [sflag:s5], $0xA00  }
0x18d: {  	[sflag:s5] =	ssyncset.done $0x0  }
0x18e: {  	s1 =	rddreg [dreg:$0x5];
	[sflag:s5] =	ssyncadd.s32 $0xFFFFF600  }
0x18f: {  	[tilespmem:s31], [sflag:$0x3] =	stream.linear.gather [hbm4b:s1+s4], $0xA00, $0x38;
	[tilespmem:$0x1D000] =	vst v63  }
0x190: {  	_ =	swait.ge [sflag:s5], $0xA00  }
0x191: {  	[sflag:s5] =	ssyncset.done $0x0  }
0x192: {  	[sflag:s5] =	ssyncadd.s32 $0xFFFFF600  }
0x193: {  	[tilespmem:s9], [sflag:$0x1] =	stream.indirect.gather [hbm4b:s7+s8], $0x80, s4, s8, $0xb8;
	[tilespmem:$0x1D000] =	vst v63  }
0x194: {  	_ = 	snop  }
0x195: {  	[tilespmem:s10], [sflag:$0x2] =	stream.indirect.gather [hbm4b:s7+s8], $0x80, s8, s8, $0xb8;
	[tilespmem:$0x1D000] =	vst v63  }
0x196: {  	_ =	swait.ge [sflag:s11], $0x4000  }
0x197: {  	[sflag:s11] =	ssyncset.done $0x0  }
0x198: {  	[sflag:s11] =	ssyncadd.s32 $0xFFFFC000  }
0x199: {  	[spmem:s2] =	stream.indirect.scatter.add.f32 [tilespmem:s9], [sflag:$0x3], $0x80, s31, s8, $0xb8;
	[tilespmem:$0x1D000] =	vst v63  }
0x19a: {  	_ =	swait.ge [sflag:s5], $0x4000  }
0x19b: {  	[sflag:s5] =	ssyncset.done $0x0  }
0x19c: {  	s15 =	simm.s32 $0x100;
	[sflag:s5] =	ssyncadd.s32 $0xFFFFC000  }
0x19d: {  	[tilespmem:s9], [sflag:$0x1] =	stream.indirect.gather [hbm4b:s7+s8], $0x80, s15, s8, $0xb8;
	[tilespmem:$0x1D000] =	vst v63  }
0x19e: {  	_ =	swait.ge [sflag:s13], $0x4000  }
0x19f: {  	[sflag:s13] =	ssyncset.done $0x0  }
0x1a0: {  	[sflag:s13] =	ssyncadd.s32 $0xFFFFC000  }
0x1a1: {  	[spmem:s2] =	stream.indirect.scatter.add.f32 [tilespmem:s10], [sflag:$0x3], $0x80, s16, s8, $0xb8;
	[tilespmem:$0x1D000] =	vst v63  }
0x1a2: {  	_ =	swait.ge [sflag:s5], $0x4000  }
0x1a3: {  	[sflag:s5] =	ssyncset.done $0x0  }
0x1a4: {  	[sflag:s5] =	ssyncadd.s32 $0xFFFFC000  }
0x1a5: {  	[tilespmem:s10], [sflag:$0x2] =	stream.indirect.gather [hbm4b:s7+s8], $0x80, s17, s8, $0xb8;
	[tilespmem:$0x1D000] =	vst v63  }
0x1a6: {  	_ =	swait.ge [sflag:s11], $0x4000  }
0x1a7: {  	[sflag:s11] =	ssyncset.done $0x0  }
0x1a8: {  	[sflag:s11] =	ssyncadd.s32 $0xFFFFC000  }
0x1a9: {  	[spmem:s2] =	stream.indirect.scatter.add.f32 [tilespmem:s9], [sflag:$0x3], $0x80, s18, s8, $0xb8;
	[tilespmem:$0x1D000] =	vst v63  }
0x1aa: {  	_ =	swait.ge [sflag:s5], $0x4000  }
0x1ab: {  	[sflag:s5] =	ssyncset.done $0x0  }
0x1ac: {  	[sflag:s5] =	ssyncadd.s32 $0xFFFFC000  }
0x1ad: {  	[tilespmem:s9], [sflag:$0x1] =	stream.indirect.gather [hbm4b:s7+s8], $0x80, s19, s8, $0xb8;
	[tilespmem:$0x1D000] =	vst v63  }
0x1ae: {  	_ =	swait.ge [sflag:s13], $0x4000  }
0x1af: {  	[sflag:s13] =	ssyncset.done $0x0  }
0x1b0: {  	[sflag:s13] =	ssyncadd.s32 $0xFFFFC000  }
0x1b1: {  	[spmem:s2] =	stream.indirect.scatter.add.f32 [tilespmem:s10], [sflag:$0x3], $0x80, s20, s8, $0xb8;
	[tilespmem:$0x1D000] =	vst v63  }
0x1b2: {  	_ =	swait.ge [sflag:s5], $0x4000  }
0x1b3: {  	[sflag:s5] =	ssyncset.done $0x0  }
0x1b4: {  	[sflag:s5] =	ssyncadd.s32 $0xFFFFC000  }
0x1b5: {  	[tilespmem:s10], [sflag:$0x2] =	stream.indirect.gather [hbm4b:s7+s8], $0x80, s21, s8, $0xb8;
	[tilespmem:$0x1D000] =	vst v63  }
0x1b6: {  	_ =	swait.ge [sflag:s11], $0x4000  }
0x1b7: {  	[sflag:s11] =	ssyncset.done $0x0  }
0x1b8: {  	[sflag:s11] =	ssyncadd.s32 $0xFFFFC000  }
0x1b9: {  	[spmem:s2] =	stream.indirect.scatter.add.f32 [tilespmem:s9], [sflag:$0x3], $0x80, s22, s8, $0xb8;
	[tilespmem:$0x1D000] =	vst v63  }
0x1ba: {  	_ =	swait.ge [sflag:s5], $0x4000  }
0x1bb: {  	[sflag:s5] =	ssyncset.done $0x0  }
0x1bc: {  	[sflag:s5] =	ssyncadd.s32 $0xFFFFC000  }
0x1bd: {  	[tilespmem:s9], [sflag:$0x1] =	stream.indirect.gather [hbm4b:s7+s8], $0x80, s23, s8, $0xb8;
	[tilespmem:$0x1D000] =	vst v63  }
0x1be: {  	_ =	swait.ge [sflag:s13], $0x4000  }
0x1bf: {  	[sflag:s13] =	ssyncset.done $0x0  }
0x1c0: {  	[sflag:s13] =	ssyncadd.s32 $0xFFFFC000  }
0x1c1: {  	[spmem:s2] =	stream.indirect.scatter.add.f32 [tilespmem:s10], [sflag:$0x3], $0x80, s24, s8, $0xb8;
	[tilespmem:$0x1D000] =	vst v63  }
0x1c2: {  	_ =	swait.ge [sflag:s5], $0x4000  }
0x1c3: {  	[sflag:s5] =	ssyncset.done $0x0  }
0x1c4: {  	[sflag:s5] =	ssyncadd.s32 $0xFFFFC000  }
0x1c5: {  	[tilespmem:s10], [sflag:$0x2] =	stream.indirect.gather [hbm4b:s7+s8], $0x80, s25, s8, $0xb8;
	[tilespmem:$0x1D000] =	vst v63  }
0x1c6: {  	_ =	swait.ge [sflag:s11], $0x4000  }
0x1c7: {  	[sflag:s11] =	ssyncset.done $0x0  }
0x1c8: {  	[sflag:s11] =	ssyncadd.s32 $0xFFFFC000  }
0x1c9: {  	[spmem:s2] =	stream.indirect.scatter.add.f32 [tilespmem:s9], [sflag:$0x3], $0x80, s26, s8, $0xb8;
	[tilespmem:$0x1D000] =	vst v63  }
0x1ca: {  	_ =	swait.ge [sflag:s5], $0x4000  }
0x1cb: {  	[sflag:s5] =	ssyncset.done $0x0  }
0x1cc: {  	[sflag:s5] =	ssyncadd.s32 $0xFFFFC000  }
0x1cd: {  	[tilespmem:s9], [sflag:$0x1] =	stream.indirect.gather [hbm4b:s7+s8], $0x80, s28, s8, $0xb8;
	[tilespmem:$0x1D000] =	vst v63  }
0x1ce: {  	_ =	swait.ge [sflag:s13], $0x4000  }
0x1cf: {  	[sflag:s13] =	ssyncset.done $0x0  }
0x1d0: {  	[sflag:s13] =	ssyncadd.s32 $0xFFFFC000  }
0x1d1: {  	[spmem:s2] =	stream.indirect.scatter.add.f32 [tilespmem:s10], [sflag:$0x3], $0x80, s29, s8, $0xb8;
	[tilespmem:$0x1D000] =	vst v63  }
0x1d2: {  	_ =	swait.ge [sflag:s5], $0x4000  }
0x1d3: {  	[sflag:s5] =	ssyncset.done $0x0  }
0x1d4: {  	[sflag:s5] =	ssyncadd.s32 $0xFFFFC000  }
0x1d5: {  	[tilespmem:s10], [sflag:$0x2] =	stream.indirect.gather [hbm4b:s7+s8], $0x80, s30, s8, $0xb8;
	[tilespmem:$0x1D000] =	vst v63  }
0x1d6: {  	_ =	swait.ge [sflag:s11], $0x4000  }
0x1d7: {  	[sflag:s11] =	ssyncset.done $0x0  }
0x1d8: {  	s1 =	simm.s32 $0xE00;
	[sflag:s11] =	ssyncadd.s32 $0xFFFFC000  }
0x1d9: {  	[spmem:s2] =	stream.indirect.scatter.add.f32 [tilespmem:s9], [sflag:$0x3], $0x80, s1, s8, $0xb8;
	[tilespmem:$0x1D000] =	vst v63  }
0x1da: {  	_ =	swait.ge [sflag:s5], $0x4000  }
0x1db: {  	[sflag:s5] =	ssyncset.done $0x0  }
0x1dc: {  	[sflag:s5] =	ssyncadd.s32 $0xFFFFC000  }
0x1dd: {  	[tilespmem:s9], [sflag:$0x1] =	stream.indirect.gather [hbm4b:s7+s8], $0x80, s6, s8, $0xb8;
	[tilespmem:$0x1D000] =	vst v63  }
0x1de: {  	_ =	swait.ge [sflag:s13], $0x4000  }
0x1df: {  	[sflag:s13] =	ssyncset.done $0x0  }
0x1e0: {  	s1 =	simm.s32 $0xE80;
	[sflag:s13] =	ssyncadd.s32 $0xFFFFC000  }
0x1e1: {  	[spmem:s2] =	stream.indirect.scatter.add.f32 [tilespmem:s10], [sflag:$0x3], $0x80, s1, s8, $0xb8;
	[tilespmem:$0x1D000] =	vst v63  }
0x1e2: {  	_ =	swait.ge [sflag:s5], $0x4000  }
0x1e3: {  	[sflag:s5] =	ssyncset.done $0x0  }
0x1e4: {  	[sflag:s5] =	ssyncadd.s32 $0xFFFFC000  }
0x1e5: {  	[tilespmem:s10], [sflag:$0x2] =	stream.indirect.gather [hbm4b:s7+s8], $0x80, s3, s8, $0xb8;
	[tilespmem:$0x1D000] =	vst v63  }
0x1e6: {  	_ =	swait.ge [sflag:s11], $0x4000  }
0x1e7: {  	[sflag:s11] =	ssyncset.done $0x0  }
0x1e8: {  	s14 =	simm.s32 $0xF00;
	[sflag:s11] =	ssyncadd.s32 $0xFFFFC000  }
0x1e9: {  	[spmem:s2] =	stream.indirect.scatter.add.f32 [tilespmem:s9], [sflag:$0x3], $0x80, s14, s8, $0xb8;
	[tilespmem:$0x1D000] =	vst v63  }
0x1ea: {  	_ =	swait.ge [sflag:s5], $0x4000  }
0x1eb: {  	[sflag:s5] =	ssyncset.done $0x0  }
0x1ec: {  	s14 =	simm.s32 $0x600;
	[sflag:s5] =	ssyncadd.s32 $0xFFFFC000  }
0x1ed: {  	[tilespmem:s9], [sflag:$0x1] =	stream.indirect.gather [hbm4b:s7+s8], $0x80, s14, s8, $0xb8;
	[tilespmem:$0x1D000] =	vst v63  }
0x1ee: {  	_ =	swait.ge [sflag:s13], $0x4000  }
0x1ef: {  	[sflag:s13] =	ssyncset.done $0x0  }
0x1f0: {  	s14 =	simm.s32 $0xF80;
	[sflag:s13] =	ssyncadd.s32 $0xFFFFC000  }
0x1f1: {  	[spmem:s2] =	stream.indirect.scatter.add.f32 [tilespmem:s10], [sflag:$0x3], $0x80, s14, s8, $0xb8;
	[tilespmem:$0x1D000] =	vst v63  }
0x1f2: {  	_ =	swait.ge [sflag:s5], $0x4000  }
0x1f3: {  	[sflag:s5] =	ssyncset.done $0x0  }
0x1f4: {  	s14 =	simm.s32 $0x680;
	[sflag:s5] =	ssyncadd.s32 $0xFFFFC000  }
0x1f5: {  	[tilespmem:s10], [sflag:$0x2] =	stream.indirect.gather [hbm4b:s7+s8], $0x80, s14, s8, $0xb8;
	[tilespmem:$0x1D000] =	vst v63  }
0x1f6: {  	_ =	swait.ge [sflag:s11], $0x4000  }
0x1f7: {  	[sflag:s11] =	ssyncset.done $0x0  }
0x1f8: {  	s14 =	simm.s32 $0x1000;
	[sflag:s11] =	ssyncadd.s32 $0xFFFFC000  }
0x1f9: {  	[spmem:s2] =	stream.indirect.scatter.add.f32 [tilespmem:s9], [sflag:$0x3], $0x80, s14, s8, $0xb8;
	[tilespmem:$0x1D000] =	vst v63  }
0x1fa: {  	_ =	swait.ge [sflag:s5], $0x4000  }
0x1fb: {  	[sflag:s5] =	ssyncset.done $0x0  }
0x1fc: {  	s14 =	simm.s32 $0x700;
	[sflag:s5] =	ssyncadd.s32 $0xFFFFC000  }
0x1fd: {  	[tilespmem:s9], [sflag:$0x1] =	stream.indirect.gather [hbm4b:s7+s8], $0x80, s14, s8, $0xb8;
	[tilespmem:$0x1D000] =	vst v63  }
0x1fe: {  	_ =	swait.ge [sflag:s13], $0x4000  }
0x1ff: {  	[sflag:s13] =	ssyncset.done $0x0  }
0x200: {  	s14 =	simm.s32 $0x1080;
	[sflag:s13] =	ssyncadd.s32 $0xFFFFC000  }
0x201: {  	[spmem:s2] =	stream.indirect.scatter.add.f32 [tilespmem:s10], [sflag:$0x3], $0x80, s14, s8, $0xb8;
	[tilespmem:$0x1D000] =	vst v63  }
0x202: {  	_ =	swait.ge [sflag:s5], $0x4000  }
0x203: {  	[sflag:s5] =	ssyncset.done $0x0  }
0x204: {  	s14 =	simm.s32 $0x780;
	[sflag:s5] =	ssyncadd.s32 $0xFFFFC000  }
0x205: {  	[tilespmem:s10], [sflag:$0x2] =	stream.indirect.gather [hbm4b:s7+s8], $0x80, s14, s8, $0xb8;
	[tilespmem:$0x1D000] =	vst v63  }
0x206: {  	_ =	swait.ge [sflag:s11], $0x4000  }
0x207: {  	[sflag:s11] =	ssyncset.done $0x0  }
0x208: {  	s14 =	simm.s32 $0x1100;
	[sflag:s11] =	ssyncadd.s32 $0xFFFFC000  }
0x209: {  	[spmem:s2] =	stream.indirect.scatter.add.f32 [tilespmem:s9], [sflag:$0x3], $0x80, s14, s8, $0xb8;
	[tilespmem:$0x1D000] =	vst v63  }
0x20a: {  	_ =	swait.ge [sflag:s5], $0x4000  }
0x20b: {  	[sflag:s5] =	ssyncset.done $0x0  }
0x20c: {  	s14 =	simm.s32 $0x800;
	[sflag:s5] =	ssyncadd.s32 $0xFFFFC000  }
0x20d: {  	[tilespmem:s9], [sflag:$0x1] =	stream.indirect.gather [hbm4b:s7+s8], $0x80, s14, s8, $0xb8;
	[tilespmem:$0x1D000] =	vst v63  }
0x20e: {  	_ =	swait.ge [sflag:s13], $0x4000  }
0x20f: {  	[sflag:s13] =	ssyncset.done $0x0  }
0x210: {  	s14 =	simm.s32 $0x1180;
	[sflag:s13] =	ssyncadd.s32 $0xFFFFC000  }
0x211: {  	[spmem:s2] =	stream.indirect.scatter.add.f32 [tilespmem:s10], [sflag:$0x3], $0x80, s14, s8, $0xb8;
	[tilespmem:$0x1D000] =	vst v63  }
0x212: {  	_ =	swait.ge [sflag:s5], $0x4000  }
0x213: {  	[sflag:s5] =	ssyncset.done $0x0  }
0x214: {  	s14 =	simm.s32 $0x880;
	[sflag:s5] =	ssyncadd.s32 $0xFFFFC000  }
0x215: {  	[tilespmem:s10], [sflag:$0x2] =	stream.indirect.gather [hbm4b:s7+s8], $0x80, s14, s8, $0xb8;
	[tilespmem:$0x1D000] =	vst v63  }
0x216: {  	_ =	swait.ge [sflag:s11], $0x4000  }
0x217: {  	[sflag:s11] =	ssyncset.done $0x0  }
0x218: {  	s14 =	simm.s32 $0x1200;
	[sflag:s11] =	ssyncadd.s32 $0xFFFFC000  }
0x219: {  	[spmem:s2] =	stream.indirect.scatter.add.f32 [tilespmem:s9], [sflag:$0x3], $0x80, s14, s8, $0xb8;
	[tilespmem:$0x1D000] =	vst v63  }
0x21a: {  	_ =	swait.ge [sflag:s5], $0x4000  }
0x21b: {  	[sflag:s5] =	ssyncset.done $0x0  }
0x21c: {  	s14 =	simm.s32 $0x900;
	[sflag:s5] =	ssyncadd.s32 $0xFFFFC000  }
0x21d: {  	[tilespmem:s9], [sflag:$0x1] =	stream.indirect.gather [hbm4b:s7+s8], $0x80, s14, s8, $0xb8;
	[tilespmem:$0x1D000] =	vst v63  }
0x21e: {  	_ =	swait.ge [sflag:s13], $0x4000  }
0x21f: {  	[sflag:s13] =	ssyncset.done $0x0  }
0x220: {  	s14 =	simm.s32 $0x1280;
	[sflag:s13] =	ssyncadd.s32 $0xFFFFC000  }
0x221: {  	[spmem:s2] =	stream.indirect.scatter.add.f32 [tilespmem:s10], [sflag:$0x3], $0x80, s14, s8, $0xb8;
	[tilespmem:$0x1D000] =	vst v63  }
0x222: {  	_ =	swait.ge [sflag:s5], $0x4000  }
0x223: {  	[sflag:s5] =	ssyncset.done $0x0  }
0x224: {  	s14 =	simm.s32 $0x980;
	[sflag:s5] =	ssyncadd.s32 $0xFFFFC000  }
0x225: {  	[tilespmem:s10], [sflag:$0x2] =	stream.indirect.gather [hbm4b:s7+s8], $0x80, s14, s8, $0xb8;
	[tilespmem:$0x1D000] =	vst v63  }
0x226: {  	_ =	swait.ge [sflag:s11], $0x4000  }
0x227: {  	[sflag:s11] =	ssyncset.done $0x0  }
0x228: {  	s14 =	simm.s32 $0x1300;
	[sflag:s11] =	ssyncadd.s32 $0xFFFFC000  }
0x229: {  	[spmem:s2] =	stream.indirect.scatter.add.f32 [tilespmem:s9], [sflag:$0x3], $0x80, s14, s8, $0xb8;
	[tilespmem:$0x1D000] =	vst v63  }
0x22a: {  	_ =	swait.ge [sflag:s5], $0x4000  }
0x22b: {  	[sflag:s5] =	ssyncset.done $0x0  }
0x22c: {  	[sflag:s5] =	ssyncadd.s32 $0xFFFFC000  }
0x22d: {  	_ =	swait.ge [sflag:s13], $0x4000  }
0x22e: {  	[sflag:s13] =	ssyncset.done $0x0  }
0x22f: {  	s14 =	simm.s32 $0x1380;
	[sflag:s13] =	ssyncadd.s32 $0xFFFFC000  }
0x230: {  	[spmem:s2] =	stream.indirect.scatter.add.f32 [tilespmem:s10], [sflag:$0x3], $0x80, s14, s8, $0xb8;
	[tilespmem:$0x1D000] =	vst v63  }
0x231: {  	_ =	swait.ge [sflag:s5], $0x4000  }
0x232: {  	[sflag:s5] =	ssyncset.done $0x0  }
0x233: {  	s14 =	rddreg [dreg:$0x6];
	[sflag:s5] =	ssyncadd.s32 $0xFFFFC000  }
0x234: {  	[tilespmem:s4], [sflag:$0x3] =	stream.linear.gather [hbm4b:s14+s4], $0xA00, $0x38;
	[tilespmem:$0x1D000] =	vst v63  }
0x235: {  	_ =	swait.ge [sflag:s5], $0xA00  }
0x236: {  	[sflag:s5] =	ssyncset.done $0x0  }
0x237: {  	s14 =	rddreg [dreg:$0x7];
	[sflag:s5] =	ssyncadd.s32 $0xFFFFF600  }
0x238: {  	[tilespmem:s31], [sflag:$0x3] =	stream.linear.gather [hbm4b:s14+s4], $0xA00, $0x38;
	[tilespmem:$0x1D000] =	vst v63  }
0x239: {  	_ =	swait.ge [sflag:s5], $0xA00  }
0x23a: {  	[sflag:s5] =	ssyncset.done $0x0  }
0x23b: {  	[sflag:s5] =	ssyncadd.s32 $0xFFFFF600  }
0x23c: {  	[tilespmem:s9], [sflag:$0x1] =	stream.indirect.gather [hbm4b:s7+s8], $0x80, s4, s8, $0xb8;
	[tilespmem:$0x1D000] =	vst v63  }
0x23d: {  	_ = 	snop  }
0x23e: {  	[tilespmem:s10], [sflag:$0x2] =	stream.indirect.gather [hbm4b:s7+s8], $0x80, s8, s8, $0xb8;
	[tilespmem:$0x1D000] =	vst v63  }
0x23f: {  	_ =	swait.ge [sflag:s11], $0x4000  }
0x240: {  	[sflag:s11] =	ssyncset.done $0x0  }
0x241: {  	[sflag:s11] =	ssyncadd.s32 $0xFFFFC000  }
0x242: {  	[spmem:s2] =	stream.indirect.scatter.add.f32 [tilespmem:s9], [sflag:$0x3], $0x80, s31, s8, $0xb8;
	[tilespmem:$0x1D000] =	vst v63  }
0x243: {  	_ =	swait.ge [sflag:s5], $0x4000  }
0x244: {  	[sflag:s5] =	ssyncset.done $0x0  }
0x245: {  	[sflag:s5] =	ssyncadd.s32 $0xFFFFC000  }
0x246: {  	[tilespmem:s9], [sflag:$0x1] =	stream.indirect.gather [hbm4b:s7+s8], $0x80, s15, s8, $0xb8;
	[tilespmem:$0x1D000] =	vst v63  }
0x247: {  	_ =	swait.ge [sflag:s13], $0x4000  }
0x248: {  	[sflag:s13] =	ssyncset.done $0x0  }
0x249: {  	[sflag:s13] =	ssyncadd.s32 $0xFFFFC000  }
0x24a: {  	[spmem:s2] =	stream.indirect.scatter.add.f32 [tilespmem:s10], [sflag:$0x3], $0x80, s16, s8, $0xb8;
	[tilespmem:$0x1D000] =	vst v63  }
0x24b: {  	_ =	swait.ge [sflag:s5], $0x4000  }
0x24c: {  	[sflag:s5] =	ssyncset.done $0x0  }
0x24d: {  	[sflag:s5] =	ssyncadd.s32 $0xFFFFC000  }
0x24e: {  	[tilespmem:s10], [sflag:$0x2] =	stream.indirect.gather [hbm4b:s7+s8], $0x80, s17, s8, $0xb8;
	[tilespmem:$0x1D000] =	vst v63  }
0x24f: {  	_ =	swait.ge [sflag:s11], $0x4000  }
0x250: {  	[sflag:s11] =	ssyncset.done $0x0  }
0x251: {  	[sflag:s11] =	ssyncadd.s32 $0xFFFFC000  }
0x252: {  	[spmem:s2] =	stream.indirect.scatter.add.f32 [tilespmem:s9], [sflag:$0x3], $0x80, s18, s8, $0xb8;
	[tilespmem:$0x1D000] =	vst v63  }
0x253: {  	_ =	swait.ge [sflag:s5], $0x4000  }
0x254: {  	[sflag:s5] =	ssyncset.done $0x0  }
0x255: {  	[sflag:s5] =	ssyncadd.s32 $0xFFFFC000  }
0x256: {  	[tilespmem:s9], [sflag:$0x1] =	stream.indirect.gather [hbm4b:s7+s8], $0x80, s19, s8, $0xb8;
	[tilespmem:$0x1D000] =	vst v63  }
0x257: {  	_ =	swait.ge [sflag:s13], $0x4000  }
0x258: {  	[sflag:s13] =	ssyncset.done $0x0  }
0x259: {  	[sflag:s13] =	ssyncadd.s32 $0xFFFFC000  }
0x25a: {  	[spmem:s2] =	stream.indirect.scatter.add.f32 [tilespmem:s10], [sflag:$0x3], $0x80, s20, s8, $0xb8;
	[tilespmem:$0x1D000] =	vst v63  }
0x25b: {  	_ =	swait.ge [sflag:s5], $0x4000  }
0x25c: {  	[sflag:s5] =	ssyncset.done $0x0  }
0x25d: {  	[sflag:s5] =	ssyncadd.s32 $0xFFFFC000  }
0x25e: {  	[tilespmem:s10], [sflag:$0x2] =	stream.indirect.gather [hbm4b:s7+s8], $0x80, s21, s8, $0xb8;
	[tilespmem:$0x1D000] =	vst v63  }
0x25f: {  	_ =	swait.ge [sflag:s11], $0x4000  }
0x260: {  	[sflag:s11] =	ssyncset.done $0x0  }
0x261: {  	[sflag:s11] =	ssyncadd.s32 $0xFFFFC000  }
0x262: {  	[spmem:s2] =	stream.indirect.scatter.add.f32 [tilespmem:s9], [sflag:$0x3], $0x80, s22, s8, $0xb8;
	[tilespmem:$0x1D000] =	vst v63  }
0x263: {  	_ =	swait.ge [sflag:s5], $0x4000  }
0x264: {  	[sflag:s5] =	ssyncset.done $0x0  }
0x265: {  	[sflag:s5] =	ssyncadd.s32 $0xFFFFC000  }
0x266: {  	[tilespmem:s9], [sflag:$0x1] =	stream.indirect.gather [hbm4b:s7+s8], $0x80, s23, s8, $0xb8;
	[tilespmem:$0x1D000] =	vst v63  }
0x267: {  	_ =	swait.ge [sflag:s13], $0x4000  }
0x268: {  	[sflag:s13] =	ssyncset.done $0x0  }
0x269: {  	[sflag:s13] =	ssyncadd.s32 $0xFFFFC000  }
0x26a: {  	[spmem:s2] =	stream.indirect.scatter.add.f32 [tilespmem:s10], [sflag:$0x3], $0x80, s24, s8, $0xb8;
	[tilespmem:$0x1D000] =	vst v63  }
0x26b: {  	_ =	swait.ge [sflag:s5], $0x4000  }
0x26c: {  	[sflag:s5] =	ssyncset.done $0x0  }
0x26d: {  	[sflag:s5] =	ssyncadd.s32 $0xFFFFC000  }
0x26e: {  	[tilespmem:s10], [sflag:$0x2] =	stream.indirect.gather [hbm4b:s7+s8], $0x80, s25, s8, $0xb8;
	[tilespmem:$0x1D000] =	vst v63  }
0x26f: {  	_ =	swait.ge [sflag:s11], $0x4000  }
0x270: {  	[sflag:s11] =	ssyncset.done $0x0  }
0x271: {  	[sflag:s11] =	ssyncadd.s32 $0xFFFFC000  }
0x272: {  	[spmem:s2] =	stream.indirect.scatter.add.f32 [tilespmem:s9], [sflag:$0x3], $0x80, s26, s8, $0xb8;
	[tilespmem:$0x1D000] =	vst v63  }
0x273: {  	_ =	swait.ge [sflag:s5], $0x4000  }
0x274: {  	[sflag:s5] =	ssyncset.done $0x0  }
0x275: {  	[sflag:s5] =	ssyncadd.s32 $0xFFFFC000  }
0x276: {  	[tilespmem:s9], [sflag:$0x1] =	stream.indirect.gather [hbm4b:s7+s8], $0x80, s28, s8, $0xb8;
	[tilespmem:$0x1D000] =	vst v63  }
0x277: {  	_ =	swait.ge [sflag:s13], $0x4000  }
0x278: {  	[sflag:s13] =	ssyncset.done $0x0  }
0x279: {  	[sflag:s13] =	ssyncadd.s32 $0xFFFFC000  }
0x27a: {  	[spmem:s2] =	stream.indirect.scatter.add.f32 [tilespmem:s10], [sflag:$0x3], $0x80, s29, s8, $0xb8;
	[tilespmem:$0x1D000] =	vst v63  }
0x27b: {  	_ =	swait.ge [sflag:s5], $0x4000  }
0x27c: {  	[sflag:s5] =	ssyncset.done $0x0  }
0x27d: {  	[sflag:s5] =	ssyncadd.s32 $0xFFFFC000  }
0x27e: {  	[tilespmem:s10], [sflag:$0x2] =	stream.indirect.gather [hbm4b:s7+s8], $0x80, s30, s8, $0xb8;
	[tilespmem:$0x1D000] =	vst v63  }
0x27f: {  	_ =	swait.ge [sflag:s11], $0x4000  }
0x280: {  	[sflag:s11] =	ssyncset.done $0x0  }
0x281: {  	s15 =	simm.s32 $0xE00;
	[sflag:s11] =	ssyncadd.s32 $0xFFFFC000  }
0x282: {  	[spmem:s2] =	stream.indirect.scatter.add.f32 [tilespmem:s9], [sflag:$0x3], $0x80, s15, s8, $0xb8;
	[tilespmem:$0x1D000] =	vst v63  }
0x283: {  	_ =	swait.ge [sflag:s5], $0x4000  }
0x284: {  	[sflag:s5] =	ssyncset.done $0x0  }
0x285: {  	[sflag:s5] =	ssyncadd.s32 $0xFFFFC000  }
0x286: {  	[tilespmem:s9], [sflag:$0x1] =	stream.indirect.gather [hbm4b:s7+s8], $0x80, s6, s8, $0xb8;
	[tilespmem:$0x1D000] =	vst v63  }
0x287: {  	_ =	swait.ge [sflag:s13], $0x4000  }
0x288: {  	[sflag:s13] =	ssyncset.done $0x0  }
0x289: {  	[sflag:s13] =	ssyncadd.s32 $0xFFFFC000  }
0x28a: {  	[spmem:s2] =	stream.indirect.scatter.add.f32 [tilespmem:s10], [sflag:$0x3], $0x80, s1, s8, $0xb8;
	[tilespmem:$0x1D000] =	vst v63  }
0x28b: {  	_ =	swait.ge [sflag:s5], $0x4000  }
0x28c: {  	[sflag:s5] =	ssyncset.done $0x0  }
0x28d: {  	[sflag:s5] =	ssyncadd.s32 $0xFFFFC000  }
0x28e: {  	[tilespmem:s10], [sflag:$0x2] =	stream.indirect.gather [hbm4b:s7+s8], $0x80, s3, s8, $0xb8;
	[tilespmem:$0x1D000] =	vst v63  }
0x28f: {  	_ =	swait.ge [sflag:s11], $0x4000  }
0x290: {  	[sflag:s11] =	ssyncset.done $0x0  }
0x291: {  	s4 =	simm.s32 $0xF00;
	[sflag:s11] =	ssyncadd.s32 $0xFFFFC000  }
0x292: {  	[spmem:s2] =	stream.indirect.scatter.add.f32 [tilespmem:s9], [sflag:$0x3], $0x80, s4, s8, $0xb8;
	[tilespmem:$0x1D000] =	vst v63  }
0x293: {  	_ =	swait.ge [sflag:s5], $0x4000  }
0x294: {  	[sflag:s5] =	ssyncset.done $0x0  }
0x295: {  	s14 =	simm.s32 $0x600;
	[sflag:s5] =	ssyncadd.s32 $0xFFFFC000  }
0x296: {  	[tilespmem:s9], [sflag:$0x1] =	stream.indirect.gather [hbm4b:s7+s8], $0x80, s14, s8, $0xb8;
	[tilespmem:$0x1D000] =	vst v63  }
0x297: {  	_ =	swait.ge [sflag:s13], $0x4000  }
0x298: {  	[sflag:s13] =	ssyncset.done $0x0  }
0x299: {  	s15 =	simm.s32 $0xF80;
	[sflag:s13] =	ssyncadd.s32 $0xFFFFC000  }
0x29a: {  	[spmem:s2] =	stream.indirect.scatter.add.f32 [tilespmem:s10], [sflag:$0x3], $0x80, s15, s8, $0xb8;
	[tilespmem:$0x1D000] =	vst v63  }
0x29b: {  	_ =	swait.ge [sflag:s5], $0x4000  }
0x29c: {  	[sflag:s5] =	ssyncset.done $0x0  }
0x29d: {  	s4 =	simm.s32 $0x680;
	[sflag:s5] =	ssyncadd.s32 $0xFFFFC000  }
0x29e: {  	[tilespmem:s10], [sflag:$0x2] =	stream.indirect.gather [hbm4b:s7+s8], $0x80, s4, s8, $0xb8;
	[tilespmem:$0x1D000] =	vst v63  }
0x29f: {  	_ =	swait.ge [sflag:s11], $0x4000  }
0x2a0: {  	[sflag:s11] =	ssyncset.done $0x0  }
0x2a1: {  	s14 =	simm.s32 $0x1000;
	[sflag:s11] =	ssyncadd.s32 $0xFFFFC000  }
0x2a2: {  	[spmem:s2] =	stream.indirect.scatter.add.f32 [tilespmem:s9], [sflag:$0x3], $0x80, s14, s8, $0xb8;
	[tilespmem:$0x1D000] =	vst v63  }
0x2a3: {  	_ =	swait.ge [sflag:s5], $0x4000  }
0x2a4: {  	[sflag:s5] =	ssyncset.done $0x0  }
0x2a5: {  	s15 =	simm.s32 $0x700;
	[sflag:s5] =	ssyncadd.s32 $0xFFFFC000  }
0x2a6: {  	[tilespmem:s9], [sflag:$0x1] =	stream.indirect.gather [hbm4b:s7+s8], $0x80, s15, s8, $0xb8;
	[tilespmem:$0x1D000] =	vst v63  }
0x2a7: {  	_ =	swait.ge [sflag:s13], $0x4000  }
0x2a8: {  	[sflag:s13] =	ssyncset.done $0x0  }
0x2a9: {  	s4 =	simm.s32 $0x1080;
	[sflag:s13] =	ssyncadd.s32 $0xFFFFC000  }
0x2aa: {  	[spmem:s2] =	stream.indirect.scatter.add.f32 [tilespmem:s10], [sflag:$0x3], $0x80, s4, s8, $0xb8;
	[tilespmem:$0x1D000] =	vst v63  }
0x2ab: {  	_ =	swait.ge [sflag:s5], $0x4000  }
0x2ac: {  	[sflag:s5] =	ssyncset.done $0x0  }
0x2ad: {  	s14 =	simm.s32 $0x780;
	[sflag:s5] =	ssyncadd.s32 $0xFFFFC000  }
0x2ae: {  	[tilespmem:s10], [sflag:$0x2] =	stream.indirect.gather [hbm4b:s7+s8], $0x80, s14, s8, $0xb8;
	[tilespmem:$0x1D000] =	vst v63  }
0x2af: {  	_ =	swait.ge [sflag:s11], $0x4000  }
0x2b0: {  	[sflag:s11] =	ssyncset.done $0x0  }
0x2b1: {  	s15 =	simm.s32 $0x1100;
	[sflag:s11] =	ssyncadd.s32 $0xFFFFC000  }
0x2b2: {  	[spmem:s2] =	stream.indirect.scatter.add.f32 [tilespmem:s9], [sflag:$0x3], $0x80, s15, s8, $0xb8;
	[tilespmem:$0x1D000] =	vst v63  }
0x2b3: {  	_ =	swait.ge [sflag:s5], $0x4000  }
0x2b4: {  	[sflag:s5] =	ssyncset.done $0x0  }
0x2b5: {  	s4 =	simm.s32 $0x800;
	[sflag:s5] =	ssyncadd.s32 $0xFFFFC000  }
0x2b6: {  	[tilespmem:s9], [sflag:$0x1] =	stream.indirect.gather [hbm4b:s7+s8], $0x80, s4, s8, $0xb8;
	[tilespmem:$0x1D000] =	vst v63  }
0x2b7: {  	_ =	swait.ge [sflag:s13], $0x4000  }
0x2b8: {  	[sflag:s13] =	ssyncset.done $0x0  }
0x2b9: {  	s14 =	simm.s32 $0x1180;
	[sflag:s13] =	ssyncadd.s32 $0xFFFFC000  }
0x2ba: {  	[spmem:s2] =	stream.indirect.scatter.add.f32 [tilespmem:s10], [sflag:$0x3], $0x80, s14, s8, $0xb8;
	[tilespmem:$0x1D000] =	vst v63  }
0x2bb: {  	_ =	swait.ge [sflag:s5], $0x4000  }
0x2bc: {  	[sflag:s5] =	ssyncset.done $0x0  }
0x2bd: {  	s15 =	simm.s32 $0x880;
	[sflag:s5] =	ssyncadd.s32 $0xFFFFC000  }
0x2be: {  	[tilespmem:s10], [sflag:$0x2] =	stream.indirect.gather [hbm4b:s7+s8], $0x80, s15, s8, $0xb8;
	[tilespmem:$0x1D000] =	vst v63  }
0x2bf: {  	_ =	swait.ge [sflag:s11], $0x4000  }
0x2c0: {  	[sflag:s11] =	ssyncset.done $0x0  }
0x2c1: {  	s4 =	simm.s32 $0x1200;
	[sflag:s11] =	ssyncadd.s32 $0xFFFFC000  }
0x2c2: {  	[spmem:s2] =	stream.indirect.scatter.add.f32 [tilespmem:s9], [sflag:$0x3], $0x80, s4, s8, $0xb8;
	[tilespmem:$0x1D000] =	vst v63  }
0x2c3: {  	_ =	swait.ge [sflag:s5], $0x4000  }
0x2c4: {  	[sflag:s5] =	ssyncset.done $0x0  }
0x2c5: {  	s14 =	simm.s32 $0x900;
	[sflag:s5] =	ssyncadd.s32 $0xFFFFC000  }
0x2c6: {  	[tilespmem:s9], [sflag:$0x1] =	stream.indirect.gather [hbm4b:s7+s8], $0x80, s14, s8, $0xb8;
	[tilespmem:$0x1D000] =	vst v63  }
0x2c7: {  	_ =	swait.ge [sflag:s13], $0x4000  }
0x2c8: {  	[sflag:s13] =	ssyncset.done $0x0  }
0x2c9: {  	s15 =	simm.s32 $0x1280;
	[sflag:s13] =	ssyncadd.s32 $0xFFFFC000  }
0x2ca: {  	[spmem:s2] =	stream.indirect.scatter.add.f32 [tilespmem:s10], [sflag:$0x3], $0x80, s15, s8, $0xb8;
	[tilespmem:$0x1D000] =	vst v63  }
0x2cb: {  	_ =	swait.ge [sflag:s5], $0x4000  }
0x2cc: {  	[sflag:s5] =	ssyncset.done $0x0  }
0x2cd: {  	s4 =	simm.s32 $0x980;
	[sflag:s5] =	ssyncadd.s32 $0xFFFFC000  }
0x2ce: {  	[tilespmem:s10], [sflag:$0x2] =	stream.indirect.gather [hbm4b:s7+s8], $0x80, s4, s8, $0xb8;
	[tilespmem:$0x1D000] =	vst v63  }
0x2cf: {  	_ =	swait.ge [sflag:s11], $0x4000  }
0x2d0: {  	[sflag:s11] =	ssyncset.done $0x0  }
0x2d1: {  	s14 =	simm.s32 $0x1300;
	[sflag:s11] =	ssyncadd.s32 $0xFFFFC000  }
0x2d2: {  	[spmem:s2] =	stream.indirect.scatter.add.f32 [tilespmem:s9], [sflag:$0x3], $0x80, s14, s8, $0xb8;
	[tilespmem:$0x1D000] =	vst v63  }
0x2d3: {  	_ =	swait.ge [sflag:s5], $0x4000  }
0x2d4: {  	[sflag:s5] =	ssyncset.done $0x0  }
0x2d5: {  	[sflag:s5] =	ssyncadd.s32 $0xFFFFC000  }
0x2d6: {  	_ =	swait.ge [sflag:s13], $0x4000  }
0x2d7: {  	[sflag:s13] =	ssyncset.done $0x0  }
0x2d8: {  	s15 =	simm.s32 $0x1380;
	[sflag:s13] =	ssyncadd.s32 $0xFFFFC000  }
0x2d9: {  	[spmem:s2] =	stream.indirect.scatter.add.f32 [tilespmem:s10], [sflag:$0x3], $0x80, s15, s8, $0xb8;
	[tilespmem:$0x1D000] =	vst v63  }
0x2da: {  	_ =	swait.ge [sflag:s5], $0x4000  }
0x2db: {  	[sflag:s5] =	ssyncset.done $0x0  }
0x2dc: {  	[sflag:s5] =	ssyncadd.s32 $0xFFFFC000  }
0x2dd: {  	[bflag:$0x0] =	sbarrier.arrive $0xFFFF  }
0x2de: {  	s14 =	rddreg [dreg:$0x9]  }
0x2df: {  	s12 =	sadd.s32 $0xFFFFFFFF, s12;
	s1 =	simm.s32 @p0 $0x3;
	s15 =	rddreg [dreg:$0xb]  }
0x2e0: {  	[hbm:s14], [sflag:s0] =	dma.local @p0 [spmem:s15], $0x2080  }
0x2e1: {  	p1 =	sne.s32 s12, $0x0;
	_ =	swait.ge @p0 [sflag:s1], $0x2080  }
.Ltmp1:
0x2e2: {  	[sflag:s1] =	ssyncset.done @p0 $0x0;
	s14 =	rddreg [dreg:$0x8];
	(pc) =	sbr.rel @p1 .LBB2_2-.Ltmp1, $4  }
0x2e3: {  	[sflag:s1] =	ssyncadd.s32 @p0 $0xFFFFDF80;
	s1 =	rddreg [dreg:$0xd]  }
0x2e4: {  	[hbm:s14], [sflag:s0] =	dma.local @!p0 [spmem:s1], $0x2780  }
0x2e5: {  	s0 =	simm.s32 @!p0 $0x3  }
0x2e6: {  	_ =	swait.ge @!p0 [sflag:s0], $0x2780  }
.LBB2_3:
0x2e7: {  	[sflag:s0] =	ssyncset.done @!p0 $0x0  }
0x2e8: {  	[sflag:s0] =	ssyncadd.s32 @!p0 $0xFFFFD880  }
0x2e9: {  	_ =	sfence.sel $0x180000  }
0x2ea: {  	[bflag:$0x0] =	sbarrier.arrive $0xFFFF  }
0x2eb: {  	_ =	strace $0x9000004D  }
0x2ec: {  	s31 =	stileid.u32;
	[bflag:$0x2] =	sbarrier.arrive $0xFFFF  }
0x2ed: {  	p0 =	sne.s32 s31, $0x0;
	s0 =	rddreg [dreg:$0x2]  }
0x2ee: {  	s0 =	sadd.s32 @!p0 $0x100000, s0  }
0x2ef: {  	[sflag:s0] =	ssyncadd.tile.s32 @!p0 $0x1;
	_ =	shalt  }
.Lfunc_end2:
_tile_overlayer_lowered:
.L_overlay_start_2:
0x2f0: {  	(tag) =	ssettag $0x2  }
0x2f1: {  	s0 =	rddreg [dreg:$0x0];
	s2 =	stileid.u32  }
0x2f2: {  	s1 =	rddreg [dreg:$0x1];
	p0 =	sne.s32 s2, $0x0  }
0x2f3: {  	s3 =	rddreg [dreg:$0x2];
	[bflag:$0x3] =	sbarrier.arrive $0xFFFF;
	s2 =	simm.s32 @!p0 $0x1C03  }
0x2f4: {  	[timem:s3], [sflag:s2] =	dma.local @!p0 [hbm:s0], s1  }
0x2f5: {  	s0 =	simm.s32 @!p0 $0x3  }
0x2f6: {  	_ =	swait.ge @!p0 [sflag:s0], s1  }
0x2f7: {  	s1 =	ssub.s32 @!p0 $0x0, s1;
	[sflag:s0] =	ssyncset.done @!p0 $0x0  }
0x2f8: {  	[sflag:s0] =	ssyncadd.s32 @!p0 s1  }
0x2f9: {  	[bflag:$0x3] =	sbarrier.arrive $0xFFFF  }
0x2fa: {  	_ =	shalt  }

// kernel: kernel.8.cloned.1.call-start
scs
__scs_entry_jumppad:
0x0: {  	(pc) =	sbr.rel $0x88, $3  }
0x1: {  	(tag) =	ssettag $0x0;
	lr =	simm.s32 $0x1  }
0x2: {  	[smem:$0x3F96] =	sst lr;
	_ =	strace $0xD0000000  }
0x3: {  	_ = 	snop  }
0x4: {  	_ = 	snop  }
0x5: {  	_ = 	snop  }
0x6: {  	_ = 	snop  }
0x7: {  	_ = 	snop  }
__scs_overlays_trampoline_lowered:
0x8: {  	[smem:$0x3FA5] =	sst s0  }
0x9: {  	[smem:$0x3FA6] =	sst s1  }
0xa: {  	[smem:$0x3FA7] =	sst s2  }
0xb: {  	[smem:$0x3FA8] =	sst s3  }
0xc: {  	[smem:$0x3FA9] =	sst s4  }
0xd: {  	[smem:$0x3FAA] =	sst s5  }
0xe: {  	[smem:$0x3FAB] =	sst s6  }
0xf: {  	[smem:$0x3FAC] =	sst s7  }
0x10: {  	[smem:$0x3FAD] =	sst s8  }
0x11: {  	[smem:$0x3FAE] =	sst s9;
	s0 =	simm.s32 @!p0 $0x0  }
0x12: {  	s1 =	sld [smem:$0x3F94];
	s0 =	simm.s32 @p0 $0x1  }
0x13: {  	[smem:$0x3FAF] =	sst s0;
	s0 =	simm.s32 @!p1 $0x0  }
0x14: {  	s2 =	sld [smem:$0x3F93];
	s0 =	simm.s32 @p1 $0x1  }
0x15: {  	[smem:$0x3FB0] =	sst s0;
	s0 =	simm.s32 @!p2 $0x0  }
0x16: {  	s3 =	sld [smem:$0x3FDB];
	s0 =	simm.s32 @p2 $0x1  }
0x17: {  	s4 =	simm.s32 $0x1BF5;
	[smem:$0x3FB2] =	sst s0  }
0x18: {  	s0 =	sld [smem:$0x3F95];
	_ =	swait.ge [sflag:s4], $0x0  }
0x19: {  	s7 =	sld [smem:$0x3F96]  }
0x1a: {  	s8 =	sadd.s32 $0xFFFFE003, lr  }
0x1b: {  	s9 =	sadd.s32 $0xFFFFFEF7, lr;
	s5 =	simm.s32 $0xFFFFFFFF;
	p2 =	slt.u32 s8, $0xFFFFF086  }
0x1c: {  	p1 =	slt.u32 s9, $0xF7A;
	s5 =	simm.s32 @!p2 $0x0  }
0x1d: {  	s5 =	simm.s32 @p1 $0x1;
	p0 =	seq.s32 s7, s2  }
0x1e: {  	s7 =	smul.u32 @!p0 $0xF7A, s2;
	p2 =	seq.s32 @!p0 s5, $0x0  }
0x1f: {  	s9 =	smul.u32 $0xF7A, s1;
	s8 =	simm.s32 @!p0 $0x1BF5;
	p2 =	por !p2, p0  }
0x20: {  	[sflag:s8] =	ssyncset.s32 @!p0 $0xFFFFF086;
	s6 =	sadd.s32 @!p0 s3, s7;
	s7 =	simm.s32 @!p0 $0x108  }
0x21: {  	s3 =	sadd.s32 s3, s9;
	s6 =	sadd.s32 @!p0 $0x88, s6;
	s7 =	simm.s32 @p2 $0x1082  }
0x22: {  	[simem:s7], [sflag:s8] =	dma.local @!p0 [hbm:s6], $0xF7A  }
0x23: {  	s9 =	sor.u32 $0xD0000000, s2;
	s6 =	simm.s32 $0x108;
	_ =	swait.ge @!p0 [sflag:s8], $0x0  }
0x24: {  	s3 =	sadd.s32 $0x88, s3;
	s6 =	simm.s32 @!p1 $0x1082;
	[sflag:s4] =	ssyncset.s32 $0xFFFFF086  }
0x25: {  	[simem:s6], [sflag:s4] =	dma.local [hbm:s3], $0xF7A  }
0x26: {  	[smem:$0x3F96] =	sst s1;
	(tag) =	ssettag s2;
	_ =	strace s9  }
0x27: {  	s1 =	sld [smem:$0x3FA6]  }
0x28: {  	s2 =	sld [smem:$0x3FA7]  }
0x29: {  	s4 =	sld [smem:$0x3FA9]  }
0x2a: {  	p0 =	seq.s32 s5, $0x0;
	s5 =	sld [smem:$0x3FAA]  }
0x2b: {  	s6 =	sld [smem:$0x3FAB]  }
0x2c: {  	s7 =	sld [smem:$0x3FAC]  }
0x2d: {  	s3 =	simm.s32 $0x108;
	s8 =	sld [smem:$0x3FAD]  }
0x2e: {  	s3 =	simm.s32 @!p0 $0x1082;
	s9 =	sld [smem:$0x3FAE]  }
0x2f: {  	lr =	sadd.s32 s0, s3;
	s0 =	sld [smem:$0x3FA5]  }
0x30: {  	s3 =	sld [smem:$0x3FA8]  }
0x31: {  	[smem:$0x3FB1] =	sst s10  }
0x32: {  	s10 =	sld [smem:$0x3FAF];
	_ =	sdelay $0x3  }
0x33: {  	p0 =	seq.s32 s10, $0x1;
	s10 =	sld [smem:$0x3FB1];
	_ =	sdelay $0x3  }
0x34: {  	[smem:$0x3FB1] =	sst s10  }
0x35: {  	s10 =	sld [smem:$0x3FB0];
	_ =	sdelay $0x3  }
0x36: {  	p1 =	seq.s32 s10, $0x1;
	s10 =	sld [smem:$0x3FB1];
	_ =	sdelay $0x3  }
0x37: {  	[smem:$0x3FB1] =	sst s10  }
0x38: {  	s10 =	sld [smem:$0x3FB2]  }
0x39: {  	_ = 	snop;
	(pc) =	sbr.ind lr, $3  }
0x3a: {  	_ = 	snop  }
0x3b: {  	_ = 	snop  }
0x3c: {  	p2 =	seq.s32 s10, $0x1;
	s10 =	sld [smem:$0x3FB1]  }
0x3d: {  	_ =	shalt  }
0x3e: {  	_ =	shalt  }
0x3f: {  	_ =	shalt  }
0x40: {  	_ =	shalt  }
0x41: {  	_ =	shalt  }
0x42: {  	_ =	shalt  }
0x43: {  	_ =	shalt  }
0x44: {  	_ =	shalt  }
0x45: {  	_ =	shalt  }
0x46: {  	_ =	shalt  }
0x47: {  	_ =	shalt  }
0x48: {  	_ =	shalt  }
0x49: {  	_ =	shalt  }
0x4a: {  	_ =	shalt  }
0x4b: {  	_ =	shalt  }
0x4c: {  	_ =	shalt  }
0x4d: {  	_ =	shalt  }
0x4e: {  	_ =	shalt  }
0x4f: {  	_ =	shalt  }
0x50: {  	_ =	shalt  }
0x51: {  	_ =	shalt  }
0x52: {  	_ =	shalt  }
0x53: {  	_ =	shalt  }
0x54: {  	_ =	shalt  }
0x55: {  	_ =	shalt  }
0x56: {  	_ =	shalt  }
0x57: {  	_ =	shalt  }
0x58: {  	_ =	shalt  }
0x59: {  	_ =	shalt  }
0x5a: {  	_ =	shalt  }
0x5b: {  	_ =	shalt  }
0x5c: {  	_ =	shalt  }
0x5d: {  	_ =	shalt  }
0x5e: {  	_ =	shalt  }
0x5f: {  	_ =	shalt  }
0x60: {  	_ =	shalt  }
0x61: {  	_ =	shalt  }
0x62: {  	_ =	shalt  }
0x63: {  	_ =	shalt  }
0x64: {  	_ =	shalt  }
0x65: {  	_ =	shalt  }
0x66: {  	_ =	shalt  }
0x67: {  	_ =	shalt  }
0x68: {  	_ =	shalt  }
0x69: {  	_ =	shalt  }
0x6a: {  	_ =	shalt  }
0x6b: {  	_ =	shalt  }
0x6c: {  	_ =	shalt  }
0x6d: {  	_ =	shalt  }
0x6e: {  	_ =	shalt  }
0x6f: {  	_ =	shalt  }
0x70: {  	_ =	shalt  }
0x71: {  	_ =	shalt  }
0x72: {  	_ =	shalt  }
0x73: {  	_ =	shalt  }
0x74: {  	_ =	shalt  }
0x75: {  	_ =	shalt  }
0x76: {  	_ =	shalt  }
0x77: {  	_ =	shalt  }
0x78: {  	_ =	shalt  }
0x79: {  	_ =	shalt  }
0x7a: {  	_ =	shalt  }
0x7b: {  	_ =	shalt  }
0x7c: {  	_ =	shalt  }
0x7d: {  	_ =	shalt  }
0x7e: {  	_ =	shalt  }
0x7f: {  	_ =	shalt  }
0x80: {  	_ =	shalt  }
0x81: {  	_ =	shalt  }
0x82: {  	_ =	shalt  }
0x83: {  	_ =	shalt  }
0x84: {  	_ =	shalt  }
0x85: {  	_ =	shalt  }
0x86: {  	_ =	shalt  }
0x87: {  	_ =	shalt  }
.Lfunc_end0:
.L_simem_size_0:
called_computation_lowered:
.L_overlay_start_0:
0x88: {  	s2 =	sld [smem:$0x3FD9]  }
0x89: {  	s3 =	sld [smem:$0x3FFE];
	_ =	sdelay $0x1  }
0x8a: {  	s1 =	srdreg.scid  }
0x8b: {  	s0 =	sand.u32 $0x1, s1  }
0x8c: {  	s16 =	sshll.u32 s0, $0xA;
	s2 =	sadd.s32 s3, s2  }
0x8d: {  	s2 =	sadd.s32 s2, s16  }
0x8e: {  	[smem:$0x3FBD] =	sst s2  }
0x8f: {  	_ = 	snop  }
0x90: {  	(tm) =	ssettm $0x1  }
0x91: {  	s17 =	sld [smem:$0x3FFB];
	_ =	sdelay $0x3  }
0x92: {  	_ =	strace s17  }
0x93: {  	s2 =	sld [smem:$0x3FFC];
	_ =	sdelay $0x3  }
0x94: {  	_ =	strace s2  }
0x95: {  	s2 =	sld [smem:$0x3FFD];
	_ =	sdelay $0x3  }
0x96: {  	_ =	strace s2  }
0x97: {  	_ =	strace $0x8FFFFFFF  }
0x98: {  	s18 =	sld [smem:$0x3FDB];
	_ =	sdelay $0x1  }
0x99: {  	s19 =	simm.s32 $_scs_section_size  }
0x9a: {  	s4 =	simm.s32 $_size__tile_overlayer_lowered;
	s5 =	simm.s32 $_tile_overlayer_lowered  }
0x9b: {  	s22 =	simm.s32 $0x1BFF;
	s21 =	sshll.u32 s5, $0x1;
	s2 =	sadd.s32 s19, s18  }
0x9c: {  	s6 =	simm.s32 $0x0;
	s20 =	sshll.u32 s4, $0x1;
	s4 =	sadd.s32 s21, s2  }
0x9d: {  	[timem:s6], [sflag:s22] =	dma.local [hbm:s4], s20  }
0x9e: {  	_ =	swait.ge [sflag:s22], s20  }
0x9f: {  	s3 =	ssub.s32 $0x0, s20;
	[sflag:s22] =	ssyncset.done $0x0  }
0xa0: {  	[sflag:s22] =	ssyncadd.s32 s3;
	_ =	sdelay $0x1  }
0xa1: {  	s23 =	simm.s32 $0x1B8B  }
0xa2: {  	_ =	swait.ge [sflag:s23], $0x1  }
0xa3: {  	[sflag:s23] =	ssyncset.done $0x0  }
0xa4: {  	s25 =	simm.s32 $0x1B8E;
	s24 =	sld [smem:$0x3FFE];
	[sflag:s23] =	ssyncadd.s32 $0xFFFFFFFF  }
0xa5: {  	s26 =	simm.s32 $execute0_lowered;
	[smem:$0x3FD2] =	sst s25  }
0xa6: {  	s4 =	sshll.u32 s26, $0x1;
	_ =	strace $0x80000046;
	[dreg:$0x1] =	wrdreg $0xFFFFFFFF  }
0xa7: {  	s28 =	simm.s32 $_size_execute0_lowered;
	s2 =	sadd.s32 s2, s4;
	[dreg:$0x0] =	wrdreg $0x0  }
0xa8: {  	s4 =	sshll.u32 s28, $0x1;
	[dreg:$0x2] =	wrdreg s2  }
0xa9: {  	[dreg:$0x3] =	wrdreg s4  }
0xaa: {  	[dreg:$0x4] =	wrdreg $0xC0  }
0xab: {  	_ =	task [dreg:s6], $0x5FFFF  }
0xac: {  	[dreg:$0x1] =	wrdreg $0xFFFFFFFF  }
0xad: {  	[dreg:$0x0] =	wrdreg $0x60  }
0xae: {  	[dreg:$0x2] =	wrdreg s24  }
0xaf: {  	[dreg:$0x3] =	wrdreg $0x1C000  }
0xb0: {  	[dreg:$0x4] =	wrdreg $0x9  }
0xb1: {  	_ =	task.clear_ibuf [dreg:s6], $0x5FFFF;
	_ =	strace $0x90000046  }
0xb2: {  	s29 =	simm.s32 $0x9;
	_ =	strace $0x80000048  }
0xb3: {  	_ =	swait.ge [sflag:s29], $0x1  }
0xb4: {  	[sflag:s29] =	ssyncadd.s32 $0xFFFFFFFF  }
0xb5: {  	_ =	strace $0x90000048  }
0xb6: {  	_ =	sfence  }
0xb7: {  	s30 =	sld [smem:$0x0];
	_ =	sdelay $0x2  }
0xb8: {  	s31 =	sshll.u32 s1, $0xD;
	s1 =	sshrl.u32 s1, $0x2  }
0xb9: {  	s3 =	sand.u32 $0x4000, s31;
	s1 =	sadd.s32 s1, s30  }
0xba: {  	s0 =	sor.u32 s3, s0;
	s1 =	sshll.u32 s1, $0x11  }
0xbb: {  	s0 =	sor.u32 s1, s0  }
0xbc: {  	s0 =	sadd.s32 $0x8F2B, s0  }
0xbd: {  	[sflag:s0] =	ssyncadd.remote.s32 $0x1  }
0xbe: {  	_ =	sfence.sel $0xFFFF  }
0xbf: {  	[dreg:$0x0] =	wrdreg $0xFFFFFFFF;
	(pc) =	sbr.abs _section_cstart, $3  }
0xc0: {  	[dreg:$0x1] =	wrdreg $0xFFFFFFFF  }
0xc1: {  	_ =	task.clear_ibuf [dreg:s6], $0x2FFFF;
	_ =	strace $0x9FFFFFFF  }
0xc2: {  	(tm) =	ssettm $0x7FFFFFFF  }
0xc3: {  	_ =	shalt  }
tec
execute0_lowered:
.L_overlay_start_1:
0x0: {  	(tag) =	ssettag $0x1  }
0x1: {  	s4 =	rddreg [dreg:$0x0]  }
0x2: {  	s0 =	srdreg.scid;
	s2 =	rddreg [dreg:$0x1]  }
0x3: {  	s1 =	rddreg [dreg:$0x2];
	s3 =	simm.s32 $0x0;
	s5 =	sand.u32 $0x1, s0  }
0x4: {  	s12 =	simm.s32 $0x80;
	s0 =	stileid.u32;
	s6 =	smul.u32 $0x14000, s5  }
0x5: {  	s13 =	simm.s32 $0x1400;
	[smem:$0x7FF] =	sst s3;
	s7 =	smul.u32 $0x1400, s0  }
0x6: {  	s10 =	sadd.s32 $0x12A00, s4;
	s14 =	sadd.s32 $0x25080, s2;
	s8 =	smul.u32 $0x2780, s0  }
0x7: {  	_ =	strace $0x80000047;
	s9 =	ssub.s32 $0x2, s5;
	s5 =	smul.u32 $0x27100, s5  }
0x8: {  	s29 =	sshll.u32 s0, $0x6;
	p0 =	seq.s32 s0, $0xF;
	s28 =	sshrl.u32 s9, $0x1  }
0x9: {  	s14 =	sshrl.u32 @p0 s14, $0x3;
	s6 =	sadd.s32 s7, s6;
	s26 =	sshrl.u32 s8, $0x3  }
0xa: {  	s9 =	ssub.s32 s9, s28;
	s15 =	sadd.s32 s8, s2;
	s8 =	sadd.s32 s8, s5  }
0xb: {  	s11 =	sshrl.u32 s5, $0x3;
	s5 =	sor.u32 $0x1C01, s29;
	s6 =	sshrl.u32 s6, $0x3  }
0xc: {  	s7 =	sadd.s32 s26, s4;
	s30 =	sshrl.u32 s8, $0x3;
	s31 =	sadd.s32 s10, s11  }
0xd: {  	s9 =	smax.u32 s9, $0x1;
	s11 =	simm.s32 $0x1;
	s6 =	sadd.s32 s6, s4  }
0xe: {  	s4 =	sadd.s32 $0xDA00, s7;
	s7 =	sadd.s32 s10, s30;
	s8 =	sadd.s32 $0x4A10, s31  }
0xf: {  	v0 =	vimm.f32 $1.000000000e+00;
	s10 =	sshrl.u32 s15, $0x3;
	s15 =	sshrl.u32 @!p0 s15, $0x3;
	s6 =	sadd.s32 $0x3A00, s6  }
.LBB2_1:
0x10: {  	[spmem:s10], [sflag:s5] =	dma.local [hbm:s4], $0x4F0  }
0x11: {  	_ =	swait.ge [sflag:s11], $0x4F0  }
0x12: {  	[sflag:s11] =	ssyncset.done $0x0  }
0x13: {  	s16 =	simm.s32 $0x40;
	s17 =	simm.s32 $0x0;
	[sflag:s11] =	ssyncadd.s32 $0xFFFFFB10  }
.LBB2_2:
0x14: {  	p1 =	sne.s32 s16, $0x1FC0;
	[tilespmem:s17+$0x1400] =	vst v0;
	s17 =	smov.u32 s16;
	s16 =	sadd.s32 $0x40, s16  }
.Ltmp0:
0x15: {  	(pc) =	sbr.rel @p1 .LBB2_2-.Ltmp0, $2  }
0x16: {  	_ =	sdelay $0x2  }
0x17: {  	s17 =	sshra.s32 s17, $0x2  }
0x18: {  	[tilespmem:s17+$0x1400] =	vst v0;
	s16 =	simm.s32 $0x0  }
0x19: {  	[tilespmem:s16], [sflag:$0x1] =	stream.linear.gather [hbm4b:s6+s16], $0x1400, $0x38;
	[tilespmem:$0x4380] =	vst v63  }
0x1a: {  	_ =	swait.ge [sflag:s11], $0x1400  }
0x1b: {  	[sflag:s11] =	ssyncset.done $0x0  }
0x1c: {  	[sflag:s11] =	ssyncadd.s32 $0xFFFFEC00  }
0x1d: {  	s31 =	simm.s32 $0x0;
	[bflag:$0x0] =	sbarrier.arrive $0xFFFF  }
0x1e: {  	[spmem:s2] =	stream.indirect.scatter.add.f32 [tilespmem:s13], [sflag:$0x1], $0x10, s31, s12, $0xb8;
	[tilespmem:$0x4380] =	vst v63  }
0x1f: {  	_ =	swait.ge [sflag:s11], $0x800  }
0x20: {  	s16 =	simm.s32 $0x200;
	[sflag:s11] =	ssyncset.done $0x0  }
.LBB2_4:
0x21: {  	s17 =	sshra.s32 s16, $0x2;
	[sflag:s11] =	ssyncadd.s32 $0xFFFFF800;
	p1 =	sne.s32 s16, $0x4E00  }
0x22: {  	[spmem:s2] =	stream.indirect.scatter.add.f32 [tilespmem:s13], [sflag:$0x1], $0x10, s17, s12, $0xb8;
	[tilespmem:$0x4380] =	vst v63  }
.Ltmp1:
0x23: {  	_ = 	snop;
	(pc) =	sbr.rel @p1 .LBB2_4-.Ltmp1, $4  }
0x24: {  	_ = 	snop  }
0x25: {  	s16 =	sadd.s32 $0x200, s16  }
0x26: {  	_ =	swait.ge [sflag:s11], $0x800  }
0x27: {  	[sflag:s11] =	ssyncset.done $0x0  }
0x28: {  	[sflag:s11] =	ssyncadd.s32 $0xFFFFF800  }
0x29: {  	s16 =	simm.s32 @p0 $0x1;
	[bflag:$0x0] =	sbarrier.arrive $0xFFFF  }
0x2a: {  	[hbm:s8], [sflag:s5] =	dma.local @p0 [spmem:s14], $0x410  }
0x2b: {  	s3 =	sadd.s32 $0x1, s3;
	_ =	swait.ge @p0 [sflag:s16], $0x410  }
0x2c: {  	p1 =	sne.s32 s3, s9;
	[sflag:s16] =	ssyncset.done @p0 $0x0  }
.Ltmp2:
0x2d: {  	[sflag:s16] =	ssyncadd.s32 @p0 $0xFFFFFBF0;
	s16 =	simm.s32 @!p0 $0x1;
	(pc) =	sbr.rel @p1 .LBB2_1-.Ltmp2, $4  }
0x2e: {  	[hbm:s7], [sflag:s5] =	dma.local @!p0 [spmem:s15], $0x4F0  }
0x2f: {  	_ =	swait.ge @!p0 [sflag:s16], $0x4F0  }
0x30: {  	[sflag:s16] =	ssyncset.done @!p0 $0x0  }
0x31: {  	[sflag:s16] =	ssyncadd.s32 @!p0 $0xFFFFFB10  }
0x32: {  	_ =	sfence.sel $0x180000  }
0x33: {  	[bflag:$0x0] =	sbarrier.arrive $0xFFFF  }
0x34: {  	p0 =	sne.s32 s0, $0x0;
	_ =	strace $0x90000047  }
0x35: {  	s0 =	sadd.s32 @!p0 $0x100000, s1;
	[bflag:$0x2] =	sbarrier.arrive $0xFFFF  }
0x36: {  	[sflag:s0] =	ssyncadd.tile.s32 @!p0 $0x1;
	_ =	shalt  }
.Lfunc_end2:
_tile_overlayer_lowered:
.L_overlay_start_2:
0x37: {  	(tag) =	ssettag $0x2  }
0x38: {  	s0 =	rddreg [dreg:$0x0];
	s2 =	stileid.u32  }
0x39: {  	s1 =	rddreg [dreg:$0x1];
	p0 =	sne.s32 s2, $0x0  }
0x3a: {  	s3 =	rddreg [dreg:$0x2];
	[bflag:$0x3] =	sbarrier.arrive $0xFFFF;
	s2 =	simm.s32 @!p0 $0x1C01  }
0x3b: {  	[timem:s3], [sflag:s2] =	dma.local @!p0 [hbm:s0], s1  }
0x3c: {  	s0 =	simm.s32 @!p0 $0x1  }
0x3d: {  	_ =	swait.ge @!p0 [sflag:s0], s1  }
0x3e: {  	s1 =	ssub.s32 @!p0 $0x0, s1;
	[sflag:s0] =	ssyncset.done @!p0 $0x0  }
0x3f: {  	[sflag:s0] =	ssyncadd.s32 @!p0 s1  }
0x40: {  	[bflag:$0x3] =	sbarrier.arrive $0xFFFF  }
0x41: {  	_ =	shalt  }

</sc_bundles>
